<compile_context>
chip_gen: v7x
topology: tpu7x:2x2x1
jax: 0.10.2.dev20260603
libtpu: 0.0.44.dev20260713+nightly
codegen_flags: <defaults>
</compile_context>

<pallas_src>
import functools

import jax
import jax.numpy as jnp
from jax import lax
from jax.experimental import pallas as pl
from jax.experimental.pallas import tpu as pltpu
from jax.experimental.pallas import tpu_sc as plsc

N = 1600000
B = 4096
Q = 16
WW = 32
SIGMA = 0.1
INV = 1.0 / (2.0 * SIGMA * SIGMA)
HI = lax.Precision.HIGHEST


B8 = 4096


def _tr_body(xin_ref, out_ref):
    out_ref[...] = xin_ref[...].T


def _tr8(xs8):
    grid = pl.cdiv(N // 8, B8)
    return pl.pallas_call(
        _tr_body,
        grid=(grid,),
        in_specs=[pl.BlockSpec((B8, 8), lambda i: (i, 0))],
        out_specs=pl.BlockSpec((8, B8), lambda i: (0, i)),
        out_shape=jax.ShapeDtypeStruct((8, N // 8), jnp.float32),
        compiler_params=pltpu.CompilerParams(
            dimension_semantics=("arbitrary",)),
    )(xs8)



C1 = 3200
NROW = 2 * N // 8


def _rep_body(x8_ref, y8_ref, txr_ref, tyr_ref, Pbot_ref, W2_ref, b2_ref,
              W3s_ref, b3_ref, R8_ref, out_ref):
    x8 = x8_ref[...]
    y8 = y8_ref[...]
    din = jnp.concatenate([x8, y8], axis=0)
    ones = jnp.ones((1, C1), jnp.float32)
    inp = jnp.concatenate([din, ones], axis=0)
    mpre = jnp.dot(Pbot_ref[...], inp)
    xrep = jnp.broadcast_to(x8[:, None, :], (8, Q, C1)).reshape(8 * Q, C1)
    yrep = jnp.broadcast_to(y8[:, None, :], (8, Q, C1)).reshape(8 * Q, C1)
    ex = xrep - txr_ref[...]
    ey = yrep - tyr_ref[...]
    phi8 = jnp.exp((ex * ex + ey * ey) * (-INV))
    h1 = jnp.maximum(mpre, 0.0)
    h2 = jnp.dot(W2_ref[...], h1)
    h2 = jnp.maximum(h2 + b2_ref[...], 0.0)
    s8 = jnp.dot(W3s_ref[...], h2) + b3_ref[...]
    w8 = jnp.dot(R8_ref[...], jax.nn.sigmoid(s8))
    out_ref[...] = (phi8 * w8).T


def _rep_all(xr, yr, txr, tyr, Pbot, W2, b2, W3s, b3, R8):
    grid = pl.cdiv(N // 8, C1)
    full = lambda a: pl.BlockSpec(a.shape, lambda i: (0,) * a.ndim)
    return pl.pallas_call(
        _rep_body,
        grid=(grid,),
        in_specs=[
            pl.BlockSpec((8, C1), lambda i: (0, i)),
            pl.BlockSpec((8, C1), lambda i: (0, i)),
            full(txr), full(tyr), full(Pbot), full(W2), full(b2), full(W3s),
            full(b3), full(R8),
        ],
        out_specs=pl.BlockSpec((C1, 128), lambda i: (i, 0)),
        out_shape=jax.ShapeDtypeStruct((N // 8, 128), jnp.float32),
        compiler_params=pltpu.CompilerParams(
            dimension_semantics=("arbitrary",)),
    )(xr, yr, txr, tyr, Pbot, W2, b2, W3s, b3, R8)



CH = 2560
ROWS = CH // 128
NCHUNK = N // CH
CORE0_CHUNKS = 320
NSUB = 16
ROWS_PER_SUB = B // NSUB


def _seg_body(rep_hbm, ids_hbm, out_hbm, rep_v0, rep_v1, idx_v0, idx_v1,
              stage_v, acc_sh, gsem0, gsem1, ssem):
    c = lax.axis_index("c")
    s = lax.axis_index("s")

    def zrow(i, _):
        stage_v[i, :] = jnp.zeros((Q,), jnp.float32)
        return 0
    lax.fori_loop(0, ROWS_PER_SUB, zrow, 0)
    pltpu.sync_copy(stage_v, acc_sh.at[pl.ds(s * ROWS_PER_SUB, ROWS_PER_SUB)])
    plsc.subcore_barrier()

    core_lo = jnp.where(c == 0, 0, CORE0_CHUNKS)
    ncc = jnp.where(c == 0, CORE0_CHUNKS, NCHUNK - CORE0_CHUNKS)
    base_cnt = ncc // NSUB
    extra = ncc - base_cnt * NSUB
    start = core_lo + jnp.where(s == 0, 0, base_cnt * s + extra)
    stop = core_lo + base_cnt * (s + 1) + extra

    def gather(k, rv, iv, sem):
        pltpu.async_copy(rep_hbm.at[pl.ds(k * CH, CH)], rv, sem)
        pltpu.async_copy(ids_hbm.at[pl.ds(k * CH, CH)], iv, sem)

    def gwait(k, rv, iv, sem):
        pltpu.make_async_copy(rep_hbm.at[pl.ds(k * CH, CH)], rv, sem).wait()
        pltpu.make_async_copy(ids_hbm.at[pl.ds(k * CH, CH)], iv, sem).wait()

    def scatter(rv, iv):
        ds = [pltpu.async_copy(rv.at[pl.ds(j * 128, 128)],
                               acc_sh.at[iv.at[pl.ds(j * 128, 128)]],
                               ssem, add=True)
              for j in range(ROWS)]
        for d in ds:
            d.wait()

    @pl.when(start < stop)
    def _():
        gather(start, rep_v0, idx_v0, gsem0)
    npairs = (stop - start + 1) // 2

    def pair(kk, _):
        k0 = start + 2 * kk
        k1 = k0 + 1
        gwait(k0, rep_v0, idx_v0, gsem0)

        @pl.when(k1 < stop)
        def _():
            gather(k1, rep_v1, idx_v1, gsem1)
        scatter(rep_v0, idx_v0)

        @pl.when(k1 < stop)
        def _():
            gwait(k1, rep_v1, idx_v1, gsem1)

            @pl.when(k1 + 1 < stop)
            def _():
                gather(k1 + 1, rep_v0, idx_v0, gsem0)
            scatter(rep_v1, idx_v1)
        return 0
    lax.fori_loop(0, npairs, pair, 0)

    plsc.subcore_barrier()
    pltpu.sync_copy(acc_sh.at[pl.ds(s * ROWS_PER_SUB, ROWS_PER_SUB)],
                    out_hbm.at[c].at[pl.ds(s * ROWS_PER_SUB, ROWS_PER_SUB)])


@functools.partial(
    pl.kernel,
    out_type=jax.ShapeDtypeStruct((2, B, Q), jnp.float32),
    mesh=plsc.VectorSubcoreMesh(core_axis_name="c", subcore_axis_name="s"),
    scratch_types=[
        pltpu.VMEM((CH, Q), jnp.float32),
        pltpu.VMEM((CH, Q), jnp.float32),
        pltpu.VMEM((CH,), jnp.int32),
        pltpu.VMEM((CH,), jnp.int32),
        pltpu.VMEM((ROWS_PER_SUB, Q), jnp.float32),
        pltpu.VMEM_SHARED((B, Q), jnp.float32),
        pltpu.SemaphoreType.DMA,
        pltpu.SemaphoreType.DMA,
        pltpu.SemaphoreType.DMA,
    ],
    compiler_params=pltpu.CompilerParams(use_tc_tiling_on_sc=False),
)
def _seg_kernel(rep_hbm, ids_hbm, out_hbm, rep_v0, rep_v1, idx_v0, idx_v1,
                stage_v, acc_sh, gsem0, gsem1, ssem):
    _seg_body(rep_hbm, ids_hbm, out_hbm, rep_v0, rep_v1, idx_v0, idx_v1,
              stage_v, acc_sh, gsem0, gsem1, ssem)



def _mlp_body(xa_ref, xb_ref, gf_ref, r1a_ref, r1b_ref, r1c_ref, rb1_ref,
              rw2_ref, rb2_ref, rw3_ref, rb3_ref, out_ref):
    x0 = xa_ref[0] + xa_ref[1]
    x1 = xb_ref[0] + xb_ref[1]
    gf = gf_ref[...]
    h = jnp.dot(x0, r1a_ref[...])
    h += jnp.dot(x1, r1b_ref[...])
    h += jnp.dot(gf, r1c_ref[...])
    h = jnp.maximum(h + rb1_ref[...], 0.0)
    h2 = jnp.dot(h, rw2_ref[...])
    h2 = jnp.maximum(h2 + rb2_ref[...], 0.0)
    out = jnp.dot(h2, rw3_ref[...])
    out_ref[...] = out + rb3_ref[...]


def _mlp(xa, xb, gf, r1a, r1b, r1c, rb1, rw2, rb2, rw3, rb3):
    nc = rw3.shape[1]
    return pl.pallas_call(
        _mlp_body,
        out_shape=jax.ShapeDtypeStruct((B, nc), jnp.float32),
    )(xa, xb, gf, r1a, r1b, r1c, rb1, rw2, rb2, rw3, rb3)



@jax.jit
def kernel(diag0, diag1, graph_features, theta,
           ww1, wb1, ww2, wb2, ww3, wb3,
           rw1, rb1, rw2, rb2, rw3, rb3,
           batch0, batch1):
    f32 = jnp.float32
    def mk_xy(dg):
        xr = _tr8(dg[:, 0].reshape(N // 8, 8))
        yr = _tr8(dg[:, 1].reshape(N // 8, 8))
        return xr, yr

    I8 = jnp.eye(8, dtype=f32)
    ones_q = jnp.ones((Q, 1), f32)
    txr = jnp.tile(theta[:, 0], 8)[:, None]
    tyr = jnp.tile(theta[:, 1], 8)[:, None]
    P1x = jnp.kron(I8, ww1[0][:, None])
    P1y = jnp.kron(I8, ww1[1][:, None])
    b1_8 = jnp.tile(wb1, 8)[:, None]
    Pbot = jnp.concatenate([P1x, P1y, b1_8], axis=1)
    W2 = jnp.kron(I8, ww2.T)
    b2 = jnp.tile(wb2, 8)[:, None]
    W3s = jnp.kron(I8, ww3.T)
    R8 = jnp.kron(I8, ones_q)

    b3r = wb3[0].reshape(1, 1)
    xr0, yr0 = mk_xy(diag0)
    repa = _rep_all(xr0, yr0, txr, tyr, Pbot, W2, b2, W3s, b3r, R8)
    xa = _seg_kernel(repa.reshape(N, Q), batch0.astype(jnp.int32))
    xr1, yr1 = mk_xy(diag1)
    repb = _rep_all(xr1, yr1, txr, tyr, Pbot, W2, b2, W3s, b3r, R8)
    xb = _seg_kernel(repb.reshape(N, Q), batch1.astype(jnp.int32))

    return _mlp(xa, xb, graph_features, rw1[:Q, :], rw1[Q:2 * Q, :],
                rw1[2 * Q:, :], rb1[None, :], rw2, rb2[None, :], rw3,
                rb3[None, :])

# --- scband reference (transcript-rebuilt; emitter-appended) ---
"""Pipeline reference for scband-pers-lay-62689342652499 (READ-ONLY COPY).

The authoritative reference and input builder live on the scoring server;
editing this copy changes nothing except your own understanding.
"""

import jax, jax.numpy as jnp
import numpy as np

N = 1600000
B = 4096
Q = 16
GF = 16
WW = 32
WF = 128
NC = 10
SIGMA = 0.1


def setup_inputs(seed: int = 0) -> dict:
    key = jax.random.key(seed)
    ks = jax.random.split(key, 20)
    diag0 = jax.random.uniform(ks[0], (N, 2), dtype=jnp.float32)
    diag1 = jax.random.uniform(ks[1], (N, 2), dtype=jnp.float32)
    batch0 = jnp.sort(jax.random.randint(ks[2], (N,), 0, B))
    batch1 = jnp.sort(jax.random.randint(ks[3], (N,), 0, B))
    graph_features = jax.random.normal(ks[4], (B, GF), dtype=jnp.float32)
    # point transform parameter (gaussian): theta [Q, 2]
    theta = jax.random.normal(ks[5], (Q, 2), dtype=jnp.float32)
    # weight MLP: Linear(2,WW) ReLU Linear(WW,WW) ReLU Linear(WW,1) Sigmoid
    ww1 = jax.random.normal(ks[6], (2, WW), dtype=jnp.float32) * 0.5
    wb1 = jnp.zeros((WW,), dtype=jnp.float32)
    ww2 = jax.random.normal(ks[7], (WW, WW), dtype=jnp.float32) * 0.1
    wb2 = jnp.zeros((WW,), dtype=jnp.float32)
    ww3 = jax.random.normal(ks[8], (WW, 1), dtype=jnp.float32) * 0.1
    wb3 = jnp.zeros((1,), dtype=jnp.float32)
    # rho MLP: Linear(2*Q+GF, WF) ReLU Linear(WF, WF) ReLU Linear(WF, NC)
    din = 2 * Q + GF
    rw1 = jax.random.normal(ks[9], (din, WF), dtype=jnp.float32) * (1.0 / np.sqrt(din))
    rb1 = jnp.zeros((WF,), dtype=jnp.float32)
    rw2 = jax.random.normal(ks[10], (WF, WF), dtype=jnp.float32) * (1.0 / np.sqrt(WF))
    rb2 = jnp.zeros((WF,), dtype=jnp.float32)
    rw3 = jax.random.normal(ks[11], (WF, NC), dtype=jnp.float32) * (1.0 / np.sqrt(WF))
    rb3 = jnp.zeros((NC,), dtype=jnp.float32)
    return {
        "diag0": diag0, "diag1": diag1,
        "graph_features": graph_features,
        "theta": theta,
        "ww1": ww1, "wb1": wb1, "ww2": ww2, "wb2": wb2, "ww3": ww3, "wb3": wb3,
        "rw1": rw1, "rb1": rb1, "rw2": rw2, "rb2": rb2, "rw3": rw3, "rb3": rb3,
        "batch0": batch0, "batch1": batch1,
    }


def reference(diag0, diag1, graph_features, theta,
              ww1, wb1, ww2, wb2, ww3, wb3,
              rw1, rb1, rw2, rb2, rw3, rb3,
              batch0, batch1):
    def phi(d):
        # gaussian: exp(-cdist(d, theta)^2 / (2*sigma^2))
        d2 = jnp.sum((d[:, None, :] - theta[None, :, :]) ** 2, axis=-1)
        return jnp.exp(-d2 / (2.0 * SIGMA ** 2))

    def wfn(d):
        h = jax.nn.relu(d @ ww1 + wb1)
        h = jax.nn.relu(h @ ww2 + wb2)
        return jax.nn.sigmoid(h @ ww3 + wb3)

    # diagram type 0
    rep0 = wfn(diag0) * phi(diag0)
    x0 = jax.ops.segment_sum(rep0, batch0, num_segments=B)
    # diagram type 1
    rep1 = wfn(diag1) * phi(diag1)
    x1 = jax.ops.segment_sum(rep1, batch1, num_segments=B)

    topo = jnp.concatenate([x0, x1], axis=1)
    concat = jnp.concatenate([topo, graph_features], axis=1)
    h = jax.nn.relu(concat @ rw1 + rb1)
    h = jax.nn.relu(h @ rw2 + rb2)
    out = h @ rw3 + rb3
    return out

if __name__ == "__main__":
    import jax
    _d = setup_inputs()
    print(jax.jit(kernel)(*tuple(_d.values())))

</pallas_src>

<mosaic_0001>
#map = affine_map<(d0, d1) -> (0, 0)>
#map1 = affine_map<(d0, d1) -> (0)>
#map2 = affine_map<(d0, d1) -> (0, 0, 0)>
module attributes {stable_mosaic.version = 14 : i64} {
  func.func @_seg_kernel(%arg0: i32, %arg1: i32, %arg2: memref<1600000x16xf32, #tpu.memory_space<hbm>>, %arg3: memref<1600000xi32, #tpu.memory_space<hbm>>, %arg4: memref<2x4096x16xf32, #tpu.memory_space<hbm>>, %arg5: memref<2560x16xf32, #tpu.memory_space<vmem>>, %arg6: memref<2560x16xf32, #tpu.memory_space<vmem>>, %arg7: memref<2560xi32, #tpu.memory_space<vmem>>, %arg8: memref<2560xi32, #tpu.memory_space<vmem>>, %arg9: memref<256x16xf32, #tpu.memory_space<vmem>>, %arg10: memref<4096x16xf32, #tpu.memory_space<vmem_shared>>, %arg11: memref<!tpu.dma_semaphore, #tpu.memory_space<semaphore_mem>>, %arg12: memref<!tpu.dma_semaphore, #tpu.memory_space<semaphore_mem>>, %arg13: memref<!tpu.dma_semaphore, #tpu.memory_space<semaphore_mem>>) attributes {dimension_semantics = [#tpu.dimension_semantics<core_parallel>, #tpu.dimension_semantics<subcore_parallel>], iteration_bounds = array<i64: 2, 16>, scalar_prefetch = 0 : i64, scratch_operands = 9 : i64, tpu.core_type = #tpu.core_type<sc_vector_subcore>, window_params = [{transform_indices = #map}, {transform_indices = #map1}, {transform_indices = #map2}]} {
    %scan3A = arith.constant 0 : i32
    %scan3A_0 = arith.constant 0 : i32
    %scan3A_1 = arith.constant 256 : i32
    %scan3A_2 = arith.addi %scan3A_0, %scan3A_1 : i32
    %scan3A_3 = arith.constant 1 : i32
    %scan3A_4 = scf.for %scan3A_90 = %scan3A_0 to %scan3A_2 step %scan3A_3 iter_args(%scan3A_91 = %scan3A) -> (i32)  : i32 {
      %broadcast_in_dim3A = arith.constant 0.000000e+00 : f32
      %broadcast_in_dim3A_92 = vector.broadcast %broadcast_in_dim3A : f32 to vector<16xf32>
      %swap3A = arith.index_cast %scan3A_90 : i32 to index
      %swap3A_93 = arith.constant 0 : index
      %swap3A_94 = tpu.vector_load %arg9[%swap3A, %swap3A_93] {strides = array<i32>} : memref<256x16xf32, #tpu.memory_space<vmem>>, vector<1x16xf32>,
      %swap3A_95 = vector.shape_cast %swap3A_94 : vector<1x16xf32> to vector<16xf32>
      %swap3A_96 = vector.shape_cast %broadcast_in_dim3A_92 : vector<16xf32> to vector<1x16xf32>
      tpu.vector_store %arg9[%swap3A, %swap3A_93], %swap3A_96 {strides = array<i32>} : memref<256x16xf32, #tpu.memory_space<vmem>>, vector<1x16xf32>,
      %scan3A_97 = arith.constant 0 : i32
      scf.yield %scan3A_97 : i32
    }
    %scan3A_5 = arith.constant 256 : i32
    %mul3A = arith.constant 256 : i32
    %mul3A_6 = arith.muli %arg1, %mul3A : i32
    "tpu.region"() ({
      %run_scoped3A = tpu.sem_alloc : memref<!tpu.dma_semaphore, #tpu.memory_space<semaphore_mem>>
      %dma_start3A = arith.constant 0 : i32
      %dma_start3A_90 = tpu.memref_slice %arg10[%mul3A_6, %dma_start3A] : memref<4096x16xf32, #tpu.memory_space<vmem_shared>> -> memref<256x16xf32, #tpu.memory_space<vmem_shared>>
      %dma_start3A_91 = arith.constant 0 : i32
      %dma_start3A_92 = tpu.memref_slice %arg10[%mul3A_6, %dma_start3A_91] : memref<4096x16xf32, #tpu.memory_space<vmem_shared>> -> memref<256x16xf32, #tpu.memory_space<vmem_shared>>
      tpu.enqueue_dma source(%arg9 : memref<256x16xf32, #tpu.memory_space<vmem>>) target(%dma_start3A_92 : memref<256x16xf32, #tpu.memory_space<vmem_shared>>) target_semaphore(%run_scoped3A : memref<!tpu.dma_semaphore, #tpu.memory_space<semaphore_mem>>)
      %dma_wait3A = arith.constant 0 : i32
      %dma_wait3A_93 = tpu.memref_slice %arg10[%mul3A_6, %dma_wait3A] : memref<4096x16xf32, #tpu.memory_space<vmem_shared>> -> memref<256x16xf32, #tpu.memory_space<vmem_shared>>
      %dma_wait3A_94 = arith.constant 0 : i32
      %dma_wait3A_95 = tpu.memref_slice %arg10[%mul3A_6, %dma_wait3A_94] : memref<4096x16xf32, #tpu.memory_space<vmem_shared>> -> memref<256x16xf32, #tpu.memory_space<vmem_shared>>
      tpu.wait_dma2 semaphore(%run_scoped3A : memref<!tpu.dma_semaphore, #tpu.memory_space<semaphore_mem>>) src(%arg9 : memref<256x16xf32, #tpu.memory_space<vmem>>) dst(%dma_wait3A_95 : memref<256x16xf32, #tpu.memory_space<vmem_shared>>)
      tpu.yield
    }) : () -> ()
    %barrier3A = arith.constant 0 : index
    tpu.barrier barrier_id(%barrier3A)
    %eq3A = arith.constant 0 : i32
    %eq3A_7 = arith.cmpi eq, %arg0, %eq3A : i32
    %jit3A = arith.constant 0 : i32
    %jit3A_8 = arith.constant 320 : i32
    %select_n3A = arith.select %eq3A_7, %jit3A, %jit3A_8 : i32
    %eq3A_9 = arith.constant 0 : i32
    %eq3A_10 = arith.cmpi eq, %arg0, %eq3A_9 : i32
    %jit3A_11 = arith.constant 320 : i32
    %jit3A_12 = arith.constant 305 : i32
    %select_n3A_13 = arith.select %eq3A_10, %jit3A_11, %jit3A_12 : i32
    %jit3A_14 = arith.constant 16 : i32
    %div3A = arith.divsi %select_n3A_13, %jit3A_14 : i32
    %sign3A = arith.constant 0 : i32
    %sign3A_15 = arith.cmpi sgt, %select_n3A_13, %sign3A : i32
    %sign3A_16 = arith.extui %sign3A_15 : i1 to i32
    %sign3A_17 = arith.constant 0 : i32
    %sign3A_18 = arith.cmpi slt, %select_n3A_13, %sign3A_17 : i32
    %sign3A_19 = arith.extui %sign3A_18 : i1 to i32
    %sign3A_20 = arith.subi %sign3A_16, %sign3A_19 : i32
    %sign3A_21 = arith.constant 0 : i32
    %sign3A_22 = arith.cmpi sgt, %jit3A_14, %sign3A_21 : i32
    %sign3A_23 = arith.extui %sign3A_22 : i1 to i32
    %sign3A_24 = arith.constant 0 : i32
    %sign3A_25 = arith.cmpi slt, %jit3A_14, %sign3A_24 : i32
    %sign3A_26 = arith.extui %sign3A_25 : i1 to i32
    %sign3A_27 = arith.subi %sign3A_23, %sign3A_26 : i32
    %ne3A = arith.cmpi ne, %sign3A_20, %sign3A_27 : i32
    %rem3A = arith.remsi %select_n3A_13, %jit3A_14 : i32
    %ne3A_28 = arith.constant 0 : i32
    %ne3A_29 = arith.cmpi ne, %rem3A, %ne3A_28 : i32
    %and3A = arith.andi %ne3A, %ne3A_29 : i1
    %sub3A = arith.constant 1 : i32
    %sub3A_30 = arith.subi %div3A, %sub3A : i32
    %select_n3A_31 = arith.select %and3A, %sub3A_30, %div3A : i32
    %mul3A_32 = arith.constant 16 : i32
    %mul3A_33 = arith.muli %select_n3A_31, %mul3A_32 : i32
    %sub3A_34 = arith.subi %select_n3A_13, %mul3A_33 : i32
    %eq3A_35 = arith.constant 0 : i32
    %eq3A_36 = arith.cmpi eq, %arg1, %eq3A_35 : i32
    %mul3A_37 = arith.muli %select_n3A_31, %arg1 : i32
    %add3A = arith.addi %mul3A_37, %sub3A_34 : i32
    %jit3A_38 = arith.constant 0 : i32
    %select_n3A_39 = arith.select %eq3A_36, %jit3A_38, %add3A : i32
    %add3A_40 = arith.addi %select_n3A, %select_n3A_39 : i32
    %add3A_41 = arith.constant 1 : i32
    %add3A_42 = arith.addi %arg1, %add3A_41 : i32
    %mul3A_43 = arith.muli %select_n3A_31, %add3A_42 : i32
    %add3A_44 = arith.addi %select_n3A, %mul3A_43 : i32
    %add3A_45 = arith.addi %add3A_44, %sub3A_34 : i32
    %lt3A = arith.cmpi slt, %add3A_40, %add3A_45 : i32
    %convert_element_type3A = arith.extui %lt3A : i1 to i32
    %cond3A = arith.constant 0 : i32
    %cond3A_46 = arith.cmpi ne, %convert_element_type3A, %cond3A : i32
    scf.if %cond3A_46 {
      %mul3A_90 = arith.constant 2560 : i32
      %mul3A_91 = arith.muli %add3A_40, %mul3A_90 : i32
      %dma_start3A = arith.constant 0 : i32
      %dma_start3A_92 = tpu.memref_slice %arg2[%mul3A_91, %dma_start3A] : memref<1600000x16xf32, #tpu.memory_space<hbm>> -> memref<2560x16xf32, #tpu.memory_space<hbm>>
      %dma_start3A_93 = arith.constant 0 : i32
      %dma_start3A_94 = tpu.memref_slice %arg2[%mul3A_91, %dma_start3A_93] : memref<1600000x16xf32, #tpu.memory_space<hbm>> -> memref<2560x16xf32, #tpu.memory_space<hbm>>
      tpu.enqueue_dma source(%dma_start3A_94 : memref<2560x16xf32, #tpu.memory_space<hbm>>) target(%arg5 : memref<2560x16xf32, #tpu.memory_space<vmem>>) target_semaphore(%arg11 : memref<!tpu.dma_semaphore, #tpu.memory_space<semaphore_mem>>)
      %mul3A_95 = arith.constant 2560 : i32
      %mul3A_96 = arith.muli %add3A_40, %mul3A_95 : i32
      %dma_start3A_97 = tpu.memref_slice %arg3[%mul3A_96] : memref<1600000xi32, #tpu.memory_space<hbm>> -> memref<2560xi32, #tpu.memory_space<hbm>>
      %dma_start3A_98 = tpu.memref_slice %arg3[%mul3A_96] : memref<1600000xi32, #tpu.memory_space<hbm>> -> memref<2560xi32, #tpu.memory_space<hbm>>
      tpu.enqueue_dma source(%dma_start3A_98 : memref<2560xi32, #tpu.memory_space<hbm>>) target(%arg7 : memref<2560xi32, #tpu.memory_space<vmem>>) target_semaphore(%arg11 : memref<!tpu.dma_semaphore, #tpu.memory_space<semaphore_mem>>)
    } else {
    }
    %sub3A_47 = arith.subi %add3A_45, %add3A_40 : i32
    %add3A_48 = arith.constant 1 : i32
    %add3A_49 = arith.addi %sub3A_47, %add3A_48 : i32
    %jit3A_50 = arith.constant 2 : i32
    %div3A_51 = arith.divsi %add3A_49, %jit3A_50 : i32
    %sign3A_52 = arith.constant 0 : i32
    %sign3A_53 = arith.cmpi sgt, %add3A_49, %sign3A_52 : i32
    %sign3A_54 = arith.extui %sign3A_53 : i1 to i32
    %sign3A_55 = arith.constant 0 : i32
    %sign3A_56 = arith.cmpi slt, %add3A_49, %sign3A_55 : i32
    %sign3A_57 = arith.extui %sign3A_56 : i1 to i32
    %sign3A_58 = arith.subi %sign3A_54, %sign3A_57 : i32
    %sign3A_59 = arith.constant 0 : i32
    %sign3A_60 = arith.cmpi sgt, %jit3A_50, %sign3A_59 : i32
    %sign3A_61 = arith.extui %sign3A_60 : i1 to i32
    %sign3A_62 = arith.constant 0 : i32
    %sign3A_63 = arith.cmpi slt, %jit3A_50, %sign3A_62 : i32
    %sign3A_64 = arith.extui %sign3A_63 : i1 to i32
    %sign3A_65 = arith.subi %sign3A_61, %sign3A_64 : i32
    %ne3A_66 = arith.cmpi ne, %sign3A_58, %sign3A_65 : i32
    %rem3A_67 = arith.remsi %add3A_49, %jit3A_50 : i32
    %ne3A_68 = arith.constant 0 : i32
    %ne3A_69 = arith.cmpi ne, %rem3A_67, %ne3A_68 : i32
    %and3A_70 = arith.andi %ne3A_66, %ne3A_69 : i1
    %sub3A_71 = arith.constant 1 : i32
    %sub3A_72 = arith.subi %div3A_51, %sub3A_71 : i32
    %select_n3A_73 = arith.select %and3A_70, %sub3A_72, %div3A_51 : i32
    %while3A = arith.constant 0 : i32
    %while3A_74 = arith.constant 0 : i32
    %while3A_75 = arith.subi %select_n3A_73, %while3A : i32
    %while3A_76 = arith.addi %while3A, %while3A_75 : i32
    %while3A_77 = arith.constant 1 : i32
    %while3A_78 = arith.divsi %while3A_75, %while3A_77 : i32
    %while3A_79 = arith.muli %while3A_78, %while3A_77 : i32
    %while3A_80 = arith.addi %while3A, %while3A_79 : i32
    %while3A_81 = arith.constant 1 : i32
    %while3A_82 = scf.for %while3A_90 = %while3A to %while3A_80 step %while3A_81 iter_args(%while3A_91 = %while3A_74) -> (i32)  : i32 {
      %mul3A_92 = arith.constant 2 : i32
      %mul3A_93 = arith.muli %mul3A_92, %while3A_90 : i32
      %add3A_94 = arith.addi %add3A_40, %mul3A_93 : i32
      %add3A_95 = arith.constant 1 : i32
      %add3A_96 = arith.addi %add3A_94, %add3A_95 : i32
      %mul3A_97 = arith.constant 2560 : i32
      %mul3A_98 = arith.muli %add3A_94, %mul3A_97 : i32
      %dma_wait3A = arith.constant 0 : i32
      %dma_wait3A_99 = tpu.memref_slice %arg2[%mul3A_98, %dma_wait3A] : memref<1600000x16xf32, #tpu.memory_space<hbm>> -> memref<2560x16xf32, #tpu.memory_space<hbm>>
      %dma_wait3A_100 = arith.constant 0 : i32
      %dma_wait3A_101 = tpu.memref_slice %arg2[%mul3A_98, %dma_wait3A_100] : memref<1600000x16xf32, #tpu.memory_space<hbm>> -> memref<2560x16xf32, #tpu.memory_space<hbm>>
      tpu.wait_dma2 semaphore(%arg11 : memref<!tpu.dma_semaphore, #tpu.memory_space<semaphore_mem>>) src(%dma_wait3A_101 : memref<2560x16xf32, #tpu.memory_space<hbm>>) dst(%arg5 : memref<2560x16xf32, #tpu.memory_space<vmem>>)
      %mul3A_102 = arith.constant 2560 : i32
      %mul3A_103 = arith.muli %add3A_94, %mul3A_102 : i32
      %dma_wait3A_104 = tpu.memref_slice %arg3[%mul3A_103] : memref<1600000xi32, #tpu.memory_space<hbm>> -> memref<2560xi32, #tpu.memory_space<hbm>>
      %dma_wait3A_105 = tpu.memref_slice %arg3[%mul3A_103] : memref<1600000xi32, #tpu.memory_space<hbm>> -> memref<2560xi32, #tpu.memory_space<hbm>>
      tpu.wait_dma2 semaphore(%arg11 : memref<!tpu.dma_semaphore, #tpu.memory_space<semaphore_mem>>) src(%dma_wait3A_105 : memref<2560xi32, #tpu.memory_space<hbm>>) dst(%arg7 : memref<2560xi32, #tpu.memory_space<vmem>>)
      %lt3A_106 = arith.cmpi slt, %add3A_96, %add3A_45 : i32
      %convert_element_type3A_107 = arith.extui %lt3A_106 : i1 to i32
      %cond3A_108 = arith.constant 0 : i32
      %cond3A_109 = arith.cmpi ne, %convert_element_type3A_107, %cond3A_108 : i32
      scf.if %cond3A_109 {
        %mul3A_434 = arith.constant 2560 : i32
        %mul3A_435 = arith.muli %add3A_96, %mul3A_434 : i32
        %dma_start3A_436 = arith.constant 0 : i32
        %dma_start3A_437 = tpu.memref_slice %arg2[%mul3A_435, %dma_start3A_436] : memref<1600000x16xf32, #tpu.memory_space<hbm>> -> memref<2560x16xf32, #tpu.memory_space<hbm>>
        %dma_start3A_438 = arith.constant 0 : i32
        %dma_start3A_439 = tpu.memref_slice %arg2[%mul3A_435, %dma_start3A_438] : memref<1600000x16xf32, #tpu.memory_space<hbm>> -> memref<2560x16xf32, #tpu.memory_space<hbm>>
        tpu.enqueue_dma source(%dma_start3A_439 : memref<2560x16xf32, #tpu.memory_space<hbm>>) target(%arg6 : memref<2560x16xf32, #tpu.memory_space<vmem>>) target_semaphore(%arg12 : memref<!tpu.dma_semaphore, #tpu.memory_space<semaphore_mem>>)
        %mul3A_440 = arith.constant 2560 : i32
        %mul3A_441 = arith.muli %add3A_96, %mul3A_440 : i32
        %dma_start3A_442 = tpu.memref_slice %arg3[%mul3A_441] : memref<1600000xi32, #tpu.memory_space<hbm>> -> memref<2560xi32, #tpu.memory_space<hbm>>
        %dma_start3A_443 = tpu.memref_slice %arg3[%mul3A_441] : memref<1600000xi32, #tpu.memory_space<hbm>> -> memref<2560xi32, #tpu.memory_space<hbm>>
        tpu.enqueue_dma source(%dma_start3A_443 : memref<2560xi32, #tpu.memory_space<hbm>>) target(%arg8 : memref<2560xi32, #tpu.memory_space<vmem>>) target_semaphore(%arg12 : memref<!tpu.dma_semaphore, #tpu.memory_space<semaphore_mem>>)
      } else {
      }
      %dma_start3A = arith.constant 0 : i32
      %dma_start3A_110 = arith.constant 0 : i32
      %dma_start3A_111 = tpu.memref_slice %arg5[%dma_start3A, %dma_start3A_110] : memref<2560x16xf32, #tpu.memory_space<vmem>> -> memref<128x16xf32, #tpu.memory_space<vmem>>
      %dma_start3A_112 = arith.constant 0 : i32
      %dma_start3A_113 = tpu.memref_slice %arg7[%dma_start3A_112] : memref<2560xi32, #tpu.memory_space<vmem>> -> memref<128xi32, #tpu.memory_space<vmem>>
      %dma_start3A_114 = arith.constant 0 : i32
      %dma_start3A_115 = arith.constant 0 : i32
      %dma_start3A_116 = tpu.memref_slice %arg10[%dma_start3A_114, %dma_start3A_115] : memref<4096x16xf32, #tpu.memory_space<vmem_shared>> -> memref<4096x16xf32, #tpu.memory_space<vmem_shared>>
      tpu.enqueue_indirect_dma source(%dma_start3A_111 : memref<128x16xf32, #tpu.memory_space<vmem>>) target(%dma_start3A_116 : memref<4096x16xf32, #tpu.memory_space<vmem_shared>>) offsets(%dma_start3A_113 : memref<128xi32, #tpu.memory_space<vmem>>) semaphore(%arg13 : memref<!tpu.dma_semaphore, #tpu.memory_space<semaphore_mem>>) {add = true}
      %dma_start3A_117 = arith.constant 128 : i32
      %dma_start3A_118 = arith.constant 0 : i32
      %dma_start3A_119 = tpu.memref_slice %arg5[%dma_start3A_117, %dma_start3A_118] : memref<2560x16xf32, #tpu.memory_space<vmem>> -> memref<128x16xf32, #tpu.memory_space<vmem>>
      %dma_start3A_120 = arith.constant 128 : i32
      %dma_start3A_121 = tpu.memref_slice %arg7[%dma_start3A_120] : memref<2560xi32, #tpu.memory_space<vmem>> -> memref<128xi32, #tpu.memory_space<vmem>>
      %dma_start3A_122 = arith.constant 0 : i32
      %dma_start3A_123 = arith.constant 0 : i32
      %dma_start3A_124 = tpu.memref_slice %arg10[%dma_start3A_122, %dma_start3A_123] : memref<4096x16xf32, #tpu.memory_space<vmem_shared>> -> memref<4096x16xf32, #tpu.memory_space<vmem_shared>>
      tpu.enqueue_indirect_dma source(%dma_start3A_119 : memref<128x16xf32, #tpu.memory_space<vmem>>) target(%dma_start3A_124 : memref<4096x16xf32, #tpu.memory_space<vmem_shared>>) offsets(%dma_start3A_121 : memref<128xi32, #tpu.memory_space<vmem>>) semaphore(%arg13 : memref<!tpu.dma_semaphore, #tpu.memory_space<semaphore_mem>>) {add = true}
      %dma_start3A_125 = arith.constant 256 : i32
      %dma_start3A_126 = arith.constant 0 : i32
      %dma_start3A_127 = tpu.memref_slice %arg5[%dma_start3A_125, %dma_start3A_126] : memref<2560x16xf32, #tpu.memory_space<vmem>> -> memref<128x16xf32, #tpu.memory_space<vmem>>
      %dma_start3A_128 = arith.constant 256 : i32
      %dma_start3A_129 = tpu.memref_slice %arg7[%dma_start3A_128] : memref<2560xi32, #tpu.memory_space<vmem>> -> memref<128xi32, #tpu.memory_space<vmem>>
      %dma_start3A_130 = arith.constant 0 : i32
      %dma_start3A_131 = arith.constant 0 : i32
      %dma_start3A_132 = tpu.memref_slice %arg10[%dma_start3A_130, %dma_start3A_131] : memref<4096x16xf32, #tpu.memory_space<vmem_shared>> -> memref<4096x16xf32, #tpu.memory_space<vmem_shared>>
      tpu.enqueue_indirect_dma source(%dma_start3A_127 : memref<128x16xf32, #tpu.memory_space<vmem>>) target(%dma_start3A_132 : memref<4096x16xf32, #tpu.memory_space<vmem_shared>>) offsets(%dma_start3A_129 : memref<128xi32, #tpu.memory_space<vmem>>) semaphore(%arg13 : memref<!tpu.dma_semaphore, #tpu.memory_space<semaphore_mem>>) {add = true}
      %dma_start3A_133 = arith.constant 384 : i32
      %dma_start3A_134 = arith.constant 0 : i32
      %dma_start3A_135 = tpu.memref_slice %arg5[%dma_start3A_133, %dma_start3A_134] : memref<2560x16xf32, #tpu.memory_space<vmem>> -> memref<128x16xf32, #tpu.memory_space<vmem>>
      %dma_start3A_136 = arith.constant 384 : i32
      %dma_start3A_137 = tpu.memref_slice %arg7[%dma_start3A_136] : memref<2560xi32, #tpu.memory_space<vmem>> -> memref<128xi32, #tpu.memory_space<vmem>>
      %dma_start3A_138 = arith.constant 0 : i32
      %dma_start3A_139 = arith.constant 0 : i32
      %dma_start3A_140 = tpu.memref_slice %arg10[%dma_start3A_138, %dma_start3A_139] : memref<4096x16xf32, #tpu.memory_space<vmem_shared>> -> memref<4096x16xf32, #tpu.memory_space<vmem_shared>>
      tpu.enqueue_indirect_dma source(%dma_start3A_135 : memref<128x16xf32, #tpu.memory_space<vmem>>) target(%dma_start3A_140 : memref<4096x16xf32, #tpu.memory_space<vmem_shared>>) offsets(%dma_start3A_137 : memref<128xi32, #tpu.memory_space<vmem>>) semaphore(%arg13 : memref<!tpu.dma_semaphore, #tpu.memory_space<semaphore_mem>>) {add = true}
      %dma_start3A_141 = arith.constant 512 : i32
      %dma_start3A_142 = arith.constant 0 : i32
      %dma_start3A_143 = tpu.memref_slice %arg5[%dma_start3A_141, %dma_start3A_142] : memref<2560x16xf32, #tpu.memory_space<vmem>> -> memref<128x16xf32, #tpu.memory_space<vmem>>
      %dma_start3A_144 = arith.constant 512 : i32
      %dma_start3A_145 = tpu.memref_slice %arg7[%dma_start3A_144] : memref<2560xi32, #tpu.memory_space<vmem>> -> memref<128xi32, #tpu.memory_space<vmem>>
      %dma_start3A_146 = arith.constant 0 : i32
      %dma_start3A_147 = arith.constant 0 : i32
      %dma_start3A_148 = tpu.memref_slice %arg10[%dma_start3A_146, %dma_start3A_147] : memref<4096x16xf32, #tpu.memory_space<vmem_shared>> -> memref<4096x16xf32, #tpu.memory_space<vmem_shared>>
      tpu.enqueue_indirect_dma source(%dma_start3A_143 : memref<128x16xf32, #tpu.memory_space<vmem>>) target(%dma_start3A_148 : memref<4096x16xf32, #tpu.memory_space<vmem_shared>>) offsets(%dma_start3A_145 : memref<128xi32, #tpu.memory_space<vmem>>) semaphore(%arg13 : memref<!tpu.dma_semaphore, #tpu.memory_space<semaphore_mem>>) {add = true}
      %dma_start3A_149 = arith.constant 640 : i32
      %dma_start3A_150 = arith.constant 0 : i32
      %dma_start3A_151 = tpu.memref_slice %arg5[%dma_start3A_149, %dma_start3A_150] : memref<2560x16xf32, #tpu.memory_space<vmem>> -> memref<128x16xf32, #tpu.memory_space<vmem>>
      %dma_start3A_152 = arith.constant 640 : i32
      %dma_start3A_153 = tpu.memref_slice %arg7[%dma_start3A_152] : memref<2560xi32, #tpu.memory_space<vmem>> -> memref<128xi32, #tpu.memory_space<vmem>>
      %dma_start3A_154 = arith.constant 0 : i32
      %dma_start3A_155 = arith.constant 0 : i32
      %dma_start3A_156 = tpu.memref_slice %arg10[%dma_start3A_154, %dma_start3A_155] : memref<4096x16xf32, #tpu.memory_space<vmem_shared>> -> memref<4096x16xf32, #tpu.memory_space<vmem_shared>>
      tpu.enqueue_indirect_dma source(%dma_start3A_151 : memref<128x16xf32, #tpu.memory_space<vmem>>) target(%dma_start3A_156 : memref<4096x16xf32, #tpu.memory_space<vmem_shared>>) offsets(%dma_start3A_153 : memref<128xi32, #tpu.memory_space<vmem>>) semaphore(%arg13 : memref<!tpu.dma_semaphore, #tpu.memory_space<semaphore_mem>>) {add = true}
      %dma_start3A_157 = arith.constant 768 : i32
      %dma_start3A_158 = arith.constant 0 : i32
      %dma_start3A_159 = tpu.memref_slice %arg5[%dma_start3A_157, %dma_start3A_158] : memref<2560x16xf32, #tpu.memory_space<vmem>> -> memref<128x16xf32, #tpu.memory_space<vmem>>
      %dma_start3A_160 = arith.constant 768 : i32
      %dma_start3A_161 = tpu.memref_slice %arg7[%dma_start3A_160] : memref<2560xi32, #tpu.memory_space<vmem>> -> memref<128xi32, #tpu.memory_space<vmem>>
      %dma_start3A_162 = arith.constant 0 : i32
      %dma_start3A_163 = arith.constant 0 : i32
      %dma_start3A_164 = tpu.memref_slice %arg10[%dma_start3A_162, %dma_start3A_163] : memref<4096x16xf32, #tpu.memory_space<vmem_shared>> -> memref<4096x16xf32, #tpu.memory_space<vmem_shared>>
      tpu.enqueue_indirect_dma source(%dma_start3A_159 : memref<128x16xf32, #tpu.memory_space<vmem>>) target(%dma_start3A_164 : memref<4096x16xf32, #tpu.memory_space<vmem_shared>>) offsets(%dma_start3A_161 : memref<128xi32, #tpu.memory_space<vmem>>) semaphore(%arg13 : memref<!tpu.dma_semaphore, #tpu.memory_space<semaphore_mem>>) {add = true}
      %dma_start3A_165 = arith.constant 896 : i32
      %dma_start3A_166 = arith.constant 0 : i32
      %dma_start3A_167 = tpu.memref_slice %arg5[%dma_start3A_165, %dma_start3A_166] : memref<2560x16xf32, #tpu.memory_space<vmem>> -> memref<128x16xf32, #tpu.memory_space<vmem>>
      %dma_start3A_168 = arith.constant 896 : i32
      %dma_start3A_169 = tpu.memref_slice %arg7[%dma_start3A_168] : memref<2560xi32, #tpu.memory_space<vmem>> -> memref<128xi32, #tpu.memory_space<vmem>>
      %dma_start3A_170 = arith.constant 0 : i32
      %dma_start3A_171 = arith.constant 0 : i32
      %dma_start3A_172 = tpu.memref_slice %arg10[%dma_start3A_170, %dma_start3A_171] : memref<4096x16xf32, #tpu.memory_space<vmem_shared>> -> memref<4096x16xf32, #tpu.memory_space<vmem_shared>>
      tpu.enqueue_indirect_dma source(%dma_start3A_167 : memref<128x16xf32, #tpu.memory_space<vmem>>) target(%dma_start3A_172 : memref<4096x16xf32, #tpu.memory_space<vmem_shared>>) offsets(%dma_start3A_169 : memref<128xi32, #tpu.memory_space<vmem>>) semaphore(%arg13 : memref<!tpu.dma_semaphore, #tpu.memory_space<semaphore_mem>>) {add = true}
      %dma_start3A_173 = arith.constant 1024 : i32
      %dma_start3A_174 = arith.constant 0 : i32
      %dma_start3A_175 = tpu.memref_slice %arg5[%dma_start3A_173, %dma_start3A_174] : memref<2560x16xf32, #tpu.memory_space<vmem>> -> memref<128x16xf32, #tpu.memory_space<vmem>>
      %dma_start3A_176 = arith.constant 1024 : i32
      %dma_start3A_177 = tpu.memref_slice %arg7[%dma_start3A_176] : memref<2560xi32, #tpu.memory_space<vmem>> -> memref<128xi32, #tpu.memory_space<vmem>>
      %dma_start3A_178 = arith.constant 0 : i32
      %dma_start3A_179 = arith.constant 0 : i32
      %dma_start3A_180 = tpu.memref_slice %arg10[%dma_start3A_178, %dma_start3A_179] : memref<4096x16xf32, #tpu.memory_space<vmem_shared>> -> memref<4096x16xf32, #tpu.memory_space<vmem_shared>>
      tpu.enqueue_indirect_dma source(%dma_start3A_175 : memref<128x16xf32, #tpu.memory_space<vmem>>) target(%dma_start3A_180 : memref<4096x16xf32, #tpu.memory_space<vmem_shared>>) offsets(%dma_start3A_177 : memref<128xi32, #tpu.memory_space<vmem>>) semaphore(%arg13 : memref<!tpu.dma_semaphore, #tpu.memory_space<semaphore_mem>>) {add = true}
      %dma_start3A_181 = arith.constant 1152 : i32
      %dma_start3A_182 = arith.constant 0 : i32
      %dma_start3A_183 = tpu.memref_slice %arg5[%dma_start3A_181, %dma_start3A_182] : memref<2560x16xf32, #tpu.memory_space<vmem>> -> memref<128x16xf32, #tpu.memory_space<vmem>>
      %dma_start3A_184 = arith.constant 1152 : i32
      %dma_start3A_185 = tpu.memref_slice %arg7[%dma_start3A_184] : memref<2560xi32, #tpu.memory_space<vmem>> -> memref<128xi32, #tpu.memory_space<vmem>>
      %dma_start3A_186 = arith.constant 0 : i32
      %dma_start3A_187 = arith.constant 0 : i32
      %dma_start3A_188 = tpu.memref_slice %arg10[%dma_start3A_186, %dma_start3A_187] : memref<4096x16xf32, #tpu.memory_space<vmem_shared>> -> memref<4096x16xf32, #tpu.memory_space<vmem_shared>>
      tpu.enqueue_indirect_dma source(%dma_start3A_183 : memref<128x16xf32, #tpu.memory_space<vmem>>) target(%dma_start3A_188 : memref<4096x16xf32, #tpu.memory_space<vmem_shared>>) offsets(%dma_start3A_185 : memref<128xi32, #tpu.memory_space<vmem>>) semaphore(%arg13 : memref<!tpu.dma_semaphore, #tpu.memory_space<semaphore_mem>>) {add = true}
      %dma_start3A_189 = arith.constant 1280 : i32
      %dma_start3A_190 = arith.constant 0 : i32
      %dma_start3A_191 = tpu.memref_slice %arg5[%dma_start3A_189, %dma_start3A_190] : memref<2560x16xf32, #tpu.memory_space<vmem>> -> memref<128x16xf32, #tpu.memory_space<vmem>>
      %dma_start3A_192 = arith.constant 1280 : i32
      %dma_start3A_193 = tpu.memref_slice %arg7[%dma_start3A_192] : memref<2560xi32, #tpu.memory_space<vmem>> -> memref<128xi32, #tpu.memory_space<vmem>>
      %dma_start3A_194 = arith.constant 0 : i32
      %dma_start3A_195 = arith.constant 0 : i32
      %dma_start3A_196 = tpu.memref_slice %arg10[%dma_start3A_194, %dma_start3A_195] : memref<4096x16xf32, #tpu.memory_space<vmem_shared>> -> memref<4096x16xf32, #tpu.memory_space<vmem_shared>>
      tpu.enqueue_indirect_dma source(%dma_start3A_191 : memref<128x16xf32, #tpu.memory_space<vmem>>) target(%dma_start3A_196 : memref<4096x16xf32, #tpu.memory_space<vmem_shared>>) offsets(%dma_start3A_193 : memref<128xi32, #tpu.memory_space<vmem>>) semaphore(%arg13 : memref<!tpu.dma_semaphore, #tpu.memory_space<semaphore_mem>>) {add = true}
      %dma_start3A_197 = arith.constant 1408 : i32
      %dma_start3A_198 = arith.constant 0 : i32
      %dma_start3A_199 = tpu.memref_slice %arg5[%dma_start3A_197, %dma_start3A_198] : memref<2560x16xf32, #tpu.memory_space<vmem>> -> memref<128x16xf32, #tpu.memory_space<vmem>>
      %dma_start3A_200 = arith.constant 1408 : i32
      %dma_start3A_201 = tpu.memref_slice %arg7[%dma_start3A_200] : memref<2560xi32, #tpu.memory_space<vmem>> -> memref<128xi32, #tpu.memory_space<vmem>>
      %dma_start3A_202 = arith.constant 0 : i32
      %dma_start3A_203 = arith.constant 0 : i32
      %dma_start3A_204 = tpu.memref_slice %arg10[%dma_start3A_202, %dma_start3A_203] : memref<4096x16xf32, #tpu.memory_space<vmem_shared>> -> memref<4096x16xf32, #tpu.memory_space<vmem_shared>>
      tpu.enqueue_indirect_dma source(%dma_start3A_199 : memref<128x16xf32, #tpu.memory_space<vmem>>) target(%dma_start3A_204 : memref<4096x16xf32, #tpu.memory_space<vmem_shared>>) offsets(%dma_start3A_201 : memref<128xi32, #tpu.memory_space<vmem>>) semaphore(%arg13 : memref<!tpu.dma_semaphore, #tpu.memory_space<semaphore_mem>>) {add = true}
      %dma_start3A_205 = arith.constant 1536 : i32
      %dma_start3A_206 = arith.constant 0 : i32
      %dma_start3A_207 = tpu.memref_slice %arg5[%dma_start3A_205, %dma_start3A_206] : memref<2560x16xf32, #tpu.memory_space<vmem>> -> memref<128x16xf32, #tpu.memory_space<vmem>>
      %dma_start3A_208 = arith.constant 1536 : i32
      %dma_start3A_209 = tpu.memref_slice %arg7[%dma_start3A_208] : memref<2560xi32, #tpu.memory_space<vmem>> -> memref<128xi32, #tpu.memory_space<vmem>>
      %dma_start3A_210 = arith.constant 0 : i32
      %dma_start3A_211 = arith.constant 0 : i32
      %dma_start3A_212 = tpu.memref_slice %arg10[%dma_start3A_210, %dma_start3A_211] : memref<4096x16xf32, #tpu.memory_space<vmem_shared>> -> memref<4096x16xf32, #tpu.memory_space<vmem_shared>>
      tpu.enqueue_indirect_dma source(%dma_start3A_207 : memref<128x16xf32, #tpu.memory_space<vmem>>) target(%dma_start3A_212 : memref<4096x16xf32, #tpu.memory_space<vmem_shared>>) offsets(%dma_start3A_209 : memref<128xi32, #tpu.memory_space<vmem>>) semaphore(%arg13 : memref<!tpu.dma_semaphore, #tpu.memory_space<semaphore_mem>>) {add = true}
      %dma_start3A_213 = arith.constant 1664 : i32
      %dma_start3A_214 = arith.constant 0 : i32
      %dma_start3A_215 = tpu.memref_slice %arg5[%dma_start3A_213, %dma_start3A_214] : memref<2560x16xf32, #tpu.memory_space<vmem>> -> memref<128x16xf32, #tpu.memory_space<vmem>>
      %dma_start3A_216 = arith.constant 1664 : i32
      %dma_start3A_217 = tpu.memref_slice %arg7[%dma_start3A_216] : memref<2560xi32, #tpu.memory_space<vmem>> -> memref<128xi32, #tpu.memory_space<vmem>>
      %dma_start3A_218 = arith.constant 0 : i32
      %dma_start3A_219 = arith.constant 0 : i32
      %dma_start3A_220 = tpu.memref_slice %arg10[%dma_start3A_218, %dma_start3A_219] : memref<4096x16xf32, #tpu.memory_space<vmem_shared>> -> memref<4096x16xf32, #tpu.memory_space<vmem_shared>>
      tpu.enqueue_indirect_dma source(%dma_start3A_215 : memref<128x16xf32, #tpu.memory_space<vmem>>) target(%dma_start3A_220 : memref<4096x16xf32, #tpu.memory_space<vmem_shared>>) offsets(%dma_start3A_217 : memref<128xi32, #tpu.memory_space<vmem>>) semaphore(%arg13 : memref<!tpu.dma_semaphore, #tpu.memory_space<semaphore_mem>>) {add = true}
      %dma_start3A_221 = arith.constant 1792 : i32
      %dma_start3A_222 = arith.constant 0 : i32
      %dma_start3A_223 = tpu.memref_slice %arg5[%dma_start3A_221, %dma_start3A_222] : memref<2560x16xf32, #tpu.memory_space<vmem>> -> memref<128x16xf32, #tpu.memory_space<vmem>>
      %dma_start3A_224 = arith.constant 1792 : i32
      %dma_start3A_225 = tpu.memref_slice %arg7[%dma_start3A_224] : memref<2560xi32, #tpu.memory_space<vmem>> -> memref<128xi32, #tpu.memory_space<vmem>>
      %dma_start3A_226 = arith.constant 0 : i32
      %dma_start3A_227 = arith.constant 0 : i32
      %dma_start3A_228 = tpu.memref_slice %arg10[%dma_start3A_226, %dma_start3A_227] : memref<4096x16xf32, #tpu.memory_space<vmem_shared>> -> memref<4096x16xf32, #tpu.memory_space<vmem_shared>>
      tpu.enqueue_indirect_dma source(%dma_start3A_223 : memref<128x16xf32, #tpu.memory_space<vmem>>) target(%dma_start3A_228 : memref<4096x16xf32, #tpu.memory_space<vmem_shared>>) offsets(%dma_start3A_225 : memref<128xi32, #tpu.memory_space<vmem>>) semaphore(%arg13 : memref<!tpu.dma_semaphore, #tpu.memory_space<semaphore_mem>>) {add = true}
      %dma_start3A_229 = arith.constant 1920 : i32
      %dma_start3A_230 = arith.constant 0 : i32
      %dma_start3A_231 = tpu.memref_slice %arg5[%dma_start3A_229, %dma_start3A_230] : memref<2560x16xf32, #tpu.memory_space<vmem>> -> memref<128x16xf32, #tpu.memory_space<vmem>>
      %dma_start3A_232 = arith.constant 1920 : i32
      %dma_start3A_233 = tpu.memref_slice %arg7[%dma_start3A_232] : memref<2560xi32, #tpu.memory_space<vmem>> -> memref<128xi32, #tpu.memory_space<vmem>>
      %dma_start3A_234 = arith.constant 0 : i32
      %dma_start3A_235 = arith.constant 0 : i32
      %dma_start3A_236 = tpu.memref_slice %arg10[%dma_start3A_234, %dma_start3A_235] : memref<4096x16xf32, #tpu.memory_space<vmem_shared>> -> memref<4096x16xf32, #tpu.memory_space<vmem_shared>>
      tpu.enqueue_indirect_dma source(%dma_start3A_231 : memref<128x16xf32, #tpu.memory_space<vmem>>) target(%dma_start3A_236 : memref<4096x16xf32, #tpu.memory_space<vmem_shared>>) offsets(%dma_start3A_233 : memref<128xi32, #tpu.memory_space<vmem>>) semaphore(%arg13 : memref<!tpu.dma_semaphore, #tpu.memory_space<semaphore_mem>>) {add = true}
      %dma_start3A_237 = arith.constant 2048 : i32
      %dma_start3A_238 = arith.constant 0 : i32
      %dma_start3A_239 = tpu.memref_slice %arg5[%dma_start3A_237, %dma_start3A_238] : memref<2560x16xf32, #tpu.memory_space<vmem>> -> memref<128x16xf32, #tpu.memory_space<vmem>>
      %dma_start3A_240 = arith.constant 2048 : i32
      %dma_start3A_241 = tpu.memref_slice %arg7[%dma_start3A_240] : memref<2560xi32, #tpu.memory_space<vmem>> -> memref<128xi32, #tpu.memory_space<vmem>>
      %dma_start3A_242 = arith.constant 0 : i32
      %dma_start3A_243 = arith.constant 0 : i32
      %dma_start3A_244 = tpu.memref_slice %arg10[%dma_start3A_242, %dma_start3A_243] : memref<4096x16xf32, #tpu.memory_space<vmem_shared>> -> memref<4096x16xf32, #tpu.memory_space<vmem_shared>>
      tpu.enqueue_indirect_dma source(%dma_start3A_239 : memref<128x16xf32, #tpu.memory_space<vmem>>) target(%dma_start3A_244 : memref<4096x16xf32, #tpu.memory_space<vmem_shared>>) offsets(%dma_start3A_241 : memref<128xi32, #tpu.memory_space<vmem>>) semaphore(%arg13 : memref<!tpu.dma_semaphore, #tpu.memory_space<semaphore_mem>>) {add = true}
      %dma_start3A_245 = arith.constant 2176 : i32
      %dma_start3A_246 = arith.constant 0 : i32
      %dma_start3A_247 = tpu.memref_slice %arg5[%dma_start3A_245, %dma_start3A_246] : memref<2560x16xf32, #tpu.memory_space<vmem>> -> memref<128x16xf32, #tpu.memory_space<vmem>>
      %dma_start3A_248 = arith.constant 2176 : i32
      %dma_start3A_249 = tpu.memref_slice %arg7[%dma_start3A_248] : memref<2560xi32, #tpu.memory_space<vmem>> -> memref<128xi32, #tpu.memory_space<vmem>>
      %dma_start3A_250 = arith.constant 0 : i32
      %dma_start3A_251 = arith.constant 0 : i32
      %dma_start3A_252 = tpu.memref_slice %arg10[%dma_start3A_250, %dma_start3A_251] : memref<4096x16xf32, #tpu.memory_space<vmem_shared>> -> memref<4096x16xf32, #tpu.memory_space<vmem_shared>>
      tpu.enqueue_indirect_dma source(%dma_start3A_247 : memref<128x16xf32, #tpu.memory_space<vmem>>) target(%dma_start3A_252 : memref<4096x16xf32, #tpu.memory_space<vmem_shared>>) offsets(%dma_start3A_249 : memref<128xi32, #tpu.memory_space<vmem>>) semaphore(%arg13 : memref<!tpu.dma_semaphore, #tpu.memory_space<semaphore_mem>>) {add = true}
      %dma_start3A_253 = arith.constant 2304 : i32
      %dma_start3A_254 = arith.constant 0 : i32
      %dma_start3A_255 = tpu.memref_slice %arg5[%dma_start3A_253, %dma_start3A_254] : memref<2560x16xf32, #tpu.memory_space<vmem>> -> memref<128x16xf32, #tpu.memory_space<vmem>>
      %dma_start3A_256 = arith.constant 2304 : i32
      %dma_start3A_257 = tpu.memref_slice %arg7[%dma_start3A_256] : memref<2560xi32, #tpu.memory_space<vmem>> -> memref<128xi32, #tpu.memory_space<vmem>>
      %dma_start3A_258 = arith.constant 0 : i32
      %dma_start3A_259 = arith.constant 0 : i32
      %dma_start3A_260 = tpu.memref_slice %arg10[%dma_start3A_258, %dma_start3A_259] : memref<4096x16xf32, #tpu.memory_space<vmem_shared>> -> memref<4096x16xf32, #tpu.memory_space<vmem_shared>>
      tpu.enqueue_indirect_dma source(%dma_start3A_255 : memref<128x16xf32, #tpu.memory_space<vmem>>) target(%dma_start3A_260 : memref<4096x16xf32, #tpu.memory_space<vmem_shared>>) offsets(%dma_start3A_257 : memref<128xi32, #tpu.memory_space<vmem>>) semaphore(%arg13 : memref<!tpu.dma_semaphore, #tpu.memory_space<semaphore_mem>>) {add = true}
      %dma_start3A_261 = arith.constant 2432 : i32
      %dma_start3A_262 = arith.constant 0 : i32
      %dma_start3A_263 = tpu.memref_slice %arg5[%dma_start3A_261, %dma_start3A_262] : memref<2560x16xf32, #tpu.memory_space<vmem>> -> memref<128x16xf32, #tpu.memory_space<vmem>>
      %dma_start3A_264 = arith.constant 2432 : i32
      %dma_start3A_265 = tpu.memref_slice %arg7[%dma_start3A_264] : memref<2560xi32, #tpu.memory_space<vmem>> -> memref<128xi32, #tpu.memory_space<vmem>>
      %dma_start3A_266 = arith.constant 0 : i32
      %dma_start3A_267 = arith.constant 0 : i32
      %dma_start3A_268 = tpu.memref_slice %arg10[%dma_start3A_266, %dma_start3A_267] : memref<4096x16xf32, #tpu.memory_space<vmem_shared>> -> memref<4096x16xf32, #tpu.memory_space<vmem_shared>>
      tpu.enqueue_indirect_dma source(%dma_start3A_263 : memref<128x16xf32, #tpu.memory_space<vmem>>) target(%dma_start3A_268 : memref<4096x16xf32, #tpu.memory_space<vmem_shared>>) offsets(%dma_start3A_265 : memref<128xi32, #tpu.memory_space<vmem>>) semaphore(%arg13 : memref<!tpu.dma_semaphore, #tpu.memory_space<semaphore_mem>>) {add = true}
      %dma_wait3A_269 = arith.constant 0 : i32
      %dma_wait3A_270 = arith.constant 0 : i32
      %dma_wait3A_271 = tpu.memref_slice %arg5[%dma_wait3A_269, %dma_wait3A_270] : memref<2560x16xf32, #tpu.memory_space<vmem>> -> memref<128x16xf32, #tpu.memory_space<vmem>>
      %dma_wait3A_272 = arith.constant 0 : i32
      %dma_wait3A_273 = tpu.memref_slice %arg7[%dma_wait3A_272] : memref<2560xi32, #tpu.memory_space<vmem>> -> memref<128xi32, #tpu.memory_space<vmem>>
      %dma_wait3A_274 = arith.constant 0 : i32
      %dma_wait3A_275 = arith.constant 0 : i32
      %dma_wait3A_276 = tpu.memref_slice %arg10[%dma_wait3A_274, %dma_wait3A_275] : memref<4096x16xf32, #tpu.memory_space<vmem_shared>> -> memref<4096x16xf32, #tpu.memory_space<vmem_shared>>
      tpu.wait_indirect_dma semaphore(%arg13 : memref<!tpu.dma_semaphore, #tpu.memory_space<semaphore_mem>>) src(%dma_wait3A_271 : memref<128x16xf32, #tpu.memory_space<vmem>>) dst(%dma_wait3A_276 : memref<4096x16xf32, #tpu.memory_space<vmem_shared>>)
      %dma_wait3A_277 = arith.constant 128 : i32
      %dma_wait3A_278 = arith.constant 0 : i32
      %dma_wait3A_279 = tpu.memref_slice %arg5[%dma_wait3A_277, %dma_wait3A_278] : memref<2560x16xf32, #tpu.memory_space<vmem>> -> memref<128x16xf32, #tpu.memory_space<vmem>>
      %dma_wait3A_280 = arith.constant 128 : i32
      %dma_wait3A_281 = tpu.memref_slice %arg7[%dma_wait3A_280] : memref<2560xi32, #tpu.memory_space<vmem>> -> memref<128xi32, #tpu.memory_space<vmem>>
      %dma_wait3A_282 = arith.constant 0 : i32
      %dma_wait3A_283 = arith.constant 0 : i32
      %dma_wait3A_284 = tpu.memref_slice %arg10[%dma_wait3A_282, %dma_wait3A_283] : memref<4096x16xf32, #tpu.memory_space<vmem_shared>> -> memref<4096x16xf32, #tpu.memory_space<vmem_shared>>
      tpu.wait_indirect_dma semaphore(%arg13 : memref<!tpu.dma_semaphore, #tpu.memory_space<semaphore_mem>>) src(%dma_wait3A_279 : memref<128x16xf32, #tpu.memory_space<vmem>>) dst(%dma_wait3A_284 : memref<4096x16xf32, #tpu.memory_space<vmem_shared>>)
      %dma_wait3A_285 = arith.constant 256 : i32
      %dma_wait3A_286 = arith.constant 0 : i32
      %dma_wait3A_287 = tpu.memref_slice %arg5[%dma_wait3A_285, %dma_wait3A_286] : memref<2560x16xf32, #tpu.memory_space<vmem>> -> memref<128x16xf32, #tpu.memory_space<vmem>>
      %dma_wait3A_288 = arith.constant 256 : i32
      %dma_wait3A_289 = tpu.memref_slice %arg7[%dma_wait3A_288] : memref<2560xi32, #tpu.memory_space<vmem>> -> memref<128xi32, #tpu.memory_space<vmem>>
      %dma_wait3A_290 = arith.constant 0 : i32
      %dma_wait3A_291 = arith.constant 0 : i32
      %dma_wait3A_292 = tpu.memref_slice %arg10[%dma_wait3A_290, %dma_wait3A_291] : memref<4096x16xf32, #tpu.memory_space<vmem_shared>> -> memref<4096x16xf32, #tpu.memory_space<vmem_shared>>
      tpu.wait_indirect_dma semaphore(%arg13 : memref<!tpu.dma_semaphore, #tpu.memory_space<semaphore_mem>>) src(%dma_wait3A_287 : memref<128x16xf32, #tpu.memory_space<vmem>>) dst(%dma_wait3A_292 : memref<4096x16xf32, #tpu.memory_space<vmem_shared>>)
      %dma_wait3A_293 = arith.constant 384 : i32
      %dma_wait3A_294 = arith.constant 0 : i32
      %dma_wait3A_295 = tpu.memref_slice %arg5[%dma_wait3A_293, %dma_wait3A_294] : memref<2560x16xf32, #tpu.memory_space<vmem>> -> memref<128x16xf32, #tpu.memory_space<vmem>>
      %dma_wait3A_296 = arith.constant 384 : i32
      %dma_wait3A_297 = tpu.memref_slice %arg7[%dma_wait3A_296] : memref<2560xi32, #tpu.memory_space<vmem>> -> memref<128xi32, #tpu.memory_space<vmem>>
      %dma_wait3A_298 = arith.constant 0 : i32
      %dma_wait3A_299 = arith.constant 0 : i32
      %dma_wait3A_300 = tpu.memref_slice %arg10[%dma_wait3A_298, %dma_wait3A_299] : memref<4096x16xf32, #tpu.memory_space<vmem_shared>> -> memref<4096x16xf32, #tpu.memory_space<vmem_shared>>
      tpu.wait_indirect_dma semaphore(%arg13 : memref<!tpu.dma_semaphore, #tpu.memory_space<semaphore_mem>>) src(%dma_wait3A_295 : memref<128x16xf32, #tpu.memory_space<vmem>>) dst(%dma_wait3A_300 : memref<4096x16xf32, #tpu.memory_space<vmem_shared>>)
      %dma_wait3A_301 = arith.constant 512 : i32
      %dma_wait3A_302 = arith.constant 0 : i32
      %dma_wait3A_303 = tpu.memref_slice %arg5[%dma_wait3A_301, %dma_wait3A_302] : memref<2560x16xf32, #tpu.memory_space<vmem>> -> memref<128x16xf32, #tpu.memory_space<vmem>>
      %dma_wait3A_304 = arith.constant 512 : i32
      %dma_wait3A_305 = tpu.memref_slice %arg7[%dma_wait3A_304] : memref<2560xi32, #tpu.memory_space<vmem>> -> memref<128xi32, #tpu.memory_space<vmem>>
      %dma_wait3A_306 = arith.constant 0 : i32
      %dma_wait3A_307 = arith.constant 0 : i32
      %dma_wait3A_308 = tpu.memref_slice %arg10[%dma_wait3A_306, %dma_wait3A_307] : memref<4096x16xf32, #tpu.memory_space<vmem_shared>> -> memref<4096x16xf32, #tpu.memory_space<vmem_shared>>
      tpu.wait_indirect_dma semaphore(%arg13 : memref<!tpu.dma_semaphore, #tpu.memory_space<semaphore_mem>>) src(%dma_wait3A_303 : memref<128x16xf32, #tpu.memory_space<vmem>>) dst(%dma_wait3A_308 : memref<4096x16xf32, #tpu.memory_space<vmem_shared>>)
      %dma_wait3A_309 = arith.constant 640 : i32
      %dma_wait3A_310 = arith.constant 0 : i32
      %dma_wait3A_311 = tpu.memref_slice %arg5[%dma_wait3A_309, %dma_wait3A_310] : memref<2560x16xf32, #tpu.memory_space<vmem>> -> memref<128x16xf32, #tpu.memory_space<vmem>>
      %dma_wait3A_312 = arith.constant 640 : i32
      %dma_wait3A_313 = tpu.memref_slice %arg7[%dma_wait3A_312] : memref<2560xi32, #tpu.memory_space<vmem>> -> memref<128xi32, #tpu.memory_space<vmem>>
      %dma_wait3A_314 = arith.constant 0 : i32
      %dma_wait3A_315 = arith.constant 0 : i32
      %dma_wait3A_316 = tpu.memref_slice %arg10[%dma_wait3A_314, %dma_wait3A_315] : memref<4096x16xf32, #tpu.memory_space<vmem_shared>> -> memref<4096x16xf32, #tpu.memory_space<vmem_shared>>
      tpu.wait_indirect_dma semaphore(%arg13 : memref<!tpu.dma_semaphore, #tpu.memory_space<semaphore_mem>>) src(%dma_wait3A_311 : memref<128x16xf32, #tpu.memory_space<vmem>>) dst(%dma_wait3A_316 : memref<4096x16xf32, #tpu.memory_space<vmem_shared>>)
      %dma_wait3A_317 = arith.constant 768 : i32
      %dma_wait3A_318 = arith.constant 0 : i32
      %dma_wait3A_319 = tpu.memref_slice %arg5[%dma_wait3A_317, %dma_wait3A_318] : memref<2560x16xf32, #tpu.memory_space<vmem>> -> memref<128x16xf32, #tpu.memory_space<vmem>>
      %dma_wait3A_320 = arith.constant 768 : i32
      %dma_wait3A_321 = tpu.memref_slice %arg7[%dma_wait3A_320] : memref<2560xi32, #tpu.memory_space<vmem>> -> memref<128xi32, #tpu.memory_space<vmem>>
      %dma_wait3A_322 = arith.constant 0 : i32
      %dma_wait3A_323 = arith.constant 0 : i32
      %dma_wait3A_324 = tpu.memref_slice %arg10[%dma_wait3A_322, %dma_wait3A_323] : memref<4096x16xf32, #tpu.memory_space<vmem_shared>> -> memref<4096x16xf32, #tpu.memory_space<vmem_shared>>
      tpu.wait_indirect_dma semaphore(%arg13 : memref<!tpu.dma_semaphore, #tpu.memory_space<semaphore_mem>>) src(%dma_wait3A_319 : memref<128x16xf32, #tpu.memory_space<vmem>>) dst(%dma_wait3A_324 : memref<4096x16xf32, #tpu.memory_space<vmem_shared>>)
      %dma_wait3A_325 = arith.constant 896 : i32
      %dma_wait3A_326 = arith.constant 0 : i32
      %dma_wait3A_327 = tpu.memref_slice %arg5[%dma_wait3A_325, %dma_wait3A_326] : memref<2560x16xf32, #tpu.memory_space<vmem>> -> memref<128x16xf32, #tpu.memory_space<vmem>>
      %dma_wait3A_328 = arith.constant 896 : i32
      %dma_wait3A_329 = tpu.memref_slice %arg7[%dma_wait3A_328] : memref<2560xi32, #tpu.memory_space<vmem>> -> memref<128xi32, #tpu.memory_space<vmem>>
      %dma_wait3A_330 = arith.constant 0 : i32
      %dma_wait3A_331 = arith.constant 0 : i32
      %dma_wait3A_332 = tpu.memref_slice %arg10[%dma_wait3A_330, %dma_wait3A_331] : memref<4096x16xf32, #tpu.memory_space<vmem_shared>> -> memref<4096x16xf32, #tpu.memory_space<vmem_shared>>
      tpu.wait_indirect_dma semaphore(%arg13 : memref<!tpu.dma_semaphore, #tpu.memory_space<semaphore_mem>>) src(%dma_wait3A_327 : memref<128x16xf32, #tpu.memory_space<vmem>>) dst(%dma_wait3A_332 : memref<4096x16xf32, #tpu.memory_space<vmem_shared>>)
      %dma_wait3A_333 = arith.constant 1024 : i32
      %dma_wait3A_334 = arith.constant 0 : i32
      %dma_wait3A_335 = tpu.memref_slice %arg5[%dma_wait3A_333, %dma_wait3A_334] : memref<2560x16xf32, #tpu.memory_space<vmem>> -> memref<128x16xf32, #tpu.memory_space<vmem>>
      %dma_wait3A_336 = arith.constant 1024 : i32
      %dma_wait3A_337 = tpu.memref_slice %arg7[%dma_wait3A_336] : memref<2560xi32, #tpu.memory_space<vmem>> -> memref<128xi32, #tpu.memory_space<vmem>>
      %dma_wait3A_338 = arith.constant 0 : i32
      %dma_wait3A_339 = arith.constant 0 : i32
      %dma_wait3A_340 = tpu.memref_slice %arg10[%dma_wait3A_338, %dma_wait3A_339] : memref<4096x16xf32, #tpu.memory_space<vmem_shared>> -> memref<4096x16xf32, #tpu.memory_space<vmem_shared>>
      tpu.wait_indirect_dma semaphore(%arg13 : memref<!tpu.dma_semaphore, #tpu.memory_space<semaphore_mem>>) src(%dma_wait3A_335 : memref<128x16xf32, #tpu.memory_space<vmem>>) dst(%dma_wait3A_340 : memref<4096x16xf32, #tpu.memory_space<vmem_shared>>)
      %dma_wait3A_341 = arith.constant 1152 : i32
      %dma_wait3A_342 = arith.constant 0 : i32
      %dma_wait3A_343 = tpu.memref_slice %arg5[%dma_wait3A_341, %dma_wait3A_342] : memref<2560x16xf32, #tpu.memory_space<vmem>> -> memref<128x16xf32, #tpu.memory_space<vmem>>
      %dma_wait3A_344 = arith.constant 1152 : i32
      %dma_wait3A_345 = tpu.memref_slice %arg7[%dma_wait3A_344] : memref<2560xi32, #tpu.memory_space<vmem>> -> memref<128xi32, #tpu.memory_space<vmem>>
      %dma_wait3A_346 = arith.constant 0 : i32
      %dma_wait3A_347 = arith.constant 0 : i32
      %dma_wait3A_348 = tpu.memref_slice %arg10[%dma_wait3A_346, %dma_wait3A_347] : memref<4096x16xf32, #tpu.memory_space<vmem_shared>> -> memref<4096x16xf32, #tpu.memory_space<vmem_shared>>
      tpu.wait_indirect_dma semaphore(%arg13 : memref<!tpu.dma_semaphore, #tpu.memory_space<semaphore_mem>>) src(%dma_wait3A_343 : memref<128x16xf32, #tpu.memory_space<vmem>>) dst(%dma_wait3A_348 : memref<4096x16xf32, #tpu.memory_space<vmem_shared>>)
      %dma_wait3A_349 = arith.constant 1280 : i32
      %dma_wait3A_350 = arith.constant 0 : i32
      %dma_wait3A_351 = tpu.memref_slice %arg5[%dma_wait3A_349, %dma_wait3A_350] : memref<2560x16xf32, #tpu.memory_space<vmem>> -> memref<128x16xf32, #tpu.memory_space<vmem>>
      %dma_wait3A_352 = arith.constant 1280 : i32
      %dma_wait3A_353 = tpu.memref_slice %arg7[%dma_wait3A_352] : memref<2560xi32, #tpu.memory_space<vmem>> -> memref<128xi32, #tpu.memory_space<vmem>>
      %dma_wait3A_354 = arith.constant 0 : i32
      %dma_wait3A_355 = arith.constant 0 : i32
      %dma_wait3A_356 = tpu.memref_slice %arg10[%dma_wait3A_354, %dma_wait3A_355] : memref<4096x16xf32, #tpu.memory_space<vmem_shared>> -> memref<4096x16xf32, #tpu.memory_space<vmem_shared>>
      tpu.wait_indirect_dma semaphore(%arg13 : memref<!tpu.dma_semaphore, #tpu.memory_space<semaphore_mem>>) src(%dma_wait3A_351 : memref<128x16xf32, #tpu.memory_space<vmem>>) dst(%dma_wait3A_356 : memref<4096x16xf32, #tpu.memory_space<vmem_shared>>)
      %dma_wait3A_357 = arith.constant 1408 : i32
      %dma_wait3A_358 = arith.constant 0 : i32
      %dma_wait3A_359 = tpu.memref_slice %arg5[%dma_wait3A_357, %dma_wait3A_358] : memref<2560x16xf32, #tpu.memory_space<vmem>> -> memref<128x16xf32, #tpu.memory_space<vmem>>
      %dma_wait3A_360 = arith.constant 1408 : i32
      %dma_wait3A_361 = tpu.memref_slice %arg7[%dma_wait3A_360] : memref<2560xi32, #tpu.memory_space<vmem>> -> memref<128xi32, #tpu.memory_space<vmem>>
      %dma_wait3A_362 = arith.constant 0 : i32
      %dma_wait3A_363 = arith.constant 0 : i32
      %dma_wait3A_364 = tpu.memref_slice %arg10[%dma_wait3A_362, %dma_wait3A_363] : memref<4096x16xf32, #tpu.memory_space<vmem_shared>> -> memref<4096x16xf32, #tpu.memory_space<vmem_shared>>
      tpu.wait_indirect_dma semaphore(%arg13 : memref<!tpu.dma_semaphore, #tpu.memory_space<semaphore_mem>>) src(%dma_wait3A_359 : memref<128x16xf32, #tpu.memory_space<vmem>>) dst(%dma_wait3A_364 : memref<4096x16xf32, #tpu.memory_space<vmem_shared>>)
      %dma_wait3A_365 = arith.constant 1536 : i32
      %dma_wait3A_366 = arith.constant 0 : i32
      %dma_wait3A_367 = tpu.memref_slice %arg5[%dma_wait3A_365, %dma_wait3A_366] : memref<2560x16xf32, #tpu.memory_space<vmem>> -> memref<128x16xf32, #tpu.memory_space<vmem>>
      %dma_wait3A_368 = arith.constant 1536 : i32
      %dma_wait3A_369 = tpu.memref_slice %arg7[%dma_wait3A_368] : memref<2560xi32, #tpu.memory_space<vmem>> -> memref<128xi32, #tpu.memory_space<vmem>>
      %dma_wait3A_370 = arith.constant 0 : i32
      %dma_wait3A_371 = arith.constant 0 : i32
      %dma_wait3A_372 = tpu.memref_slice %arg10[%dma_wait3A_370, %dma_wait3A_371] : memref<4096x16xf32, #tpu.memory_space<vmem_shared>> -> memref<4096x16xf32, #tpu.memory_space<vmem_shared>>
      tpu.wait_indirect_dma semaphore(%arg13 : memref<!tpu.dma_semaphore, #tpu.memory_space<semaphore_mem>>) src(%dma_wait3A_367 : memref<128x16xf32, #tpu.memory_space<vmem>>) dst(%dma_wait3A_372 : memref<4096x16xf32, #tpu.memory_space<vmem_shared>>)
      %dma_wait3A_373 = arith.constant 1664 : i32
      %dma_wait3A_374 = arith.constant 0 : i32
      %dma_wait3A_375 = tpu.memref_slice %arg5[%dma_wait3A_373, %dma_wait3A_374] : memref<2560x16xf32, #tpu.memory_space<vmem>> -> memref<128x16xf32, #tpu.memory_space<vmem>>
      %dma_wait3A_376 = arith.constant 1664 : i32
      %dma_wait3A_377 = tpu.memref_slice %arg7[%dma_wait3A_376] : memref<2560xi32, #tpu.memory_space<vmem>> -> memref<128xi32, #tpu.memory_space<vmem>>
      %dma_wait3A_378 = arith.constant 0 : i32
      %dma_wait3A_379 = arith.constant 0 : i32
      %dma_wait3A_380 = tpu.memref_slice %arg10[%dma_wait3A_378, %dma_wait3A_379] : memref<4096x16xf32, #tpu.memory_space<vmem_shared>> -> memref<4096x16xf32, #tpu.memory_space<vmem_shared>>
      tpu.wait_indirect_dma semaphore(%arg13 : memref<!tpu.dma_semaphore, #tpu.memory_space<semaphore_mem>>) src(%dma_wait3A_375 : memref<128x16xf32, #tpu.memory_space<vmem>>) dst(%dma_wait3A_380 : memref<4096x16xf32, #tpu.memory_space<vmem_shared>>)
      %dma_wait3A_381 = arith.constant 1792 : i32
      %dma_wait3A_382 = arith.constant 0 : i32
      %dma_wait3A_383 = tpu.memref_slice %arg5[%dma_wait3A_381, %dma_wait3A_382] : memref<2560x16xf32, #tpu.memory_space<vmem>> -> memref<128x16xf32, #tpu.memory_space<vmem>>
      %dma_wait3A_384 = arith.constant 1792 : i32
      %dma_wait3A_385 = tpu.memref_slice %arg7[%dma_wait3A_384] : memref<2560xi32, #tpu.memory_space<vmem>> -> memref<128xi32, #tpu.memory_space<vmem>>
      %dma_wait3A_386 = arith.constant 0 : i32
      %dma_wait3A_387 = arith.constant 0 : i32
      %dma_wait3A_388 = tpu.memref_slice %arg10[%dma_wait3A_386, %dma_wait3A_387] : memref<4096x16xf32, #tpu.memory_space<vmem_shared>> -> memref<4096x16xf32, #tpu.memory_space<vmem_shared>>
      tpu.wait_indirect_dma semaphore(%arg13 : memref<!tpu.dma_semaphore, #tpu.memory_space<semaphore_mem>>) src(%dma_wait3A_383 : memref<128x16xf32, #tpu.memory_space<vmem>>) dst(%dma_wait3A_388 : memref<4096x16xf32, #tpu.memory_space<vmem_shared>>)
      %dma_wait3A_389 = arith.constant 1920 : i32
      %dma_wait3A_390 = arith.constant 0 : i32
      %dma_wait3A_391 = tpu.memref_slice %arg5[%dma_wait3A_389, %dma_wait3A_390] : memref<2560x16xf32, #tpu.memory_space<vmem>> -> memref<128x16xf32, #tpu.memory_space<vmem>>
      %dma_wait3A_392 = arith.constant 1920 : i32
      %dma_wait3A_393 = tpu.memref_slice %arg7[%dma_wait3A_392] : memref<2560xi32, #tpu.memory_space<vmem>> -> memref<128xi32, #tpu.memory_space<vmem>>
      %dma_wait3A_394 = arith.constant 0 : i32
      %dma_wait3A_395 = arith.constant 0 : i32
      %dma_wait3A_396 = tpu.memref_slice %arg10[%dma_wait3A_394, %dma_wait3A_395] : memref<4096x16xf32, #tpu.memory_space<vmem_shared>> -> memref<4096x16xf32, #tpu.memory_space<vmem_shared>>
      tpu.wait_indirect_dma semaphore(%arg13 : memref<!tpu.dma_semaphore, #tpu.memory_space<semaphore_mem>>) src(%dma_wait3A_391 : memref<128x16xf32, #tpu.memory_space<vmem>>) dst(%dma_wait3A_396 : memref<4096x16xf32, #tpu.memory_space<vmem_shared>>)
      %dma_wait3A_397 = arith.constant 2048 : i32
      %dma_wait3A_398 = arith.constant 0 : i32
      %dma_wait3A_399 = tpu.memref_slice %arg5[%dma_wait3A_397, %dma_wait3A_398] : memref<2560x16xf32, #tpu.memory_space<vmem>> -> memref<128x16xf32, #tpu.memory_space<vmem>>
      %dma_wait3A_400 = arith.constant 2048 : i32
      %dma_wait3A_401 = tpu.memref_slice %arg7[%dma_wait3A_400] : memref<2560xi32, #tpu.memory_space<vmem>> -> memref<128xi32, #tpu.memory_space<vmem>>
      %dma_wait3A_402 = arith.constant 0 : i32
      %dma_wait3A_403 = arith.constant 0 : i32
      %dma_wait3A_404 = tpu.memref_slice %arg10[%dma_wait3A_402, %dma_wait3A_403] : memref<4096x16xf32, #tpu.memory_space<vmem_shared>> -> memref<4096x16xf32, #tpu.memory_space<vmem_shared>>
      tpu.wait_indirect_dma semaphore(%arg13 : memref<!tpu.dma_semaphore, #tpu.memory_space<semaphore_mem>>) src(%dma_wait3A_399 : memref<128x16xf32, #tpu.memory_space<vmem>>) dst(%dma_wait3A_404 : memref<4096x16xf32, #tpu.memory_space<vmem_shared>>)
      %dma_wait3A_405 = arith.constant 2176 : i32
      %dma_wait3A_406 = arith.constant 0 : i32
      %dma_wait3A_407 = tpu.memref_slice %arg5[%dma_wait3A_405, %dma_wait3A_406] : memref<2560x16xf32, #tpu.memory_space<vmem>> -> memref<128x16xf32, #tpu.memory_space<vmem>>
      %dma_wait3A_408 = arith.constant 2176 : i32
      %dma_wait3A_409 = tpu.memref_slice %arg7[%dma_wait3A_408] : memref<2560xi32, #tpu.memory_space<vmem>> -> memref<128xi32, #tpu.memory_space<vmem>>
      %dma_wait3A_410 = arith.constant 0 : i32
      %dma_wait3A_411 = arith.constant 0 : i32
      %dma_wait3A_412 = tpu.memref_slice %arg10[%dma_wait3A_410, %dma_wait3A_411] : memref<4096x16xf32, #tpu.memory_space<vmem_shared>> -> memref<4096x16xf32, #tpu.memory_space<vmem_shared>>
      tpu.wait_indirect_dma semaphore(%arg13 : memref<!tpu.dma_semaphore, #tpu.memory_space<semaphore_mem>>) src(%dma_wait3A_407 : memref<128x16xf32, #tpu.memory_space<vmem>>) dst(%dma_wait3A_412 : memref<4096x16xf32, #tpu.memory_space<vmem_shared>>)
      %dma_wait3A_413 = arith.constant 2304 : i32
      %dma_wait3A_414 = arith.constant 0 : i32
      %dma_wait3A_415 = tpu.memref_slice %arg5[%dma_wait3A_413, %dma_wait3A_414] : memref<2560x16xf32, #tpu.memory_space<vmem>> -> memref<128x16xf32, #tpu.memory_space<vmem>>
      %dma_wait3A_416 = arith.constant 2304 : i32
      %dma_wait3A_417 = tpu.memref_slice %arg7[%dma_wait3A_416] : memref<2560xi32, #tpu.memory_space<vmem>> -> memref<128xi32, #tpu.memory_space<vmem>>
      %dma_wait3A_418 = arith.constant 0 : i32
      %dma_wait3A_419 = arith.constant 0 : i32
      %dma_wait3A_420 = tpu.memref_slice %arg10[%dma_wait3A_418, %dma_wait3A_419] : memref<4096x16xf32, #tpu.memory_space<vmem_shared>> -> memref<4096x16xf32, #tpu.memory_space<vmem_shared>>
      tpu.wait_indirect_dma semaphore(%arg13 : memref<!tpu.dma_semaphore, #tpu.memory_space<semaphore_mem>>) src(%dma_wait3A_415 : memref<128x16xf32, #tpu.memory_space<vmem>>) dst(%dma_wait3A_420 : memref<4096x16xf32, #tpu.memory_space<vmem_shared>>)
      %dma_wait3A_421 = arith.constant 2432 : i32
      %dma_wait3A_422 = arith.constant 0 : i32
      %dma_wait3A_423 = tpu.memref_slice %arg5[%dma_wait3A_421, %dma_wait3A_422] : memref<2560x16xf32, #tpu.memory_space<vmem>> -> memref<128x16xf32, #tpu.memory_space<vmem>>
      %dma_wait3A_424 = arith.constant 2432 : i32
      %dma_wait3A_425 = tpu.memref_slice %arg7[%dma_wait3A_424] : memref<2560xi32, #tpu.memory_space<vmem>> -> memref<128xi32, #tpu.memory_space<vmem>>
      %dma_wait3A_426 = arith.constant 0 : i32
      %dma_wait3A_427 = arith.constant 0 : i32
      %dma_wait3A_428 = tpu.memref_slice %arg10[%dma_wait3A_426, %dma_wait3A_427] : memref<4096x16xf32, #tpu.memory_space<vmem_shared>> -> memref<4096x16xf32, #tpu.memory_space<vmem_shared>>
      tpu.wait_indirect_dma semaphore(%arg13 : memref<!tpu.dma_semaphore, #tpu.memory_space<semaphore_mem>>) src(%dma_wait3A_423 : memref<128x16xf32, #tpu.memory_space<vmem>>) dst(%dma_wait3A_428 : memref<4096x16xf32, #tpu.memory_space<vmem_shared>>)
      %lt3A_429 = arith.cmpi slt, %add3A_96, %add3A_45 : i32
      %convert_element_type3A_430 = arith.extui %lt3A_429 : i1 to i32
      %cond3A_431 = arith.constant 0 : i32
      %cond3A_432 = arith.cmpi ne, %convert_element_type3A_430, %cond3A_431 : i32
      scf.if %cond3A_432 {
        %mul3A_434 = arith.constant 2560 : i32
        %mul3A_435 = arith.muli %add3A_96, %mul3A_434 : i32
        %dma_wait3A_436 = arith.constant 0 : i32
        %dma_wait3A_437 = tpu.memref_slice %arg2[%mul3A_435, %dma_wait3A_436] : memref<1600000x16xf32, #tpu.memory_space<hbm>> -> memref<2560x16xf32, #tpu.memory_space<hbm>>
        %dma_wait3A_438 = arith.constant 0 : i32
        %dma_wait3A_439 = tpu.memref_slice %arg2[%mul3A_435, %dma_wait3A_438] : memref<1600000x16xf32, #tpu.memory_space<hbm>> -> memref<2560x16xf32, #tpu.memory_space<hbm>>
        tpu.wait_dma2 semaphore(%arg12 : memref<!tpu.dma_semaphore, #tpu.memory_space<semaphore_mem>>) src(%dma_wait3A_439 : memref<2560x16xf32, #tpu.memory_space<hbm>>) dst(%arg6 : memref<2560x16xf32, #tpu.memory_space<vmem>>)
        %mul3A_440 = arith.constant 2560 : i32
        %mul3A_441 = arith.muli %add3A_96, %mul3A_440 : i32
        %dma_wait3A_442 = tpu.memref_slice %arg3[%mul3A_441] : memref<1600000xi32, #tpu.memory_space<hbm>> -> memref<2560xi32, #tpu.memory_space<hbm>>
        %dma_wait3A_443 = tpu.memref_slice %arg3[%mul3A_441] : memref<1600000xi32, #tpu.memory_space<hbm>> -> memref<2560xi32, #tpu.memory_space<hbm>>
        tpu.wait_dma2 semaphore(%arg12 : memref<!tpu.dma_semaphore, #tpu.memory_space<semaphore_mem>>) src(%dma_wait3A_443 : memref<2560xi32, #tpu.memory_space<hbm>>) dst(%arg8 : memref<2560xi32, #tpu.memory_space<vmem>>)
        %add3A_444 = arith.constant 1 : i32
        %add3A_445 = arith.addi %add3A_96, %add3A_444 : i32
        %lt3A_446 = arith.cmpi slt, %add3A_445, %add3A_45 : i32
        %convert_element_type3A_447 = arith.extui %lt3A_446 : i1 to i32
        %cond3A_448 = arith.constant 0 : i32
        %cond3A_449 = arith.cmpi ne, %convert_element_type3A_447, %cond3A_448 : i32
        scf.if %cond3A_449 {
          %add3A_770 = arith.constant 1 : i32
          %add3A_771 = arith.addi %add3A_96, %add3A_770 : i32
          %mul3A_772 = arith.constant 2560 : i32
          %mul3A_773 = arith.muli %add3A_771, %mul3A_772 : i32
          %dma_start3A_774 = arith.constant 0 : i32
          %dma_start3A_775 = tpu.memref_slice %arg2[%mul3A_773, %dma_start3A_774] : memref<1600000x16xf32, #tpu.memory_space<hbm>> -> memref<2560x16xf32, #tpu.memory_space<hbm>>
          %dma_start3A_776 = arith.constant 0 : i32
          %dma_start3A_777 = tpu.memref_slice %arg2[%mul3A_773, %dma_start3A_776] : memref<1600000x16xf32, #tpu.memory_space<hbm>> -> memref<2560x16xf32, #tpu.memory_space<hbm>>
          tpu.enqueue_dma source(%dma_start3A_777 : memref<2560x16xf32, #tpu.memory_space<hbm>>) target(%arg5 : memref<2560x16xf32, #tpu.memory_space<vmem>>) target_semaphore(%arg11 : memref<!tpu.dma_semaphore, #tpu.memory_space<semaphore_mem>>)
          %mul3A_778 = arith.constant 2560 : i32
          %mul3A_779 = arith.muli %add3A_771, %mul3A_778 : i32
          %dma_start3A_780 = tpu.memref_slice %arg3[%mul3A_779] : memref<1600000xi32, #tpu.memory_space<hbm>> -> memref<2560xi32, #tpu.memory_space<hbm>>
          %dma_start3A_781 = tpu.memref_slice %arg3[%mul3A_779] : memref<1600000xi32, #tpu.memory_space<hbm>> -> memref<2560xi32, #tpu.memory_space<hbm>>
          tpu.enqueue_dma source(%dma_start3A_781 : memref<2560xi32, #tpu.memory_space<hbm>>) target(%arg7 : memref<2560xi32, #tpu.memory_space<vmem>>) target_semaphore(%arg11 : memref<!tpu.dma_semaphore, #tpu.memory_space<semaphore_mem>>)
        } else {
        }
        %dma_start3A_450 = arith.constant 0 : i32
        %dma_start3A_451 = arith.constant 0 : i32
        %dma_start3A_452 = tpu.memref_slice %arg6[%dma_start3A_450, %dma_start3A_451] : memref<2560x16xf32, #tpu.memory_space<vmem>> -> memref<128x16xf32, #tpu.memory_space<vmem>>
        %dma_start3A_453 = arith.constant 0 : i32
        %dma_start3A_454 = tpu.memref_slice %arg8[%dma_start3A_453] : memref<2560xi32, #tpu.memory_space<vmem>> -> memref<128xi32, #tpu.memory_space<vmem>>
        %dma_start3A_455 = arith.constant 0 : i32
        %dma_start3A_456 = arith.constant 0 : i32
        %dma_start3A_457 = tpu.memref_slice %arg10[%dma_start3A_455, %dma_start3A_456] : memref<4096x16xf32, #tpu.memory_space<vmem_shared>> -> memref<4096x16xf32, #tpu.memory_space<vmem_shared>>
        tpu.enqueue_indirect_dma source(%dma_start3A_452 : memref<128x16xf32, #tpu.memory_space<vmem>>) target(%dma_start3A_457 : memref<4096x16xf32, #tpu.memory_space<vmem_shared>>) offsets(%dma_start3A_454 : memref<128xi32, #tpu.memory_space<vmem>>) semaphore(%arg13 : memref<!tpu.dma_semaphore, #tpu.memory_space<semaphore_mem>>) {add = true}
        %dma_start3A_458 = arith.constant 128 : i32
        %dma_start3A_459 = arith.constant 0 : i32
        %dma_start3A_460 = tpu.memref_slice %arg6[%dma_start3A_458, %dma_start3A_459] : memref<2560x16xf32, #tpu.memory_space<vmem>> -> memref<128x16xf32, #tpu.memory_space<vmem>>
        %dma_start3A_461 = arith.constant 128 : i32
        %dma_start3A_462 = tpu.memref_slice %arg8[%dma_start3A_461] : memref<2560xi32, #tpu.memory_space<vmem>> -> memref<128xi32, #tpu.memory_space<vmem>>
        %dma_start3A_463 = arith.constant 0 : i32
        %dma_start3A_464 = arith.constant 0 : i32
        %dma_start3A_465 = tpu.memref_slice %arg10[%dma_start3A_463, %dma_start3A_464] : memref<4096x16xf32, #tpu.memory_space<vmem_shared>> -> memref<4096x16xf32, #tpu.memory_space<vmem_shared>>
        tpu.enqueue_indirect_dma source(%dma_start3A_460 : memref<128x16xf32, #tpu.memory_space<vmem>>) target(%dma_start3A_465 : memref<4096x16xf32, #tpu.memory_space<vmem_shared>>) offsets(%dma_start3A_462 : memref<128xi32, #tpu.memory_space<vmem>>) semaphore(%arg13 : memref<!tpu.dma_semaphore, #tpu.memory_space<semaphore_mem>>) {add = true}
        %dma_start3A_466 = arith.constant 256 : i32
        %dma_start3A_467 = arith.constant 0 : i32
        %dma_start3A_468 = tpu.memref_slice %arg6[%dma_start3A_466, %dma_start3A_467] : memref<2560x16xf32, #tpu.memory_space<vmem>> -> memref<128x16xf32, #tpu.memory_space<vmem>>
        %dma_start3A_469 = arith.constant 256 : i32
        %dma_start3A_470 = tpu.memref_slice %arg8[%dma_start3A_469] : memref<2560xi32, #tpu.memory_space<vmem>> -> memref<128xi32, #tpu.memory_space<vmem>>
        %dma_start3A_471 = arith.constant 0 : i32
        %dma_start3A_472 = arith.constant 0 : i32
        %dma_start3A_473 = tpu.memref_slice %arg10[%dma_start3A_471, %dma_start3A_472] : memref<4096x16xf32, #tpu.memory_space<vmem_shared>> -> memref<4096x16xf32, #tpu.memory_space<vmem_shared>>
        tpu.enqueue_indirect_dma source(%dma_start3A_468 : memref<128x16xf32, #tpu.memory_space<vmem>>) target(%dma_start3A_473 : memref<4096x16xf32, #tpu.memory_space<vmem_shared>>) offsets(%dma_start3A_470 : memref<128xi32, #tpu.memory_space<vmem>>) semaphore(%arg13 : memref<!tpu.dma_semaphore, #tpu.memory_space<semaphore_mem>>) {add = true}
        %dma_start3A_474 = arith.constant 384 : i32
        %dma_start3A_475 = arith.constant 0 : i32
        %dma_start3A_476 = tpu.memref_slice %arg6[%dma_start3A_474, %dma_start3A_475] : memref<2560x16xf32, #tpu.memory_space<vmem>> -> memref<128x16xf32, #tpu.memory_space<vmem>>
        %dma_start3A_477 = arith.constant 384 : i32
        %dma_start3A_478 = tpu.memref_slice %arg8[%dma_start3A_477] : memref<2560xi32, #tpu.memory_space<vmem>> -> memref<128xi32, #tpu.memory_space<vmem>>
        %dma_start3A_479 = arith.constant 0 : i32
        %dma_start3A_480 = arith.constant 0 : i32
        %dma_start3A_481 = tpu.memref_slice %arg10[%dma_start3A_479, %dma_start3A_480] : memref<4096x16xf32, #tpu.memory_space<vmem_shared>> -> memref<4096x16xf32, #tpu.memory_space<vmem_shared>>
        tpu.enqueue_indirect_dma source(%dma_start3A_476 : memref<128x16xf32, #tpu.memory_space<vmem>>) target(%dma_start3A_481 : memref<4096x16xf32, #tpu.memory_space<vmem_shared>>) offsets(%dma_start3A_478 : memref<128xi32, #tpu.memory_space<vmem>>) semaphore(%arg13 : memref<!tpu.dma_semaphore, #tpu.memory_space<semaphore_mem>>) {add = true}
        %dma_start3A_482 = arith.constant 512 : i32
        %dma_start3A_483 = arith.constant 0 : i32
        %dma_start3A_484 = tpu.memref_slice %arg6[%dma_start3A_482, %dma_start3A_483] : memref<2560x16xf32, #tpu.memory_space<vmem>> -> memref<128x16xf32, #tpu.memory_space<vmem>>
        %dma_start3A_485 = arith.constant 512 : i32
        %dma_start3A_486 = tpu.memref_slice %arg8[%dma_start3A_485] : memref<2560xi32, #tpu.memory_space<vmem>> -> memref<128xi32, #tpu.memory_space<vmem>>
        %dma_start3A_487 = arith.constant 0 : i32
        %dma_start3A_488 = arith.constant 0 : i32
        %dma_start3A_489 = tpu.memref_slice %arg10[%dma_start3A_487, %dma_start3A_488] : memref<4096x16xf32, #tpu.memory_space<vmem_shared>> -> memref<4096x16xf32, #tpu.memory_space<vmem_shared>>
        tpu.enqueue_indirect_dma source(%dma_start3A_484 : memref<128x16xf32, #tpu.memory_space<vmem>>) target(%dma_start3A_489 : memref<4096x16xf32, #tpu.memory_space<vmem_shared>>) offsets(%dma_start3A_486 : memref<128xi32, #tpu.memory_space<vmem>>) semaphore(%arg13 : memref<!tpu.dma_semaphore, #tpu.memory_space<semaphore_mem>>) {add = true}
        %dma_start3A_490 = arith.constant 640 : i32
        %dma_start3A_491 = arith.constant 0 : i32
        %dma_start3A_492 = tpu.memref_slice %arg6[%dma_start3A_490, %dma_start3A_491] : memref<2560x16xf32, #tpu.memory_space<vmem>> -> memref<128x16xf32, #tpu.memory_space<vmem>>
        %dma_start3A_493 = arith.constant 640 : i32
        %dma_start3A_494 = tpu.memref_slice %arg8[%dma_start3A_493] : memref<2560xi32, #tpu.memory_space<vmem>> -> memref<128xi32, #tpu.memory_space<vmem>>
        %dma_start3A_495 = arith.constant 0 : i32
        %dma_start3A_496 = arith.constant 0 : i32
        %dma_start3A_497 = tpu.memref_slice %arg10[%dma_start3A_495, %dma_start3A_496] : memref<4096x16xf32, #tpu.memory_space<vmem_shared>> -> memref<4096x16xf32, #tpu.memory_space<vmem_shared>>
        tpu.enqueue_indirect_dma source(%dma_start3A_492 : memref<128x16xf32, #tpu.memory_space<vmem>>) target(%dma_start3A_497 : memref<4096x16xf32, #tpu.memory_space<vmem_shared>>) offsets(%dma_start3A_494 : memref<128xi32, #tpu.memory_space<vmem>>) semaphore(%arg13 : memref<!tpu.dma_semaphore, #tpu.memory_space<semaphore_mem>>) {add = true}
        %dma_start3A_498 = arith.constant 768 : i32
        %dma_start3A_499 = arith.constant 0 : i32
        %dma_start3A_500 = tpu.memref_slice %arg6[%dma_start3A_498, %dma_start3A_499] : memref<2560x16xf32, #tpu.memory_space<vmem>> -> memref<128x16xf32, #tpu.memory_space<vmem>>
        %dma_start3A_501 = arith.constant 768 : i32
        %dma_start3A_502 = tpu.memref_slice %arg8[%dma_start3A_501] : memref<2560xi32, #tpu.memory_space<vmem>> -> memref<128xi32, #tpu.memory_space<vmem>>
        %dma_start3A_503 = arith.constant 0 : i32
        %dma_start3A_504 = arith.constant 0 : i32
        %dma_start3A_505 = tpu.memref_slice %arg10[%dma_start3A_503, %dma_start3A_504] : memref<4096x16xf32, #tpu.memory_space<vmem_shared>> -> memref<4096x16xf32, #tpu.memory_space<vmem_shared>>
        tpu.enqueue_indirect_dma source(%dma_start3A_500 : memref<128x16xf32, #tpu.memory_space<vmem>>) target(%dma_start3A_505 : memref<4096x16xf32, #tpu.memory_space<vmem_shared>>) offsets(%dma_start3A_502 : memref<128xi32, #tpu.memory_space<vmem>>) semaphore(%arg13 : memref<!tpu.dma_semaphore, #tpu.memory_space<semaphore_mem>>) {add = true}
        %dma_start3A_506 = arith.constant 896 : i32
        %dma_start3A_507 = arith.constant 0 : i32
        %dma_start3A_508 = tpu.memref_slice %arg6[%dma_start3A_506, %dma_start3A_507] : memref<2560x16xf32, #tpu.memory_space<vmem>> -> memref<128x16xf32, #tpu.memory_space<vmem>>
        %dma_start3A_509 = arith.constant 896 : i32
        %dma_start3A_510 = tpu.memref_slice %arg8[%dma_start3A_509] : memref<2560xi32, #tpu.memory_space<vmem>> -> memref<128xi32, #tpu.memory_space<vmem>>
        %dma_start3A_511 = arith.constant 0 : i32
        %dma_start3A_512 = arith.constant 0 : i32
        %dma_start3A_513 = tpu.memref_slice %arg10[%dma_start3A_511, %dma_start3A_512] : memref<4096x16xf32, #tpu.memory_space<vmem_shared>> -> memref<4096x16xf32, #tpu.memory_space<vmem_shared>>
        tpu.enqueue_indirect_dma source(%dma_start3A_508 : memref<128x16xf32, #tpu.memory_space<vmem>>) target(%dma_start3A_513 : memref<4096x16xf32, #tpu.memory_space<vmem_shared>>) offsets(%dma_start3A_510 : memref<128xi32, #tpu.memory_space<vmem>>) semaphore(%arg13 : memref<!tpu.dma_semaphore, #tpu.memory_space<semaphore_mem>>) {add = true}
        %dma_start3A_514 = arith.constant 1024 : i32
        %dma_start3A_515 = arith.constant 0 : i32
        %dma_start3A_516 = tpu.memref_slice %arg6[%dma_start3A_514, %dma_start3A_515] : memref<2560x16xf32, #tpu.memory_space<vmem>> -> memref<128x16xf32, #tpu.memory_space<vmem>>
        %dma_start3A_517 = arith.constant 1024 : i32
        %dma_start3A_518 = tpu.memref_slice %arg8[%dma_start3A_517] : memref<2560xi32, #tpu.memory_space<vmem>> -> memref<128xi32, #tpu.memory_space<vmem>>
        %dma_start3A_519 = arith.constant 0 : i32
        %dma_start3A_520 = arith.constant 0 : i32
        %dma_start3A_521 = tpu.memref_slice %arg10[%dma_start3A_519, %dma_start3A_520] : memref<4096x16xf32, #tpu.memory_space<vmem_shared>> -> memref<4096x16xf32, #tpu.memory_space<vmem_shared>>
        tpu.enqueue_indirect_dma source(%dma_start3A_516 : memref<128x16xf32, #tpu.memory_space<vmem>>) target(%dma_start3A_521 : memref<4096x16xf32, #tpu.memory_space<vmem_shared>>) offsets(%dma_start3A_518 : memref<128xi32, #tpu.memory_space<vmem>>) semaphore(%arg13 : memref<!tpu.dma_semaphore, #tpu.memory_space<semaphore_mem>>) {add = true}
        %dma_start3A_522 = arith.constant 1152 : i32
        %dma_start3A_523 = arith.constant 0 : i32
        %dma_start3A_524 = tpu.memref_slice %arg6[%dma_start3A_522, %dma_start3A_523] : memref<2560x16xf32, #tpu.memory_space<vmem>> -> memref<128x16xf32, #tpu.memory_space<vmem>>
        %dma_start3A_525 = arith.constant 1152 : i32
        %dma_start3A_526 = tpu.memref_slice %arg8[%dma_start3A_525] : memref<2560xi32, #tpu.memory_space<vmem>> -> memref<128xi32, #tpu.memory_space<vmem>>
        %dma_start3A_527 = arith.constant 0 : i32
        %dma_start3A_528 = arith.constant 0 : i32
        %dma_start3A_529 = tpu.memref_slice %arg10[%dma_start3A_527, %dma_start3A_528] : memref<4096x16xf32, #tpu.memory_space<vmem_shared>> -> memref<4096x16xf32, #tpu.memory_space<vmem_shared>>
        tpu.enqueue_indirect_dma source(%dma_start3A_524 : memref<128x16xf32, #tpu.memory_space<vmem>>) target(%dma_start3A_529 : memref<4096x16xf32, #tpu.memory_space<vmem_shared>>) offsets(%dma_start3A_526 : memref<128xi32, #tpu.memory_space<vmem>>) semaphore(%arg13 : memref<!tpu.dma_semaphore, #tpu.memory_space<semaphore_mem>>) {add = true}
        %dma_start3A_530 = arith.constant 1280 : i32
        %dma_start3A_531 = arith.constant 0 : i32
        %dma_start3A_532 = tpu.memref_slice %arg6[%dma_start3A_530, %dma_start3A_531] : memref<2560x16xf32, #tpu.memory_space<vmem>> -> memref<128x16xf32, #tpu.memory_space<vmem>>
        %dma_start3A_533 = arith.constant 1280 : i32
        %dma_start3A_534 = tpu.memref_slice %arg8[%dma_start3A_533] : memref<2560xi32, #tpu.memory_space<vmem>> -> memref<128xi32, #tpu.memory_space<vmem>>
        %dma_start3A_535 = arith.constant 0 : i32
        %dma_start3A_536 = arith.constant 0 : i32
        %dma_start3A_537 = tpu.memref_slice %arg10[%dma_start3A_535, %dma_start3A_536] : memref<4096x16xf32, #tpu.memory_space<vmem_shared>> -> memref<4096x16xf32, #tpu.memory_space<vmem_shared>>
        tpu.enqueue_indirect_dma source(%dma_start3A_532 : memref<128x16xf32, #tpu.memory_space<vmem>>) target(%dma_start3A_537 : memref<4096x16xf32, #tpu.memory_space<vmem_shared>>) offsets(%dma_start3A_534 : memref<128xi32, #tpu.memory_space<vmem>>) semaphore(%arg13 : memref<!tpu.dma_semaphore, #tpu.memory_space<semaphore_mem>>) {add = true}
        %dma_start3A_538 = arith.constant 1408 : i32
        %dma_start3A_539 = arith.constant 0 : i32
        %dma_start3A_540 = tpu.memref_slice %arg6[%dma_start3A_538, %dma_start3A_539] : memref<2560x16xf32, #tpu.memory_space<vmem>> -> memref<128x16xf32, #tpu.memory_space<vmem>>
        %dma_start3A_541 = arith.constant 1408 : i32
        %dma_start3A_542 = tpu.memref_slice %arg8[%dma_start3A_541] : memref<2560xi32, #tpu.memory_space<vmem>> -> memref<128xi32, #tpu.memory_space<vmem>>
        %dma_start3A_543 = arith.constant 0 : i32
        %dma_start3A_544 = arith.constant 0 : i32
        %dma_start3A_545 = tpu.memref_slice %arg10[%dma_start3A_543, %dma_start3A_544] : memref<4096x16xf32, #tpu.memory_space<vmem_shared>> -> memref<4096x16xf32, #tpu.memory_space<vmem_shared>>
        tpu.enqueue_indirect_dma source(%dma_start3A_540 : memref<128x16xf32, #tpu.memory_space<vmem>>) target(%dma_start3A_545 : memref<4096x16xf32, #tpu.memory_space<vmem_shared>>) offsets(%dma_start3A_542 : memref<128xi32, #tpu.memory_space<vmem>>) semaphore(%arg13 : memref<!tpu.dma_semaphore, #tpu.memory_space<semaphore_mem>>) {add = true}
        %dma_start3A_546 = arith.constant 1536 : i32
        %dma_start3A_547 = arith.constant 0 : i32
        %dma_start3A_548 = tpu.memref_slice %arg6[%dma_start3A_546, %dma_start3A_547] : memref<2560x16xf32, #tpu.memory_space<vmem>> -> memref<128x16xf32, #tpu.memory_space<vmem>>
        %dma_start3A_549 = arith.constant 1536 : i32
        %dma_start3A_550 = tpu.memref_slice %arg8[%dma_start3A_549] : memref<2560xi32, #tpu.memory_space<vmem>> -> memref<128xi32, #tpu.memory_space<vmem>>
        %dma_start3A_551 = arith.constant 0 : i32
        %dma_start3A_552 = arith.constant 0 : i32
        %dma_start3A_553 = tpu.memref_slice %arg10[%dma_start3A_551, %dma_start3A_552] : memref<4096x16xf32, #tpu.memory_space<vmem_shared>> -> memref<4096x16xf32, #tpu.memory_space<vmem_shared>>
        tpu.enqueue_indirect_dma source(%dma_start3A_548 : memref<128x16xf32, #tpu.memory_space<vmem>>) target(%dma_start3A_553 : memref<4096x16xf32, #tpu.memory_space<vmem_shared>>) offsets(%dma_start3A_550 : memref<128xi32, #tpu.memory_space<vmem>>) semaphore(%arg13 : memref<!tpu.dma_semaphore, #tpu.memory_space<semaphore_mem>>) {add = true}
        %dma_start3A_554 = arith.constant 1664 : i32
        %dma_start3A_555 = arith.constant 0 : i32
        %dma_start3A_556 = tpu.memref_slice %arg6[%dma_start3A_554, %dma_start3A_555] : memref<2560x16xf32, #tpu.memory_space<vmem>> -> memref<128x16xf32, #tpu.memory_space<vmem>>
        %dma_start3A_557 = arith.constant 1664 : i32
        %dma_start3A_558 = tpu.memref_slice %arg8[%dma_start3A_557] : memref<2560xi32, #tpu.memory_space<vmem>> -> memref<128xi32, #tpu.memory_space<vmem>>
        %dma_start3A_559 = arith.constant 0 : i32
        %dma_start3A_560 = arith.constant 0 : i32
        %dma_start3A_561 = tpu.memref_slice %arg10[%dma_start3A_559, %dma_start3A_560] : memref<4096x16xf32, #tpu.memory_space<vmem_shared>> -> memref<4096x16xf32, #tpu.memory_space<vmem_shared>>
        tpu.enqueue_indirect_dma source(%dma_start3A_556 : memref<128x16xf32, #tpu.memory_space<vmem>>) target(%dma_start3A_561 : memref<4096x16xf32, #tpu.memory_space<vmem_shared>>) offsets(%dma_start3A_558 : memref<128xi32, #tpu.memory_space<vmem>>) semaphore(%arg13 : memref<!tpu.dma_semaphore, #tpu.memory_space<semaphore_mem>>) {add = true}
        %dma_start3A_562 = arith.constant 1792 : i32
        %dma_start3A_563 = arith.constant 0 : i32
        %dma_start3A_564 = tpu.memref_slice %arg6[%dma_start3A_562, %dma_start3A_563] : memref<2560x16xf32, #tpu.memory_space<vmem>> -> memref<128x16xf32, #tpu.memory_space<vmem>>
        %dma_start3A_565 = arith.constant 1792 : i32
        %dma_start3A_566 = tpu.memref_slice %arg8[%dma_start3A_565] : memref<2560xi32, #tpu.memory_space<vmem>> -> memref<128xi32, #tpu.memory_space<vmem>>
        %dma_start3A_567 = arith.constant 0 : i32
        %dma_start3A_568 = arith.constant 0 : i32
        %dma_start3A_569 = tpu.memref_slice %arg10[%dma_start3A_567, %dma_start3A_568] : memref<4096x16xf32, #tpu.memory_space<vmem_shared>> -> memref<4096x16xf32, #tpu.memory_space<vmem_shared>>
        tpu.enqueue_indirect_dma source(%dma_start3A_564 : memref<128x16xf32, #tpu.memory_space<vmem>>) target(%dma_start3A_569 : memref<4096x16xf32, #tpu.memory_space<vmem_shared>>) offsets(%dma_start3A_566 : memref<128xi32, #tpu.memory_space<vmem>>) semaphore(%arg13 : memref<!tpu.dma_semaphore, #tpu.memory_space<semaphore_mem>>) {add = true}
        %dma_start3A_570 = arith.constant 1920 : i32
        %dma_start3A_571 = arith.constant 0 : i32
        %dma_start3A_572 = tpu.memref_slice %arg6[%dma_start3A_570, %dma_start3A_571] : memref<2560x16xf32, #tpu.memory_space<vmem>> -> memref<128x16xf32, #tpu.memory_space<vmem>>
        %dma_start3A_573 = arith.constant 1920 : i32
        %dma_start3A_574 = tpu.memref_slice %arg8[%dma_start3A_573] : memref<2560xi32, #tpu.memory_space<vmem>> -> memref<128xi32, #tpu.memory_space<vmem>>
        %dma_start3A_575 = arith.constant 0 : i32
        %dma_start3A_576 = arith.constant 0 : i32
        %dma_start3A_577 = tpu.memref_slice %arg10[%dma_start3A_575, %dma_start3A_576] : memref<4096x16xf32, #tpu.memory_space<vmem_shared>> -> memref<4096x16xf32, #tpu.memory_space<vmem_shared>>
        tpu.enqueue_indirect_dma source(%dma_start3A_572 : memref<128x16xf32, #tpu.memory_space<vmem>>) target(%dma_start3A_577 : memref<4096x16xf32, #tpu.memory_space<vmem_shared>>) offsets(%dma_start3A_574 : memref<128xi32, #tpu.memory_space<vmem>>) semaphore(%arg13 : memref<!tpu.dma_semaphore, #tpu.memory_space<semaphore_mem>>) {add = true}
        %dma_start3A_578 = arith.constant 2048 : i32
        %dma_start3A_579 = arith.constant 0 : i32
        %dma_start3A_580 = tpu.memref_slice %arg6[%dma_start3A_578, %dma_start3A_579] : memref<2560x16xf32, #tpu.memory_space<vmem>> -> memref<128x16xf32, #tpu.memory_space<vmem>>
        %dma_start3A_581 = arith.constant 2048 : i32
        %dma_start3A_582 = tpu.memref_slice %arg8[%dma_start3A_581] : memref<2560xi32, #tpu.memory_space<vmem>> -> memref<128xi32, #tpu.memory_space<vmem>>
        %dma_start3A_583 = arith.constant 0 : i32
        %dma_start3A_584 = arith.constant 0 : i32
        %dma_start3A_585 = tpu.memref_slice %arg10[%dma_start3A_583, %dma_start3A_584] : memref<4096x16xf32, #tpu.memory_space<vmem_shared>> -> memref<4096x16xf32, #tpu.memory_space<vmem_shared>>
        tpu.enqueue_indirect_dma source(%dma_start3A_580 : memref<128x16xf32, #tpu.memory_space<vmem>>) target(%dma_start3A_585 : memref<4096x16xf32, #tpu.memory_space<vmem_shared>>) offsets(%dma_start3A_582 : memref<128xi32, #tpu.memory_space<vmem>>) semaphore(%arg13 : memref<!tpu.dma_semaphore, #tpu.memory_space<semaphore_mem>>) {add = true}
        %dma_start3A_586 = arith.constant 2176 : i32
        %dma_start3A_587 = arith.constant 0 : i32
        %dma_start3A_588 = tpu.memref_slice %arg6[%dma_start3A_586, %dma_start3A_587] : memref<2560x16xf32, #tpu.memory_space<vmem>> -> memref<128x16xf32, #tpu.memory_space<vmem>>
        %dma_start3A_589 = arith.constant 2176 : i32
        %dma_start3A_590 = tpu.memref_slice %arg8[%dma_start3A_589] : memref<2560xi32, #tpu.memory_space<vmem>> -> memref<128xi32, #tpu.memory_space<vmem>>
        %dma_start3A_591 = arith.constant 0 : i32
        %dma_start3A_592 = arith.constant 0 : i32
        %dma_start3A_593 = tpu.memref_slice %arg10[%dma_start3A_591, %dma_start3A_592] : memref<4096x16xf32, #tpu.memory_space<vmem_shared>> -> memref<4096x16xf32, #tpu.memory_space<vmem_shared>>
        tpu.enqueue_indirect_dma source(%dma_start3A_588 : memref<128x16xf32, #tpu.memory_space<vmem>>) target(%dma_start3A_593 : memref<4096x16xf32, #tpu.memory_space<vmem_shared>>) offsets(%dma_start3A_590 : memref<128xi32, #tpu.memory_space<vmem>>) semaphore(%arg13 : memref<!tpu.dma_semaphore, #tpu.memory_space<semaphore_mem>>) {add = true}
        %dma_start3A_594 = arith.constant 2304 : i32
        %dma_start3A_595 = arith.constant 0 : i32
        %dma_start3A_596 = tpu.memref_slice %arg6[%dma_start3A_594, %dma_start3A_595] : memref<2560x16xf32, #tpu.memory_space<vmem>> -> memref<128x16xf32, #tpu.memory_space<vmem>>
        %dma_start3A_597 = arith.constant 2304 : i32
        %dma_start3A_598 = tpu.memref_slice %arg8[%dma_start3A_597] : memref<2560xi32, #tpu.memory_space<vmem>> -> memref<128xi32, #tpu.memory_space<vmem>>
        %dma_start3A_599 = arith.constant 0 : i32
        %dma_start3A_600 = arith.constant 0 : i32
        %dma_start3A_601 = tpu.memref_slice %arg10[%dma_start3A_599, %dma_start3A_600] : memref<4096x16xf32, #tpu.memory_space<vmem_shared>> -> memref<4096x16xf32, #tpu.memory_space<vmem_shared>>
        tpu.enqueue_indirect_dma source(%dma_start3A_596 : memref<128x16xf32, #tpu.memory_space<vmem>>) target(%dma_start3A_601 : memref<4096x16xf32, #tpu.memory_space<vmem_shared>>) offsets(%dma_start3A_598 : memref<128xi32, #tpu.memory_space<vmem>>) semaphore(%arg13 : memref<!tpu.dma_semaphore, #tpu.memory_space<semaphore_mem>>) {add = true}
        %dma_start3A_602 = arith.constant 2432 : i32
        %dma_start3A_603 = arith.constant 0 : i32
        %dma_start3A_604 = tpu.memref_slice %arg6[%dma_start3A_602, %dma_start3A_603] : memref<2560x16xf32, #tpu.memory_space<vmem>> -> memref<128x16xf32, #tpu.memory_space<vmem>>
        %dma_start3A_605 = arith.constant 2432 : i32
        %dma_start3A_606 = tpu.memref_slice %arg8[%dma_start3A_605] : memref<2560xi32, #tpu.memory_space<vmem>> -> memref<128xi32, #tpu.memory_space<vmem>>
        %dma_start3A_607 = arith.constant 0 : i32
        %dma_start3A_608 = arith.constant 0 : i32
        %dma_start3A_609 = tpu.memref_slice %arg10[%dma_start3A_607, %dma_start3A_608] : memref<4096x16xf32, #tpu.memory_space<vmem_shared>> -> memref<4096x16xf32, #tpu.memory_space<vmem_shared>>
        tpu.enqueue_indirect_dma source(%dma_start3A_604 : memref<128x16xf32, #tpu.memory_space<vmem>>) target(%dma_start3A_609 : memref<4096x16xf32, #tpu.memory_space<vmem_shared>>) offsets(%dma_start3A_606 : memref<128xi32, #tpu.memory_space<vmem>>) semaphore(%arg13 : memref<!tpu.dma_semaphore, #tpu.memory_space<semaphore_mem>>) {add = true}
        %dma_wait3A_610 = arith.constant 0 : i32
        %dma_wait3A_611 = arith.constant 0 : i32
        %dma_wait3A_612 = tpu.memref_slice %arg6[%dma_wait3A_610, %dma_wait3A_611] : memref<2560x16xf32, #tpu.memory_space<vmem>> -> memref<128x16xf32, #tpu.memory_space<vmem>>
        %dma_wait3A_613 = arith.constant 0 : i32
        %dma_wait3A_614 = tpu.memref_slice %arg8[%dma_wait3A_613] : memref<2560xi32, #tpu.memory_space<vmem>> -> memref<128xi32, #tpu.memory_space<vmem>>
        %dma_wait3A_615 = arith.constant 0 : i32
        %dma_wait3A_616 = arith.constant 0 : i32
        %dma_wait3A_617 = tpu.memref_slice %arg10[%dma_wait3A_615, %dma_wait3A_616] : memref<4096x16xf32, #tpu.memory_space<vmem_shared>> -> memref<4096x16xf32, #tpu.memory_space<vmem_shared>>
        tpu.wait_indirect_dma semaphore(%arg13 : memref<!tpu.dma_semaphore, #tpu.memory_space<semaphore_mem>>) src(%dma_wait3A_612 : memref<128x16xf32, #tpu.memory_space<vmem>>) dst(%dma_wait3A_617 : memref<4096x16xf32, #tpu.memory_space<vmem_shared>>)
        %dma_wait3A_618 = arith.constant 128 : i32
        %dma_wait3A_619 = arith.constant 0 : i32
        %dma_wait3A_620 = tpu.memref_slice %arg6[%dma_wait3A_618, %dma_wait3A_619] : memref<2560x16xf32, #tpu.memory_space<vmem>> -> memref<128x16xf32, #tpu.memory_space<vmem>>
        %dma_wait3A_621 = arith.constant 128 : i32
        %dma_wait3A_622 = tpu.memref_slice %arg8[%dma_wait3A_621] : memref<2560xi32, #tpu.memory_space<vmem>> -> memref<128xi32, #tpu.memory_space<vmem>>
        %dma_wait3A_623 = arith.constant 0 : i32
        %dma_wait3A_624 = arith.constant 0 : i32
        %dma_wait3A_625 = tpu.memref_slice %arg10[%dma_wait3A_623, %dma_wait3A_624] : memref<4096x16xf32, #tpu.memory_space<vmem_shared>> -> memref<4096x16xf32, #tpu.memory_space<vmem_shared>>
        tpu.wait_indirect_dma semaphore(%arg13 : memref<!tpu.dma_semaphore, #tpu.memory_space<semaphore_mem>>) src(%dma_wait3A_620 : memref<128x16xf32, #tpu.memory_space<vmem>>) dst(%dma_wait3A_625 : memref<4096x16xf32, #tpu.memory_space<vmem_shared>>)
        %dma_wait3A_626 = arith.constant 256 : i32
        %dma_wait3A_627 = arith.constant 0 : i32
        %dma_wait3A_628 = tpu.memref_slice %arg6[%dma_wait3A_626, %dma_wait3A_627] : memref<2560x16xf32, #tpu.memory_space<vmem>> -> memref<128x16xf32, #tpu.memory_space<vmem>>
        %dma_wait3A_629 = arith.constant 256 : i32
        %dma_wait3A_630 = tpu.memref_slice %arg8[%dma_wait3A_629] : memref<2560xi32, #tpu.memory_space<vmem>> -> memref<128xi32, #tpu.memory_space<vmem>>
        %dma_wait3A_631 = arith.constant 0 : i32
        %dma_wait3A_632 = arith.constant 0 : i32
        %dma_wait3A_633 = tpu.memref_slice %arg10[%dma_wait3A_631, %dma_wait3A_632] : memref<4096x16xf32, #tpu.memory_space<vmem_shared>> -> memref<4096x16xf32, #tpu.memory_space<vmem_shared>>
        tpu.wait_indirect_dma semaphore(%arg13 : memref<!tpu.dma_semaphore, #tpu.memory_space<semaphore_mem>>) src(%dma_wait3A_628 : memref<128x16xf32, #tpu.memory_space<vmem>>) dst(%dma_wait3A_633 : memref<4096x16xf32, #tpu.memory_space<vmem_shared>>)
        %dma_wait3A_634 = arith.constant 384 : i32
        %dma_wait3A_635 = arith.constant 0 : i32
        %dma_wait3A_636 = tpu.memref_slice %arg6[%dma_wait3A_634, %dma_wait3A_635] : memref<2560x16xf32, #tpu.memory_space<vmem>> -> memref<128x16xf32, #tpu.memory_space<vmem>>
        %dma_wait3A_637 = arith.constant 384 : i32
        %dma_wait3A_638 = tpu.memref_slice %arg8[%dma_wait3A_637] : memref<2560xi32, #tpu.memory_space<vmem>> -> memref<128xi32, #tpu.memory_space<vmem>>
        %dma_wait3A_639 = arith.constant 0 : i32
        %dma_wait3A_640 = arith.constant 0 : i32
        %dma_wait3A_641 = tpu.memref_slice %arg10[%dma_wait3A_639, %dma_wait3A_640] : memref<4096x16xf32, #tpu.memory_space<vmem_shared>> -> memref<4096x16xf32, #tpu.memory_space<vmem_shared>>
        tpu.wait_indirect_dma semaphore(%arg13 : memref<!tpu.dma_semaphore, #tpu.memory_space<semaphore_mem>>) src(%dma_wait3A_636 : memref<128x16xf32, #tpu.memory_space<vmem>>) dst(%dma_wait3A_641 : memref<4096x16xf32, #tpu.memory_space<vmem_shared>>)
        %dma_wait3A_642 = arith.constant 512 : i32
        %dma_wait3A_643 = arith.constant 0 : i32
        %dma_wait3A_644 = tpu.memref_slice %arg6[%dma_wait3A_642, %dma_wait3A_643] : memref<2560x16xf32, #tpu.memory_space<vmem>> -> memref<128x16xf32, #tpu.memory_space<vmem>>
        %dma_wait3A_645 = arith.constant 512 : i32
        %dma_wait3A_646 = tpu.memref_slice %arg8[%dma_wait3A_645] : memref<2560xi32, #tpu.memory_space<vmem>> -> memref<128xi32, #tpu.memory_space<vmem>>
        %dma_wait3A_647 = arith.constant 0 : i32
        %dma_wait3A_648 = arith.constant 0 : i32
        %dma_wait3A_649 = tpu.memref_slice %arg10[%dma_wait3A_647, %dma_wait3A_648] : memref<4096x16xf32, #tpu.memory_space<vmem_shared>> -> memref<4096x16xf32, #tpu.memory_space<vmem_shared>>
        tpu.wait_indirect_dma semaphore(%arg13 : memref<!tpu.dma_semaphore, #tpu.memory_space<semaphore_mem>>) src(%dma_wait3A_644 : memref<128x16xf32, #tpu.memory_space<vmem>>) dst(%dma_wait3A_649 : memref<4096x16xf32, #tpu.memory_space<vmem_shared>>)
        %dma_wait3A_650 = arith.constant 640 : i32
        %dma_wait3A_651 = arith.constant 0 : i32
        %dma_wait3A_652 = tpu.memref_slice %arg6[%dma_wait3A_650, %dma_wait3A_651] : memref<2560x16xf32, #tpu.memory_space<vmem>> -> memref<128x16xf32, #tpu.memory_space<vmem>>
        %dma_wait3A_653 = arith.constant 640 : i32
        %dma_wait3A_654 = tpu.memref_slice %arg8[%dma_wait3A_653] : memref<2560xi32, #tpu.memory_space<vmem>> -> memref<128xi32, #tpu.memory_space<vmem>>
        %dma_wait3A_655 = arith.constant 0 : i32
        %dma_wait3A_656 = arith.constant 0 : i32
        %dma_wait3A_657 = tpu.memref_slice %arg10[%dma_wait3A_655, %dma_wait3A_656] : memref<4096x16xf32, #tpu.memory_space<vmem_shared>> -> memref<4096x16xf32, #tpu.memory_space<vmem_shared>>
        tpu.wait_indirect_dma semaphore(%arg13 : memref<!tpu.dma_semaphore, #tpu.memory_space<semaphore_mem>>) src(%dma_wait3A_652 : memref<128x16xf32, #tpu.memory_space<vmem>>) dst(%dma_wait3A_657 : memref<4096x16xf32, #tpu.memory_space<vmem_shared>>)
        %dma_wait3A_658 = arith.constant 768 : i32
        %dma_wait3A_659 = arith.constant 0 : i32
        %dma_wait3A_660 = tpu.memref_slice %arg6[%dma_wait3A_658, %dma_wait3A_659] : memref<2560x16xf32, #tpu.memory_space<vmem>> -> memref<128x16xf32, #tpu.memory_space<vmem>>
        %dma_wait3A_661 = arith.constant 768 : i32
        %dma_wait3A_662 = tpu.memref_slice %arg8[%dma_wait3A_661] : memref<2560xi32, #tpu.memory_space<vmem>> -> memref<128xi32, #tpu.memory_space<vmem>>
        %dma_wait3A_663 = arith.constant 0 : i32
        %dma_wait3A_664 = arith.constant 0 : i32
        %dma_wait3A_665 = tpu.memref_slice %arg10[%dma_wait3A_663, %dma_wait3A_664] : memref<4096x16xf32, #tpu.memory_space<vmem_shared>> -> memref<4096x16xf32, #tpu.memory_space<vmem_shared>>
        tpu.wait_indirect_dma semaphore(%arg13 : memref<!tpu.dma_semaphore, #tpu.memory_space<semaphore_mem>>) src(%dma_wait3A_660 : memref<128x16xf32, #tpu.memory_space<vmem>>) dst(%dma_wait3A_665 : memref<4096x16xf32, #tpu.memory_space<vmem_shared>>)
        %dma_wait3A_666 = arith.constant 896 : i32
        %dma_wait3A_667 = arith.constant 0 : i32
        %dma_wait3A_668 = tpu.memref_slice %arg6[%dma_wait3A_666, %dma_wait3A_667] : memref<2560x16xf32, #tpu.memory_space<vmem>> -> memref<128x16xf32, #tpu.memory_space<vmem>>
        %dma_wait3A_669 = arith.constant 896 : i32
        %dma_wait3A_670 = tpu.memref_slice %arg8[%dma_wait3A_669] : memref<2560xi32, #tpu.memory_space<vmem>> -> memref<128xi32, #tpu.memory_space<vmem>>
        %dma_wait3A_671 = arith.constant 0 : i32
        %dma_wait3A_672 = arith.constant 0 : i32
        %dma_wait3A_673 = tpu.memref_slice %arg10[%dma_wait3A_671, %dma_wait3A_672] : memref<4096x16xf32, #tpu.memory_space<vmem_shared>> -> memref<4096x16xf32, #tpu.memory_space<vmem_shared>>
        tpu.wait_indirect_dma semaphore(%arg13 : memref<!tpu.dma_semaphore, #tpu.memory_space<semaphore_mem>>) src(%dma_wait3A_668 : memref<128x16xf32, #tpu.memory_space<vmem>>) dst(%dma_wait3A_673 : memref<4096x16xf32, #tpu.memory_space<vmem_shared>>)
        %dma_wait3A_674 = arith.constant 1024 : i32
        %dma_wait3A_675 = arith.constant 0 : i32
        %dma_wait3A_676 = tpu.memref_slice %arg6[%dma_wait3A_674, %dma_wait3A_675] : memref<2560x16xf32, #tpu.memory_space<vmem>> -> memref<128x16xf32, #tpu.memory_space<vmem>>
        %dma_wait3A_677 = arith.constant 1024 : i32
        %dma_wait3A_678 = tpu.memref_slice %arg8[%dma_wait3A_677] : memref<2560xi32, #tpu.memory_space<vmem>> -> memref<128xi32, #tpu.memory_space<vmem>>
        %dma_wait3A_679 = arith.constant 0 : i32
        %dma_wait3A_680 = arith.constant 0 : i32
        %dma_wait3A_681 = tpu.memref_slice %arg10[%dma_wait3A_679, %dma_wait3A_680] : memref<4096x16xf32, #tpu.memory_space<vmem_shared>> -> memref<4096x16xf32, #tpu.memory_space<vmem_shared>>
        tpu.wait_indirect_dma semaphore(%arg13 : memref<!tpu.dma_semaphore, #tpu.memory_space<semaphore_mem>>) src(%dma_wait3A_676 : memref<128x16xf32, #tpu.memory_space<vmem>>) dst(%dma_wait3A_681 : memref<4096x16xf32, #tpu.memory_space<vmem_shared>>)
        %dma_wait3A_682 = arith.constant 1152 : i32
        %dma_wait3A_683 = arith.constant 0 : i32
        %dma_wait3A_684 = tpu.memref_slice %arg6[%dma_wait3A_682, %dma_wait3A_683] : memref<2560x16xf32, #tpu.memory_space<vmem>> -> memref<128x16xf32, #tpu.memory_space<vmem>>
        %dma_wait3A_685 = arith.constant 1152 : i32
        %dma_wait3A_686 = tpu.memref_slice %arg8[%dma_wait3A_685] : memref<2560xi32, #tpu.memory_space<vmem>> -> memref<128xi32, #tpu.memory_space<vmem>>
        %dma_wait3A_687 = arith.constant 0 : i32
        %dma_wait3A_688 = arith.constant 0 : i32
        %dma_wait3A_689 = tpu.memref_slice %arg10[%dma_wait3A_687, %dma_wait3A_688] : memref<4096x16xf32, #tpu.memory_space<vmem_shared>> -> memref<4096x16xf32, #tpu.memory_space<vmem_shared>>
        tpu.wait_indirect_dma semaphore(%arg13 : memref<!tpu.dma_semaphore, #tpu.memory_space<semaphore_mem>>) src(%dma_wait3A_684 : memref<128x16xf32, #tpu.memory_space<vmem>>) dst(%dma_wait3A_689 : memref<4096x16xf32, #tpu.memory_space<vmem_shared>>)
        %dma_wait3A_690 = arith.constant 1280 : i32
        %dma_wait3A_691 = arith.constant 0 : i32
        %dma_wait3A_692 = tpu.memref_slice %arg6[%dma_wait3A_690, %dma_wait3A_691] : memref<2560x16xf32, #tpu.memory_space<vmem>> -> memref<128x16xf32, #tpu.memory_space<vmem>>
        %dma_wait3A_693 = arith.constant 1280 : i32
        %dma_wait3A_694 = tpu.memref_slice %arg8[%dma_wait3A_693] : memref<2560xi32, #tpu.memory_space<vmem>> -> memref<128xi32, #tpu.memory_space<vmem>>
        %dma_wait3A_695 = arith.constant 0 : i32
        %dma_wait3A_696 = arith.constant 0 : i32
        %dma_wait3A_697 = tpu.memref_slice %arg10[%dma_wait3A_695, %dma_wait3A_696] : memref<4096x16xf32, #tpu.memory_space<vmem_shared>> -> memref<4096x16xf32, #tpu.memory_space<vmem_shared>>
        tpu.wait_indirect_dma semaphore(%arg13 : memref<!tpu.dma_semaphore, #tpu.memory_space<semaphore_mem>>) src(%dma_wait3A_692 : memref<128x16xf32, #tpu.memory_space<vmem>>) dst(%dma_wait3A_697 : memref<4096x16xf32, #tpu.memory_space<vmem_shared>>)
        %dma_wait3A_698 = arith.constant 1408 : i32
        %dma_wait3A_699 = arith.constant 0 : i32
        %dma_wait3A_700 = tpu.memref_slice %arg6[%dma_wait3A_698, %dma_wait3A_699] : memref<2560x16xf32, #tpu.memory_space<vmem>> -> memref<128x16xf32, #tpu.memory_space<vmem>>
        %dma_wait3A_701 = arith.constant 1408 : i32
        %dma_wait3A_702 = tpu.memref_slice %arg8[%dma_wait3A_701] : memref<2560xi32, #tpu.memory_space<vmem>> -> memref<128xi32, #tpu.memory_space<vmem>>
        %dma_wait3A_703 = arith.constant 0 : i32
        %dma_wait3A_704 = arith.constant 0 : i32
        %dma_wait3A_705 = tpu.memref_slice %arg10[%dma_wait3A_703, %dma_wait3A_704] : memref<4096x16xf32, #tpu.memory_space<vmem_shared>> -> memref<4096x16xf32, #tpu.memory_space<vmem_shared>>
        tpu.wait_indirect_dma semaphore(%arg13 : memref<!tpu.dma_semaphore, #tpu.memory_space<semaphore_mem>>) src(%dma_wait3A_700 : memref<128x16xf32, #tpu.memory_space<vmem>>) dst(%dma_wait3A_705 : memref<4096x16xf32, #tpu.memory_space<vmem_shared>>)
        %dma_wait3A_706 = arith.constant 1536 : i32
        %dma_wait3A_707 = arith.constant 0 : i32
        %dma_wait3A_708 = tpu.memref_slice %arg6[%dma_wait3A_706, %dma_wait3A_707] : memref<2560x16xf32, #tpu.memory_space<vmem>> -> memref<128x16xf32, #tpu.memory_space<vmem>>
        %dma_wait3A_709 = arith.constant 1536 : i32
        %dma_wait3A_710 = tpu.memref_slice %arg8[%dma_wait3A_709] : memref<2560xi32, #tpu.memory_space<vmem>> -> memref<128xi32, #tpu.memory_space<vmem>>
        %dma_wait3A_711 = arith.constant 0 : i32
        %dma_wait3A_712 = arith.constant 0 : i32
        %dma_wait3A_713 = tpu.memref_slice %arg10[%dma_wait3A_711, %dma_wait3A_712] : memref<4096x16xf32, #tpu.memory_space<vmem_shared>> -> memref<4096x16xf32, #tpu.memory_space<vmem_shared>>
        tpu.wait_indirect_dma semaphore(%arg13 : memref<!tpu.dma_semaphore, #tpu.memory_space<semaphore_mem>>) src(%dma_wait3A_708 : memref<128x16xf32, #tpu.memory_space<vmem>>) dst(%dma_wait3A_713 : memref<4096x16xf32, #tpu.memory_space<vmem_shared>>)
        %dma_wait3A_714 = arith.constant 1664 : i32
        %dma_wait3A_715 = arith.constant 0 : i32
        %dma_wait3A_716 = tpu.memref_slice %arg6[%dma_wait3A_714, %dma_wait3A_715] : memref<2560x16xf32, #tpu.memory_space<vmem>> -> memref<128x16xf32, #tpu.memory_space<vmem>>
        %dma_wait3A_717 = arith.constant 1664 : i32
        %dma_wait3A_718 = tpu.memref_slice %arg8[%dma_wait3A_717] : memref<2560xi32, #tpu.memory_space<vmem>> -> memref<128xi32, #tpu.memory_space<vmem>>
        %dma_wait3A_719 = arith.constant 0 : i32
        %dma_wait3A_720 = arith.constant 0 : i32
        %dma_wait3A_721 = tpu.memref_slice %arg10[%dma_wait3A_719, %dma_wait3A_720] : memref<4096x16xf32, #tpu.memory_space<vmem_shared>> -> memref<4096x16xf32, #tpu.memory_space<vmem_shared>>
        tpu.wait_indirect_dma semaphore(%arg13 : memref<!tpu.dma_semaphore, #tpu.memory_space<semaphore_mem>>) src(%dma_wait3A_716 : memref<128x16xf32, #tpu.memory_space<vmem>>) dst(%dma_wait3A_721 : memref<4096x16xf32, #tpu.memory_space<vmem_shared>>)
        %dma_wait3A_722 = arith.constant 1792 : i32
        %dma_wait3A_723 = arith.constant 0 : i32
        %dma_wait3A_724 = tpu.memref_slice %arg6[%dma_wait3A_722, %dma_wait3A_723] : memref<2560x16xf32, #tpu.memory_space<vmem>> -> memref<128x16xf32, #tpu.memory_space<vmem>>
        %dma_wait3A_725 = arith.constant 1792 : i32
        %dma_wait3A_726 = tpu.memref_slice %arg8[%dma_wait3A_725] : memref<2560xi32, #tpu.memory_space<vmem>> -> memref<128xi32, #tpu.memory_space<vmem>>
        %dma_wait3A_727 = arith.constant 0 : i32
        %dma_wait3A_728 = arith.constant 0 : i32
        %dma_wait3A_729 = tpu.memref_slice %arg10[%dma_wait3A_727, %dma_wait3A_728] : memref<4096x16xf32, #tpu.memory_space<vmem_shared>> -> memref<4096x16xf32, #tpu.memory_space<vmem_shared>>
        tpu.wait_indirect_dma semaphore(%arg13 : memref<!tpu.dma_semaphore, #tpu.memory_space<semaphore_mem>>) src(%dma_wait3A_724 : memref<128x16xf32, #tpu.memory_space<vmem>>) dst(%dma_wait3A_729 : memref<4096x16xf32, #tpu.memory_space<vmem_shared>>)
        %dma_wait3A_730 = arith.constant 1920 : i32
        %dma_wait3A_731 = arith.constant 0 : i32
        %dma_wait3A_732 = tpu.memref_slice %arg6[%dma_wait3A_730, %dma_wait3A_731] : memref<2560x16xf32, #tpu.memory_space<vmem>> -> memref<128x16xf32, #tpu.memory_space<vmem>>
        %dma_wait3A_733 = arith.constant 1920 : i32
        %dma_wait3A_734 = tpu.memref_slice %arg8[%dma_wait3A_733] : memref<2560xi32, #tpu.memory_space<vmem>> -> memref<128xi32, #tpu.memory_space<vmem>>
        %dma_wait3A_735 = arith.constant 0 : i32
        %dma_wait3A_736 = arith.constant 0 : i32
        %dma_wait3A_737 = tpu.memref_slice %arg10[%dma_wait3A_735, %dma_wait3A_736] : memref<4096x16xf32, #tpu.memory_space<vmem_shared>> -> memref<4096x16xf32, #tpu.memory_space<vmem_shared>>
        tpu.wait_indirect_dma semaphore(%arg13 : memref<!tpu.dma_semaphore, #tpu.memory_space<semaphore_mem>>) src(%dma_wait3A_732 : memref<128x16xf32, #tpu.memory_space<vmem>>) dst(%dma_wait3A_737 : memref<4096x16xf32, #tpu.memory_space<vmem_shared>>)
        %dma_wait3A_738 = arith.constant 2048 : i32
        %dma_wait3A_739 = arith.constant 0 : i32
        %dma_wait3A_740 = tpu.memref_slice %arg6[%dma_wait3A_738, %dma_wait3A_739] : memref<2560x16xf32, #tpu.memory_space<vmem>> -> memref<128x16xf32, #tpu.memory_space<vmem>>
        %dma_wait3A_741 = arith.constant 2048 : i32
        %dma_wait3A_742 = tpu.memref_slice %arg8[%dma_wait3A_741] : memref<2560xi32, #tpu.memory_space<vmem>> -> memref<128xi32, #tpu.memory_space<vmem>>
        %dma_wait3A_743 = arith.constant 0 : i32
        %dma_wait3A_744 = arith.constant 0 : i32
        %dma_wait3A_745 = tpu.memref_slice %arg10[%dma_wait3A_743, %dma_wait3A_744] : memref<4096x16xf32, #tpu.memory_space<vmem_shared>> -> memref<4096x16xf32, #tpu.memory_space<vmem_shared>>
        tpu.wait_indirect_dma semaphore(%arg13 : memref<!tpu.dma_semaphore, #tpu.memory_space<semaphore_mem>>) src(%dma_wait3A_740 : memref<128x16xf32, #tpu.memory_space<vmem>>) dst(%dma_wait3A_745 : memref<4096x16xf32, #tpu.memory_space<vmem_shared>>)
        %dma_wait3A_746 = arith.constant 2176 : i32
        %dma_wait3A_747 = arith.constant 0 : i32
        %dma_wait3A_748 = tpu.memref_slice %arg6[%dma_wait3A_746, %dma_wait3A_747] : memref<2560x16xf32, #tpu.memory_space<vmem>> -> memref<128x16xf32, #tpu.memory_space<vmem>>
        %dma_wait3A_749 = arith.constant 2176 : i32
        %dma_wait3A_750 = tpu.memref_slice %arg8[%dma_wait3A_749] : memref<2560xi32, #tpu.memory_space<vmem>> -> memref<128xi32, #tpu.memory_space<vmem>>
        %dma_wait3A_751 = arith.constant 0 : i32
        %dma_wait3A_752 = arith.constant 0 : i32
        %dma_wait3A_753 = tpu.memref_slice %arg10[%dma_wait3A_751, %dma_wait3A_752] : memref<4096x16xf32, #tpu.memory_space<vmem_shared>> -> memref<4096x16xf32, #tpu.memory_space<vmem_shared>>
        tpu.wait_indirect_dma semaphore(%arg13 : memref<!tpu.dma_semaphore, #tpu.memory_space<semaphore_mem>>) src(%dma_wait3A_748 : memref<128x16xf32, #tpu.memory_space<vmem>>) dst(%dma_wait3A_753 : memref<4096x16xf32, #tpu.memory_space<vmem_shared>>)
        %dma_wait3A_754 = arith.constant 2304 : i32
        %dma_wait3A_755 = arith.constant 0 : i32
        %dma_wait3A_756 = tpu.memref_slice %arg6[%dma_wait3A_754, %dma_wait3A_755] : memref<2560x16xf32, #tpu.memory_space<vmem>> -> memref<128x16xf32, #tpu.memory_space<vmem>>
        %dma_wait3A_757 = arith.constant 2304 : i32
        %dma_wait3A_758 = tpu.memref_slice %arg8[%dma_wait3A_757] : memref<2560xi32, #tpu.memory_space<vmem>> -> memref<128xi32, #tpu.memory_space<vmem>>
        %dma_wait3A_759 = arith.constant 0 : i32
        %dma_wait3A_760 = arith.constant 0 : i32
        %dma_wait3A_761 = tpu.memref_slice %arg10[%dma_wait3A_759, %dma_wait3A_760] : memref<4096x16xf32, #tpu.memory_space<vmem_shared>> -> memref<4096x16xf32, #tpu.memory_space<vmem_shared>>
        tpu.wait_indirect_dma semaphore(%arg13 : memref<!tpu.dma_semaphore, #tpu.memory_space<semaphore_mem>>) src(%dma_wait3A_756 : memref<128x16xf32, #tpu.memory_space<vmem>>) dst(%dma_wait3A_761 : memref<4096x16xf32, #tpu.memory_space<vmem_shared>>)
        %dma_wait3A_762 = arith.constant 2432 : i32
        %dma_wait3A_763 = arith.constant 0 : i32
        %dma_wait3A_764 = tpu.memref_slice %arg6[%dma_wait3A_762, %dma_wait3A_763] : memref<2560x16xf32, #tpu.memory_space<vmem>> -> memref<128x16xf32, #tpu.memory_space<vmem>>
        %dma_wait3A_765 = arith.constant 2432 : i32
        %dma_wait3A_766 = tpu.memref_slice %arg8[%dma_wait3A_765] : memref<2560xi32, #tpu.memory_space<vmem>> -> memref<128xi32, #tpu.memory_space<vmem>>
        %dma_wait3A_767 = arith.constant 0 : i32
        %dma_wait3A_768 = arith.constant 0 : i32
        %dma_wait3A_769 = tpu.memref_slice %arg10[%dma_wait3A_767, %dma_wait3A_768] : memref<4096x16xf32, #tpu.memory_space<vmem_shared>> -> memref<4096x16xf32, #tpu.memory_space<vmem_shared>>
        tpu.wait_indirect_dma semaphore(%arg13 : memref<!tpu.dma_semaphore, #tpu.memory_space<semaphore_mem>>) src(%dma_wait3A_764 : memref<128x16xf32, #tpu.memory_space<vmem>>) dst(%dma_wait3A_769 : memref<4096x16xf32, #tpu.memory_space<vmem_shared>>)
      } else {
      }
      %while3A_433 = arith.constant 0 : i32
      scf.yield %while3A_433 : i32
    }
    %while3A_83 = arith.constant 1 : i32
    %while3A_84 = scf.for %while3A_90 = %while3A_80 to %while3A_76 step %while3A_83 iter_args(%while3A_91 = %while3A_82) -> (i32)  : i32 {
      %mul3A_92 = arith.constant 2 : i32
      %mul3A_93 = arith.muli %mul3A_92, %while3A_90 : i32
      %add3A_94 = arith.addi %add3A_40, %mul3A_93 : i32
      %add3A_95 = arith.constant 1 : i32
      %add3A_96 = arith.addi %add3A_94, %add3A_95 : i32
      %mul3A_97 = arith.constant 2560 : i32
      %mul3A_98 = arith.muli %add3A_94, %mul3A_97 : i32
      %dma_wait3A = arith.constant 0 : i32
      %dma_wait3A_99 = tpu.memref_slice %arg2[%mul3A_98, %dma_wait3A] : memref<1600000x16xf32, #tpu.memory_space<hbm>> -> memref<2560x16xf32, #tpu.memory_space<hbm>>
      %dma_wait3A_100 = arith.constant 0 : i32
      %dma_wait3A_101 = tpu.memref_slice %arg2[%mul3A_98, %dma_wait3A_100] : memref<1600000x16xf32, #tpu.memory_space<hbm>> -> memref<2560x16xf32, #tpu.memory_space<hbm>>
      tpu.wait_dma2 semaphore(%arg11 : memref<!tpu.dma_semaphore, #tpu.memory_space<semaphore_mem>>) src(%dma_wait3A_101 : memref<2560x16xf32, #tpu.memory_space<hbm>>) dst(%arg5 : memref<2560x16xf32, #tpu.memory_space<vmem>>)
      %mul3A_102 = arith.constant 2560 : i32
      %mul3A_103 = arith.muli %add3A_94, %mul3A_102 : i32
      %dma_wait3A_104 = tpu.memref_slice %arg3[%mul3A_103] : memref<1600000xi32, #tpu.memory_space<hbm>> -> memref<2560xi32, #tpu.memory_space<hbm>>
      %dma_wait3A_105 = tpu.memref_slice %arg3[%mul3A_103] : memref<1600000xi32, #tpu.memory_space<hbm>> -> memref<2560xi32, #tpu.memory_space<hbm>>
      tpu.wait_dma2 semaphore(%arg11 : memref<!tpu.dma_semaphore, #tpu.memory_space<semaphore_mem>>) src(%dma_wait3A_105 : memref<2560xi32, #tpu.memory_space<hbm>>) dst(%arg7 : memref<2560xi32, #tpu.memory_space<vmem>>)
      %lt3A_106 = arith.cmpi slt, %add3A_96, %add3A_45 : i32
      %convert_element_type3A_107 = arith.extui %lt3A_106 : i1 to i32
      %cond3A_108 = arith.constant 0 : i32
      %cond3A_109 = arith.cmpi ne, %convert_element_type3A_107, %cond3A_108 : i32
      scf.if %cond3A_109 {
        %mul3A_434 = arith.constant 2560 : i32
        %mul3A_435 = arith.muli %add3A_96, %mul3A_434 : i32
        %dma_start3A_436 = arith.constant 0 : i32
        %dma_start3A_437 = tpu.memref_slice %arg2[%mul3A_435, %dma_start3A_436] : memref<1600000x16xf32, #tpu.memory_space<hbm>> -> memref<2560x16xf32, #tpu.memory_space<hbm>>
        %dma_start3A_438 = arith.constant 0 : i32
        %dma_start3A_439 = tpu.memref_slice %arg2[%mul3A_435, %dma_start3A_438] : memref<1600000x16xf32, #tpu.memory_space<hbm>> -> memref<2560x16xf32, #tpu.memory_space<hbm>>
        tpu.enqueue_dma source(%dma_start3A_439 : memref<2560x16xf32, #tpu.memory_space<hbm>>) target(%arg6 : memref<2560x16xf32, #tpu.memory_space<vmem>>) target_semaphore(%arg12 : memref<!tpu.dma_semaphore, #tpu.memory_space<semaphore_mem>>)
        %mul3A_440 = arith.constant 2560 : i32
        %mul3A_441 = arith.muli %add3A_96, %mul3A_440 : i32
        %dma_start3A_442 = tpu.memref_slice %arg3[%mul3A_441] : memref<1600000xi32, #tpu.memory_space<hbm>> -> memref<2560xi32, #tpu.memory_space<hbm>>
        %dma_start3A_443 = tpu.memref_slice %arg3[%mul3A_441] : memref<1600000xi32, #tpu.memory_space<hbm>> -> memref<2560xi32, #tpu.memory_space<hbm>>
        tpu.enqueue_dma source(%dma_start3A_443 : memref<2560xi32, #tpu.memory_space<hbm>>) target(%arg8 : memref<2560xi32, #tpu.memory_space<vmem>>) target_semaphore(%arg12 : memref<!tpu.dma_semaphore, #tpu.memory_space<semaphore_mem>>)
      } else {
      }
      %dma_start3A = arith.constant 0 : i32
      %dma_start3A_110 = arith.constant 0 : i32
      %dma_start3A_111 = tpu.memref_slice %arg5[%dma_start3A, %dma_start3A_110] : memref<2560x16xf32, #tpu.memory_space<vmem>> -> memref<128x16xf32, #tpu.memory_space<vmem>>
      %dma_start3A_112 = arith.constant 0 : i32
      %dma_start3A_113 = tpu.memref_slice %arg7[%dma_start3A_112] : memref<2560xi32, #tpu.memory_space<vmem>> -> memref<128xi32, #tpu.memory_space<vmem>>
      %dma_start3A_114 = arith.constant 0 : i32
      %dma_start3A_115 = arith.constant 0 : i32
      %dma_start3A_116 = tpu.memref_slice %arg10[%dma_start3A_114, %dma_start3A_115] : memref<4096x16xf32, #tpu.memory_space<vmem_shared>> -> memref<4096x16xf32, #tpu.memory_space<vmem_shared>>
      tpu.enqueue_indirect_dma source(%dma_start3A_111 : memref<128x16xf32, #tpu.memory_space<vmem>>) target(%dma_start3A_116 : memref<4096x16xf32, #tpu.memory_space<vmem_shared>>) offsets(%dma_start3A_113 : memref<128xi32, #tpu.memory_space<vmem>>) semaphore(%arg13 : memref<!tpu.dma_semaphore, #tpu.memory_space<semaphore_mem>>) {add = true}
      %dma_start3A_117 = arith.constant 128 : i32
      %dma_start3A_118 = arith.constant 0 : i32
      %dma_start3A_119 = tpu.memref_slice %arg5[%dma_start3A_117, %dma_start3A_118] : memref<2560x16xf32, #tpu.memory_space<vmem>> -> memref<128x16xf32, #tpu.memory_space<vmem>>
      %dma_start3A_120 = arith.constant 128 : i32
      %dma_start3A_121 = tpu.memref_slice %arg7[%dma_start3A_120] : memref<2560xi32, #tpu.memory_space<vmem>> -> memref<128xi32, #tpu.memory_space<vmem>>
      %dma_start3A_122 = arith.constant 0 : i32
      %dma_start3A_123 = arith.constant 0 : i32
      %dma_start3A_124 = tpu.memref_slice %arg10[%dma_start3A_122, %dma_start3A_123] : memref<4096x16xf32, #tpu.memory_space<vmem_shared>> -> memref<4096x16xf32, #tpu.memory_space<vmem_shared>>
      tpu.enqueue_indirect_dma source(%dma_start3A_119 : memref<128x16xf32, #tpu.memory_space<vmem>>) target(%dma_start3A_124 : memref<4096x16xf32, #tpu.memory_space<vmem_shared>>) offsets(%dma_start3A_121 : memref<128xi32, #tpu.memory_space<vmem>>) semaphore(%arg13 : memref<!tpu.dma_semaphore, #tpu.memory_space<semaphore_mem>>) {add = true}
      %dma_start3A_125 = arith.constant 256 : i32
      %dma_start3A_126 = arith.constant 0 : i32
      %dma_start3A_127 = tpu.memref_slice %arg5[%dma_start3A_125, %dma_start3A_126] : memref<2560x16xf32, #tpu.memory_space<vmem>> -> memref<128x16xf32, #tpu.memory_space<vmem>>
      %dma_start3A_128 = arith.constant 256 : i32
      %dma_start3A_129 = tpu.memref_slice %arg7[%dma_start3A_128] : memref<2560xi32, #tpu.memory_space<vmem>> -> memref<128xi32, #tpu.memory_space<vmem>>
      %dma_start3A_130 = arith.constant 0 : i32
      %dma_start3A_131 = arith.constant 0 : i32
      %dma_start3A_132 = tpu.memref_slice %arg10[%dma_start3A_130, %dma_start3A_131] : memref<4096x16xf32, #tpu.memory_space<vmem_shared>> -> memref<4096x16xf32, #tpu.memory_space<vmem_shared>>
      tpu.enqueue_indirect_dma source(%dma_start3A_127 : memref<128x16xf32, #tpu.memory_space<vmem>>) target(%dma_start3A_132 : memref<4096x16xf32, #tpu.memory_space<vmem_shared>>) offsets(%dma_start3A_129 : memref<128xi32, #tpu.memory_space<vmem>>) semaphore(%arg13 : memref<!tpu.dma_semaphore, #tpu.memory_space<semaphore_mem>>) {add = true}
      %dma_start3A_133 = arith.constant 384 : i32
      %dma_start3A_134 = arith.constant 0 : i32
      %dma_start3A_135 = tpu.memref_slice %arg5[%dma_start3A_133, %dma_start3A_134] : memref<2560x16xf32, #tpu.memory_space<vmem>> -> memref<128x16xf32, #tpu.memory_space<vmem>>
      %dma_start3A_136 = arith.constant 384 : i32
      %dma_start3A_137 = tpu.memref_slice %arg7[%dma_start3A_136] : memref<2560xi32, #tpu.memory_space<vmem>> -> memref<128xi32, #tpu.memory_space<vmem>>
      %dma_start3A_138 = arith.constant 0 : i32
      %dma_start3A_139 = arith.constant 0 : i32
      %dma_start3A_140 = tpu.memref_slice %arg10[%dma_start3A_138, %dma_start3A_139] : memref<4096x16xf32, #tpu.memory_space<vmem_shared>> -> memref<4096x16xf32, #tpu.memory_space<vmem_shared>>
      tpu.enqueue_indirect_dma source(%dma_start3A_135 : memref<128x16xf32, #tpu.memory_space<vmem>>) target(%dma_start3A_140 : memref<4096x16xf32, #tpu.memory_space<vmem_shared>>) offsets(%dma_start3A_137 : memref<128xi32, #tpu.memory_space<vmem>>) semaphore(%arg13 : memref<!tpu.dma_semaphore, #tpu.memory_space<semaphore_mem>>) {add = true}
      %dma_start3A_141 = arith.constant 512 : i32
      %dma_start3A_142 = arith.constant 0 : i32
      %dma_start3A_143 = tpu.memref_slice %arg5[%dma_start3A_141, %dma_start3A_142] : memref<2560x16xf32, #tpu.memory_space<vmem>> -> memref<128x16xf32, #tpu.memory_space<vmem>>
      %dma_start3A_144 = arith.constant 512 : i32
      %dma_start3A_145 = tpu.memref_slice %arg7[%dma_start3A_144] : memref<2560xi32, #tpu.memory_space<vmem>> -> memref<128xi32, #tpu.memory_space<vmem>>
      %dma_start3A_146 = arith.constant 0 : i32
      %dma_start3A_147 = arith.constant 0 : i32
      %dma_start3A_148 = tpu.memref_slice %arg10[%dma_start3A_146, %dma_start3A_147] : memref<4096x16xf32, #tpu.memory_space<vmem_shared>> -> memref<4096x16xf32, #tpu.memory_space<vmem_shared>>
      tpu.enqueue_indirect_dma source(%dma_start3A_143 : memref<128x16xf32, #tpu.memory_space<vmem>>) target(%dma_start3A_148 : memref<4096x16xf32, #tpu.memory_space<vmem_shared>>) offsets(%dma_start3A_145 : memref<128xi32, #tpu.memory_space<vmem>>) semaphore(%arg13 : memref<!tpu.dma_semaphore, #tpu.memory_space<semaphore_mem>>) {add = true}
      %dma_start3A_149 = arith.constant 640 : i32
      %dma_start3A_150 = arith.constant 0 : i32
      %dma_start3A_151 = tpu.memref_slice %arg5[%dma_start3A_149, %dma_start3A_150] : memref<2560x16xf32, #tpu.memory_space<vmem>> -> memref<128x16xf32, #tpu.memory_space<vmem>>
      %dma_start3A_152 = arith.constant 640 : i32
      %dma_start3A_153 = tpu.memref_slice %arg7[%dma_start3A_152] : memref<2560xi32, #tpu.memory_space<vmem>> -> memref<128xi32, #tpu.memory_space<vmem>>
      %dma_start3A_154 = arith.constant 0 : i32
      %dma_start3A_155 = arith.constant 0 : i32
      %dma_start3A_156 = tpu.memref_slice %arg10[%dma_start3A_154, %dma_start3A_155] : memref<4096x16xf32, #tpu.memory_space<vmem_shared>> -> memref<4096x16xf32, #tpu.memory_space<vmem_shared>>
      tpu.enqueue_indirect_dma source(%dma_start3A_151 : memref<128x16xf32, #tpu.memory_space<vmem>>) target(%dma_start3A_156 : memref<4096x16xf32, #tpu.memory_space<vmem_shared>>) offsets(%dma_start3A_153 : memref<128xi32, #tpu.memory_space<vmem>>) semaphore(%arg13 : memref<!tpu.dma_semaphore, #tpu.memory_space<semaphore_mem>>) {add = true}
      %dma_start3A_157 = arith.constant 768 : i32
      %dma_start3A_158 = arith.constant 0 : i32
      %dma_start3A_159 = tpu.memref_slice %arg5[%dma_start3A_157, %dma_start3A_158] : memref<2560x16xf32, #tpu.memory_space<vmem>> -> memref<128x16xf32, #tpu.memory_space<vmem>>
      %dma_start3A_160 = arith.constant 768 : i32
      %dma_start3A_161 = tpu.memref_slice %arg7[%dma_start3A_160] : memref<2560xi32, #tpu.memory_space<vmem>> -> memref<128xi32, #tpu.memory_space<vmem>>
      %dma_start3A_162 = arith.constant 0 : i32
      %dma_start3A_163 = arith.constant 0 : i32
      %dma_start3A_164 = tpu.memref_slice %arg10[%dma_start3A_162, %dma_start3A_163] : memref<4096x16xf32, #tpu.memory_space<vmem_shared>> -> memref<4096x16xf32, #tpu.memory_space<vmem_shared>>
      tpu.enqueue_indirect_dma source(%dma_start3A_159 : memref<128x16xf32, #tpu.memory_space<vmem>>) target(%dma_start3A_164 : memref<4096x16xf32, #tpu.memory_space<vmem_shared>>) offsets(%dma_start3A_161 : memref<128xi32, #tpu.memory_space<vmem>>) semaphore(%arg13 : memref<!tpu.dma_semaphore, #tpu.memory_space<semaphore_mem>>) {add = true}
      %dma_start3A_165 = arith.constant 896 : i32
      %dma_start3A_166 = arith.constant 0 : i32
      %dma_start3A_167 = tpu.memref_slice %arg5[%dma_start3A_165, %dma_start3A_166] : memref<2560x16xf32, #tpu.memory_space<vmem>> -> memref<128x16xf32, #tpu.memory_space<vmem>>
      %dma_start3A_168 = arith.constant 896 : i32
      %dma_start3A_169 = tpu.memref_slice %arg7[%dma_start3A_168] : memref<2560xi32, #tpu.memory_space<vmem>> -> memref<128xi32, #tpu.memory_space<vmem>>
      %dma_start3A_170 = arith.constant 0 : i32
      %dma_start3A_171 = arith.constant 0 : i32
      %dma_start3A_172 = tpu.memref_slice %arg10[%dma_start3A_170, %dma_start3A_171] : memref<4096x16xf32, #tpu.memory_space<vmem_shared>> -> memref<4096x16xf32, #tpu.memory_space<vmem_shared>>
      tpu.enqueue_indirect_dma source(%dma_start3A_167 : memref<128x16xf32, #tpu.memory_space<vmem>>) target(%dma_start3A_172 : memref<4096x16xf32, #tpu.memory_space<vmem_shared>>) offsets(%dma_start3A_169 : memref<128xi32, #tpu.memory_space<vmem>>) semaphore(%arg13 : memref<!tpu.dma_semaphore, #tpu.memory_space<semaphore_mem>>) {add = true}
      %dma_start3A_173 = arith.constant 1024 : i32
      %dma_start3A_174 = arith.constant 0 : i32
      %dma_start3A_175 = tpu.memref_slice %arg5[%dma_start3A_173, %dma_start3A_174] : memref<2560x16xf32, #tpu.memory_space<vmem>> -> memref<128x16xf32, #tpu.memory_space<vmem>>
      %dma_start3A_176 = arith.constant 1024 : i32
      %dma_start3A_177 = tpu.memref_slice %arg7[%dma_start3A_176] : memref<2560xi32, #tpu.memory_space<vmem>> -> memref<128xi32, #tpu.memory_space<vmem>>
      %dma_start3A_178 = arith.constant 0 : i32
      %dma_start3A_179 = arith.constant 0 : i32
      %dma_start3A_180 = tpu.memref_slice %arg10[%dma_start3A_178, %dma_start3A_179] : memref<4096x16xf32, #tpu.memory_space<vmem_shared>> -> memref<4096x16xf32, #tpu.memory_space<vmem_shared>>
      tpu.enqueue_indirect_dma source(%dma_start3A_175 : memref<128x16xf32, #tpu.memory_space<vmem>>) target(%dma_start3A_180 : memref<4096x16xf32, #tpu.memory_space<vmem_shared>>) offsets(%dma_start3A_177 : memref<128xi32, #tpu.memory_space<vmem>>) semaphore(%arg13 : memref<!tpu.dma_semaphore, #tpu.memory_space<semaphore_mem>>) {add = true}
      %dma_start3A_181 = arith.constant 1152 : i32
      %dma_start3A_182 = arith.constant 0 : i32
      %dma_start3A_183 = tpu.memref_slice %arg5[%dma_start3A_181, %dma_start3A_182] : memref<2560x16xf32, #tpu.memory_space<vmem>> -> memref<128x16xf32, #tpu.memory_space<vmem>>
      %dma_start3A_184 = arith.constant 1152 : i32
      %dma_start3A_185 = tpu.memref_slice %arg7[%dma_start3A_184] : memref<2560xi32, #tpu.memory_space<vmem>> -> memref<128xi32, #tpu.memory_space<vmem>>
      %dma_start3A_186 = arith.constant 0 : i32
      %dma_start3A_187 = arith.constant 0 : i32
      %dma_start3A_188 = tpu.memref_slice %arg10[%dma_start3A_186, %dma_start3A_187] : memref<4096x16xf32, #tpu.memory_space<vmem_shared>> -> memref<4096x16xf32, #tpu.memory_space<vmem_shared>>
      tpu.enqueue_indirect_dma source(%dma_start3A_183 : memref<128x16xf32, #tpu.memory_space<vmem>>) target(%dma_start3A_188 : memref<4096x16xf32, #tpu.memory_space<vmem_shared>>) offsets(%dma_start3A_185 : memref<128xi32, #tpu.memory_space<vmem>>) semaphore(%arg13 : memref<!tpu.dma_semaphore, #tpu.memory_space<semaphore_mem>>) {add = true}
      %dma_start3A_189 = arith.constant 1280 : i32
      %dma_start3A_190 = arith.constant 0 : i32
      %dma_start3A_191 = tpu.memref_slice %arg5[%dma_start3A_189, %dma_start3A_190] : memref<2560x16xf32, #tpu.memory_space<vmem>> -> memref<128x16xf32, #tpu.memory_space<vmem>>
      %dma_start3A_192 = arith.constant 1280 : i32
      %dma_start3A_193 = tpu.memref_slice %arg7[%dma_start3A_192] : memref<2560xi32, #tpu.memory_space<vmem>> -> memref<128xi32, #tpu.memory_space<vmem>>
      %dma_start3A_194 = arith.constant 0 : i32
      %dma_start3A_195 = arith.constant 0 : i32
      %dma_start3A_196 = tpu.memref_slice %arg10[%dma_start3A_194, %dma_start3A_195] : memref<4096x16xf32, #tpu.memory_space<vmem_shared>> -> memref<4096x16xf32, #tpu.memory_space<vmem_shared>>
      tpu.enqueue_indirect_dma source(%dma_start3A_191 : memref<128x16xf32, #tpu.memory_space<vmem>>) target(%dma_start3A_196 : memref<4096x16xf32, #tpu.memory_space<vmem_shared>>) offsets(%dma_start3A_193 : memref<128xi32, #tpu.memory_space<vmem>>) semaphore(%arg13 : memref<!tpu.dma_semaphore, #tpu.memory_space<semaphore_mem>>) {add = true}
      %dma_start3A_197 = arith.constant 1408 : i32
      %dma_start3A_198 = arith.constant 0 : i32
      %dma_start3A_199 = tpu.memref_slice %arg5[%dma_start3A_197, %dma_start3A_198] : memref<2560x16xf32, #tpu.memory_space<vmem>> -> memref<128x16xf32, #tpu.memory_space<vmem>>
      %dma_start3A_200 = arith.constant 1408 : i32
      %dma_start3A_201 = tpu.memref_slice %arg7[%dma_start3A_200] : memref<2560xi32, #tpu.memory_space<vmem>> -> memref<128xi32, #tpu.memory_space<vmem>>
      %dma_start3A_202 = arith.constant 0 : i32
      %dma_start3A_203 = arith.constant 0 : i32
      %dma_start3A_204 = tpu.memref_slice %arg10[%dma_start3A_202, %dma_start3A_203] : memref<4096x16xf32, #tpu.memory_space<vmem_shared>> -> memref<4096x16xf32, #tpu.memory_space<vmem_shared>>
      tpu.enqueue_indirect_dma source(%dma_start3A_199 : memref<128x16xf32, #tpu.memory_space<vmem>>) target(%dma_start3A_204 : memref<4096x16xf32, #tpu.memory_space<vmem_shared>>) offsets(%dma_start3A_201 : memref<128xi32, #tpu.memory_space<vmem>>) semaphore(%arg13 : memref<!tpu.dma_semaphore, #tpu.memory_space<semaphore_mem>>) {add = true}
      %dma_start3A_205 = arith.constant 1536 : i32
      %dma_start3A_206 = arith.constant 0 : i32
      %dma_start3A_207 = tpu.memref_slice %arg5[%dma_start3A_205, %dma_start3A_206] : memref<2560x16xf32, #tpu.memory_space<vmem>> -> memref<128x16xf32, #tpu.memory_space<vmem>>
      %dma_start3A_208 = arith.constant 1536 : i32
      %dma_start3A_209 = tpu.memref_slice %arg7[%dma_start3A_208] : memref<2560xi32, #tpu.memory_space<vmem>> -> memref<128xi32, #tpu.memory_space<vmem>>
      %dma_start3A_210 = arith.constant 0 : i32
      %dma_start3A_211 = arith.constant 0 : i32
      %dma_start3A_212 = tpu.memref_slice %arg10[%dma_start3A_210, %dma_start3A_211] : memref<4096x16xf32, #tpu.memory_space<vmem_shared>> -> memref<4096x16xf32, #tpu.memory_space<vmem_shared>>
      tpu.enqueue_indirect_dma source(%dma_start3A_207 : memref<128x16xf32, #tpu.memory_space<vmem>>) target(%dma_start3A_212 : memref<4096x16xf32, #tpu.memory_space<vmem_shared>>) offsets(%dma_start3A_209 : memref<128xi32, #tpu.memory_space<vmem>>) semaphore(%arg13 : memref<!tpu.dma_semaphore, #tpu.memory_space<semaphore_mem>>) {add = true}
      %dma_start3A_213 = arith.constant 1664 : i32
      %dma_start3A_214 = arith.constant 0 : i32
      %dma_start3A_215 = tpu.memref_slice %arg5[%dma_start3A_213, %dma_start3A_214] : memref<2560x16xf32, #tpu.memory_space<vmem>> -> memref<128x16xf32, #tpu.memory_space<vmem>>
      %dma_start3A_216 = arith.constant 1664 : i32
      %dma_start3A_217 = tpu.memref_slice %arg7[%dma_start3A_216] : memref<2560xi32, #tpu.memory_space<vmem>> -> memref<128xi32, #tpu.memory_space<vmem>>
      %dma_start3A_218 = arith.constant 0 : i32
      %dma_start3A_219 = arith.constant 0 : i32
      %dma_start3A_220 = tpu.memref_slice %arg10[%dma_start3A_218, %dma_start3A_219] : memref<4096x16xf32, #tpu.memory_space<vmem_shared>> -> memref<4096x16xf32, #tpu.memory_space<vmem_shared>>
      tpu.enqueue_indirect_dma source(%dma_start3A_215 : memref<128x16xf32, #tpu.memory_space<vmem>>) target(%dma_start3A_220 : memref<4096x16xf32, #tpu.memory_space<vmem_shared>>) offsets(%dma_start3A_217 : memref<128xi32, #tpu.memory_space<vmem>>) semaphore(%arg13 : memref<!tpu.dma_semaphore, #tpu.memory_space<semaphore_mem>>) {add = true}
      %dma_start3A_221 = arith.constant 1792 : i32
      %dma_start3A_222 = arith.constant 0 : i32
      %dma_start3A_223 = tpu.memref_slice %arg5[%dma_start3A_221, %dma_start3A_222] : memref<2560x16xf32, #tpu.memory_space<vmem>> -> memref<128x16xf32, #tpu.memory_space<vmem>>
      %dma_start3A_224 = arith.constant 1792 : i32
      %dma_start3A_225 = tpu.memref_slice %arg7[%dma_start3A_224] : memref<2560xi32, #tpu.memory_space<vmem>> -> memref<128xi32, #tpu.memory_space<vmem>>
      %dma_start3A_226 = arith.constant 0 : i32
      %dma_start3A_227 = arith.constant 0 : i32
      %dma_start3A_228 = tpu.memref_slice %arg10[%dma_start3A_226, %dma_start3A_227] : memref<4096x16xf32, #tpu.memory_space<vmem_shared>> -> memref<4096x16xf32, #tpu.memory_space<vmem_shared>>
      tpu.enqueue_indirect_dma source(%dma_start3A_223 : memref<128x16xf32, #tpu.memory_space<vmem>>) target(%dma_start3A_228 : memref<4096x16xf32, #tpu.memory_space<vmem_shared>>) offsets(%dma_start3A_225 : memref<128xi32, #tpu.memory_space<vmem>>) semaphore(%arg13 : memref<!tpu.dma_semaphore, #tpu.memory_space<semaphore_mem>>) {add = true}
      %dma_start3A_229 = arith.constant 1920 : i32
      %dma_start3A_230 = arith.constant 0 : i32
      %dma_start3A_231 = tpu.memref_slice %arg5[%dma_start3A_229, %dma_start3A_230] : memref<2560x16xf32, #tpu.memory_space<vmem>> -> memref<128x16xf32, #tpu.memory_space<vmem>>
      %dma_start3A_232 = arith.constant 1920 : i32
      %dma_start3A_233 = tpu.memref_slice %arg7[%dma_start3A_232] : memref<2560xi32, #tpu.memory_space<vmem>> -> memref<128xi32, #tpu.memory_space<vmem>>
      %dma_start3A_234 = arith.constant 0 : i32
      %dma_start3A_235 = arith.constant 0 : i32
      %dma_start3A_236 = tpu.memref_slice %arg10[%dma_start3A_234, %dma_start3A_235] : memref<4096x16xf32, #tpu.memory_space<vmem_shared>> -> memref<4096x16xf32, #tpu.memory_space<vmem_shared>>
      tpu.enqueue_indirect_dma source(%dma_start3A_231 : memref<128x16xf32, #tpu.memory_space<vmem>>) target(%dma_start3A_236 : memref<4096x16xf32, #tpu.memory_space<vmem_shared>>) offsets(%dma_start3A_233 : memref<128xi32, #tpu.memory_space<vmem>>) semaphore(%arg13 : memref<!tpu.dma_semaphore, #tpu.memory_space<semaphore_mem>>) {add = true}
      %dma_start3A_237 = arith.constant 2048 : i32
      %dma_start3A_238 = arith.constant 0 : i32
      %dma_start3A_239 = tpu.memref_slice %arg5[%dma_start3A_237, %dma_start3A_238] : memref<2560x16xf32, #tpu.memory_space<vmem>> -> memref<128x16xf32, #tpu.memory_space<vmem>>
      %dma_start3A_240 = arith.constant 2048 : i32
      %dma_start3A_241 = tpu.memref_slice %arg7[%dma_start3A_240] : memref<2560xi32, #tpu.memory_space<vmem>> -> memref<128xi32, #tpu.memory_space<vmem>>
      %dma_start3A_242 = arith.constant 0 : i32
      %dma_start3A_243 = arith.constant 0 : i32
      %dma_start3A_244 = tpu.memref_slice %arg10[%dma_start3A_242, %dma_start3A_243] : memref<4096x16xf32, #tpu.memory_space<vmem_shared>> -> memref<4096x16xf32, #tpu.memory_space<vmem_shared>>
      tpu.enqueue_indirect_dma source(%dma_start3A_239 : memref<128x16xf32, #tpu.memory_space<vmem>>) target(%dma_start3A_244 : memref<4096x16xf32, #tpu.memory_space<vmem_shared>>) offsets(%dma_start3A_241 : memref<128xi32, #tpu.memory_space<vmem>>) semaphore(%arg13 : memref<!tpu.dma_semaphore, #tpu.memory_space<semaphore_mem>>) {add = true}
      %dma_start3A_245 = arith.constant 2176 : i32
      %dma_start3A_246 = arith.constant 0 : i32
      %dma_start3A_247 = tpu.memref_slice %arg5[%dma_start3A_245, %dma_start3A_246] : memref<2560x16xf32, #tpu.memory_space<vmem>> -> memref<128x16xf32, #tpu.memory_space<vmem>>
      %dma_start3A_248 = arith.constant 2176 : i32
      %dma_start3A_249 = tpu.memref_slice %arg7[%dma_start3A_248] : memref<2560xi32, #tpu.memory_space<vmem>> -> memref<128xi32, #tpu.memory_space<vmem>>
      %dma_start3A_250 = arith.constant 0 : i32
      %dma_start3A_251 = arith.constant 0 : i32
      %dma_start3A_252 = tpu.memref_slice %arg10[%dma_start3A_250, %dma_start3A_251] : memref<4096x16xf32, #tpu.memory_space<vmem_shared>> -> memref<4096x16xf32, #tpu.memory_space<vmem_shared>>
      tpu.enqueue_indirect_dma source(%dma_start3A_247 : memref<128x16xf32, #tpu.memory_space<vmem>>) target(%dma_start3A_252 : memref<4096x16xf32, #tpu.memory_space<vmem_shared>>) offsets(%dma_start3A_249 : memref<128xi32, #tpu.memory_space<vmem>>) semaphore(%arg13 : memref<!tpu.dma_semaphore, #tpu.memory_space<semaphore_mem>>) {add = true}
      %dma_start3A_253 = arith.constant 2304 : i32
      %dma_start3A_254 = arith.constant 0 : i32
      %dma_start3A_255 = tpu.memref_slice %arg5[%dma_start3A_253, %dma_start3A_254] : memref<2560x16xf32, #tpu.memory_space<vmem>> -> memref<128x16xf32, #tpu.memory_space<vmem>>
      %dma_start3A_256 = arith.constant 2304 : i32
      %dma_start3A_257 = tpu.memref_slice %arg7[%dma_start3A_256] : memref<2560xi32, #tpu.memory_space<vmem>> -> memref<128xi32, #tpu.memory_space<vmem>>
      %dma_start3A_258 = arith.constant 0 : i32
      %dma_start3A_259 = arith.constant 0 : i32
      %dma_start3A_260 = tpu.memref_slice %arg10[%dma_start3A_258, %dma_start3A_259] : memref<4096x16xf32, #tpu.memory_space<vmem_shared>> -> memref<4096x16xf32, #tpu.memory_space<vmem_shared>>
      tpu.enqueue_indirect_dma source(%dma_start3A_255 : memref<128x16xf32, #tpu.memory_space<vmem>>) target(%dma_start3A_260 : memref<4096x16xf32, #tpu.memory_space<vmem_shared>>) offsets(%dma_start3A_257 : memref<128xi32, #tpu.memory_space<vmem>>) semaphore(%arg13 : memref<!tpu.dma_semaphore, #tpu.memory_space<semaphore_mem>>) {add = true}
      %dma_start3A_261 = arith.constant 2432 : i32
      %dma_start3A_262 = arith.constant 0 : i32
      %dma_start3A_263 = tpu.memref_slice %arg5[%dma_start3A_261, %dma_start3A_262] : memref<2560x16xf32, #tpu.memory_space<vmem>> -> memref<128x16xf32, #tpu.memory_space<vmem>>
      %dma_start3A_264 = arith.constant 2432 : i32
      %dma_start3A_265 = tpu.memref_slice %arg7[%dma_start3A_264] : memref<2560xi32, #tpu.memory_space<vmem>> -> memref<128xi32, #tpu.memory_space<vmem>>
      %dma_start3A_266 = arith.constant 0 : i32
      %dma_start3A_267 = arith.constant 0 : i32
      %dma_start3A_268 = tpu.memref_slice %arg10[%dma_start3A_266, %dma_start3A_267] : memref<4096x16xf32, #tpu.memory_space<vmem_shared>> -> memref<4096x16xf32, #tpu.memory_space<vmem_shared>>
      tpu.enqueue_indirect_dma source(%dma_start3A_263 : memref<128x16xf32, #tpu.memory_space<vmem>>) target(%dma_start3A_268 : memref<4096x16xf32, #tpu.memory_space<vmem_shared>>) offsets(%dma_start3A_265 : memref<128xi32, #tpu.memory_space<vmem>>) semaphore(%arg13 : memref<!tpu.dma_semaphore, #tpu.memory_space<semaphore_mem>>) {add = true}
      %dma_wait3A_269 = arith.constant 0 : i32
      %dma_wait3A_270 = arith.constant 0 : i32
      %dma_wait3A_271 = tpu.memref_slice %arg5[%dma_wait3A_269, %dma_wait3A_270] : memref<2560x16xf32, #tpu.memory_space<vmem>> -> memref<128x16xf32, #tpu.memory_space<vmem>>
      %dma_wait3A_272 = arith.constant 0 : i32
      %dma_wait3A_273 = tpu.memref_slice %arg7[%dma_wait3A_272] : memref<2560xi32, #tpu.memory_space<vmem>> -> memref<128xi32, #tpu.memory_space<vmem>>
      %dma_wait3A_274 = arith.constant 0 : i32
      %dma_wait3A_275 = arith.constant 0 : i32
      %dma_wait3A_276 = tpu.memref_slice %arg10[%dma_wait3A_274, %dma_wait3A_275] : memref<4096x16xf32, #tpu.memory_space<vmem_shared>> -> memref<4096x16xf32, #tpu.memory_space<vmem_shared>>
      tpu.wait_indirect_dma semaphore(%arg13 : memref<!tpu.dma_semaphore, #tpu.memory_space<semaphore_mem>>) src(%dma_wait3A_271 : memref<128x16xf32, #tpu.memory_space<vmem>>) dst(%dma_wait3A_276 : memref<4096x16xf32, #tpu.memory_space<vmem_shared>>)
      %dma_wait3A_277 = arith.constant 128 : i32
      %dma_wait3A_278 = arith.constant 0 : i32
      %dma_wait3A_279 = tpu.memref_slice %arg5[%dma_wait3A_277, %dma_wait3A_278] : memref<2560x16xf32, #tpu.memory_space<vmem>> -> memref<128x16xf32, #tpu.memory_space<vmem>>
      %dma_wait3A_280 = arith.constant 128 : i32
      %dma_wait3A_281 = tpu.memref_slice %arg7[%dma_wait3A_280] : memref<2560xi32, #tpu.memory_space<vmem>> -> memref<128xi32, #tpu.memory_space<vmem>>
      %dma_wait3A_282 = arith.constant 0 : i32
      %dma_wait3A_283 = arith.constant 0 : i32
      %dma_wait3A_284 = tpu.memref_slice %arg10[%dma_wait3A_282, %dma_wait3A_283] : memref<4096x16xf32, #tpu.memory_space<vmem_shared>> -> memref<4096x16xf32, #tpu.memory_space<vmem_shared>>
      tpu.wait_indirect_dma semaphore(%arg13 : memref<!tpu.dma_semaphore, #tpu.memory_space<semaphore_mem>>) src(%dma_wait3A_279 : memref<128x16xf32, #tpu.memory_space<vmem>>) dst(%dma_wait3A_284 : memref<4096x16xf32, #tpu.memory_space<vmem_shared>>)
      %dma_wait3A_285 = arith.constant 256 : i32
      %dma_wait3A_286 = arith.constant 0 : i32
      %dma_wait3A_287 = tpu.memref_slice %arg5[%dma_wait3A_285, %dma_wait3A_286] : memref<2560x16xf32, #tpu.memory_space<vmem>> -> memref<128x16xf32, #tpu.memory_space<vmem>>
      %dma_wait3A_288 = arith.constant 256 : i32
      %dma_wait3A_289 = tpu.memref_slice %arg7[%dma_wait3A_288] : memref<2560xi32, #tpu.memory_space<vmem>> -> memref<128xi32, #tpu.memory_space<vmem>>
      %dma_wait3A_290 = arith.constant 0 : i32
      %dma_wait3A_291 = arith.constant 0 : i32
      %dma_wait3A_292 = tpu.memref_slice %arg10[%dma_wait3A_290, %dma_wait3A_291] : memref<4096x16xf32, #tpu.memory_space<vmem_shared>> -> memref<4096x16xf32, #tpu.memory_space<vmem_shared>>
      tpu.wait_indirect_dma semaphore(%arg13 : memref<!tpu.dma_semaphore, #tpu.memory_space<semaphore_mem>>) src(%dma_wait3A_287 : memref<128x16xf32, #tpu.memory_space<vmem>>) dst(%dma_wait3A_292 : memref<4096x16xf32, #tpu.memory_space<vmem_shared>>)
      %dma_wait3A_293 = arith.constant 384 : i32
      %dma_wait3A_294 = arith.constant 0 : i32
      %dma_wait3A_295 = tpu.memref_slice %arg5[%dma_wait3A_293, %dma_wait3A_294] : memref<2560x16xf32, #tpu.memory_space<vmem>> -> memref<128x16xf32, #tpu.memory_space<vmem>>
      %dma_wait3A_296 = arith.constant 384 : i32
      %dma_wait3A_297 = tpu.memref_slice %arg7[%dma_wait3A_296] : memref<2560xi32, #tpu.memory_space<vmem>> -> memref<128xi32, #tpu.memory_space<vmem>>
      %dma_wait3A_298 = arith.constant 0 : i32
      %dma_wait3A_299 = arith.constant 0 : i32
      %dma_wait3A_300 = tpu.memref_slice %arg10[%dma_wait3A_298, %dma_wait3A_299] : memref<4096x16xf32, #tpu.memory_space<vmem_shared>> -> memref<4096x16xf32, #tpu.memory_space<vmem_shared>>
      tpu.wait_indirect_dma semaphore(%arg13 : memref<!tpu.dma_semaphore, #tpu.memory_space<semaphore_mem>>) src(%dma_wait3A_295 : memref<128x16xf32, #tpu.memory_space<vmem>>) dst(%dma_wait3A_300 : memref<4096x16xf32, #tpu.memory_space<vmem_shared>>)
      %dma_wait3A_301 = arith.constant 512 : i32
      %dma_wait3A_302 = arith.constant 0 : i32
      %dma_wait3A_303 = tpu.memref_slice %arg5[%dma_wait3A_301, %dma_wait3A_302] : memref<2560x16xf32, #tpu.memory_space<vmem>> -> memref<128x16xf32, #tpu.memory_space<vmem>>
      %dma_wait3A_304 = arith.constant 512 : i32
      %dma_wait3A_305 = tpu.memref_slice %arg7[%dma_wait3A_304] : memref<2560xi32, #tpu.memory_space<vmem>> -> memref<128xi32, #tpu.memory_space<vmem>>
      %dma_wait3A_306 = arith.constant 0 : i32
      %dma_wait3A_307 = arith.constant 0 : i32
      %dma_wait3A_308 = tpu.memref_slice %arg10[%dma_wait3A_306, %dma_wait3A_307] : memref<4096x16xf32, #tpu.memory_space<vmem_shared>> -> memref<4096x16xf32, #tpu.memory_space<vmem_shared>>
      tpu.wait_indirect_dma semaphore(%arg13 : memref<!tpu.dma_semaphore, #tpu.memory_space<semaphore_mem>>) src(%dma_wait3A_303 : memref<128x16xf32, #tpu.memory_space<vmem>>) dst(%dma_wait3A_308 : memref<4096x16xf32, #tpu.memory_space<vmem_shared>>)
      %dma_wait3A_309 = arith.constant 640 : i32
      %dma_wait3A_310 = arith.constant 0 : i32
      %dma_wait3A_311 = tpu.memref_slice %arg5[%dma_wait3A_309, %dma_wait3A_310] : memref<2560x16xf32, #tpu.memory_space<vmem>> -> memref<128x16xf32, #tpu.memory_space<vmem>>
      %dma_wait3A_312 = arith.constant 640 : i32
      %dma_wait3A_313 = tpu.memref_slice %arg7[%dma_wait3A_312] : memref<2560xi32, #tpu.memory_space<vmem>> -> memref<128xi32, #tpu.memory_space<vmem>>
      %dma_wait3A_314 = arith.constant 0 : i32
      %dma_wait3A_315 = arith.constant 0 : i32
      %dma_wait3A_316 = tpu.memref_slice %arg10[%dma_wait3A_314, %dma_wait3A_315] : memref<4096x16xf32, #tpu.memory_space<vmem_shared>> -> memref<4096x16xf32, #tpu.memory_space<vmem_shared>>
      tpu.wait_indirect_dma semaphore(%arg13 : memref<!tpu.dma_semaphore, #tpu.memory_space<semaphore_mem>>) src(%dma_wait3A_311 : memref<128x16xf32, #tpu.memory_space<vmem>>) dst(%dma_wait3A_316 : memref<4096x16xf32, #tpu.memory_space<vmem_shared>>)
      %dma_wait3A_317 = arith.constant 768 : i32
      %dma_wait3A_318 = arith.constant 0 : i32
      %dma_wait3A_319 = tpu.memref_slice %arg5[%dma_wait3A_317, %dma_wait3A_318] : memref<2560x16xf32, #tpu.memory_space<vmem>> -> memref<128x16xf32, #tpu.memory_space<vmem>>
      %dma_wait3A_320 = arith.constant 768 : i32
      %dma_wait3A_321 = tpu.memref_slice %arg7[%dma_wait3A_320] : memref<2560xi32, #tpu.memory_space<vmem>> -> memref<128xi32, #tpu.memory_space<vmem>>
      %dma_wait3A_322 = arith.constant 0 : i32
      %dma_wait3A_323 = arith.constant 0 : i32
      %dma_wait3A_324 = tpu.memref_slice %arg10[%dma_wait3A_322, %dma_wait3A_323] : memref<4096x16xf32, #tpu.memory_space<vmem_shared>> -> memref<4096x16xf32, #tpu.memory_space<vmem_shared>>
      tpu.wait_indirect_dma semaphore(%arg13 : memref<!tpu.dma_semaphore, #tpu.memory_space<semaphore_mem>>) src(%dma_wait3A_319 : memref<128x16xf32, #tpu.memory_space<vmem>>) dst(%dma_wait3A_324 : memref<4096x16xf32, #tpu.memory_space<vmem_shared>>)
      %dma_wait3A_325 = arith.constant 896 : i32
      %dma_wait3A_326 = arith.constant 0 : i32
      %dma_wait3A_327 = tpu.memref_slice %arg5[%dma_wait3A_325, %dma_wait3A_326] : memref<2560x16xf32, #tpu.memory_space<vmem>> -> memref<128x16xf32, #tpu.memory_space<vmem>>
      %dma_wait3A_328 = arith.constant 896 : i32
      %dma_wait3A_329 = tpu.memref_slice %arg7[%dma_wait3A_328] : memref<2560xi32, #tpu.memory_space<vmem>> -> memref<128xi32, #tpu.memory_space<vmem>>
      %dma_wait3A_330 = arith.constant 0 : i32
      %dma_wait3A_331 = arith.constant 0 : i32
      %dma_wait3A_332 = tpu.memref_slice %arg10[%dma_wait3A_330, %dma_wait3A_331] : memref<4096x16xf32, #tpu.memory_space<vmem_shared>> -> memref<4096x16xf32, #tpu.memory_space<vmem_shared>>
      tpu.wait_indirect_dma semaphore(%arg13 : memref<!tpu.dma_semaphore, #tpu.memory_space<semaphore_mem>>) src(%dma_wait3A_327 : memref<128x16xf32, #tpu.memory_space<vmem>>) dst(%dma_wait3A_332 : memref<4096x16xf32, #tpu.memory_space<vmem_shared>>)
      %dma_wait3A_333 = arith.constant 1024 : i32
      %dma_wait3A_334 = arith.constant 0 : i32
      %dma_wait3A_335 = tpu.memref_slice %arg5[%dma_wait3A_333, %dma_wait3A_334] : memref<2560x16xf32, #tpu.memory_space<vmem>> -> memref<128x16xf32, #tpu.memory_space<vmem>>
      %dma_wait3A_336 = arith.constant 1024 : i32
      %dma_wait3A_337 = tpu.memref_slice %arg7[%dma_wait3A_336] : memref<2560xi32, #tpu.memory_space<vmem>> -> memref<128xi32, #tpu.memory_space<vmem>>
      %dma_wait3A_338 = arith.constant 0 : i32
      %dma_wait3A_339 = arith.constant 0 : i32
      %dma_wait3A_340 = tpu.memref_slice %arg10[%dma_wait3A_338, %dma_wait3A_339] : memref<4096x16xf32, #tpu.memory_space<vmem_shared>> -> memref<4096x16xf32, #tpu.memory_space<vmem_shared>>
      tpu.wait_indirect_dma semaphore(%arg13 : memref<!tpu.dma_semaphore, #tpu.memory_space<semaphore_mem>>) src(%dma_wait3A_335 : memref<128x16xf32, #tpu.memory_space<vmem>>) dst(%dma_wait3A_340 : memref<4096x16xf32, #tpu.memory_space<vmem_shared>>)
      %dma_wait3A_341 = arith.constant 1152 : i32
      %dma_wait3A_342 = arith.constant 0 : i32
      %dma_wait3A_343 = tpu.memref_slice %arg5[%dma_wait3A_341, %dma_wait3A_342] : memref<2560x16xf32, #tpu.memory_space<vmem>> -> memref<128x16xf32, #tpu.memory_space<vmem>>
      %dma_wait3A_344 = arith.constant 1152 : i32
      %dma_wait3A_345 = tpu.memref_slice %arg7[%dma_wait3A_344] : memref<2560xi32, #tpu.memory_space<vmem>> -> memref<128xi32, #tpu.memory_space<vmem>>
      %dma_wait3A_346 = arith.constant 0 : i32
      %dma_wait3A_347 = arith.constant 0 : i32
      %dma_wait3A_348 = tpu.memref_slice %arg10[%dma_wait3A_346, %dma_wait3A_347] : memref<4096x16xf32, #tpu.memory_space<vmem_shared>> -> memref<4096x16xf32, #tpu.memory_space<vmem_shared>>
      tpu.wait_indirect_dma semaphore(%arg13 : memref<!tpu.dma_semaphore, #tpu.memory_space<semaphore_mem>>) src(%dma_wait3A_343 : memref<128x16xf32, #tpu.memory_space<vmem>>) dst(%dma_wait3A_348 : memref<4096x16xf32, #tpu.memory_space<vmem_shared>>)
      %dma_wait3A_349 = arith.constant 1280 : i32
      %dma_wait3A_350 = arith.constant 0 : i32
      %dma_wait3A_351 = tpu.memref_slice %arg5[%dma_wait3A_349, %dma_wait3A_350] : memref<2560x16xf32, #tpu.memory_space<vmem>> -> memref<128x16xf32, #tpu.memory_space<vmem>>
      %dma_wait3A_352 = arith.constant 1280 : i32
      %dma_wait3A_353 = tpu.memref_slice %arg7[%dma_wait3A_352] : memref<2560xi32, #tpu.memory_space<vmem>> -> memref<128xi32, #tpu.memory_space<vmem>>
      %dma_wait3A_354 = arith.constant 0 : i32
      %dma_wait3A_355 = arith.constant 0 : i32
      %dma_wait3A_356 = tpu.memref_slice %arg10[%dma_wait3A_354, %dma_wait3A_355] : memref<4096x16xf32, #tpu.memory_space<vmem_shared>> -> memref<4096x16xf32, #tpu.memory_space<vmem_shared>>
      tpu.wait_indirect_dma semaphore(%arg13 : memref<!tpu.dma_semaphore, #tpu.memory_space<semaphore_mem>>) src(%dma_wait3A_351 : memref<128x16xf32, #tpu.memory_space<vmem>>) dst(%dma_wait3A_356 : memref<4096x16xf32, #tpu.memory_space<vmem_shared>>)
      %dma_wait3A_357 = arith.constant 1408 : i32
      %dma_wait3A_358 = arith.constant 0 : i32
      %dma_wait3A_359 = tpu.memref_slice %arg5[%dma_wait3A_357, %dma_wait3A_358] : memref<2560x16xf32, #tpu.memory_space<vmem>> -> memref<128x16xf32, #tpu.memory_space<vmem>>
      %dma_wait3A_360 = arith.constant 1408 : i32
      %dma_wait3A_361 = tpu.memref_slice %arg7[%dma_wait3A_360] : memref<2560xi32, #tpu.memory_space<vmem>> -> memref<128xi32, #tpu.memory_space<vmem>>
      %dma_wait3A_362 = arith.constant 0 : i32
      %dma_wait3A_363 = arith.constant 0 : i32
      %dma_wait3A_364 = tpu.memref_slice %arg10[%dma_wait3A_362, %dma_wait3A_363] : memref<4096x16xf32, #tpu.memory_space<vmem_shared>> -> memref<4096x16xf32, #tpu.memory_space<vmem_shared>>
      tpu.wait_indirect_dma semaphore(%arg13 : memref<!tpu.dma_semaphore, #tpu.memory_space<semaphore_mem>>) src(%dma_wait3A_359 : memref<128x16xf32, #tpu.memory_space<vmem>>) dst(%dma_wait3A_364 : memref<4096x16xf32, #tpu.memory_space<vmem_shared>>)
      %dma_wait3A_365 = arith.constant 1536 : i32
      %dma_wait3A_366 = arith.constant 0 : i32
      %dma_wait3A_367 = tpu.memref_slice %arg5[%dma_wait3A_365, %dma_wait3A_366] : memref<2560x16xf32, #tpu.memory_space<vmem>> -> memref<128x16xf32, #tpu.memory_space<vmem>>
      %dma_wait3A_368 = arith.constant 1536 : i32
      %dma_wait3A_369 = tpu.memref_slice %arg7[%dma_wait3A_368] : memref<2560xi32, #tpu.memory_space<vmem>> -> memref<128xi32, #tpu.memory_space<vmem>>
      %dma_wait3A_370 = arith.constant 0 : i32
      %dma_wait3A_371 = arith.constant 0 : i32
      %dma_wait3A_372 = tpu.memref_slice %arg10[%dma_wait3A_370, %dma_wait3A_371] : memref<4096x16xf32, #tpu.memory_space<vmem_shared>> -> memref<4096x16xf32, #tpu.memory_space<vmem_shared>>
      tpu.wait_indirect_dma semaphore(%arg13 : memref<!tpu.dma_semaphore, #tpu.memory_space<semaphore_mem>>) src(%dma_wait3A_367 : memref<128x16xf32, #tpu.memory_space<vmem>>) dst(%dma_wait3A_372 : memref<4096x16xf32, #tpu.memory_space<vmem_shared>>)
      %dma_wait3A_373 = arith.constant 1664 : i32
      %dma_wait3A_374 = arith.constant 0 : i32
      %dma_wait3A_375 = tpu.memref_slice %arg5[%dma_wait3A_373, %dma_wait3A_374] : memref<2560x16xf32, #tpu.memory_space<vmem>> -> memref<128x16xf32, #tpu.memory_space<vmem>>
      %dma_wait3A_376 = arith.constant 1664 : i32
      %dma_wait3A_377 = tpu.memref_slice %arg7[%dma_wait3A_376] : memref<2560xi32, #tpu.memory_space<vmem>> -> memref<128xi32, #tpu.memory_space<vmem>>
      %dma_wait3A_378 = arith.constant 0 : i32
      %dma_wait3A_379 = arith.constant 0 : i32
      %dma_wait3A_380 = tpu.memref_slice %arg10[%dma_wait3A_378, %dma_wait3A_379] : memref<4096x16xf32, #tpu.memory_space<vmem_shared>> -> memref<4096x16xf32, #tpu.memory_space<vmem_shared>>
      tpu.wait_indirect_dma semaphore(%arg13 : memref<!tpu.dma_semaphore, #tpu.memory_space<semaphore_mem>>) src(%dma_wait3A_375 : memref<128x16xf32, #tpu.memory_space<vmem>>) dst(%dma_wait3A_380 : memref<4096x16xf32, #tpu.memory_space<vmem_shared>>)
      %dma_wait3A_381 = arith.constant 1792 : i32
      %dma_wait3A_382 = arith.constant 0 : i32
      %dma_wait3A_383 = tpu.memref_slice %arg5[%dma_wait3A_381, %dma_wait3A_382] : memref<2560x16xf32, #tpu.memory_space<vmem>> -> memref<128x16xf32, #tpu.memory_space<vmem>>
      %dma_wait3A_384 = arith.constant 1792 : i32
      %dma_wait3A_385 = tpu.memref_slice %arg7[%dma_wait3A_384] : memref<2560xi32, #tpu.memory_space<vmem>> -> memref<128xi32, #tpu.memory_space<vmem>>
      %dma_wait3A_386 = arith.constant 0 : i32
      %dma_wait3A_387 = arith.constant 0 : i32
      %dma_wait3A_388 = tpu.memref_slice %arg10[%dma_wait3A_386, %dma_wait3A_387] : memref<4096x16xf32, #tpu.memory_space<vmem_shared>> -> memref<4096x16xf32, #tpu.memory_space<vmem_shared>>
      tpu.wait_indirect_dma semaphore(%arg13 : memref<!tpu.dma_semaphore, #tpu.memory_space<semaphore_mem>>) src(%dma_wait3A_383 : memref<128x16xf32, #tpu.memory_space<vmem>>) dst(%dma_wait3A_388 : memref<4096x16xf32, #tpu.memory_space<vmem_shared>>)
      %dma_wait3A_389 = arith.constant 1920 : i32
      %dma_wait3A_390 = arith.constant 0 : i32
      %dma_wait3A_391 = tpu.memref_slice %arg5[%dma_wait3A_389, %dma_wait3A_390] : memref<2560x16xf32, #tpu.memory_space<vmem>> -> memref<128x16xf32, #tpu.memory_space<vmem>>
      %dma_wait3A_392 = arith.constant 1920 : i32
      %dma_wait3A_393 = tpu.memref_slice %arg7[%dma_wait3A_392] : memref<2560xi32, #tpu.memory_space<vmem>> -> memref<128xi32, #tpu.memory_space<vmem>>
      %dma_wait3A_394 = arith.constant 0 : i32
      %dma_wait3A_395 = arith.constant 0 : i32
      %dma_wait3A_396 = tpu.memref_slice %arg10[%dma_wait3A_394, %dma_wait3A_395] : memref<4096x16xf32, #tpu.memory_space<vmem_shared>> -> memref<4096x16xf32, #tpu.memory_space<vmem_shared>>
      tpu.wait_indirect_dma semaphore(%arg13 : memref<!tpu.dma_semaphore, #tpu.memory_space<semaphore_mem>>) src(%dma_wait3A_391 : memref<128x16xf32, #tpu.memory_space<vmem>>) dst(%dma_wait3A_396 : memref<4096x16xf32, #tpu.memory_space<vmem_shared>>)
      %dma_wait3A_397 = arith.constant 2048 : i32
      %dma_wait3A_398 = arith.constant 0 : i32
      %dma_wait3A_399 = tpu.memref_slice %arg5[%dma_wait3A_397, %dma_wait3A_398] : memref<2560x16xf32, #tpu.memory_space<vmem>> -> memref<128x16xf32, #tpu.memory_space<vmem>>
      %dma_wait3A_400 = arith.constant 2048 : i32
      %dma_wait3A_401 = tpu.memref_slice %arg7[%dma_wait3A_400] : memref<2560xi32, #tpu.memory_space<vmem>> -> memref<128xi32, #tpu.memory_space<vmem>>
      %dma_wait3A_402 = arith.constant 0 : i32
      %dma_wait3A_403 = arith.constant 0 : i32
      %dma_wait3A_404 = tpu.memref_slice %arg10[%dma_wait3A_402, %dma_wait3A_403] : memref<4096x16xf32, #tpu.memory_space<vmem_shared>> -> memref<4096x16xf32, #tpu.memory_space<vmem_shared>>
      tpu.wait_indirect_dma semaphore(%arg13 : memref<!tpu.dma_semaphore, #tpu.memory_space<semaphore_mem>>) src(%dma_wait3A_399 : memref<128x16xf32, #tpu.memory_space<vmem>>) dst(%dma_wait3A_404 : memref<4096x16xf32, #tpu.memory_space<vmem_shared>>)
      %dma_wait3A_405 = arith.constant 2176 : i32
      %dma_wait3A_406 = arith.constant 0 : i32
      %dma_wait3A_407 = tpu.memref_slice %arg5[%dma_wait3A_405, %dma_wait3A_406] : memref<2560x16xf32, #tpu.memory_space<vmem>> -> memref<128x16xf32, #tpu.memory_space<vmem>>
      %dma_wait3A_408 = arith.constant 2176 : i32
      %dma_wait3A_409 = tpu.memref_slice %arg7[%dma_wait3A_408] : memref<2560xi32, #tpu.memory_space<vmem>> -> memref<128xi32, #tpu.memory_space<vmem>>
      %dma_wait3A_410 = arith.constant 0 : i32
      %dma_wait3A_411 = arith.constant 0 : i32
      %dma_wait3A_412 = tpu.memref_slice %arg10[%dma_wait3A_410, %dma_wait3A_411] : memref<4096x16xf32, #tpu.memory_space<vmem_shared>> -> memref<4096x16xf32, #tpu.memory_space<vmem_shared>>
      tpu.wait_indirect_dma semaphore(%arg13 : memref<!tpu.dma_semaphore, #tpu.memory_space<semaphore_mem>>) src(%dma_wait3A_407 : memref<128x16xf32, #tpu.memory_space<vmem>>) dst(%dma_wait3A_412 : memref<4096x16xf32, #tpu.memory_space<vmem_shared>>)
      %dma_wait3A_413 = arith.constant 2304 : i32
      %dma_wait3A_414 = arith.constant 0 : i32
      %dma_wait3A_415 = tpu.memref_slice %arg5[%dma_wait3A_413, %dma_wait3A_414] : memref<2560x16xf32, #tpu.memory_space<vmem>> -> memref<128x16xf32, #tpu.memory_space<vmem>>
      %dma_wait3A_416 = arith.constant 2304 : i32
      %dma_wait3A_417 = tpu.memref_slice %arg7[%dma_wait3A_416] : memref<2560xi32, #tpu.memory_space<vmem>> -> memref<128xi32, #tpu.memory_space<vmem>>
      %dma_wait3A_418 = arith.constant 0 : i32
      %dma_wait3A_419 = arith.constant 0 : i32
      %dma_wait3A_420 = tpu.memref_slice %arg10[%dma_wait3A_418, %dma_wait3A_419] : memref<4096x16xf32, #tpu.memory_space<vmem_shared>> -> memref<4096x16xf32, #tpu.memory_space<vmem_shared>>
      tpu.wait_indirect_dma semaphore(%arg13 : memref<!tpu.dma_semaphore, #tpu.memory_space<semaphore_mem>>) src(%dma_wait3A_415 : memref<128x16xf32, #tpu.memory_space<vmem>>) dst(%dma_wait3A_420 : memref<4096x16xf32, #tpu.memory_space<vmem_shared>>)
      %dma_wait3A_421 = arith.constant 2432 : i32
      %dma_wait3A_422 = arith.constant 0 : i32
      %dma_wait3A_423 = tpu.memref_slice %arg5[%dma_wait3A_421, %dma_wait3A_422] : memref<2560x16xf32, #tpu.memory_space<vmem>> -> memref<128x16xf32, #tpu.memory_space<vmem>>
      %dma_wait3A_424 = arith.constant 2432 : i32
      %dma_wait3A_425 = tpu.memref_slice %arg7[%dma_wait3A_424] : memref<2560xi32, #tpu.memory_space<vmem>> -> memref<128xi32, #tpu.memory_space<vmem>>
      %dma_wait3A_426 = arith.constant 0 : i32
      %dma_wait3A_427 = arith.constant 0 : i32
      %dma_wait3A_428 = tpu.memref_slice %arg10[%dma_wait3A_426, %dma_wait3A_427] : memref<4096x16xf32, #tpu.memory_space<vmem_shared>> -> memref<4096x16xf32, #tpu.memory_space<vmem_shared>>
      tpu.wait_indirect_dma semaphore(%arg13 : memref<!tpu.dma_semaphore, #tpu.memory_space<semaphore_mem>>) src(%dma_wait3A_423 : memref<128x16xf32, #tpu.memory_space<vmem>>) dst(%dma_wait3A_428 : memref<4096x16xf32, #tpu.memory_space<vmem_shared>>)
      %lt3A_429 = arith.cmpi slt, %add3A_96, %add3A_45 : i32
      %convert_element_type3A_430 = arith.extui %lt3A_429 : i1 to i32
      %cond3A_431 = arith.constant 0 : i32
      %cond3A_432 = arith.cmpi ne, %convert_element_type3A_430, %cond3A_431 : i32
      scf.if %cond3A_432 {
        %mul3A_434 = arith.constant 2560 : i32
        %mul3A_435 = arith.muli %add3A_96, %mul3A_434 : i32
        %dma_wait3A_436 = arith.constant 0 : i32
        %dma_wait3A_437 = tpu.memref_slice %arg2[%mul3A_435, %dma_wait3A_436] : memref<1600000x16xf32, #tpu.memory_space<hbm>> -> memref<2560x16xf32, #tpu.memory_space<hbm>>
        %dma_wait3A_438 = arith.constant 0 : i32
        %dma_wait3A_439 = tpu.memref_slice %arg2[%mul3A_435, %dma_wait3A_438] : memref<1600000x16xf32, #tpu.memory_space<hbm>> -> memref<2560x16xf32, #tpu.memory_space<hbm>>
        tpu.wait_dma2 semaphore(%arg12 : memref<!tpu.dma_semaphore, #tpu.memory_space<semaphore_mem>>) src(%dma_wait3A_439 : memref<2560x16xf32, #tpu.memory_space<hbm>>) dst(%arg6 : memref<2560x16xf32, #tpu.memory_space<vmem>>)
        %mul3A_440 = arith.constant 2560 : i32
        %mul3A_441 = arith.muli %add3A_96, %mul3A_440 : i32
        %dma_wait3A_442 = tpu.memref_slice %arg3[%mul3A_441] : memref<1600000xi32, #tpu.memory_space<hbm>> -> memref<2560xi32, #tpu.memory_space<hbm>>
        %dma_wait3A_443 = tpu.memref_slice %arg3[%mul3A_441] : memref<1600000xi32, #tpu.memory_space<hbm>> -> memref<2560xi32, #tpu.memory_space<hbm>>
        tpu.wait_dma2 semaphore(%arg12 : memref<!tpu.dma_semaphore, #tpu.memory_space<semaphore_mem>>) src(%dma_wait3A_443 : memref<2560xi32, #tpu.memory_space<hbm>>) dst(%arg8 : memref<2560xi32, #tpu.memory_space<vmem>>)
        %add3A_444 = arith.constant 1 : i32
        %add3A_445 = arith.addi %add3A_96, %add3A_444 : i32
        %lt3A_446 = arith.cmpi slt, %add3A_445, %add3A_45 : i32
        %convert_element_type3A_447 = arith.extui %lt3A_446 : i1 to i32
        %cond3A_448 = arith.constant 0 : i32
        %cond3A_449 = arith.cmpi ne, %convert_element_type3A_447, %cond3A_448 : i32
        scf.if %cond3A_449 {
          %add3A_770 = arith.constant 1 : i32
          %add3A_771 = arith.addi %add3A_96, %add3A_770 : i32
          %mul3A_772 = arith.constant 2560 : i32
          %mul3A_773 = arith.muli %add3A_771, %mul3A_772 : i32
          %dma_start3A_774 = arith.constant 0 : i32
          %dma_start3A_775 = tpu.memref_slice %arg2[%mul3A_773, %dma_start3A_774] : memref<1600000x16xf32, #tpu.memory_space<hbm>> -> memref<2560x16xf32, #tpu.memory_space<hbm>>
          %dma_start3A_776 = arith.constant 0 : i32
          %dma_start3A_777 = tpu.memref_slice %arg2[%mul3A_773, %dma_start3A_776] : memref<1600000x16xf32, #tpu.memory_space<hbm>> -> memref<2560x16xf32, #tpu.memory_space<hbm>>
          tpu.enqueue_dma source(%dma_start3A_777 : memref<2560x16xf32, #tpu.memory_space<hbm>>) target(%arg5 : memref<2560x16xf32, #tpu.memory_space<vmem>>) target_semaphore(%arg11 : memref<!tpu.dma_semaphore, #tpu.memory_space<semaphore_mem>>)
          %mul3A_778 = arith.constant 2560 : i32
          %mul3A_779 = arith.muli %add3A_771, %mul3A_778 : i32
          %dma_start3A_780 = tpu.memref_slice %arg3[%mul3A_779] : memref<1600000xi32, #tpu.memory_space<hbm>> -> memref<2560xi32, #tpu.memory_space<hbm>>
          %dma_start3A_781 = tpu.memref_slice %arg3[%mul3A_779] : memref<1600000xi32, #tpu.memory_space<hbm>> -> memref<2560xi32, #tpu.memory_space<hbm>>
          tpu.enqueue_dma source(%dma_start3A_781 : memref<2560xi32, #tpu.memory_space<hbm>>) target(%arg7 : memref<2560xi32, #tpu.memory_space<vmem>>) target_semaphore(%arg11 : memref<!tpu.dma_semaphore, #tpu.memory_space<semaphore_mem>>)
        } else {
        }
        %dma_start3A_450 = arith.constant 0 : i32
        %dma_start3A_451 = arith.constant 0 : i32
        %dma_start3A_452 = tpu.memref_slice %arg6[%dma_start3A_450, %dma_start3A_451] : memref<2560x16xf32, #tpu.memory_space<vmem>> -> memref<128x16xf32, #tpu.memory_space<vmem>>
        %dma_start3A_453 = arith.constant 0 : i32
        %dma_start3A_454 = tpu.memref_slice %arg8[%dma_start3A_453] : memref<2560xi32, #tpu.memory_space<vmem>> -> memref<128xi32, #tpu.memory_space<vmem>>
        %dma_start3A_455 = arith.constant 0 : i32
        %dma_start3A_456 = arith.constant 0 : i32
        %dma_start3A_457 = tpu.memref_slice %arg10[%dma_start3A_455, %dma_start3A_456] : memref<4096x16xf32, #tpu.memory_space<vmem_shared>> -> memref<4096x16xf32, #tpu.memory_space<vmem_shared>>
        tpu.enqueue_indirect_dma source(%dma_start3A_452 : memref<128x16xf32, #tpu.memory_space<vmem>>) target(%dma_start3A_457 : memref<4096x16xf32, #tpu.memory_space<vmem_shared>>) offsets(%dma_start3A_454 : memref<128xi32, #tpu.memory_space<vmem>>) semaphore(%arg13 : memref<!tpu.dma_semaphore, #tpu.memory_space<semaphore_mem>>) {add = true}
        %dma_start3A_458 = arith.constant 128 : i32
        %dma_start3A_459 = arith.constant 0 : i32
        %dma_start3A_460 = tpu.memref_slice %arg6[%dma_start3A_458, %dma_start3A_459] : memref<2560x16xf32, #tpu.memory_space<vmem>> -> memref<128x16xf32, #tpu.memory_space<vmem>>
        %dma_start3A_461 = arith.constant 128 : i32
        %dma_start3A_462 = tpu.memref_slice %arg8[%dma_start3A_461] : memref<2560xi32, #tpu.memory_space<vmem>> -> memref<128xi32, #tpu.memory_space<vmem>>
        %dma_start3A_463 = arith.constant 0 : i32
        %dma_start3A_464 = arith.constant 0 : i32
        %dma_start3A_465 = tpu.memref_slice %arg10[%dma_start3A_463, %dma_start3A_464] : memref<4096x16xf32, #tpu.memory_space<vmem_shared>> -> memref<4096x16xf32, #tpu.memory_space<vmem_shared>>
        tpu.enqueue_indirect_dma source(%dma_start3A_460 : memref<128x16xf32, #tpu.memory_space<vmem>>) target(%dma_start3A_465 : memref<4096x16xf32, #tpu.memory_space<vmem_shared>>) offsets(%dma_start3A_462 : memref<128xi32, #tpu.memory_space<vmem>>) semaphore(%arg13 : memref<!tpu.dma_semaphore, #tpu.memory_space<semaphore_mem>>) {add = true}
        %dma_start3A_466 = arith.constant 256 : i32
        %dma_start3A_467 = arith.constant 0 : i32
        %dma_start3A_468 = tpu.memref_slice %arg6[%dma_start3A_466, %dma_start3A_467] : memref<2560x16xf32, #tpu.memory_space<vmem>> -> memref<128x16xf32, #tpu.memory_space<vmem>>
        %dma_start3A_469 = arith.constant 256 : i32
        %dma_start3A_470 = tpu.memref_slice %arg8[%dma_start3A_469] : memref<2560xi32, #tpu.memory_space<vmem>> -> memref<128xi32, #tpu.memory_space<vmem>>
        %dma_start3A_471 = arith.constant 0 : i32
        %dma_start3A_472 = arith.constant 0 : i32
        %dma_start3A_473 = tpu.memref_slice %arg10[%dma_start3A_471, %dma_start3A_472] : memref<4096x16xf32, #tpu.memory_space<vmem_shared>> -> memref<4096x16xf32, #tpu.memory_space<vmem_shared>>
        tpu.enqueue_indirect_dma source(%dma_start3A_468 : memref<128x16xf32, #tpu.memory_space<vmem>>) target(%dma_start3A_473 : memref<4096x16xf32, #tpu.memory_space<vmem_shared>>) offsets(%dma_start3A_470 : memref<128xi32, #tpu.memory_space<vmem>>) semaphore(%arg13 : memref<!tpu.dma_semaphore, #tpu.memory_space<semaphore_mem>>) {add = true}
        %dma_start3A_474 = arith.constant 384 : i32
        %dma_start3A_475 = arith.constant 0 : i32
        %dma_start3A_476 = tpu.memref_slice %arg6[%dma_start3A_474, %dma_start3A_475] : memref<2560x16xf32, #tpu.memory_space<vmem>> -> memref<128x16xf32, #tpu.memory_space<vmem>>
        %dma_start3A_477 = arith.constant 384 : i32
        %dma_start3A_478 = tpu.memref_slice %arg8[%dma_start3A_477] : memref<2560xi32, #tpu.memory_space<vmem>> -> memref<128xi32, #tpu.memory_space<vmem>>
        %dma_start3A_479 = arith.constant 0 : i32
        %dma_start3A_480 = arith.constant 0 : i32
        %dma_start3A_481 = tpu.memref_slice %arg10[%dma_start3A_479, %dma_start3A_480] : memref<4096x16xf32, #tpu.memory_space<vmem_shared>> -> memref<4096x16xf32, #tpu.memory_space<vmem_shared>>
        tpu.enqueue_indirect_dma source(%dma_start3A_476 : memref<128x16xf32, #tpu.memory_space<vmem>>) target(%dma_start3A_481 : memref<4096x16xf32, #tpu.memory_space<vmem_shared>>) offsets(%dma_start3A_478 : memref<128xi32, #tpu.memory_space<vmem>>) semaphore(%arg13 : memref<!tpu.dma_semaphore, #tpu.memory_space<semaphore_mem>>) {add = true}
        %dma_start3A_482 = arith.constant 512 : i32
        %dma_start3A_483 = arith.constant 0 : i32
        %dma_start3A_484 = tpu.memref_slice %arg6[%dma_start3A_482, %dma_start3A_483] : memref<2560x16xf32, #tpu.memory_space<vmem>> -> memref<128x16xf32, #tpu.memory_space<vmem>>
        %dma_start3A_485 = arith.constant 512 : i32
        %dma_start3A_486 = tpu.memref_slice %arg8[%dma_start3A_485] : memref<2560xi32, #tpu.memory_space<vmem>> -> memref<128xi32, #tpu.memory_space<vmem>>
        %dma_start3A_487 = arith.constant 0 : i32
        %dma_start3A_488 = arith.constant 0 : i32
        %dma_start3A_489 = tpu.memref_slice %arg10[%dma_start3A_487, %dma_start3A_488] : memref<4096x16xf32, #tpu.memory_space<vmem_shared>> -> memref<4096x16xf32, #tpu.memory_space<vmem_shared>>
        tpu.enqueue_indirect_dma source(%dma_start3A_484 : memref<128x16xf32, #tpu.memory_space<vmem>>) target(%dma_start3A_489 : memref<4096x16xf32, #tpu.memory_space<vmem_shared>>) offsets(%dma_start3A_486 : memref<128xi32, #tpu.memory_space<vmem>>) semaphore(%arg13 : memref<!tpu.dma_semaphore, #tpu.memory_space<semaphore_mem>>) {add = true}
        %dma_start3A_490 = arith.constant 640 : i32
        %dma_start3A_491 = arith.constant 0 : i32
        %dma_start3A_492 = tpu.memref_slice %arg6[%dma_start3A_490, %dma_start3A_491] : memref<2560x16xf32, #tpu.memory_space<vmem>> -> memref<128x16xf32, #tpu.memory_space<vmem>>
        %dma_start3A_493 = arith.constant 640 : i32
        %dma_start3A_494 = tpu.memref_slice %arg8[%dma_start3A_493] : memref<2560xi32, #tpu.memory_space<vmem>> -> memref<128xi32, #tpu.memory_space<vmem>>
        %dma_start3A_495 = arith.constant 0 : i32
        %dma_start3A_496 = arith.constant 0 : i32
        %dma_start3A_497 = tpu.memref_slice %arg10[%dma_start3A_495, %dma_start3A_496] : memref<4096x16xf32, #tpu.memory_space<vmem_shared>> -> memref<4096x16xf32, #tpu.memory_space<vmem_shared>>
        tpu.enqueue_indirect_dma source(%dma_start3A_492 : memref<128x16xf32, #tpu.memory_space<vmem>>) target(%dma_start3A_497 : memref<4096x16xf32, #tpu.memory_space<vmem_shared>>) offsets(%dma_start3A_494 : memref<128xi32, #tpu.memory_space<vmem>>) semaphore(%arg13 : memref<!tpu.dma_semaphore, #tpu.memory_space<semaphore_mem>>) {add = true}
        %dma_start3A_498 = arith.constant 768 : i32
        %dma_start3A_499 = arith.constant 0 : i32
        %dma_start3A_500 = tpu.memref_slice %arg6[%dma_start3A_498, %dma_start3A_499] : memref<2560x16xf32, #tpu.memory_space<vmem>> -> memref<128x16xf32, #tpu.memory_space<vmem>>
        %dma_start3A_501 = arith.constant 768 : i32
        %dma_start3A_502 = tpu.memref_slice %arg8[%dma_start3A_501] : memref<2560xi32, #tpu.memory_space<vmem>> -> memref<128xi32, #tpu.memory_space<vmem>>
        %dma_start3A_503 = arith.constant 0 : i32
        %dma_start3A_504 = arith.constant 0 : i32
        %dma_start3A_505 = tpu.memref_slice %arg10[%dma_start3A_503, %dma_start3A_504] : memref<4096x16xf32, #tpu.memory_space<vmem_shared>> -> memref<4096x16xf32, #tpu.memory_space<vmem_shared>>
        tpu.enqueue_indirect_dma source(%dma_start3A_500 : memref<128x16xf32, #tpu.memory_space<vmem>>) target(%dma_start3A_505 : memref<4096x16xf32, #tpu.memory_space<vmem_shared>>) offsets(%dma_start3A_502 : memref<128xi32, #tpu.memory_space<vmem>>) semaphore(%arg13 : memref<!tpu.dma_semaphore, #tpu.memory_space<semaphore_mem>>) {add = true}
        %dma_start3A_506 = arith.constant 896 : i32
        %dma_start3A_507 = arith.constant 0 : i32
        %dma_start3A_508 = tpu.memref_slice %arg6[%dma_start3A_506, %dma_start3A_507] : memref<2560x16xf32, #tpu.memory_space<vmem>> -> memref<128x16xf32, #tpu.memory_space<vmem>>
        %dma_start3A_509 = arith.constant 896 : i32
        %dma_start3A_510 = tpu.memref_slice %arg8[%dma_start3A_509] : memref<2560xi32, #tpu.memory_space<vmem>> -> memref<128xi32, #tpu.memory_space<vmem>>
        %dma_start3A_511 = arith.constant 0 : i32
        %dma_start3A_512 = arith.constant 0 : i32
        %dma_start3A_513 = tpu.memref_slice %arg10[%dma_start3A_511, %dma_start3A_512] : memref<4096x16xf32, #tpu.memory_space<vmem_shared>> -> memref<4096x16xf32, #tpu.memory_space<vmem_shared>>
        tpu.enqueue_indirect_dma source(%dma_start3A_508 : memref<128x16xf32, #tpu.memory_space<vmem>>) target(%dma_start3A_513 : memref<4096x16xf32, #tpu.memory_space<vmem_shared>>) offsets(%dma_start3A_510 : memref<128xi32, #tpu.memory_space<vmem>>) semaphore(%arg13 : memref<!tpu.dma_semaphore, #tpu.memory_space<semaphore_mem>>) {add = true}
        %dma_start3A_514 = arith.constant 1024 : i32
        %dma_start3A_515 = arith.constant 0 : i32
        %dma_start3A_516 = tpu.memref_slice %arg6[%dma_start3A_514, %dma_start3A_515] : memref<2560x16xf32, #tpu.memory_space<vmem>> -> memref<128x16xf32, #tpu.memory_space<vmem>>
        %dma_start3A_517 = arith.constant 1024 : i32
        %dma_start3A_518 = tpu.memref_slice %arg8[%dma_start3A_517] : memref<2560xi32, #tpu.memory_space<vmem>> -> memref<128xi32, #tpu.memory_space<vmem>>
        %dma_start3A_519 = arith.constant 0 : i32
        %dma_start3A_520 = arith.constant 0 : i32
        %dma_start3A_521 = tpu.memref_slice %arg10[%dma_start3A_519, %dma_start3A_520] : memref<4096x16xf32, #tpu.memory_space<vmem_shared>> -> memref<4096x16xf32, #tpu.memory_space<vmem_shared>>
        tpu.enqueue_indirect_dma source(%dma_start3A_516 : memref<128x16xf32, #tpu.memory_space<vmem>>) target(%dma_start3A_521 : memref<4096x16xf32, #tpu.memory_space<vmem_shared>>) offsets(%dma_start3A_518 : memref<128xi32, #tpu.memory_space<vmem>>) semaphore(%arg13 : memref<!tpu.dma_semaphore, #tpu.memory_space<semaphore_mem>>) {add = true}
        %dma_start3A_522 = arith.constant 1152 : i32
        %dma_start3A_523 = arith.constant 0 : i32
        %dma_start3A_524 = tpu.memref_slice %arg6[%dma_start3A_522, %dma_start3A_523] : memref<2560x16xf32, #tpu.memory_space<vmem>> -> memref<128x16xf32, #tpu.memory_space<vmem>>
        %dma_start3A_525 = arith.constant 1152 : i32
        %dma_start3A_526 = tpu.memref_slice %arg8[%dma_start3A_525] : memref<2560xi32, #tpu.memory_space<vmem>> -> memref<128xi32, #tpu.memory_space<vmem>>
        %dma_start3A_527 = arith.constant 0 : i32
        %dma_start3A_528 = arith.constant 0 : i32
        %dma_start3A_529 = tpu.memref_slice %arg10[%dma_start3A_527, %dma_start3A_528] : memref<4096x16xf32, #tpu.memory_space<vmem_shared>> -> memref<4096x16xf32, #tpu.memory_space<vmem_shared>>
        tpu.enqueue_indirect_dma source(%dma_start3A_524 : memref<128x16xf32, #tpu.memory_space<vmem>>) target(%dma_start3A_529 : memref<4096x16xf32, #tpu.memory_space<vmem_shared>>) offsets(%dma_start3A_526 : memref<128xi32, #tpu.memory_space<vmem>>) semaphore(%arg13 : memref<!tpu.dma_semaphore, #tpu.memory_space<semaphore_mem>>) {add = true}
        %dma_start3A_530 = arith.constant 1280 : i32
        %dma_start3A_531 = arith.constant 0 : i32
        %dma_start3A_532 = tpu.memref_slice %arg6[%dma_start3A_530, %dma_start3A_531] : memref<2560x16xf32, #tpu.memory_space<vmem>> -> memref<128x16xf32, #tpu.memory_space<vmem>>
        %dma_start3A_533 = arith.constant 1280 : i32
        %dma_start3A_534 = tpu.memref_slice %arg8[%dma_start3A_533] : memref<2560xi32, #tpu.memory_space<vmem>> -> memref<128xi32, #tpu.memory_space<vmem>>
        %dma_start3A_535 = arith.constant 0 : i32
        %dma_start3A_536 = arith.constant 0 : i32
        %dma_start3A_537 = tpu.memref_slice %arg10[%dma_start3A_535, %dma_start3A_536] : memref<4096x16xf32, #tpu.memory_space<vmem_shared>> -> memref<4096x16xf32, #tpu.memory_space<vmem_shared>>
        tpu.enqueue_indirect_dma source(%dma_start3A_532 : memref<128x16xf32, #tpu.memory_space<vmem>>) target(%dma_start3A_537 : memref<4096x16xf32, #tpu.memory_space<vmem_shared>>) offsets(%dma_start3A_534 : memref<128xi32, #tpu.memory_space<vmem>>) semaphore(%arg13 : memref<!tpu.dma_semaphore, #tpu.memory_space<semaphore_mem>>) {add = true}
        %dma_start3A_538 = arith.constant 1408 : i32
        %dma_start3A_539 = arith.constant 0 : i32
        %dma_start3A_540 = tpu.memref_slice %arg6[%dma_start3A_538, %dma_start3A_539] : memref<2560x16xf32, #tpu.memory_space<vmem>> -> memref<128x16xf32, #tpu.memory_space<vmem>>
        %dma_start3A_541 = arith.constant 1408 : i32
        %dma_start3A_542 = tpu.memref_slice %arg8[%dma_start3A_541] : memref<2560xi32, #tpu.memory_space<vmem>> -> memref<128xi32, #tpu.memory_space<vmem>>
        %dma_start3A_543 = arith.constant 0 : i32
        %dma_start3A_544 = arith.constant 0 : i32
        %dma_start3A_545 = tpu.memref_slice %arg10[%dma_start3A_543, %dma_start3A_544] : memref<4096x16xf32, #tpu.memory_space<vmem_shared>> -> memref<4096x16xf32, #tpu.memory_space<vmem_shared>>
        tpu.enqueue_indirect_dma source(%dma_start3A_540 : memref<128x16xf32, #tpu.memory_space<vmem>>) target(%dma_start3A_545 : memref<4096x16xf32, #tpu.memory_space<vmem_shared>>) offsets(%dma_start3A_542 : memref<128xi32, #tpu.memory_space<vmem>>) semaphore(%arg13 : memref<!tpu.dma_semaphore, #tpu.memory_space<semaphore_mem>>) {add = true}
        %dma_start3A_546 = arith.constant 1536 : i32
        %dma_start3A_547 = arith.constant 0 : i32
        %dma_start3A_548 = tpu.memref_slice %arg6[%dma_start3A_546, %dma_start3A_547] : memref<2560x16xf32, #tpu.memory_space<vmem>> -> memref<128x16xf32, #tpu.memory_space<vmem>>
        %dma_start3A_549 = arith.constant 1536 : i32
        %dma_start3A_550 = tpu.memref_slice %arg8[%dma_start3A_549] : memref<2560xi32, #tpu.memory_space<vmem>> -> memref<128xi32, #tpu.memory_space<vmem>>
        %dma_start3A_551 = arith.constant 0 : i32
        %dma_start3A_552 = arith.constant 0 : i32
        %dma_start3A_553 = tpu.memref_slice %arg10[%dma_start3A_551, %dma_start3A_552] : memref<4096x16xf32, #tpu.memory_space<vmem_shared>> -> memref<4096x16xf32, #tpu.memory_space<vmem_shared>>
        tpu.enqueue_indirect_dma source(%dma_start3A_548 : memref<128x16xf32, #tpu.memory_space<vmem>>) target(%dma_start3A_553 : memref<4096x16xf32, #tpu.memory_space<vmem_shared>>) offsets(%dma_start3A_550 : memref<128xi32, #tpu.memory_space<vmem>>) semaphore(%arg13 : memref<!tpu.dma_semaphore, #tpu.memory_space<semaphore_mem>>) {add = true}
        %dma_start3A_554 = arith.constant 1664 : i32
        %dma_start3A_555 = arith.constant 0 : i32
        %dma_start3A_556 = tpu.memref_slice %arg6[%dma_start3A_554, %dma_start3A_555] : memref<2560x16xf32, #tpu.memory_space<vmem>> -> memref<128x16xf32, #tpu.memory_space<vmem>>
        %dma_start3A_557 = arith.constant 1664 : i32
        %dma_start3A_558 = tpu.memref_slice %arg8[%dma_start3A_557] : memref<2560xi32, #tpu.memory_space<vmem>> -> memref<128xi32, #tpu.memory_space<vmem>>
        %dma_start3A_559 = arith.constant 0 : i32
        %dma_start3A_560 = arith.constant 0 : i32
        %dma_start3A_561 = tpu.memref_slice %arg10[%dma_start3A_559, %dma_start3A_560] : memref<4096x16xf32, #tpu.memory_space<vmem_shared>> -> memref<4096x16xf32, #tpu.memory_space<vmem_shared>>
        tpu.enqueue_indirect_dma source(%dma_start3A_556 : memref<128x16xf32, #tpu.memory_space<vmem>>) target(%dma_start3A_561 : memref<4096x16xf32, #tpu.memory_space<vmem_shared>>) offsets(%dma_start3A_558 : memref<128xi32, #tpu.memory_space<vmem>>) semaphore(%arg13 : memref<!tpu.dma_semaphore, #tpu.memory_space<semaphore_mem>>) {add = true}
        %dma_start3A_562 = arith.constant 1792 : i32
        %dma_start3A_563 = arith.constant 0 : i32
        %dma_start3A_564 = tpu.memref_slice %arg6[%dma_start3A_562, %dma_start3A_563] : memref<2560x16xf32, #tpu.memory_space<vmem>> -> memref<128x16xf32, #tpu.memory_space<vmem>>
        %dma_start3A_565 = arith.constant 1792 : i32
        %dma_start3A_566 = tpu.memref_slice %arg8[%dma_start3A_565] : memref<2560xi32, #tpu.memory_space<vmem>> -> memref<128xi32, #tpu.memory_space<vmem>>
        %dma_start3A_567 = arith.constant 0 : i32
        %dma_start3A_568 = arith.constant 0 : i32
        %dma_start3A_569 = tpu.memref_slice %arg10[%dma_start3A_567, %dma_start3A_568] : memref<4096x16xf32, #tpu.memory_space<vmem_shared>> -> memref<4096x16xf32, #tpu.memory_space<vmem_shared>>
        tpu.enqueue_indirect_dma source(%dma_start3A_564 : memref<128x16xf32, #tpu.memory_space<vmem>>) target(%dma_start3A_569 : memref<4096x16xf32, #tpu.memory_space<vmem_shared>>) offsets(%dma_start3A_566 : memref<128xi32, #tpu.memory_space<vmem>>) semaphore(%arg13 : memref<!tpu.dma_semaphore, #tpu.memory_space<semaphore_mem>>) {add = true}
        %dma_start3A_570 = arith.constant 1920 : i32
        %dma_start3A_571 = arith.constant 0 : i32
        %dma_start3A_572 = tpu.memref_slice %arg6[%dma_start3A_570, %dma_start3A_571] : memref<2560x16xf32, #tpu.memory_space<vmem>> -> memref<128x16xf32, #tpu.memory_space<vmem>>
        %dma_start3A_573 = arith.constant 1920 : i32
        %dma_start3A_574 = tpu.memref_slice %arg8[%dma_start3A_573] : memref<2560xi32, #tpu.memory_space<vmem>> -> memref<128xi32, #tpu.memory_space<vmem>>
        %dma_start3A_575 = arith.constant 0 : i32
        %dma_start3A_576 = arith.constant 0 : i32
        %dma_start3A_577 = tpu.memref_slice %arg10[%dma_start3A_575, %dma_start3A_576] : memref<4096x16xf32, #tpu.memory_space<vmem_shared>> -> memref<4096x16xf32, #tpu.memory_space<vmem_shared>>
        tpu.enqueue_indirect_dma source(%dma_start3A_572 : memref<128x16xf32, #tpu.memory_space<vmem>>) target(%dma_start3A_577 : memref<4096x16xf32, #tpu.memory_space<vmem_shared>>) offsets(%dma_start3A_574 : memref<128xi32, #tpu.memory_space<vmem>>) semaphore(%arg13 : memref<!tpu.dma_semaphore, #tpu.memory_space<semaphore_mem>>) {add = true}
        %dma_start3A_578 = arith.constant 2048 : i32
        %dma_start3A_579 = arith.constant 0 : i32
        %dma_start3A_580 = tpu.memref_slice %arg6[%dma_start3A_578, %dma_start3A_579] : memref<2560x16xf32, #tpu.memory_space<vmem>> -> memref<128x16xf32, #tpu.memory_space<vmem>>
        %dma_start3A_581 = arith.constant 2048 : i32
        %dma_start3A_582 = tpu.memref_slice %arg8[%dma_start3A_581] : memref<2560xi32, #tpu.memory_space<vmem>> -> memref<128xi32, #tpu.memory_space<vmem>>
        %dma_start3A_583 = arith.constant 0 : i32
        %dma_start3A_584 = arith.constant 0 : i32
        %dma_start3A_585 = tpu.memref_slice %arg10[%dma_start3A_583, %dma_start3A_584] : memref<4096x16xf32, #tpu.memory_space<vmem_shared>> -> memref<4096x16xf32, #tpu.memory_space<vmem_shared>>
        tpu.enqueue_indirect_dma source(%dma_start3A_580 : memref<128x16xf32, #tpu.memory_space<vmem>>) target(%dma_start3A_585 : memref<4096x16xf32, #tpu.memory_space<vmem_shared>>) offsets(%dma_start3A_582 : memref<128xi32, #tpu.memory_space<vmem>>) semaphore(%arg13 : memref<!tpu.dma_semaphore, #tpu.memory_space<semaphore_mem>>) {add = true}
        %dma_start3A_586 = arith.constant 2176 : i32
        %dma_start3A_587 = arith.constant 0 : i32
        %dma_start3A_588 = tpu.memref_slice %arg6[%dma_start3A_586, %dma_start3A_587] : memref<2560x16xf32, #tpu.memory_space<vmem>> -> memref<128x16xf32, #tpu.memory_space<vmem>>
        %dma_start3A_589 = arith.constant 2176 : i32
        %dma_start3A_590 = tpu.memref_slice %arg8[%dma_start3A_589] : memref<2560xi32, #tpu.memory_space<vmem>> -> memref<128xi32, #tpu.memory_space<vmem>>
        %dma_start3A_591 = arith.constant 0 : i32
        %dma_start3A_592 = arith.constant 0 : i32
        %dma_start3A_593 = tpu.memref_slice %arg10[%dma_start3A_591, %dma_start3A_592] : memref<4096x16xf32, #tpu.memory_space<vmem_shared>> -> memref<4096x16xf32, #tpu.memory_space<vmem_shared>>
        tpu.enqueue_indirect_dma source(%dma_start3A_588 : memref<128x16xf32, #tpu.memory_space<vmem>>) target(%dma_start3A_593 : memref<4096x16xf32, #tpu.memory_space<vmem_shared>>) offsets(%dma_start3A_590 : memref<128xi32, #tpu.memory_space<vmem>>) semaphore(%arg13 : memref<!tpu.dma_semaphore, #tpu.memory_space<semaphore_mem>>) {add = true}
        %dma_start3A_594 = arith.constant 2304 : i32
        %dma_start3A_595 = arith.constant 0 : i32
        %dma_start3A_596 = tpu.memref_slice %arg6[%dma_start3A_594, %dma_start3A_595] : memref<2560x16xf32, #tpu.memory_space<vmem>> -> memref<128x16xf32, #tpu.memory_space<vmem>>
        %dma_start3A_597 = arith.constant 2304 : i32
        %dma_start3A_598 = tpu.memref_slice %arg8[%dma_start3A_597] : memref<2560xi32, #tpu.memory_space<vmem>> -> memref<128xi32, #tpu.memory_space<vmem>>
        %dma_start3A_599 = arith.constant 0 : i32
        %dma_start3A_600 = arith.constant 0 : i32
        %dma_start3A_601 = tpu.memref_slice %arg10[%dma_start3A_599, %dma_start3A_600] : memref<4096x16xf32, #tpu.memory_space<vmem_shared>> -> memref<4096x16xf32, #tpu.memory_space<vmem_shared>>
        tpu.enqueue_indirect_dma source(%dma_start3A_596 : memref<128x16xf32, #tpu.memory_space<vmem>>) target(%dma_start3A_601 : memref<4096x16xf32, #tpu.memory_space<vmem_shared>>) offsets(%dma_start3A_598 : memref<128xi32, #tpu.memory_space<vmem>>) semaphore(%arg13 : memref<!tpu.dma_semaphore, #tpu.memory_space<semaphore_mem>>) {add = true}
        %dma_start3A_602 = arith.constant 2432 : i32
        %dma_start3A_603 = arith.constant 0 : i32
        %dma_start3A_604 = tpu.memref_slice %arg6[%dma_start3A_602, %dma_start3A_603] : memref<2560x16xf32, #tpu.memory_space<vmem>> -> memref<128x16xf32, #tpu.memory_space<vmem>>
        %dma_start3A_605 = arith.constant 2432 : i32
        %dma_start3A_606 = tpu.memref_slice %arg8[%dma_start3A_605] : memref<2560xi32, #tpu.memory_space<vmem>> -> memref<128xi32, #tpu.memory_space<vmem>>
        %dma_start3A_607 = arith.constant 0 : i32
        %dma_start3A_608 = arith.constant 0 : i32
        %dma_start3A_609 = tpu.memref_slice %arg10[%dma_start3A_607, %dma_start3A_608] : memref<4096x16xf32, #tpu.memory_space<vmem_shared>> -> memref<4096x16xf32, #tpu.memory_space<vmem_shared>>
        tpu.enqueue_indirect_dma source(%dma_start3A_604 : memref<128x16xf32, #tpu.memory_space<vmem>>) target(%dma_start3A_609 : memref<4096x16xf32, #tpu.memory_space<vmem_shared>>) offsets(%dma_start3A_606 : memref<128xi32, #tpu.memory_space<vmem>>) semaphore(%arg13 : memref<!tpu.dma_semaphore, #tpu.memory_space<semaphore_mem>>) {add = true}
        %dma_wait3A_610 = arith.constant 0 : i32
        %dma_wait3A_611 = arith.constant 0 : i32
        %dma_wait3A_612 = tpu.memref_slice %arg6[%dma_wait3A_610, %dma_wait3A_611] : memref<2560x16xf32, #tpu.memory_space<vmem>> -> memref<128x16xf32, #tpu.memory_space<vmem>>
        %dma_wait3A_613 = arith.constant 0 : i32
        %dma_wait3A_614 = tpu.memref_slice %arg8[%dma_wait3A_613] : memref<2560xi32, #tpu.memory_space<vmem>> -> memref<128xi32, #tpu.memory_space<vmem>>
        %dma_wait3A_615 = arith.constant 0 : i32
        %dma_wait3A_616 = arith.constant 0 : i32
        %dma_wait3A_617 = tpu.memref_slice %arg10[%dma_wait3A_615, %dma_wait3A_616] : memref<4096x16xf32, #tpu.memory_space<vmem_shared>> -> memref<4096x16xf32, #tpu.memory_space<vmem_shared>>
        tpu.wait_indirect_dma semaphore(%arg13 : memref<!tpu.dma_semaphore, #tpu.memory_space<semaphore_mem>>) src(%dma_wait3A_612 : memref<128x16xf32, #tpu.memory_space<vmem>>) dst(%dma_wait3A_617 : memref<4096x16xf32, #tpu.memory_space<vmem_shared>>)
        %dma_wait3A_618 = arith.constant 128 : i32
        %dma_wait3A_619 = arith.constant 0 : i32
        %dma_wait3A_620 = tpu.memref_slice %arg6[%dma_wait3A_618, %dma_wait3A_619] : memref<2560x16xf32, #tpu.memory_space<vmem>> -> memref<128x16xf32, #tpu.memory_space<vmem>>
        %dma_wait3A_621 = arith.constant 128 : i32
        %dma_wait3A_622 = tpu.memref_slice %arg8[%dma_wait3A_621] : memref<2560xi32, #tpu.memory_space<vmem>> -> memref<128xi32, #tpu.memory_space<vmem>>
        %dma_wait3A_623 = arith.constant 0 : i32
        %dma_wait3A_624 = arith.constant 0 : i32
        %dma_wait3A_625 = tpu.memref_slice %arg10[%dma_wait3A_623, %dma_wait3A_624] : memref<4096x16xf32, #tpu.memory_space<vmem_shared>> -> memref<4096x16xf32, #tpu.memory_space<vmem_shared>>
        tpu.wait_indirect_dma semaphore(%arg13 : memref<!tpu.dma_semaphore, #tpu.memory_space<semaphore_mem>>) src(%dma_wait3A_620 : memref<128x16xf32, #tpu.memory_space<vmem>>) dst(%dma_wait3A_625 : memref<4096x16xf32, #tpu.memory_space<vmem_shared>>)
        %dma_wait3A_626 = arith.constant 256 : i32
        %dma_wait3A_627 = arith.constant 0 : i32
        %dma_wait3A_628 = tpu.memref_slice %arg6[%dma_wait3A_626, %dma_wait3A_627] : memref<2560x16xf32, #tpu.memory_space<vmem>> -> memref<128x16xf32, #tpu.memory_space<vmem>>
        %dma_wait3A_629 = arith.constant 256 : i32
        %dma_wait3A_630 = tpu.memref_slice %arg8[%dma_wait3A_629] : memref<2560xi32, #tpu.memory_space<vmem>> -> memref<128xi32, #tpu.memory_space<vmem>>
        %dma_wait3A_631 = arith.constant 0 : i32
        %dma_wait3A_632 = arith.constant 0 : i32
        %dma_wait3A_633 = tpu.memref_slice %arg10[%dma_wait3A_631, %dma_wait3A_632] : memref<4096x16xf32, #tpu.memory_space<vmem_shared>> -> memref<4096x16xf32, #tpu.memory_space<vmem_shared>>
        tpu.wait_indirect_dma semaphore(%arg13 : memref<!tpu.dma_semaphore, #tpu.memory_space<semaphore_mem>>) src(%dma_wait3A_628 : memref<128x16xf32, #tpu.memory_space<vmem>>) dst(%dma_wait3A_633 : memref<4096x16xf32, #tpu.memory_space<vmem_shared>>)
        %dma_wait3A_634 = arith.constant 384 : i32
        %dma_wait3A_635 = arith.constant 0 : i32
        %dma_wait3A_636 = tpu.memref_slice %arg6[%dma_wait3A_634, %dma_wait3A_635] : memref<2560x16xf32, #tpu.memory_space<vmem>> -> memref<128x16xf32, #tpu.memory_space<vmem>>
        %dma_wait3A_637 = arith.constant 384 : i32
        %dma_wait3A_638 = tpu.memref_slice %arg8[%dma_wait3A_637] : memref<2560xi32, #tpu.memory_space<vmem>> -> memref<128xi32, #tpu.memory_space<vmem>>
        %dma_wait3A_639 = arith.constant 0 : i32
        %dma_wait3A_640 = arith.constant 0 : i32
        %dma_wait3A_641 = tpu.memref_slice %arg10[%dma_wait3A_639, %dma_wait3A_640] : memref<4096x16xf32, #tpu.memory_space<vmem_shared>> -> memref<4096x16xf32, #tpu.memory_space<vmem_shared>>
        tpu.wait_indirect_dma semaphore(%arg13 : memref<!tpu.dma_semaphore, #tpu.memory_space<semaphore_mem>>) src(%dma_wait3A_636 : memref<128x16xf32, #tpu.memory_space<vmem>>) dst(%dma_wait3A_641 : memref<4096x16xf32, #tpu.memory_space<vmem_shared>>)
        %dma_wait3A_642 = arith.constant 512 : i32
        %dma_wait3A_643 = arith.constant 0 : i32
        %dma_wait3A_644 = tpu.memref_slice %arg6[%dma_wait3A_642, %dma_wait3A_643] : memref<2560x16xf32, #tpu.memory_space<vmem>> -> memref<128x16xf32, #tpu.memory_space<vmem>>
        %dma_wait3A_645 = arith.constant 512 : i32
        %dma_wait3A_646 = tpu.memref_slice %arg8[%dma_wait3A_645] : memref<2560xi32, #tpu.memory_space<vmem>> -> memref<128xi32, #tpu.memory_space<vmem>>
        %dma_wait3A_647 = arith.constant 0 : i32
        %dma_wait3A_648 = arith.constant 0 : i32
        %dma_wait3A_649 = tpu.memref_slice %arg10[%dma_wait3A_647, %dma_wait3A_648] : memref<4096x16xf32, #tpu.memory_space<vmem_shared>> -> memref<4096x16xf32, #tpu.memory_space<vmem_shared>>
        tpu.wait_indirect_dma semaphore(%arg13 : memref<!tpu.dma_semaphore, #tpu.memory_space<semaphore_mem>>) src(%dma_wait3A_644 : memref<128x16xf32, #tpu.memory_space<vmem>>) dst(%dma_wait3A_649 : memref<4096x16xf32, #tpu.memory_space<vmem_shared>>)
        %dma_wait3A_650 = arith.constant 640 : i32
        %dma_wait3A_651 = arith.constant 0 : i32
        %dma_wait3A_652 = tpu.memref_slice %arg6[%dma_wait3A_650, %dma_wait3A_651] : memref<2560x16xf32, #tpu.memory_space<vmem>> -> memref<128x16xf32, #tpu.memory_space<vmem>>
        %dma_wait3A_653 = arith.constant 640 : i32
        %dma_wait3A_654 = tpu.memref_slice %arg8[%dma_wait3A_653] : memref<2560xi32, #tpu.memory_space<vmem>> -> memref<128xi32, #tpu.memory_space<vmem>>
        %dma_wait3A_655 = arith.constant 0 : i32
        %dma_wait3A_656 = arith.constant 0 : i32
        %dma_wait3A_657 = tpu.memref_slice %arg10[%dma_wait3A_655, %dma_wait3A_656] : memref<4096x16xf32, #tpu.memory_space<vmem_shared>> -> memref<4096x16xf32, #tpu.memory_space<vmem_shared>>
        tpu.wait_indirect_dma semaphore(%arg13 : memref<!tpu.dma_semaphore, #tpu.memory_space<semaphore_mem>>) src(%dma_wait3A_652 : memref<128x16xf32, #tpu.memory_space<vmem>>) dst(%dma_wait3A_657 : memref<4096x16xf32, #tpu.memory_space<vmem_shared>>)
        %dma_wait3A_658 = arith.constant 768 : i32
        %dma_wait3A_659 = arith.constant 0 : i32
        %dma_wait3A_660 = tpu.memref_slice %arg6[%dma_wait3A_658, %dma_wait3A_659] : memref<2560x16xf32, #tpu.memory_space<vmem>> -> memref<128x16xf32, #tpu.memory_space<vmem>>
        %dma_wait3A_661 = arith.constant 768 : i32
        %dma_wait3A_662 = tpu.memref_slice %arg8[%dma_wait3A_661] : memref<2560xi32, #tpu.memory_space<vmem>> -> memref<128xi32, #tpu.memory_space<vmem>>
        %dma_wait3A_663 = arith.constant 0 : i32
        %dma_wait3A_664 = arith.constant 0 : i32
        %dma_wait3A_665 = tpu.memref_slice %arg10[%dma_wait3A_663, %dma_wait3A_664] : memref<4096x16xf32, #tpu.memory_space<vmem_shared>> -> memref<4096x16xf32, #tpu.memory_space<vmem_shared>>
        tpu.wait_indirect_dma semaphore(%arg13 : memref<!tpu.dma_semaphore, #tpu.memory_space<semaphore_mem>>) src(%dma_wait3A_660 : memref<128x16xf32, #tpu.memory_space<vmem>>) dst(%dma_wait3A_665 : memref<4096x16xf32, #tpu.memory_space<vmem_shared>>)
        %dma_wait3A_666 = arith.constant 896 : i32
        %dma_wait3A_667 = arith.constant 0 : i32
        %dma_wait3A_668 = tpu.memref_slice %arg6[%dma_wait3A_666, %dma_wait3A_667] : memref<2560x16xf32, #tpu.memory_space<vmem>> -> memref<128x16xf32, #tpu.memory_space<vmem>>
        %dma_wait3A_669 = arith.constant 896 : i32
        %dma_wait3A_670 = tpu.memref_slice %arg8[%dma_wait3A_669] : memref<2560xi32, #tpu.memory_space<vmem>> -> memref<128xi32, #tpu.memory_space<vmem>>
        %dma_wait3A_671 = arith.constant 0 : i32
        %dma_wait3A_672 = arith.constant 0 : i32
        %dma_wait3A_673 = tpu.memref_slice %arg10[%dma_wait3A_671, %dma_wait3A_672] : memref<4096x16xf32, #tpu.memory_space<vmem_shared>> -> memref<4096x16xf32, #tpu.memory_space<vmem_shared>>
        tpu.wait_indirect_dma semaphore(%arg13 : memref<!tpu.dma_semaphore, #tpu.memory_space<semaphore_mem>>) src(%dma_wait3A_668 : memref<128x16xf32, #tpu.memory_space<vmem>>) dst(%dma_wait3A_673 : memref<4096x16xf32, #tpu.memory_space<vmem_shared>>)
        %dma_wait3A_674 = arith.constant 1024 : i32
        %dma_wait3A_675 = arith.constant 0 : i32
        %dma_wait3A_676 = tpu.memref_slice %arg6[%dma_wait3A_674, %dma_wait3A_675] : memref<2560x16xf32, #tpu.memory_space<vmem>> -> memref<128x16xf32, #tpu.memory_space<vmem>>
        %dma_wait3A_677 = arith.constant 1024 : i32
        %dma_wait3A_678 = tpu.memref_slice %arg8[%dma_wait3A_677] : memref<2560xi32, #tpu.memory_space<vmem>> -> memref<128xi32, #tpu.memory_space<vmem>>
        %dma_wait3A_679 = arith.constant 0 : i32
        %dma_wait3A_680 = arith.constant 0 : i32
        %dma_wait3A_681 = tpu.memref_slice %arg10[%dma_wait3A_679, %dma_wait3A_680] : memref<4096x16xf32, #tpu.memory_space<vmem_shared>> -> memref<4096x16xf32, #tpu.memory_space<vmem_shared>>
        tpu.wait_indirect_dma semaphore(%arg13 : memref<!tpu.dma_semaphore, #tpu.memory_space<semaphore_mem>>) src(%dma_wait3A_676 : memref<128x16xf32, #tpu.memory_space<vmem>>) dst(%dma_wait3A_681 : memref<4096x16xf32, #tpu.memory_space<vmem_shared>>)
        %dma_wait3A_682 = arith.constant 1152 : i32
        %dma_wait3A_683 = arith.constant 0 : i32
        %dma_wait3A_684 = tpu.memref_slice %arg6[%dma_wait3A_682, %dma_wait3A_683] : memref<2560x16xf32, #tpu.memory_space<vmem>> -> memref<128x16xf32, #tpu.memory_space<vmem>>
        %dma_wait3A_685 = arith.constant 1152 : i32
        %dma_wait3A_686 = tpu.memref_slice %arg8[%dma_wait3A_685] : memref<2560xi32, #tpu.memory_space<vmem>> -> memref<128xi32, #tpu.memory_space<vmem>>
        %dma_wait3A_687 = arith.constant 0 : i32
        %dma_wait3A_688 = arith.constant 0 : i32
        %dma_wait3A_689 = tpu.memref_slice %arg10[%dma_wait3A_687, %dma_wait3A_688] : memref<4096x16xf32, #tpu.memory_space<vmem_shared>> -> memref<4096x16xf32, #tpu.memory_space<vmem_shared>>
        tpu.wait_indirect_dma semaphore(%arg13 : memref<!tpu.dma_semaphore, #tpu.memory_space<semaphore_mem>>) src(%dma_wait3A_684 : memref<128x16xf32, #tpu.memory_space<vmem>>) dst(%dma_wait3A_689 : memref<4096x16xf32, #tpu.memory_space<vmem_shared>>)
        %dma_wait3A_690 = arith.constant 1280 : i32
        %dma_wait3A_691 = arith.constant 0 : i32
        %dma_wait3A_692 = tpu.memref_slice %arg6[%dma_wait3A_690, %dma_wait3A_691] : memref<2560x16xf32, #tpu.memory_space<vmem>> -> memref<128x16xf32, #tpu.memory_space<vmem>>
        %dma_wait3A_693 = arith.constant 1280 : i32
        %dma_wait3A_694 = tpu.memref_slice %arg8[%dma_wait3A_693] : memref<2560xi32, #tpu.memory_space<vmem>> -> memref<128xi32, #tpu.memory_space<vmem>>
        %dma_wait3A_695 = arith.constant 0 : i32
        %dma_wait3A_696 = arith.constant 0 : i32
        %dma_wait3A_697 = tpu.memref_slice %arg10[%dma_wait3A_695, %dma_wait3A_696] : memref<4096x16xf32, #tpu.memory_space<vmem_shared>> -> memref<4096x16xf32, #tpu.memory_space<vmem_shared>>
        tpu.wait_indirect_dma semaphore(%arg13 : memref<!tpu.dma_semaphore, #tpu.memory_space<semaphore_mem>>) src(%dma_wait3A_692 : memref<128x16xf32, #tpu.memory_space<vmem>>) dst(%dma_wait3A_697 : memref<4096x16xf32, #tpu.memory_space<vmem_shared>>)
        %dma_wait3A_698 = arith.constant 1408 : i32
        %dma_wait3A_699 = arith.constant 0 : i32
        %dma_wait3A_700 = tpu.memref_slice %arg6[%dma_wait3A_698, %dma_wait3A_699] : memref<2560x16xf32, #tpu.memory_space<vmem>> -> memref<128x16xf32, #tpu.memory_space<vmem>>
        %dma_wait3A_701 = arith.constant 1408 : i32
        %dma_wait3A_702 = tpu.memref_slice %arg8[%dma_wait3A_701] : memref<2560xi32, #tpu.memory_space<vmem>> -> memref<128xi32, #tpu.memory_space<vmem>>
        %dma_wait3A_703 = arith.constant 0 : i32
        %dma_wait3A_704 = arith.constant 0 : i32
        %dma_wait3A_705 = tpu.memref_slice %arg10[%dma_wait3A_703, %dma_wait3A_704] : memref<4096x16xf32, #tpu.memory_space<vmem_shared>> -> memref<4096x16xf32, #tpu.memory_space<vmem_shared>>
        tpu.wait_indirect_dma semaphore(%arg13 : memref<!tpu.dma_semaphore, #tpu.memory_space<semaphore_mem>>) src(%dma_wait3A_700 : memref<128x16xf32, #tpu.memory_space<vmem>>) dst(%dma_wait3A_705 : memref<4096x16xf32, #tpu.memory_space<vmem_shared>>)
        %dma_wait3A_706 = arith.constant 1536 : i32
        %dma_wait3A_707 = arith.constant 0 : i32
        %dma_wait3A_708 = tpu.memref_slice %arg6[%dma_wait3A_706, %dma_wait3A_707] : memref<2560x16xf32, #tpu.memory_space<vmem>> -> memref<128x16xf32, #tpu.memory_space<vmem>>
        %dma_wait3A_709 = arith.constant 1536 : i32
        %dma_wait3A_710 = tpu.memref_slice %arg8[%dma_wait3A_709] : memref<2560xi32, #tpu.memory_space<vmem>> -> memref<128xi32, #tpu.memory_space<vmem>>
        %dma_wait3A_711 = arith.constant 0 : i32
        %dma_wait3A_712 = arith.constant 0 : i32
        %dma_wait3A_713 = tpu.memref_slice %arg10[%dma_wait3A_711, %dma_wait3A_712] : memref<4096x16xf32, #tpu.memory_space<vmem_shared>> -> memref<4096x16xf32, #tpu.memory_space<vmem_shared>>
        tpu.wait_indirect_dma semaphore(%arg13 : memref<!tpu.dma_semaphore, #tpu.memory_space<semaphore_mem>>) src(%dma_wait3A_708 : memref<128x16xf32, #tpu.memory_space<vmem>>) dst(%dma_wait3A_713 : memref<4096x16xf32, #tpu.memory_space<vmem_shared>>)
        %dma_wait3A_714 = arith.constant 1664 : i32
        %dma_wait3A_715 = arith.constant 0 : i32
        %dma_wait3A_716 = tpu.memref_slice %arg6[%dma_wait3A_714, %dma_wait3A_715] : memref<2560x16xf32, #tpu.memory_space<vmem>> -> memref<128x16xf32, #tpu.memory_space<vmem>>
        %dma_wait3A_717 = arith.constant 1664 : i32
        %dma_wait3A_718 = tpu.memref_slice %arg8[%dma_wait3A_717] : memref<2560xi32, #tpu.memory_space<vmem>> -> memref<128xi32, #tpu.memory_space<vmem>>
        %dma_wait3A_719 = arith.constant 0 : i32
        %dma_wait3A_720 = arith.constant 0 : i32
        %dma_wait3A_721 = tpu.memref_slice %arg10[%dma_wait3A_719, %dma_wait3A_720] : memref<4096x16xf32, #tpu.memory_space<vmem_shared>> -> memref<4096x16xf32, #tpu.memory_space<vmem_shared>>
        tpu.wait_indirect_dma semaphore(%arg13 : memref<!tpu.dma_semaphore, #tpu.memory_space<semaphore_mem>>) src(%dma_wait3A_716 : memref<128x16xf32, #tpu.memory_space<vmem>>) dst(%dma_wait3A_721 : memref<4096x16xf32, #tpu.memory_space<vmem_shared>>)
        %dma_wait3A_722 = arith.constant 1792 : i32
        %dma_wait3A_723 = arith.constant 0 : i32
        %dma_wait3A_724 = tpu.memref_slice %arg6[%dma_wait3A_722, %dma_wait3A_723] : memref<2560x16xf32, #tpu.memory_space<vmem>> -> memref<128x16xf32, #tpu.memory_space<vmem>>
        %dma_wait3A_725 = arith.constant 1792 : i32
        %dma_wait3A_726 = tpu.memref_slice %arg8[%dma_wait3A_725] : memref<2560xi32, #tpu.memory_space<vmem>> -> memref<128xi32, #tpu.memory_space<vmem>>
        %dma_wait3A_727 = arith.constant 0 : i32
        %dma_wait3A_728 = arith.constant 0 : i32
        %dma_wait3A_729 = tpu.memref_slice %arg10[%dma_wait3A_727, %dma_wait3A_728] : memref<4096x16xf32, #tpu.memory_space<vmem_shared>> -> memref<4096x16xf32, #tpu.memory_space<vmem_shared>>
        tpu.wait_indirect_dma semaphore(%arg13 : memref<!tpu.dma_semaphore, #tpu.memory_space<semaphore_mem>>) src(%dma_wait3A_724 : memref<128x16xf32, #tpu.memory_space<vmem>>) dst(%dma_wait3A_729 : memref<4096x16xf32, #tpu.memory_space<vmem_shared>>)
        %dma_wait3A_730 = arith.constant 1920 : i32
        %dma_wait3A_731 = arith.constant 0 : i32
        %dma_wait3A_732 = tpu.memref_slice %arg6[%dma_wait3A_730, %dma_wait3A_731] : memref<2560x16xf32, #tpu.memory_space<vmem>> -> memref<128x16xf32, #tpu.memory_space<vmem>>
        %dma_wait3A_733 = arith.constant 1920 : i32
        %dma_wait3A_734 = tpu.memref_slice %arg8[%dma_wait3A_733] : memref<2560xi32, #tpu.memory_space<vmem>> -> memref<128xi32, #tpu.memory_space<vmem>>
        %dma_wait3A_735 = arith.constant 0 : i32
        %dma_wait3A_736 = arith.constant 0 : i32
        %dma_wait3A_737 = tpu.memref_slice %arg10[%dma_wait3A_735, %dma_wait3A_736] : memref<4096x16xf32, #tpu.memory_space<vmem_shared>> -> memref<4096x16xf32, #tpu.memory_space<vmem_shared>>
        tpu.wait_indirect_dma semaphore(%arg13 : memref<!tpu.dma_semaphore, #tpu.memory_space<semaphore_mem>>) src(%dma_wait3A_732 : memref<128x16xf32, #tpu.memory_space<vmem>>) dst(%dma_wait3A_737 : memref<4096x16xf32, #tpu.memory_space<vmem_shared>>)
        %dma_wait3A_738 = arith.constant 2048 : i32
        %dma_wait3A_739 = arith.constant 0 : i32
        %dma_wait3A_740 = tpu.memref_slice %arg6[%dma_wait3A_738, %dma_wait3A_739] : memref<2560x16xf32, #tpu.memory_space<vmem>> -> memref<128x16xf32, #tpu.memory_space<vmem>>
        %dma_wait3A_741 = arith.constant 2048 : i32
        %dma_wait3A_742 = tpu.memref_slice %arg8[%dma_wait3A_741] : memref<2560xi32, #tpu.memory_space<vmem>> -> memref<128xi32, #tpu.memory_space<vmem>>
        %dma_wait3A_743 = arith.constant 0 : i32
        %dma_wait3A_744 = arith.constant 0 : i32
        %dma_wait3A_745 = tpu.memref_slice %arg10[%dma_wait3A_743, %dma_wait3A_744] : memref<4096x16xf32, #tpu.memory_space<vmem_shared>> -> memref<4096x16xf32, #tpu.memory_space<vmem_shared>>
        tpu.wait_indirect_dma semaphore(%arg13 : memref<!tpu.dma_semaphore, #tpu.memory_space<semaphore_mem>>) src(%dma_wait3A_740 : memref<128x16xf32, #tpu.memory_space<vmem>>) dst(%dma_wait3A_745 : memref<4096x16xf32, #tpu.memory_space<vmem_shared>>)
        %dma_wait3A_746 = arith.constant 2176 : i32
        %dma_wait3A_747 = arith.constant 0 : i32
        %dma_wait3A_748 = tpu.memref_slice %arg6[%dma_wait3A_746, %dma_wait3A_747] : memref<2560x16xf32, #tpu.memory_space<vmem>> -> memref<128x16xf32, #tpu.memory_space<vmem>>
        %dma_wait3A_749 = arith.constant 2176 : i32
        %dma_wait3A_750 = tpu.memref_slice %arg8[%dma_wait3A_749] : memref<2560xi32, #tpu.memory_space<vmem>> -> memref<128xi32, #tpu.memory_space<vmem>>
        %dma_wait3A_751 = arith.constant 0 : i32
        %dma_wait3A_752 = arith.constant 0 : i32
        %dma_wait3A_753 = tpu.memref_slice %arg10[%dma_wait3A_751, %dma_wait3A_752] : memref<4096x16xf32, #tpu.memory_space<vmem_shared>> -> memref<4096x16xf32, #tpu.memory_space<vmem_shared>>
        tpu.wait_indirect_dma semaphore(%arg13 : memref<!tpu.dma_semaphore, #tpu.memory_space<semaphore_mem>>) src(%dma_wait3A_748 : memref<128x16xf32, #tpu.memory_space<vmem>>) dst(%dma_wait3A_753 : memref<4096x16xf32, #tpu.memory_space<vmem_shared>>)
        %dma_wait3A_754 = arith.constant 2304 : i32
        %dma_wait3A_755 = arith.constant 0 : i32
        %dma_wait3A_756 = tpu.memref_slice %arg6[%dma_wait3A_754, %dma_wait3A_755] : memref<2560x16xf32, #tpu.memory_space<vmem>> -> memref<128x16xf32, #tpu.memory_space<vmem>>
        %dma_wait3A_757 = arith.constant 2304 : i32
        %dma_wait3A_758 = tpu.memref_slice %arg8[%dma_wait3A_757] : memref<2560xi32, #tpu.memory_space<vmem>> -> memref<128xi32, #tpu.memory_space<vmem>>
        %dma_wait3A_759 = arith.constant 0 : i32
        %dma_wait3A_760 = arith.constant 0 : i32
        %dma_wait3A_761 = tpu.memref_slice %arg10[%dma_wait3A_759, %dma_wait3A_760] : memref<4096x16xf32, #tpu.memory_space<vmem_shared>> -> memref<4096x16xf32, #tpu.memory_space<vmem_shared>>
        tpu.wait_indirect_dma semaphore(%arg13 : memref<!tpu.dma_semaphore, #tpu.memory_space<semaphore_mem>>) src(%dma_wait3A_756 : memref<128x16xf32, #tpu.memory_space<vmem>>) dst(%dma_wait3A_761 : memref<4096x16xf32, #tpu.memory_space<vmem_shared>>)
        %dma_wait3A_762 = arith.constant 2432 : i32
        %dma_wait3A_763 = arith.constant 0 : i32
        %dma_wait3A_764 = tpu.memref_slice %arg6[%dma_wait3A_762, %dma_wait3A_763] : memref<2560x16xf32, #tpu.memory_space<vmem>> -> memref<128x16xf32, #tpu.memory_space<vmem>>
        %dma_wait3A_765 = arith.constant 2432 : i32
        %dma_wait3A_766 = tpu.memref_slice %arg8[%dma_wait3A_765] : memref<2560xi32, #tpu.memory_space<vmem>> -> memref<128xi32, #tpu.memory_space<vmem>>
        %dma_wait3A_767 = arith.constant 0 : i32
        %dma_wait3A_768 = arith.constant 0 : i32
        %dma_wait3A_769 = tpu.memref_slice %arg10[%dma_wait3A_767, %dma_wait3A_768] : memref<4096x16xf32, #tpu.memory_space<vmem_shared>> -> memref<4096x16xf32, #tpu.memory_space<vmem_shared>>
        tpu.wait_indirect_dma semaphore(%arg13 : memref<!tpu.dma_semaphore, #tpu.memory_space<semaphore_mem>>) src(%dma_wait3A_764 : memref<128x16xf32, #tpu.memory_space<vmem>>) dst(%dma_wait3A_769 : memref<4096x16xf32, #tpu.memory_space<vmem_shared>>)
      } else {
      }
      %while3A_433 = arith.constant 0 : i32
      scf.yield %while3A_433 : i32
    }
    %barrier3A_85 = arith.constant 0 : index
    tpu.barrier barrier_id(%barrier3A_85)
    %mul3A_86 = arith.constant 256 : i32
    %mul3A_87 = arith.muli %arg1, %mul3A_86 : i32
    %mul3A_88 = arith.constant 256 : i32
    %mul3A_89 = arith.muli %arg1, %mul3A_88 : i32
    "tpu.region"() ({
      %run_scoped3A = tpu.sem_alloc : memref<!tpu.dma_semaphore, #tpu.memory_space<semaphore_mem>>
      %dma_start3A = arith.constant 0 : i32
      %dma_start3A_90 = arith.constant 0 : i32
      %dma_start3A_91 = tpu.memref_slice %arg4[%arg0, %dma_start3A, %dma_start3A_90] : memref<2x4096x16xf32, #tpu.memory_space<hbm>> -> memref<1x4096x16xf32, #tpu.memory_space<hbm>>
      %dma_start3A_92 = tpu.memref_squeeze %dma_start3A_91 : memref<1x4096x16xf32, #tpu.memory_space<hbm>> -> memref<4096x16xf32, #tpu.memory_space<hbm>>
      %dma_start3A_93 = arith.constant 0 : i32
      %dma_start3A_94 = tpu.memref_slice %dma_start3A_92[%mul3A_89, %dma_start3A_93] : memref<4096x16xf32, #tpu.memory_space<hbm>> -> memref<256x16xf32, #tpu.memory_space<hbm>>
      %dma_start3A_95 = arith.constant 0 : i32
      %dma_start3A_96 = tpu.memref_slice %arg10[%mul3A_87, %dma_start3A_95] : memref<4096x16xf32, #tpu.memory_space<vmem_shared>> -> memref<256x16xf32, #tpu.memory_space<vmem_shared>>
      tpu.enqueue_dma source(%dma_start3A_96 : memref<256x16xf32, #tpu.memory_space<vmem_shared>>) target(%dma_start3A_94 : memref<256x16xf32, #tpu.memory_space<hbm>>) target_semaphore(%run_scoped3A : memref<!tpu.dma_semaphore, #tpu.memory_space<semaphore_mem>>)
      %dma_wait3A = arith.constant 0 : i32
      %dma_wait3A_97 = arith.constant 0 : i32
      %dma_wait3A_98 = tpu.memref_slice %arg4[%arg0, %dma_wait3A, %dma_wait3A_97] : memref<2x4096x16xf32, #tpu.memory_space<hbm>> -> memref<1x4096x16xf32, #tpu.memory_space<hbm>>
      %dma_wait3A_99 = tpu.memref_squeeze %dma_wait3A_98 : memref<1x4096x16xf32, #tpu.memory_space<hbm>> -> memref<4096x16xf32, #tpu.memory_space<hbm>>
      %dma_wait3A_100 = arith.constant 0 : i32
      %dma_wait3A_101 = tpu.memref_slice %dma_wait3A_99[%mul3A_89, %dma_wait3A_100] : memref<4096x16xf32, #tpu.memory_space<hbm>> -> memref<256x16xf32, #tpu.memory_space<hbm>>
      %dma_wait3A_102 = arith.constant 0 : i32
      %dma_wait3A_103 = tpu.memref_slice %arg10[%mul3A_87, %dma_wait3A_102] : memref<4096x16xf32, #tpu.memory_space<vmem_shared>> -> memref<256x16xf32, #tpu.memory_space<vmem_shared>>
      tpu.wait_dma2 semaphore(%run_scoped3A : memref<!tpu.dma_semaphore, #tpu.memory_space<semaphore_mem>>) src(%dma_wait3A_103 : memref<256x16xf32, #tpu.memory_space<vmem_shared>>) dst(%dma_wait3A_101 : memref<256x16xf32, #tpu.memory_space<hbm>>)
      tpu.yield
    }) : () -> ()
    return
  }
}

#map = affine_map<(d0, d1) -> (0, 0)>
#map1 = affine_map<(d0, d1) -> (0)>
#map2 = affine_map<(d0, d1) -> (0, 0, 0)>
module attributes {stable_mosaic.version = 14 : i64} {
  func.func @_seg_kernel(%arg0: i32, %arg1: i32, %arg2: memref<1600000x16xf32, #tpu.memory_space<hbm>>, %arg3: memref<1600000xi32, #tpu.memory_space<hbm>>, %arg4: memref<2x4096x16xf32, #tpu.memory_space<hbm>>, %arg5: memref<2560x16xf32, #tpu.memory_space<vmem>>, %arg6: memref<2560x16xf32, #tpu.memory_space<vmem>>, %arg7: memref<2560xi32, #tpu.memory_space<vmem>>, %arg8: memref<2560xi32, #tpu.memory_space<vmem>>, %arg9: memref<256x16xf32, #tpu.memory_space<vmem>>, %arg10: memref<4096x16xf32, #tpu.memory_space<vmem_shared>>, %arg11: memref<!tpu.dma_semaphore, #tpu.memory_space<semaphore_mem>>, %arg12: memref<!tpu.dma_semaphore, #tpu.memory_space<semaphore_mem>>, %arg13: memref<!tpu.dma_semaphore, #tpu.memory_space<semaphore_mem>>) attributes {dimension_semantics = [#tpu.dimension_semantics<core_parallel>, #tpu.dimension_semantics<subcore_parallel>], iteration_bounds = array<i64: 2, 16>, scalar_prefetch = 0 : i64, scratch_operands = 9 : i64, tpu.core_type = #tpu.core_type<sc_vector_subcore>, window_params = [{transform_indices = #map}, {transform_indices = #map1}, {transform_indices = #map2}]} {
    %scan3A = arith.constant 0 : i32
    %scan3A_0 = arith.constant 0 : i32
    %scan3A_1 = arith.constant 256 : i32
    %scan3A_2 = arith.addi %scan3A_0, %scan3A_1 : i32
    %scan3A_3 = arith.constant 1 : i32
    %scan3A_4 = scf.for %scan3A_90 = %scan3A_0 to %scan3A_2 step %scan3A_3 iter_args(%scan3A_91 = %scan3A) -> (i32)  : i32 {
      %broadcast_in_dim3A = arith.constant 0.000000e+00 : f32
      %broadcast_in_dim3A_92 = vector.broadcast %broadcast_in_dim3A : f32 to vector<16xf32>
      %swap3A = arith.index_cast %scan3A_90 : i32 to index
      %swap3A_93 = arith.constant 0 : index
      %swap3A_94 = tpu.vector_load %arg9[%swap3A, %swap3A_93] {strides = array<i32>} : memref<256x16xf32, #tpu.memory_space<vmem>>, vector<1x16xf32>,
      %swap3A_95 = vector.shape_cast %swap3A_94 : vector<1x16xf32> to vector<16xf32>
      %swap3A_96 = vector.shape_cast %broadcast_in_dim3A_92 : vector<16xf32> to vector<1x16xf32>
      tpu.vector_store %arg9[%swap3A, %swap3A_93], %swap3A_96 {strides = array<i32>} : memref<256x16xf32, #tpu.memory_space<vmem>>, vector<1x16xf32>,
      %scan3A_97 = arith.constant 0 : i32
      scf.yield %scan3A_97 : i32
    }
    %scan3A_5 = arith.constant 256 : i32
    %mul3A = arith.constant 256 : i32
    %mul3A_6 = arith.muli %arg1, %mul3A : i32
    "tpu.region"() ({
      %run_scoped3A = tpu.sem_alloc : memref<!tpu.dma_semaphore, #tpu.memory_space<semaphore_mem>>
      %dma_start3A = arith.constant 0 : i32
      %dma_start3A_90 = tpu.memref_slice %arg10[%mul3A_6, %dma_start3A] : memref<4096x16xf32, #tpu.memory_space<vmem_shared>> -> memref<256x16xf32, #tpu.memory_space<vmem_shared>>
      %dma_start3A_91 = arith.constant 0 : i32
      %dma_start3A_92 = tpu.memref_slice %arg10[%mul3A_6, %dma_start3A_91] : memref<4096x16xf32, #tpu.memory_space<vmem_shared>> -> memref<256x16xf32, #tpu.memory_space<vmem_shared>>
      tpu.enqueue_dma source(%arg9 : memref<256x16xf32, #tpu.memory_space<vmem>>) target(%dma_start3A_92 : memref<256x16xf32, #tpu.memory_space<vmem_shared>>) target_semaphore(%run_scoped3A : memref<!tpu.dma_semaphore, #tpu.memory_space<semaphore_mem>>)
      %dma_wait3A = arith.constant 0 : i32
      %dma_wait3A_93 = tpu.memref_slice %arg10[%mul3A_6, %dma_wait3A] : memref<4096x16xf32, #tpu.memory_space<vmem_shared>> -> memref<256x16xf32, #tpu.memory_space<vmem_shared>>
      %dma_wait3A_94 = arith.constant 0 : i32
      %dma_wait3A_95 = tpu.memref_slice %arg10[%mul3A_6, %dma_wait3A_94] : memref<4096x16xf32, #tpu.memory_space<vmem_shared>> -> memref<256x16xf32, #tpu.memory_space<vmem_shared>>
      tpu.wait_dma2 semaphore(%run_scoped3A : memref<!tpu.dma_semaphore, #tpu.memory_space<semaphore_mem>>) src(%arg9 : memref<256x16xf32, #tpu.memory_space<vmem>>) dst(%dma_wait3A_95 : memref<256x16xf32, #tpu.memory_space<vmem_shared>>)
      tpu.yield
    }) : () -> ()
    %barrier3A = arith.constant 0 : index
    tpu.barrier barrier_id(%barrier3A)
    %eq3A = arith.constant 0 : i32
    %eq3A_7 = arith.cmpi eq, %arg0, %eq3A : i32
    %jit3A = arith.constant 0 : i32
    %jit3A_8 = arith.constant 320 : i32
    %select_n3A = arith.select %eq3A_7, %jit3A, %jit3A_8 : i32
    %eq3A_9 = arith.constant 0 : i32
    %eq3A_10 = arith.cmpi eq, %arg0, %eq3A_9 : i32
    %jit3A_11 = arith.constant 320 : i32
    %jit3A_12 = arith.constant 305 : i32
    %select_n3A_13 = arith.select %eq3A_10, %jit3A_11, %jit3A_12 : i32
    %jit3A_14 = arith.constant 16 : i32
    %div3A = arith.divsi %select_n3A_13, %jit3A_14 : i32
    %sign3A = arith.constant 0 : i32
    %sign3A_15 = arith.cmpi sgt, %select_n3A_13, %sign3A : i32
    %sign3A_16 = arith.extui %sign3A_15 : i1 to i32
    %sign3A_17 = arith.constant 0 : i32
    %sign3A_18 = arith.cmpi slt, %select_n3A_13, %sign3A_17 : i32
    %sign3A_19 = arith.extui %sign3A_18 : i1 to i32
    %sign3A_20 = arith.subi %sign3A_16, %sign3A_19 : i32
    %sign3A_21 = arith.constant 0 : i32
    %sign3A_22 = arith.cmpi sgt, %jit3A_14, %sign3A_21 : i32
    %sign3A_23 = arith.extui %sign3A_22 : i1 to i32
    %sign3A_24 = arith.constant 0 : i32
    %sign3A_25 = arith.cmpi slt, %jit3A_14, %sign3A_24 : i32
    %sign3A_26 = arith.extui %sign3A_25 : i1 to i32
    %sign3A_27 = arith.subi %sign3A_23, %sign3A_26 : i32
    %ne3A = arith.cmpi ne, %sign3A_20, %sign3A_27 : i32
    %rem3A = arith.remsi %select_n3A_13, %jit3A_14 : i32
    %ne3A_28 = arith.constant 0 : i32
    %ne3A_29 = arith.cmpi ne, %rem3A, %ne3A_28 : i32
    %and3A = arith.andi %ne3A, %ne3A_29 : i1
    %sub3A = arith.constant 1 : i32
    %sub3A_30 = arith.subi %div3A, %sub3A : i32
    %select_n3A_31 = arith.select %and3A, %sub3A_30, %div3A : i32
    %mul3A_32 = arith.constant 16 : i32
    %mul3A_33 = arith.muli %select_n3A_31, %mul3A_32 : i32
    %sub3A_34 = arith.subi %select_n3A_13, %mul3A_33 : i32
    %eq3A_35 = arith.constant 0 : i32
    %eq3A_36 = arith.cmpi eq, %arg1, %eq3A_35 : i32
    %mul3A_37 = arith.muli %select_n3A_31, %arg1 : i32
    %add3A = arith.addi %mul3A_37, %sub3A_34 : i32
    %jit3A_38 = arith.constant 0 : i32
    %select_n3A_39 = arith.select %eq3A_36, %jit3A_38, %add3A : i32
    %add3A_40 = arith.addi %select_n3A, %select_n3A_39 : i32
    %add3A_41 = arith.constant 1 : i32
    %add3A_42 = arith.addi %arg1, %add3A_41 : i32
    %mul3A_43 = arith.muli %select_n3A_31, %add3A_42 : i32
    %add3A_44 = arith.addi %select_n3A, %mul3A_43 : i32
    %add3A_45 = arith.addi %add3A_44, %sub3A_34 : i32
    %lt3A = arith.cmpi slt, %add3A_40, %add3A_45 : i32
    %convert_element_type3A = arith.extui %lt3A : i1 to i32
    %cond3A = arith.constant 0 : i32
    %cond3A_46 = arith.cmpi ne, %convert_element_type3A, %cond3A : i32
    scf.if %cond3A_46 {
      %mul3A_90 = arith.constant 2560 : i32
      %mul3A_91 = arith.muli %add3A_40, %mul3A_90 : i32
      %dma_start3A = arith.constant 0 : i32
      %dma_start3A_92 = tpu.memref_slice %arg2[%mul3A_91, %dma_start3A] : memref<1600000x16xf32, #tpu.memory_space<hbm>> -> memref<2560x16xf32, #tpu.memory_space<hbm>>
      %dma_start3A_93 = arith.constant 0 : i32
      %dma_start3A_94 = tpu.memref_slice %arg2[%mul3A_91, %dma_start3A_93] : memref<1600000x16xf32, #tpu.memory_space<hbm>> -> memref<2560x16xf32, #tpu.memory_space<hbm>>
      tpu.enqueue_dma source(%dma_start3A_94 : memref<2560x16xf32, #tpu.memory_space<hbm>>) target(%arg5 : memref<2560x16xf32, #tpu.memory_space<vmem>>) target_semaphore(%arg11 : memref<!tpu.dma_semaphore, #tpu.memory_space<semaphore_mem>>)
      %mul3A_95 = arith.constant 2560 : i32
      %mul3A_96 = arith.muli %add3A_40, %mul3A_95 : i32
      %dma_start3A_97 = tpu.memref_slice %arg3[%mul3A_96] : memref<1600000xi32, #tpu.memory_space<hbm>> -> memref<2560xi32, #tpu.memory_space<hbm>>
      %dma_start3A_98 = tpu.memref_slice %arg3[%mul3A_96] : memref<1600000xi32, #tpu.memory_space<hbm>> -> memref<2560xi32, #tpu.memory_space<hbm>>
      tpu.enqueue_dma source(%dma_start3A_98 : memref<2560xi32, #tpu.memory_space<hbm>>) target(%arg7 : memref<2560xi32, #tpu.memory_space<vmem>>) target_semaphore(%arg11 : memref<!tpu.dma_semaphore, #tpu.memory_space<semaphore_mem>>)
    } else {
    }
    %sub3A_47 = arith.subi %add3A_45, %add3A_40 : i32
    %add3A_48 = arith.constant 1 : i32
    %add3A_49 = arith.addi %sub3A_47, %add3A_48 : i32
    %jit3A_50 = arith.constant 2 : i32
    %div3A_51 = arith.divsi %add3A_49, %jit3A_50 : i32
    %sign3A_52 = arith.constant 0 : i32
    %sign3A_53 = arith.cmpi sgt, %add3A_49, %sign3A_52 : i32
    %sign3A_54 = arith.extui %sign3A_53 : i1 to i32
    %sign3A_55 = arith.constant 0 : i32
    %sign3A_56 = arith.cmpi slt, %add3A_49, %sign3A_55 : i32
    %sign3A_57 = arith.extui %sign3A_56 : i1 to i32
    %sign3A_58 = arith.subi %sign3A_54, %sign3A_57 : i32
    %sign3A_59 = arith.constant 0 : i32
    %sign3A_60 = arith.cmpi sgt, %jit3A_50, %sign3A_59 : i32
    %sign3A_61 = arith.extui %sign3A_60 : i1 to i32
    %sign3A_62 = arith.constant 0 : i32
    %sign3A_63 = arith.cmpi slt, %jit3A_50, %sign3A_62 : i32
    %sign3A_64 = arith.extui %sign3A_63 : i1 to i32
    %sign3A_65 = arith.subi %sign3A_61, %sign3A_64 : i32
    %ne3A_66 = arith.cmpi ne, %sign3A_58, %sign3A_65 : i32
    %rem3A_67 = arith.remsi %add3A_49, %jit3A_50 : i32
    %ne3A_68 = arith.constant 0 : i32
    %ne3A_69 = arith.cmpi ne, %rem3A_67, %ne3A_68 : i32
    %and3A_70 = arith.andi %ne3A_66, %ne3A_69 : i1
    %sub3A_71 = arith.constant 1 : i32
    %sub3A_72 = arith.subi %div3A_51, %sub3A_71 : i32
    %select_n3A_73 = arith.select %and3A_70, %sub3A_72, %div3A_51 : i32
    %while3A = arith.constant 0 : i32
    %while3A_74 = arith.constant 0 : i32
    %while3A_75 = arith.subi %select_n3A_73, %while3A : i32
    %while3A_76 = arith.addi %while3A, %while3A_75 : i32
    %while3A_77 = arith.constant 1 : i32
    %while3A_78 = arith.divsi %while3A_75, %while3A_77 : i32
    %while3A_79 = arith.muli %while3A_78, %while3A_77 : i32
    %while3A_80 = arith.addi %while3A, %while3A_79 : i32
    %while3A_81 = arith.constant 1 : i32
    %while3A_82 = scf.for %while3A_90 = %while3A to %while3A_80 step %while3A_81 iter_args(%while3A_91 = %while3A_74) -> (i32)  : i32 {
      %mul3A_92 = arith.constant 2 : i32
      %mul3A_93 = arith.muli %mul3A_92, %while3A_90 : i32
      %add3A_94 = arith.addi %add3A_40, %mul3A_93 : i32
      %add3A_95 = arith.constant 1 : i32
      %add3A_96 = arith.addi %add3A_94, %add3A_95 : i32
      %mul3A_97 = arith.constant 2560 : i32
      %mul3A_98 = arith.muli %add3A_94, %mul3A_97 : i32
      %dma_wait3A = arith.constant 0 : i32
      %dma_wait3A_99 = tpu.memref_slice %arg2[%mul3A_98, %dma_wait3A] : memref<1600000x16xf32, #tpu.memory_space<hbm>> -> memref<2560x16xf32, #tpu.memory_space<hbm>>
      %dma_wait3A_100 = arith.constant 0 : i32
      %dma_wait3A_101 = tpu.memref_slice %arg2[%mul3A_98, %dma_wait3A_100] : memref<1600000x16xf32, #tpu.memory_space<hbm>> -> memref<2560x16xf32, #tpu.memory_space<hbm>>
      tpu.wait_dma2 semaphore(%arg11 : memref<!tpu.dma_semaphore, #tpu.memory_space<semaphore_mem>>) src(%dma_wait3A_101 : memref<2560x16xf32, #tpu.memory_space<hbm>>) dst(%arg5 : memref<2560x16xf32, #tpu.memory_space<vmem>>)
      %mul3A_102 = arith.constant 2560 : i32
      %mul3A_103 = arith.muli %add3A_94, %mul3A_102 : i32
      %dma_wait3A_104 = tpu.memref_slice %arg3[%mul3A_103] : memref<1600000xi32, #tpu.memory_space<hbm>> -> memref<2560xi32, #tpu.memory_space<hbm>>
      %dma_wait3A_105 = tpu.memref_slice %arg3[%mul3A_103] : memref<1600000xi32, #tpu.memory_space<hbm>> -> memref<2560xi32, #tpu.memory_space<hbm>>
      tpu.wait_dma2 semaphore(%arg11 : memref<!tpu.dma_semaphore, #tpu.memory_space<semaphore_mem>>) src(%dma_wait3A_105 : memref<2560xi32, #tpu.memory_space<hbm>>) dst(%arg7 : memref<2560xi32, #tpu.memory_space<vmem>>)
      %lt3A_106 = arith.cmpi slt, %add3A_96, %add3A_45 : i32
      %convert_element_type3A_107 = arith.extui %lt3A_106 : i1 to i32
      %cond3A_108 = arith.constant 0 : i32
      %cond3A_109 = arith.cmpi ne, %convert_element_type3A_107, %cond3A_108 : i32
      scf.if %cond3A_109 {
        %mul3A_434 = arith.constant 2560 : i32
        %mul3A_435 = arith.muli %add3A_96, %mul3A_434 : i32
        %dma_start3A_436 = arith.constant 0 : i32
        %dma_start3A_437 = tpu.memref_slice %arg2[%mul3A_435, %dma_start3A_436] : memref<1600000x16xf32, #tpu.memory_space<hbm>> -> memref<2560x16xf32, #tpu.memory_space<hbm>>
        %dma_start3A_438 = arith.constant 0 : i32
        %dma_start3A_439 = tpu.memref_slice %arg2[%mul3A_435, %dma_start3A_438] : memref<1600000x16xf32, #tpu.memory_space<hbm>> -> memref<2560x16xf32, #tpu.memory_space<hbm>>
        tpu.enqueue_dma source(%dma_start3A_439 : memref<2560x16xf32, #tpu.memory_space<hbm>>) target(%arg6 : memref<2560x16xf32, #tpu.memory_space<vmem>>) target_semaphore(%arg12 : memref<!tpu.dma_semaphore, #tpu.memory_space<semaphore_mem>>)
        %mul3A_440 = arith.constant 2560 : i32
        %mul3A_441 = arith.muli %add3A_96, %mul3A_440 : i32
        %dma_start3A_442 = tpu.memref_slice %arg3[%mul3A_441] : memref<1600000xi32, #tpu.memory_space<hbm>> -> memref<2560xi32, #tpu.memory_space<hbm>>
        %dma_start3A_443 = tpu.memref_slice %arg3[%mul3A_441] : memref<1600000xi32, #tpu.memory_space<hbm>> -> memref<2560xi32, #tpu.memory_space<hbm>>
        tpu.enqueue_dma source(%dma_start3A_443 : memref<2560xi32, #tpu.memory_space<hbm>>) target(%arg8 : memref<2560xi32, #tpu.memory_space<vmem>>) target_semaphore(%arg12 : memref<!tpu.dma_semaphore, #tpu.memory_space<semaphore_mem>>)
      } else {
      }
      %dma_start3A = arith.constant 0 : i32
      %dma_start3A_110 = arith.constant 0 : i32
      %dma_start3A_111 = tpu.memref_slice %arg5[%dma_start3A, %dma_start3A_110] : memref<2560x16xf32, #tpu.memory_space<vmem>> -> memref<128x16xf32, #tpu.memory_space<vmem>>
      %dma_start3A_112 = arith.constant 0 : i32
      %dma_start3A_113 = tpu.memref_slice %arg7[%dma_start3A_112] : memref<2560xi32, #tpu.memory_space<vmem>> -> memref<128xi32, #tpu.memory_space<vmem>>
      %dma_start3A_114 = arith.constant 0 : i32
      %dma_start3A_115 = arith.constant 0 : i32
      %dma_start3A_116 = tpu.memref_slice %arg10[%dma_start3A_114, %dma_start3A_115] : memref<4096x16xf32, #tpu.memory_space<vmem_shared>> -> memref<4096x16xf32, #tpu.memory_space<vmem_shared>>
      tpu.enqueue_indirect_dma source(%dma_start3A_111 : memref<128x16xf32, #tpu.memory_space<vmem>>) target(%dma_start3A_116 : memref<4096x16xf32, #tpu.memory_space<vmem_shared>>) offsets(%dma_start3A_113 : memref<128xi32, #tpu.memory_space<vmem>>) semaphore(%arg13 : memref<!tpu.dma_semaphore, #tpu.memory_space<semaphore_mem>>) {add = true}
      %dma_start3A_117 = arith.constant 128 : i32
      %dma_start3A_118 = arith.constant 0 : i32
      %dma_start3A_119 = tpu.memref_slice %arg5[%dma_start3A_117, %dma_start3A_118] : memref<2560x16xf32, #tpu.memory_space<vmem>> -> memref<128x16xf32, #tpu.memory_space<vmem>>
      %dma_start3A_120 = arith.constant 128 : i32
      %dma_start3A_121 = tpu.memref_slice %arg7[%dma_start3A_120] : memref<2560xi32, #tpu.memory_space<vmem>> -> memref<128xi32, #tpu.memory_space<vmem>>
      %dma_start3A_122 = arith.constant 0 : i32
      %dma_start3A_123 = arith.constant 0 : i32
      %dma_start3A_124 = tpu.memref_slice %arg10[%dma_start3A_122, %dma_start3A_123] : memref<4096x16xf32, #tpu.memory_space<vmem_shared>> -> memref<4096x16xf32, #tpu.memory_space<vmem_shared>>
      tpu.enqueue_indirect_dma source(%dma_start3A_119 : memref<128x16xf32, #tpu.memory_space<vmem>>) target(%dma_start3A_124 : memref<4096x16xf32, #tpu.memory_space<vmem_shared>>) offsets(%dma_start3A_121 : memref<128xi32, #tpu.memory_space<vmem>>) semaphore(%arg13 : memref<!tpu.dma_semaphore, #tpu.memory_space<semaphore_mem>>) {add = true}
      %dma_start3A_125 = arith.constant 256 : i32
      %dma_start3A_126 = arith.constant 0 : i32
      %dma_start3A_127 = tpu.memref_slice %arg5[%dma_start3A_125, %dma_start3A_126] : memref<2560x16xf32, #tpu.memory_space<vmem>> -> memref<128x16xf32, #tpu.memory_space<vmem>>
      %dma_start3A_128 = arith.constant 256 : i32
      %dma_start3A_129 = tpu.memref_slice %arg7[%dma_start3A_128] : memref<2560xi32, #tpu.memory_space<vmem>> -> memref<128xi32, #tpu.memory_space<vmem>>
      %dma_start3A_130 = arith.constant 0 : i32
      %dma_start3A_131 = arith.constant 0 : i32
      %dma_start3A_132 = tpu.memref_slice %arg10[%dma_start3A_130, %dma_start3A_131] : memref<4096x16xf32, #tpu.memory_space<vmem_shared>> -> memref<4096x16xf32, #tpu.memory_space<vmem_shared>>
      tpu.enqueue_indirect_dma source(%dma_start3A_127 : memref<128x16xf32, #tpu.memory_space<vmem>>) target(%dma_start3A_132 : memref<4096x16xf32, #tpu.memory_space<vmem_shared>>) offsets(%dma_start3A_129 : memref<128xi32, #tpu.memory_space<vmem>>) semaphore(%arg13 : memref<!tpu.dma_semaphore, #tpu.memory_space<semaphore_mem>>) {add = true}
      %dma_start3A_133 = arith.constant 384 : i32
      %dma_start3A_134 = arith.constant 0 : i32
      %dma_start3A_135 = tpu.memref_slice %arg5[%dma_start3A_133, %dma_start3A_134] : memref<2560x16xf32, #tpu.memory_space<vmem>> -> memref<128x16xf32, #tpu.memory_space<vmem>>
      %dma_start3A_136 = arith.constant 384 : i32
      %dma_start3A_137 = tpu.memref_slice %arg7[%dma_start3A_136] : memref<2560xi32, #tpu.memory_space<vmem>> -> memref<128xi32, #tpu.memory_space<vmem>>
      %dma_start3A_138 = arith.constant 0 : i32
      %dma_start3A_139 = arith.constant 0 : i32
      %dma_start3A_140 = tpu.memref_slice %arg10[%dma_start3A_138, %dma_start3A_139] : memref<4096x16xf32, #tpu.memory_space<vmem_shared>> -> memref<4096x16xf32, #tpu.memory_space<vmem_shared>>
      tpu.enqueue_indirect_dma source(%dma_start3A_135 : memref<128x16xf32, #tpu.memory_space<vmem>>) target(%dma_start3A_140 : memref<4096x16xf32, #tpu.memory_space<vmem_shared>>) offsets(%dma_start3A_137 : memref<128xi32, #tpu.memory_space<vmem>>) semaphore(%arg13 : memref<!tpu.dma_semaphore, #tpu.memory_space<semaphore_mem>>) {add = true}
      %dma_start3A_141 = arith.constant 512 : i32
      %dma_start3A_142 = arith.constant 0 : i32
      %dma_start3A_143 = tpu.memref_slice %arg5[%dma_start3A_141, %dma_start3A_142] : memref<2560x16xf32, #tpu.memory_space<vmem>> -> memref<128x16xf32, #tpu.memory_space<vmem>>
      %dma_start3A_144 = arith.constant 512 : i32
      %dma_start3A_145 = tpu.memref_slice %arg7[%dma_start3A_144] : memref<2560xi32, #tpu.memory_space<vmem>> -> memref<128xi32, #tpu.memory_space<vmem>>
      %dma_start3A_146 = arith.constant 0 : i32
      %dma_start3A_147 = arith.constant 0 : i32
      %dma_start3A_148 = tpu.memref_slice %arg10[%dma_start3A_146, %dma_start3A_147] : memref<4096x16xf32, #tpu.memory_space<vmem_shared>> -> memref<4096x16xf32, #tpu.memory_space<vmem_shared>>
      tpu.enqueue_indirect_dma source(%dma_start3A_143 : memref<128x16xf32, #tpu.memory_space<vmem>>) target(%dma_start3A_148 : memref<4096x16xf32, #tpu.memory_space<vmem_shared>>) offsets(%dma_start3A_145 : memref<128xi32, #tpu.memory_space<vmem>>) semaphore(%arg13 : memref<!tpu.dma_semaphore, #tpu.memory_space<semaphore_mem>>) {add = true}
      %dma_start3A_149 = arith.constant 640 : i32
      %dma_start3A_150 = arith.constant 0 : i32
      %dma_start3A_151 = tpu.memref_slice %arg5[%dma_start3A_149, %dma_start3A_150] : memref<2560x16xf32, #tpu.memory_space<vmem>> -> memref<128x16xf32, #tpu.memory_space<vmem>>
      %dma_start3A_152 = arith.constant 640 : i32
      %dma_start3A_153 = tpu.memref_slice %arg7[%dma_start3A_152] : memref<2560xi32, #tpu.memory_space<vmem>> -> memref<128xi32, #tpu.memory_space<vmem>>
      %dma_start3A_154 = arith.constant 0 : i32
      %dma_start3A_155 = arith.constant 0 : i32
      %dma_start3A_156 = tpu.memref_slice %arg10[%dma_start3A_154, %dma_start3A_155] : memref<4096x16xf32, #tpu.memory_space<vmem_shared>> -> memref<4096x16xf32, #tpu.memory_space<vmem_shared>>
      tpu.enqueue_indirect_dma source(%dma_start3A_151 : memref<128x16xf32, #tpu.memory_space<vmem>>) target(%dma_start3A_156 : memref<4096x16xf32, #tpu.memory_space<vmem_shared>>) offsets(%dma_start3A_153 : memref<128xi32, #tpu.memory_space<vmem>>) semaphore(%arg13 : memref<!tpu.dma_semaphore, #tpu.memory_space<semaphore_mem>>) {add = true}
      %dma_start3A_157 = arith.constant 768 : i32
      %dma_start3A_158 = arith.constant 0 : i32
      %dma_start3A_159 = tpu.memref_slice %arg5[%dma_start3A_157, %dma_start3A_158] : memref<2560x16xf32, #tpu.memory_space<vmem>> -> memref<128x16xf32, #tpu.memory_space<vmem>>
      %dma_start3A_160 = arith.constant 768 : i32
      %dma_start3A_161 = tpu.memref_slice %arg7[%dma_start3A_160] : memref<2560xi32, #tpu.memory_space<vmem>> -> memref<128xi32, #tpu.memory_space<vmem>>
      %dma_start3A_162 = arith.constant 0 : i32
      %dma_start3A_163 = arith.constant 0 : i32
      %dma_start3A_164 = tpu.memref_slice %arg10[%dma_start3A_162, %dma_start3A_163] : memref<4096x16xf32, #tpu.memory_space<vmem_shared>> -> memref<4096x16xf32, #tpu.memory_space<vmem_shared>>
      tpu.enqueue_indirect_dma source(%dma_start3A_159 : memref<128x16xf32, #tpu.memory_space<vmem>>) target(%dma_start3A_164 : memref<4096x16xf32, #tpu.memory_space<vmem_shared>>) offsets(%dma_start3A_161 : memref<128xi32, #tpu.memory_space<vmem>>) semaphore(%arg13 : memref<!tpu.dma_semaphore, #tpu.memory_space<semaphore_mem>>) {add = true}
      %dma_start3A_165 = arith.constant 896 : i32
      %dma_start3A_166 = arith.constant 0 : i32
      %dma_start3A_167 = tpu.memref_slice %arg5[%dma_start3A_165, %dma_start3A_166] : memref<2560x16xf32, #tpu.memory_space<vmem>> -> memref<128x16xf32, #tpu.memory_space<vmem>>
      %dma_start3A_168 = arith.constant 896 : i32
      %dma_start3A_169 = tpu.memref_slice %arg7[%dma_start3A_168] : memref<2560xi32, #tpu.memory_space<vmem>> -> memref<128xi32, #tpu.memory_space<vmem>>
      %dma_start3A_170 = arith.constant 0 : i32
      %dma_start3A_171 = arith.constant 0 : i32
      %dma_start3A_172 = tpu.memref_slice %arg10[%dma_start3A_170, %dma_start3A_171] : memref<4096x16xf32, #tpu.memory_space<vmem_shared>> -> memref<4096x16xf32, #tpu.memory_space<vmem_shared>>
      tpu.enqueue_indirect_dma source(%dma_start3A_167 : memref<128x16xf32, #tpu.memory_space<vmem>>) target(%dma_start3A_172 : memref<4096x16xf32, #tpu.memory_space<vmem_shared>>) offsets(%dma_start3A_169 : memref<128xi32, #tpu.memory_space<vmem>>) semaphore(%arg13 : memref<!tpu.dma_semaphore, #tpu.memory_space<semaphore_mem>>) {add = true}
      %dma_start3A_173 = arith.constant 1024 : i32
      %dma_start3A_174 = arith.constant 0 : i32
      %dma_start3A_175 = tpu.memref_slice %arg5[%dma_start3A_173, %dma_start3A_174] : memref<2560x16xf32, #tpu.memory_space<vmem>> -> memref<128x16xf32, #tpu.memory_space<vmem>>
      %dma_start3A_176 = arith.constant 1024 : i32
      %dma_start3A_177 = tpu.memref_slice %arg7[%dma_start3A_176] : memref<2560xi32, #tpu.memory_space<vmem>> -> memref<128xi32, #tpu.memory_space<vmem>>
      %dma_start3A_178 = arith.constant 0 : i32
      %dma_start3A_179 = arith.constant 0 : i32
      %dma_start3A_180 = tpu.memref_slice %arg10[%dma_start3A_178, %dma_start3A_179] : memref<4096x16xf32, #tpu.memory_space<vmem_shared>> -> memref<4096x16xf32, #tpu.memory_space<vmem_shared>>
      tpu.enqueue_indirect_dma source(%dma_start3A_175 : memref<128x16xf32, #tpu.memory_space<vmem>>) target(%dma_start3A_180 : memref<4096x16xf32, #tpu.memory_space<vmem_shared>>) offsets(%dma_start3A_177 : memref<128xi32, #tpu.memory_space<vmem>>) semaphore(%arg13 : memref<!tpu.dma_semaphore, #tpu.memory_space<semaphore_mem>>) {add = true}
      %dma_start3A_181 = arith.constant 1152 : i32
      %dma_start3A_182 = arith.constant 0 : i32
      %dma_start3A_183 = tpu.memref_slice %arg5[%dma_start3A_181, %dma_start3A_182] : memref<2560x16xf32, #tpu.memory_space<vmem>> -> memref<128x16xf32, #tpu.memory_space<vmem>>
      %dma_start3A_184 = arith.constant 1152 : i32
      %dma_start3A_185 = tpu.memref_slice %arg7[%dma_start3A_184] : memref<2560xi32, #tpu.memory_space<vmem>> -> memref<128xi32, #tpu.memory_space<vmem>>
      %dma_start3A_186 = arith.constant 0 : i32
      %dma_start3A_187 = arith.constant 0 : i32
      %dma_start3A_188 = tpu.memref_slice %arg10[%dma_start3A_186, %dma_start3A_187] : memref<4096x16xf32, #tpu.memory_space<vmem_shared>> -> memref<4096x16xf32, #tpu.memory_space<vmem_shared>>
      tpu.enqueue_indirect_dma source(%dma_start3A_183 : memref<128x16xf32, #tpu.memory_space<vmem>>) target(%dma_start3A_188 : memref<4096x16xf32, #tpu.memory_space<vmem_shared>>) offsets(%dma_start3A_185 : memref<128xi32, #tpu.memory_space<vmem>>) semaphore(%arg13 : memref<!tpu.dma_semaphore, #tpu.memory_space<semaphore_mem>>) {add = true}
      %dma_start3A_189 = arith.constant 1280 : i32
      %dma_start3A_190 = arith.constant 0 : i32
      %dma_start3A_191 = tpu.memref_slice %arg5[%dma_start3A_189, %dma_start3A_190] : memref<2560x16xf32, #tpu.memory_space<vmem>> -> memref<128x16xf32, #tpu.memory_space<vmem>>
      %dma_start3A_192 = arith.constant 1280 : i32
      %dma_start3A_193 = tpu.memref_slice %arg7[%dma_start3A_192] : memref<2560xi32, #tpu.memory_space<vmem>> -> memref<128xi32, #tpu.memory_space<vmem>>
      %dma_start3A_194 = arith.constant 0 : i32
      %dma_start3A_195 = arith.constant 0 : i32
      %dma_start3A_196 = tpu.memref_slice %arg10[%dma_start3A_194, %dma_start3A_195] : memref<4096x16xf32, #tpu.memory_space<vmem_shared>> -> memref<4096x16xf32, #tpu.memory_space<vmem_shared>>
      tpu.enqueue_indirect_dma source(%dma_start3A_191 : memref<128x16xf32, #tpu.memory_space<vmem>>) target(%dma_start3A_196 : memref<4096x16xf32, #tpu.memory_space<vmem_shared>>) offsets(%dma_start3A_193 : memref<128xi32, #tpu.memory_space<vmem>>) semaphore(%arg13 : memref<!tpu.dma_semaphore, #tpu.memory_space<semaphore_mem>>) {add = true}
      %dma_start3A_197 = arith.constant 1408 : i32
      %dma_start3A_198 = arith.constant 0 : i32
      %dma_start3A_199 = tpu.memref_slice %arg5[%dma_start3A_197, %dma_start3A_198] : memref<2560x16xf32, #tpu.memory_space<vmem>> -> memref<128x16xf32, #tpu.memory_space<vmem>>
      %dma_start3A_200 = arith.constant 1408 : i32
      %dma_start3A_201 = tpu.memref_slice %arg7[%dma_start3A_200] : memref<2560xi32, #tpu.memory_space<vmem>> -> memref<128xi32, #tpu.memory_space<vmem>>
      %dma_start3A_202 = arith.constant 0 : i32
      %dma_start3A_203 = arith.constant 0 : i32
      %dma_start3A_204 = tpu.memref_slice %arg10[%dma_start3A_202, %dma_start3A_203] : memref<4096x16xf32, #tpu.memory_space<vmem_shared>> -> memref<4096x16xf32, #tpu.memory_space<vmem_shared>>
      tpu.enqueue_indirect_dma source(%dma_start3A_199 : memref<128x16xf32, #tpu.memory_space<vmem>>) target(%dma_start3A_204 : memref<4096x16xf32, #tpu.memory_space<vmem_shared>>) offsets(%dma_start3A_201 : memref<128xi32, #tpu.memory_space<vmem>>) semaphore(%arg13 : memref<!tpu.dma_semaphore, #tpu.memory_space<semaphore_mem>>) {add = true}
      %dma_start3A_205 = arith.constant 1536 : i32
      %dma_start3A_206 = arith.constant 0 : i32
      %dma_start3A_207 = tpu.memref_slice %arg5[%dma_start3A_205, %dma_start3A_206] : memref<2560x16xf32, #tpu.memory_space<vmem>> -> memref<128x16xf32, #tpu.memory_space<vmem>>
      %dma_start3A_208 = arith.constant 1536 : i32
      %dma_start3A_209 = tpu.memref_slice %arg7[%dma_start3A_208] : memref<2560xi32, #tpu.memory_space<vmem>> -> memref<128xi32, #tpu.memory_space<vmem>>
      %dma_start3A_210 = arith.constant 0 : i32
      %dma_start3A_211 = arith.constant 0 : i32
      %dma_start3A_212 = tpu.memref_slice %arg10[%dma_start3A_210, %dma_start3A_211] : memref<4096x16xf32, #tpu.memory_space<vmem_shared>> -> memref<4096x16xf32, #tpu.memory_space<vmem_shared>>
      tpu.enqueue_indirect_dma source(%dma_start3A_207 : memref<128x16xf32, #tpu.memory_space<vmem>>) target(%dma_start3A_212 : memref<4096x16xf32, #tpu.memory_space<vmem_shared>>) offsets(%dma_start3A_209 : memref<128xi32, #tpu.memory_space<vmem>>) semaphore(%arg13 : memref<!tpu.dma_semaphore, #tpu.memory_space<semaphore_mem>>) {add = true}
      %dma_start3A_213 = arith.constant 1664 : i32
      %dma_start3A_214 = arith.constant 0 : i32
      %dma_start3A_215 = tpu.memref_slice %arg5[%dma_start3A_213, %dma_start3A_214] : memref<2560x16xf32, #tpu.memory_space<vmem>> -> memref<128x16xf32, #tpu.memory_space<vmem>>
      %dma_start3A_216 = arith.constant 1664 : i32
      %dma_start3A_217 = tpu.memref_slice %arg7[%dma_start3A_216] : memref<2560xi32, #tpu.memory_space<vmem>> -> memref<128xi32, #tpu.memory_space<vmem>>
      %dma_start3A_218 = arith.constant 0 : i32
      %dma_start3A_219 = arith.constant 0 : i32
      %dma_start3A_220 = tpu.memref_slice %arg10[%dma_start3A_218, %dma_start3A_219] : memref<4096x16xf32, #tpu.memory_space<vmem_shared>> -> memref<4096x16xf32, #tpu.memory_space<vmem_shared>>
      tpu.enqueue_indirect_dma source(%dma_start3A_215 : memref<128x16xf32, #tpu.memory_space<vmem>>) target(%dma_start3A_220 : memref<4096x16xf32, #tpu.memory_space<vmem_shared>>) offsets(%dma_start3A_217 : memref<128xi32, #tpu.memory_space<vmem>>) semaphore(%arg13 : memref<!tpu.dma_semaphore, #tpu.memory_space<semaphore_mem>>) {add = true}
      %dma_start3A_221 = arith.constant 1792 : i32
      %dma_start3A_222 = arith.constant 0 : i32
      %dma_start3A_223 = tpu.memref_slice %arg5[%dma_start3A_221, %dma_start3A_222] : memref<2560x16xf32, #tpu.memory_space<vmem>> -> memref<128x16xf32, #tpu.memory_space<vmem>>
      %dma_start3A_224 = arith.constant 1792 : i32
      %dma_start3A_225 = tpu.memref_slice %arg7[%dma_start3A_224] : memref<2560xi32, #tpu.memory_space<vmem>> -> memref<128xi32, #tpu.memory_space<vmem>>
      %dma_start3A_226 = arith.constant 0 : i32
      %dma_start3A_227 = arith.constant 0 : i32
      %dma_start3A_228 = tpu.memref_slice %arg10[%dma_start3A_226, %dma_start3A_227] : memref<4096x16xf32, #tpu.memory_space<vmem_shared>> -> memref<4096x16xf32, #tpu.memory_space<vmem_shared>>
      tpu.enqueue_indirect_dma source(%dma_start3A_223 : memref<128x16xf32, #tpu.memory_space<vmem>>) target(%dma_start3A_228 : memref<4096x16xf32, #tpu.memory_space<vmem_shared>>) offsets(%dma_start3A_225 : memref<128xi32, #tpu.memory_space<vmem>>) semaphore(%arg13 : memref<!tpu.dma_semaphore, #tpu.memory_space<semaphore_mem>>) {add = true}
      %dma_start3A_229 = arith.constant 1920 : i32
      %dma_start3A_230 = arith.constant 0 : i32
      %dma_start3A_231 = tpu.memref_slice %arg5[%dma_start3A_229, %dma_start3A_230] : memref<2560x16xf32, #tpu.memory_space<vmem>> -> memref<128x16xf32, #tpu.memory_space<vmem>>
      %dma_start3A_232 = arith.constant 1920 : i32
      %dma_start3A_233 = tpu.memref_slice %arg7[%dma_start3A_232] : memref<2560xi32, #tpu.memory_space<vmem>> -> memref<128xi32, #tpu.memory_space<vmem>>
      %dma_start3A_234 = arith.constant 0 : i32
      %dma_start3A_235 = arith.constant 0 : i32
      %dma_start3A_236 = tpu.memref_slice %arg10[%dma_start3A_234, %dma_start3A_235] : memref<4096x16xf32, #tpu.memory_space<vmem_shared>> -> memref<4096x16xf32, #tpu.memory_space<vmem_shared>>
      tpu.enqueue_indirect_dma source(%dma_start3A_231 : memref<128x16xf32, #tpu.memory_space<vmem>>) target(%dma_start3A_236 : memref<4096x16xf32, #tpu.memory_space<vmem_shared>>) offsets(%dma_start3A_233 : memref<128xi32, #tpu.memory_space<vmem>>) semaphore(%arg13 : memref<!tpu.dma_semaphore, #tpu.memory_space<semaphore_mem>>) {add = true}
      %dma_start3A_237 = arith.constant 2048 : i32
      %dma_start3A_238 = arith.constant 0 : i32
      %dma_start3A_239 = tpu.memref_slice %arg5[%dma_start3A_237, %dma_start3A_238] : memref<2560x16xf32, #tpu.memory_space<vmem>> -> memref<128x16xf32, #tpu.memory_space<vmem>>
      %dma_start3A_240 = arith.constant 2048 : i32
      %dma_start3A_241 = tpu.memref_slice %arg7[%dma_start3A_240] : memref<2560xi32, #tpu.memory_space<vmem>> -> memref<128xi32, #tpu.memory_space<vmem>>
      %dma_start3A_242 = arith.constant 0 : i32
      %dma_start3A_243 = arith.constant 0 : i32
      %dma_start3A_244 = tpu.memref_slice %arg10[%dma_start3A_242, %dma_start3A_243] : memref<4096x16xf32, #tpu.memory_space<vmem_shared>> -> memref<4096x16xf32, #tpu.memory_space<vmem_shared>>
      tpu.enqueue_indirect_dma source(%dma_start3A_239 : memref<128x16xf32, #tpu.memory_space<vmem>>) target(%dma_start3A_244 : memref<4096x16xf32, #tpu.memory_space<vmem_shared>>) offsets(%dma_start3A_241 : memref<128xi32, #tpu.memory_space<vmem>>) semaphore(%arg13 : memref<!tpu.dma_semaphore, #tpu.memory_space<semaphore_mem>>) {add = true}
      %dma_start3A_245 = arith.constant 2176 : i32
      %dma_start3A_246 = arith.constant 0 : i32
      %dma_start3A_247 = tpu.memref_slice %arg5[%dma_start3A_245, %dma_start3A_246] : memref<2560x16xf32, #tpu.memory_space<vmem>> -> memref<128x16xf32, #tpu.memory_space<vmem>>
      %dma_start3A_248 = arith.constant 2176 : i32
      %dma_start3A_249 = tpu.memref_slice %arg7[%dma_start3A_248] : memref<2560xi32, #tpu.memory_space<vmem>> -> memref<128xi32, #tpu.memory_space<vmem>>
      %dma_start3A_250 = arith.constant 0 : i32
      %dma_start3A_251 = arith.constant 0 : i32
      %dma_start3A_252 = tpu.memref_slice %arg10[%dma_start3A_250, %dma_start3A_251] : memref<4096x16xf32, #tpu.memory_space<vmem_shared>> -> memref<4096x16xf32, #tpu.memory_space<vmem_shared>>
      tpu.enqueue_indirect_dma source(%dma_start3A_247 : memref<128x16xf32, #tpu.memory_space<vmem>>) target(%dma_start3A_252 : memref<4096x16xf32, #tpu.memory_space<vmem_shared>>) offsets(%dma_start3A_249 : memref<128xi32, #tpu.memory_space<vmem>>) semaphore(%arg13 : memref<!tpu.dma_semaphore, #tpu.memory_space<semaphore_mem>>) {add = true}
      %dma_start3A_253 = arith.constant 2304 : i32
      %dma_start3A_254 = arith.constant 0 : i32
      %dma_start3A_255 = tpu.memref_slice %arg5[%dma_start3A_253, %dma_start3A_254] : memref<2560x16xf32, #tpu.memory_space<vmem>> -> memref<128x16xf32, #tpu.memory_space<vmem>>
      %dma_start3A_256 = arith.constant 2304 : i32
      %dma_start3A_257 = tpu.memref_slice %arg7[%dma_start3A_256] : memref<2560xi32, #tpu.memory_space<vmem>> -> memref<128xi32, #tpu.memory_space<vmem>>
      %dma_start3A_258 = arith.constant 0 : i32
      %dma_start3A_259 = arith.constant 0 : i32
      %dma_start3A_260 = tpu.memref_slice %arg10[%dma_start3A_258, %dma_start3A_259] : memref<4096x16xf32, #tpu.memory_space<vmem_shared>> -> memref<4096x16xf32, #tpu.memory_space<vmem_shared>>
      tpu.enqueue_indirect_dma source(%dma_start3A_255 : memref<128x16xf32, #tpu.memory_space<vmem>>) target(%dma_start3A_260 : memref<4096x16xf32, #tpu.memory_space<vmem_shared>>) offsets(%dma_start3A_257 : memref<128xi32, #tpu.memory_space<vmem>>) semaphore(%arg13 : memref<!tpu.dma_semaphore, #tpu.memory_space<semaphore_mem>>) {add = true}
      %dma_start3A_261 = arith.constant 2432 : i32
      %dma_start3A_262 = arith.constant 0 : i32
      %dma_start3A_263 = tpu.memref_slice %arg5[%dma_start3A_261, %dma_start3A_262] : memref<2560x16xf32, #tpu.memory_space<vmem>> -> memref<128x16xf32, #tpu.memory_space<vmem>>
      %dma_start3A_264 = arith.constant 2432 : i32
      %dma_start3A_265 = tpu.memref_slice %arg7[%dma_start3A_264] : memref<2560xi32, #tpu.memory_space<vmem>> -> memref<128xi32, #tpu.memory_space<vmem>>
      %dma_start3A_266 = arith.constant 0 : i32
      %dma_start3A_267 = arith.constant 0 : i32
      %dma_start3A_268 = tpu.memref_slice %arg10[%dma_start3A_266, %dma_start3A_267] : memref<4096x16xf32, #tpu.memory_space<vmem_shared>> -> memref<4096x16xf32, #tpu.memory_space<vmem_shared>>
      tpu.enqueue_indirect_dma source(%dma_start3A_263 : memref<128x16xf32, #tpu.memory_space<vmem>>) target(%dma_start3A_268 : memref<4096x16xf32, #tpu.memory_space<vmem_shared>>) offsets(%dma_start3A_265 : memref<128xi32, #tpu.memory_space<vmem>>) semaphore(%arg13 : memref<!tpu.dma_semaphore, #tpu.memory_space<semaphore_mem>>) {add = true}
      %dma_wait3A_269 = arith.constant 0 : i32
      %dma_wait3A_270 = arith.constant 0 : i32
      %dma_wait3A_271 = tpu.memref_slice %arg5[%dma_wait3A_269, %dma_wait3A_270] : memref<2560x16xf32, #tpu.memory_space<vmem>> -> memref<128x16xf32, #tpu.memory_space<vmem>>
      %dma_wait3A_272 = arith.constant 0 : i32
      %dma_wait3A_273 = tpu.memref_slice %arg7[%dma_wait3A_272] : memref<2560xi32, #tpu.memory_space<vmem>> -> memref<128xi32, #tpu.memory_space<vmem>>
      %dma_wait3A_274 = arith.constant 0 : i32
      %dma_wait3A_275 = arith.constant 0 : i32
      %dma_wait3A_276 = tpu.memref_slice %arg10[%dma_wait3A_274, %dma_wait3A_275] : memref<4096x16xf32, #tpu.memory_space<vmem_shared>> -> memref<4096x16xf32, #tpu.memory_space<vmem_shared>>
      tpu.wait_indirect_dma semaphore(%arg13 : memref<!tpu.dma_semaphore, #tpu.memory_space<semaphore_mem>>) src(%dma_wait3A_271 : memref<128x16xf32, #tpu.memory_space<vmem>>) dst(%dma_wait3A_276 : memref<4096x16xf32, #tpu.memory_space<vmem_shared>>)
      %dma_wait3A_277 = arith.constant 128 : i32
      %dma_wait3A_278 = arith.constant 0 : i32
      %dma_wait3A_279 = tpu.memref_slice %arg5[%dma_wait3A_277, %dma_wait3A_278] : memref<2560x16xf32, #tpu.memory_space<vmem>> -> memref<128x16xf32, #tpu.memory_space<vmem>>
      %dma_wait3A_280 = arith.constant 128 : i32
      %dma_wait3A_281 = tpu.memref_slice %arg7[%dma_wait3A_280] : memref<2560xi32, #tpu.memory_space<vmem>> -> memref<128xi32, #tpu.memory_space<vmem>>
      %dma_wait3A_282 = arith.constant 0 : i32
      %dma_wait3A_283 = arith.constant 0 : i32
      %dma_wait3A_284 = tpu.memref_slice %arg10[%dma_wait3A_282, %dma_wait3A_283] : memref<4096x16xf32, #tpu.memory_space<vmem_shared>> -> memref<4096x16xf32, #tpu.memory_space<vmem_shared>>
      tpu.wait_indirect_dma semaphore(%arg13 : memref<!tpu.dma_semaphore, #tpu.memory_space<semaphore_mem>>) src(%dma_wait3A_279 : memref<128x16xf32, #tpu.memory_space<vmem>>) dst(%dma_wait3A_284 : memref<4096x16xf32, #tpu.memory_space<vmem_shared>>)
      %dma_wait3A_285 = arith.constant 256 : i32
      %dma_wait3A_286 = arith.constant 0 : i32
      %dma_wait3A_287 = tpu.memref_slice %arg5[%dma_wait3A_285, %dma_wait3A_286] : memref<2560x16xf32, #tpu.memory_space<vmem>> -> memref<128x16xf32, #tpu.memory_space<vmem>>
      %dma_wait3A_288 = arith.constant 256 : i32
      %dma_wait3A_289 = tpu.memref_slice %arg7[%dma_wait3A_288] : memref<2560xi32, #tpu.memory_space<vmem>> -> memref<128xi32, #tpu.memory_space<vmem>>
      %dma_wait3A_290 = arith.constant 0 : i32
      %dma_wait3A_291 = arith.constant 0 : i32
      %dma_wait3A_292 = tpu.memref_slice %arg10[%dma_wait3A_290, %dma_wait3A_291] : memref<4096x16xf32, #tpu.memory_space<vmem_shared>> -> memref<4096x16xf32, #tpu.memory_space<vmem_shared>>
      tpu.wait_indirect_dma semaphore(%arg13 : memref<!tpu.dma_semaphore, #tpu.memory_space<semaphore_mem>>) src(%dma_wait3A_287 : memref<128x16xf32, #tpu.memory_space<vmem>>) dst(%dma_wait3A_292 : memref<4096x16xf32, #tpu.memory_space<vmem_shared>>)
      %dma_wait3A_293 = arith.constant 384 : i32
      %dma_wait3A_294 = arith.constant 0 : i32
      %dma_wait3A_295 = tpu.memref_slice %arg5[%dma_wait3A_293, %dma_wait3A_294] : memref<2560x16xf32, #tpu.memory_space<vmem>> -> memref<128x16xf32, #tpu.memory_space<vmem>>
      %dma_wait3A_296 = arith.constant 384 : i32
      %dma_wait3A_297 = tpu.memref_slice %arg7[%dma_wait3A_296] : memref<2560xi32, #tpu.memory_space<vmem>> -> memref<128xi32, #tpu.memory_space<vmem>>
      %dma_wait3A_298 = arith.constant 0 : i32
      %dma_wait3A_299 = arith.constant 0 : i32
      %dma_wait3A_300 = tpu.memref_slice %arg10[%dma_wait3A_298, %dma_wait3A_299] : memref<4096x16xf32, #tpu.memory_space<vmem_shared>> -> memref<4096x16xf32, #tpu.memory_space<vmem_shared>>
      tpu.wait_indirect_dma semaphore(%arg13 : memref<!tpu.dma_semaphore, #tpu.memory_space<semaphore_mem>>) src(%dma_wait3A_295 : memref<128x16xf32, #tpu.memory_space<vmem>>) dst(%dma_wait3A_300 : memref<4096x16xf32, #tpu.memory_space<vmem_shared>>)
      %dma_wait3A_301 = arith.constant 512 : i32
      %dma_wait3A_302 = arith.constant 0 : i32
      %dma_wait3A_303 = tpu.memref_slice %arg5[%dma_wait3A_301, %dma_wait3A_302] : memref<2560x16xf32, #tpu.memory_space<vmem>> -> memref<128x16xf32, #tpu.memory_space<vmem>>
      %dma_wait3A_304 = arith.constant 512 : i32
      %dma_wait3A_305 = tpu.memref_slice %arg7[%dma_wait3A_304] : memref<2560xi32, #tpu.memory_space<vmem>> -> memref<128xi32, #tpu.memory_space<vmem>>
      %dma_wait3A_306 = arith.constant 0 : i32
      %dma_wait3A_307 = arith.constant 0 : i32
      %dma_wait3A_308 = tpu.memref_slice %arg10[%dma_wait3A_306, %dma_wait3A_307] : memref<4096x16xf32, #tpu.memory_space<vmem_shared>> -> memref<4096x16xf32, #tpu.memory_space<vmem_shared>>
      tpu.wait_indirect_dma semaphore(%arg13 : memref<!tpu.dma_semaphore, #tpu.memory_space<semaphore_mem>>) src(%dma_wait3A_303 : memref<128x16xf32, #tpu.memory_space<vmem>>) dst(%dma_wait3A_308 : memref<4096x16xf32, #tpu.memory_space<vmem_shared>>)
      %dma_wait3A_309 = arith.constant 640 : i32
      %dma_wait3A_310 = arith.constant 0 : i32
      %dma_wait3A_311 = tpu.memref_slice %arg5[%dma_wait3A_309, %dma_wait3A_310] : memref<2560x16xf32, #tpu.memory_space<vmem>> -> memref<128x16xf32, #tpu.memory_space<vmem>>
      %dma_wait3A_312 = arith.constant 640 : i32
      %dma_wait3A_313 = tpu.memref_slice %arg7[%dma_wait3A_312] : memref<2560xi32, #tpu.memory_space<vmem>> -> memref<128xi32, #tpu.memory_space<vmem>>
      %dma_wait3A_314 = arith.constant 0 : i32
      %dma_wait3A_315 = arith.constant 0 : i32
      %dma_wait3A_316 = tpu.memref_slice %arg10[%dma_wait3A_314, %dma_wait3A_315] : memref<4096x16xf32, #tpu.memory_space<vmem_shared>> -> memref<4096x16xf32, #tpu.memory_space<vmem_shared>>
      tpu.wait_indirect_dma semaphore(%arg13 : memref<!tpu.dma_semaphore, #tpu.memory_space<semaphore_mem>>) src(%dma_wait3A_311 : memref<128x16xf32, #tpu.memory_space<vmem>>) dst(%dma_wait3A_316 : memref<4096x16xf32, #tpu.memory_space<vmem_shared>>)
      %dma_wait3A_317 = arith.constant 768 : i32
      %dma_wait3A_318 = arith.constant 0 : i32
      %dma_wait3A_319 = tpu.memref_slice %arg5[%dma_wait3A_317, %dma_wait3A_318] : memref<2560x16xf32, #tpu.memory_space<vmem>> -> memref<128x16xf32, #tpu.memory_space<vmem>>
      %dma_wait3A_320 = arith.constant 768 : i32
      %dma_wait3A_321 = tpu.memref_slice %arg7[%dma_wait3A_320] : memref<2560xi32, #tpu.memory_space<vmem>> -> memref<128xi32, #tpu.memory_space<vmem>>
      %dma_wait3A_322 = arith.constant 0 : i32
      %dma_wait3A_323 = arith.constant 0 : i32
      %dma_wait3A_324 = tpu.memref_slice %arg10[%dma_wait3A_322, %dma_wait3A_323] : memref<4096x16xf32, #tpu.memory_space<vmem_shared>> -> memref<4096x16xf32, #tpu.memory_space<vmem_shared>>
      tpu.wait_indirect_dma semaphore(%arg13 : memref<!tpu.dma_semaphore, #tpu.memory_space<semaphore_mem>>) src(%dma_wait3A_319 : memref<128x16xf32, #tpu.memory_space<vmem>>) dst(%dma_wait3A_324 : memref<4096x16xf32, #tpu.memory_space<vmem_shared>>)
      %dma_wait3A_325 = arith.constant 896 : i32
      %dma_wait3A_326 = arith.constant 0 : i32
      %dma_wait3A_327 = tpu.memref_slice %arg5[%dma_wait3A_325, %dma_wait3A_326] : memref<2560x16xf32, #tpu.memory_space<vmem>> -> memref<128x16xf32, #tpu.memory_space<vmem>>
      %dma_wait3A_328 = arith.constant 896 : i32
      %dma_wait3A_329 = tpu.memref_slice %arg7[%dma_wait3A_328] : memref<2560xi32, #tpu.memory_space<vmem>> -> memref<128xi32, #tpu.memory_space<vmem>>
      %dma_wait3A_330 = arith.constant 0 : i32
      %dma_wait3A_331 = arith.constant 0 : i32
      %dma_wait3A_332 = tpu.memref_slice %arg10[%dma_wait3A_330, %dma_wait3A_331] : memref<4096x16xf32, #tpu.memory_space<vmem_shared>> -> memref<4096x16xf32, #tpu.memory_space<vmem_shared>>
      tpu.wait_indirect_dma semaphore(%arg13 : memref<!tpu.dma_semaphore, #tpu.memory_space<semaphore_mem>>) src(%dma_wait3A_327 : memref<128x16xf32, #tpu.memory_space<vmem>>) dst(%dma_wait3A_332 : memref<4096x16xf32, #tpu.memory_space<vmem_shared>>)
      %dma_wait3A_333 = arith.constant 1024 : i32
      %dma_wait3A_334 = arith.constant 0 : i32
      %dma_wait3A_335 = tpu.memref_slice %arg5[%dma_wait3A_333, %dma_wait3A_334] : memref<2560x16xf32, #tpu.memory_space<vmem>> -> memref<128x16xf32, #tpu.memory_space<vmem>>
      %dma_wait3A_336 = arith.constant 1024 : i32
      %dma_wait3A_337 = tpu.memref_slice %arg7[%dma_wait3A_336] : memref<2560xi32, #tpu.memory_space<vmem>> -> memref<128xi32, #tpu.memory_space<vmem>>
      %dma_wait3A_338 = arith.constant 0 : i32
      %dma_wait3A_339 = arith.constant 0 : i32
      %dma_wait3A_340 = tpu.memref_slice %arg10[%dma_wait3A_338, %dma_wait3A_339] : memref<4096x16xf32, #tpu.memory_space<vmem_shared>> -> memref<4096x16xf32, #tpu.memory_space<vmem_shared>>
      tpu.wait_indirect_dma semaphore(%arg13 : memref<!tpu.dma_semaphore, #tpu.memory_space<semaphore_mem>>) src(%dma_wait3A_335 : memref<128x16xf32, #tpu.memory_space<vmem>>) dst(%dma_wait3A_340 : memref<4096x16xf32, #tpu.memory_space<vmem_shared>>)
      %dma_wait3A_341 = arith.constant 1152 : i32
      %dma_wait3A_342 = arith.constant 0 : i32
      %dma_wait3A_343 = tpu.memref_slice %arg5[%dma_wait3A_341, %dma_wait3A_342] : memref<2560x16xf32, #tpu.memory_space<vmem>> -> memref<128x16xf32, #tpu.memory_space<vmem>>
      %dma_wait3A_344 = arith.constant 1152 : i32
      %dma_wait3A_345 = tpu.memref_slice %arg7[%dma_wait3A_344] : memref<2560xi32, #tpu.memory_space<vmem>> -> memref<128xi32, #tpu.memory_space<vmem>>
      %dma_wait3A_346 = arith.constant 0 : i32
      %dma_wait3A_347 = arith.constant 0 : i32
      %dma_wait3A_348 = tpu.memref_slice %arg10[%dma_wait3A_346, %dma_wait3A_347] : memref<4096x16xf32, #tpu.memory_space<vmem_shared>> -> memref<4096x16xf32, #tpu.memory_space<vmem_shared>>
      tpu.wait_indirect_dma semaphore(%arg13 : memref<!tpu.dma_semaphore, #tpu.memory_space<semaphore_mem>>) src(%dma_wait3A_343 : memref<128x16xf32, #tpu.memory_space<vmem>>) dst(%dma_wait3A_348 : memref<4096x16xf32, #tpu.memory_space<vmem_shared>>)
      %dma_wait3A_349 = arith.constant 1280 : i32
      %dma_wait3A_350 = arith.constant 0 : i32
      %dma_wait3A_351 = tpu.memref_slice %arg5[%dma_wait3A_349, %dma_wait3A_350] : memref<2560x16xf32, #tpu.memory_space<vmem>> -> memref<128x16xf32, #tpu.memory_space<vmem>>
      %dma_wait3A_352 = arith.constant 1280 : i32
      %dma_wait3A_353 = tpu.memref_slice %arg7[%dma_wait3A_352] : memref<2560xi32, #tpu.memory_space<vmem>> -> memref<128xi32, #tpu.memory_space<vmem>>
      %dma_wait3A_354 = arith.constant 0 : i32
      %dma_wait3A_355 = arith.constant 0 : i32
      %dma_wait3A_356 = tpu.memref_slice %arg10[%dma_wait3A_354, %dma_wait3A_355] : memref<4096x16xf32, #tpu.memory_space<vmem_shared>> -> memref<4096x16xf32, #tpu.memory_space<vmem_shared>>
      tpu.wait_indirect_dma semaphore(%arg13 : memref<!tpu.dma_semaphore, #tpu.memory_space<semaphore_mem>>) src(%dma_wait3A_351 : memref<128x16xf32, #tpu.memory_space<vmem>>) dst(%dma_wait3A_356 : memref<4096x16xf32, #tpu.memory_space<vmem_shared>>)
      %dma_wait3A_357 = arith.constant 1408 : i32
      %dma_wait3A_358 = arith.constant 0 : i32
      %dma_wait3A_359 = tpu.memref_slice %arg5[%dma_wait3A_357, %dma_wait3A_358] : memref<2560x16xf32, #tpu.memory_space<vmem>> -> memref<128x16xf32, #tpu.memory_space<vmem>>
      %dma_wait3A_360 = arith.constant 1408 : i32
      %dma_wait3A_361 = tpu.memref_slice %arg7[%dma_wait3A_360] : memref<2560xi32, #tpu.memory_space<vmem>> -> memref<128xi32, #tpu.memory_space<vmem>>
      %dma_wait3A_362 = arith.constant 0 : i32
      %dma_wait3A_363 = arith.constant 0 : i32
      %dma_wait3A_364 = tpu.memref_slice %arg10[%dma_wait3A_362, %dma_wait3A_363] : memref<4096x16xf32, #tpu.memory_space<vmem_shared>> -> memref<4096x16xf32, #tpu.memory_space<vmem_shared>>
      tpu.wait_indirect_dma semaphore(%arg13 : memref<!tpu.dma_semaphore, #tpu.memory_space<semaphore_mem>>) src(%dma_wait3A_359 : memref<128x16xf32, #tpu.memory_space<vmem>>) dst(%dma_wait3A_364 : memref<4096x16xf32, #tpu.memory_space<vmem_shared>>)
      %dma_wait3A_365 = arith.constant 1536 : i32
      %dma_wait3A_366 = arith.constant 0 : i32
      %dma_wait3A_367 = tpu.memref_slice %arg5[%dma_wait3A_365, %dma_wait3A_366] : memref<2560x16xf32, #tpu.memory_space<vmem>> -> memref<128x16xf32, #tpu.memory_space<vmem>>
      %dma_wait3A_368 = arith.constant 1536 : i32
      %dma_wait3A_369 = tpu.memref_slice %arg7[%dma_wait3A_368] : memref<2560xi32, #tpu.memory_space<vmem>> -> memref<128xi32, #tpu.memory_space<vmem>>
      %dma_wait3A_370 = arith.constant 0 : i32
      %dma_wait3A_371 = arith.constant 0 : i32
      %dma_wait3A_372 = tpu.memref_slice %arg10[%dma_wait3A_370, %dma_wait3A_371] : memref<4096x16xf32, #tpu.memory_space<vmem_shared>> -> memref<4096x16xf32, #tpu.memory_space<vmem_shared>>
      tpu.wait_indirect_dma semaphore(%arg13 : memref<!tpu.dma_semaphore, #tpu.memory_space<semaphore_mem>>) src(%dma_wait3A_367 : memref<128x16xf32, #tpu.memory_space<vmem>>) dst(%dma_wait3A_372 : memref<4096x16xf32, #tpu.memory_space<vmem_shared>>)
      %dma_wait3A_373 = arith.constant 1664 : i32
      %dma_wait3A_374 = arith.constant 0 : i32
      %dma_wait3A_375 = tpu.memref_slice %arg5[%dma_wait3A_373, %dma_wait3A_374] : memref<2560x16xf32, #tpu.memory_space<vmem>> -> memref<128x16xf32, #tpu.memory_space<vmem>>
      %dma_wait3A_376 = arith.constant 1664 : i32
      %dma_wait3A_377 = tpu.memref_slice %arg7[%dma_wait3A_376] : memref<2560xi32, #tpu.memory_space<vmem>> -> memref<128xi32, #tpu.memory_space<vmem>>
      %dma_wait3A_378 = arith.constant 0 : i32
      %dma_wait3A_379 = arith.constant 0 : i32
      %dma_wait3A_380 = tpu.memref_slice %arg10[%dma_wait3A_378, %dma_wait3A_379] : memref<4096x16xf32, #tpu.memory_space<vmem_shared>> -> memref<4096x16xf32, #tpu.memory_space<vmem_shared>>
      tpu.wait_indirect_dma semaphore(%arg13 : memref<!tpu.dma_semaphore, #tpu.memory_space<semaphore_mem>>) src(%dma_wait3A_375 : memref<128x16xf32, #tpu.memory_space<vmem>>) dst(%dma_wait3A_380 : memref<4096x16xf32, #tpu.memory_space<vmem_shared>>)
      %dma_wait3A_381 = arith.constant 1792 : i32
      %dma_wait3A_382 = arith.constant 0 : i32
      %dma_wait3A_383 = tpu.memref_slice %arg5[%dma_wait3A_381, %dma_wait3A_382] : memref<2560x16xf32, #tpu.memory_space<vmem>> -> memref<128x16xf32, #tpu.memory_space<vmem>>
      %dma_wait3A_384 = arith.constant 1792 : i32
      %dma_wait3A_385 = tpu.memref_slice %arg7[%dma_wait3A_384] : memref<2560xi32, #tpu.memory_space<vmem>> -> memref<128xi32, #tpu.memory_space<vmem>>
      %dma_wait3A_386 = arith.constant 0 : i32
      %dma_wait3A_387 = arith.constant 0 : i32
      %dma_wait3A_388 = tpu.memref_slice %arg10[%dma_wait3A_386, %dma_wait3A_387] : memref<4096x16xf32, #tpu.memory_space<vmem_shared>> -> memref<4096x16xf32, #tpu.memory_space<vmem_shared>>
      tpu.wait_indirect_dma semaphore(%arg13 : memref<!tpu.dma_semaphore, #tpu.memory_space<semaphore_mem>>) src(%dma_wait3A_383 : memref<128x16xf32, #tpu.memory_space<vmem>>) dst(%dma_wait3A_388 : memref<4096x16xf32, #tpu.memory_space<vmem_shared>>)
      %dma_wait3A_389 = arith.constant 1920 : i32
      %dma_wait3A_390 = arith.constant 0 : i32
      %dma_wait3A_391 = tpu.memref_slice %arg5[%dma_wait3A_389, %dma_wait3A_390] : memref<2560x16xf32, #tpu.memory_space<vmem>> -> memref<128x16xf32, #tpu.memory_space<vmem>>
      %dma_wait3A_392 = arith.constant 1920 : i32
      %dma_wait3A_393 = tpu.memref_slice %arg7[%dma_wait3A_392] : memref<2560xi32, #tpu.memory_space<vmem>> -> memref<128xi32, #tpu.memory_space<vmem>>
      %dma_wait3A_394 = arith.constant 0 : i32
      %dma_wait3A_395 = arith.constant 0 : i32
      %dma_wait3A_396 = tpu.memref_slice %arg10[%dma_wait3A_394, %dma_wait3A_395] : memref<4096x16xf32, #tpu.memory_space<vmem_shared>> -> memref<4096x16xf32, #tpu.memory_space<vmem_shared>>
      tpu.wait_indirect_dma semaphore(%arg13 : memref<!tpu.dma_semaphore, #tpu.memory_space<semaphore_mem>>) src(%dma_wait3A_391 : memref<128x16xf32, #tpu.memory_space<vmem>>) dst(%dma_wait3A_396 : memref<4096x16xf32, #tpu.memory_space<vmem_shared>>)
      %dma_wait3A_397 = arith.constant 2048 : i32
      %dma_wait3A_398 = arith.constant 0 : i32
      %dma_wait3A_399 = tpu.memref_slice %arg5[%dma_wait3A_397, %dma_wait3A_398] : memref<2560x16xf32, #tpu.memory_space<vmem>> -> memref<128x16xf32, #tpu.memory_space<vmem>>
      %dma_wait3A_400 = arith.constant 2048 : i32
      %dma_wait3A_401 = tpu.memref_slice %arg7[%dma_wait3A_400] : memref<2560xi32, #tpu.memory_space<vmem>> -> memref<128xi32, #tpu.memory_space<vmem>>
      %dma_wait3A_402 = arith.constant 0 : i32
      %dma_wait3A_403 = arith.constant 0 : i32
      %dma_wait3A_404 = tpu.memref_slice %arg10[%dma_wait3A_402, %dma_wait3A_403] : memref<4096x16xf32, #tpu.memory_space<vmem_shared>> -> memref<4096x16xf32, #tpu.memory_space<vmem_shared>>
      tpu.wait_indirect_dma semaphore(%arg13 : memref<!tpu.dma_semaphore, #tpu.memory_space<semaphore_mem>>) src(%dma_wait3A_399 : memref<128x16xf32, #tpu.memory_space<vmem>>) dst(%dma_wait3A_404 : memref<4096x16xf32, #tpu.memory_space<vmem_shared>>)
      %dma_wait3A_405 = arith.constant 2176 : i32
      %dma_wait3A_406 = arith.constant 0 : i32
      %dma_wait3A_407 = tpu.memref_slice %arg5[%dma_wait3A_405, %dma_wait3A_406] : memref<2560x16xf32, #tpu.memory_space<vmem>> -> memref<128x16xf32, #tpu.memory_space<vmem>>
      %dma_wait3A_408 = arith.constant 2176 : i32
      %dma_wait3A_409 = tpu.memref_slice %arg7[%dma_wait3A_408] : memref<2560xi32, #tpu.memory_space<vmem>> -> memref<128xi32, #tpu.memory_space<vmem>>
      %dma_wait3A_410 = arith.constant 0 : i32
      %dma_wait3A_411 = arith.constant 0 : i32
      %dma_wait3A_412 = tpu.memref_slice %arg10[%dma_wait3A_410, %dma_wait3A_411] : memref<4096x16xf32, #tpu.memory_space<vmem_shared>> -> memref<4096x16xf32, #tpu.memory_space<vmem_shared>>
      tpu.wait_indirect_dma semaphore(%arg13 : memref<!tpu.dma_semaphore, #tpu.memory_space<semaphore_mem>>) src(%dma_wait3A_407 : memref<128x16xf32, #tpu.memory_space<vmem>>) dst(%dma_wait3A_412 : memref<4096x16xf32, #tpu.memory_space<vmem_shared>>)
      %dma_wait3A_413 = arith.constant 2304 : i32
      %dma_wait3A_414 = arith.constant 0 : i32
      %dma_wait3A_415 = tpu.memref_slice %arg5[%dma_wait3A_413, %dma_wait3A_414] : memref<2560x16xf32, #tpu.memory_space<vmem>> -> memref<128x16xf32, #tpu.memory_space<vmem>>
      %dma_wait3A_416 = arith.constant 2304 : i32
      %dma_wait3A_417 = tpu.memref_slice %arg7[%dma_wait3A_416] : memref<2560xi32, #tpu.memory_space<vmem>> -> memref<128xi32, #tpu.memory_space<vmem>>
      %dma_wait3A_418 = arith.constant 0 : i32
      %dma_wait3A_419 = arith.constant 0 : i32
      %dma_wait3A_420 = tpu.memref_slice %arg10[%dma_wait3A_418, %dma_wait3A_419] : memref<4096x16xf32, #tpu.memory_space<vmem_shared>> -> memref<4096x16xf32, #tpu.memory_space<vmem_shared>>
      tpu.wait_indirect_dma semaphore(%arg13 : memref<!tpu.dma_semaphore, #tpu.memory_space<semaphore_mem>>) src(%dma_wait3A_415 : memref<128x16xf32, #tpu.memory_space<vmem>>) dst(%dma_wait3A_420 : memref<4096x16xf32, #tpu.memory_space<vmem_shared>>)
      %dma_wait3A_421 = arith.constant 2432 : i32
      %dma_wait3A_422 = arith.constant 0 : i32
      %dma_wait3A_423 = tpu.memref_slice %arg5[%dma_wait3A_421, %dma_wait3A_422] : memref<2560x16xf32, #tpu.memory_space<vmem>> -> memref<128x16xf32, #tpu.memory_space<vmem>>
      %dma_wait3A_424 = arith.constant 2432 : i32
      %dma_wait3A_425 = tpu.memref_slice %arg7[%dma_wait3A_424] : memref<2560xi32, #tpu.memory_space<vmem>> -> memref<128xi32, #tpu.memory_space<vmem>>
      %dma_wait3A_426 = arith.constant 0 : i32
      %dma_wait3A_427 = arith.constant 0 : i32
      %dma_wait3A_428 = tpu.memref_slice %arg10[%dma_wait3A_426, %dma_wait3A_427] : memref<4096x16xf32, #tpu.memory_space<vmem_shared>> -> memref<4096x16xf32, #tpu.memory_space<vmem_shared>>
      tpu.wait_indirect_dma semaphore(%arg13 : memref<!tpu.dma_semaphore, #tpu.memory_space<semaphore_mem>>) src(%dma_wait3A_423 : memref<128x16xf32, #tpu.memory_space<vmem>>) dst(%dma_wait3A_428 : memref<4096x16xf32, #tpu.memory_space<vmem_shared>>)
      %lt3A_429 = arith.cmpi slt, %add3A_96, %add3A_45 : i32
      %convert_element_type3A_430 = arith.extui %lt3A_429 : i1 to i32
      %cond3A_431 = arith.constant 0 : i32
      %cond3A_432 = arith.cmpi ne, %convert_element_type3A_430, %cond3A_431 : i32
      scf.if %cond3A_432 {
        %mul3A_434 = arith.constant 2560 : i32
        %mul3A_435 = arith.muli %add3A_96, %mul3A_434 : i32
        %dma_wait3A_436 = arith.constant 0 : i32
        %dma_wait3A_437 = tpu.memref_slice %arg2[%mul3A_435, %dma_wait3A_436] : memref<1600000x16xf32, #tpu.memory_space<hbm>> -> memref<2560x16xf32, #tpu.memory_space<hbm>>
        %dma_wait3A_438 = arith.constant 0 : i32
        %dma_wait3A_439 = tpu.memref_slice %arg2[%mul3A_435, %dma_wait3A_438] : memref<1600000x16xf32, #tpu.memory_space<hbm>> -> memref<2560x16xf32, #tpu.memory_space<hbm>>
        tpu.wait_dma2 semaphore(%arg12 : memref<!tpu.dma_semaphore, #tpu.memory_space<semaphore_mem>>) src(%dma_wait3A_439 : memref<2560x16xf32, #tpu.memory_space<hbm>>) dst(%arg6 : memref<2560x16xf32, #tpu.memory_space<vmem>>)
        %mul3A_440 = arith.constant 2560 : i32
        %mul3A_441 = arith.muli %add3A_96, %mul3A_440 : i32
        %dma_wait3A_442 = tpu.memref_slice %arg3[%mul3A_441] : memref<1600000xi32, #tpu.memory_space<hbm>> -> memref<2560xi32, #tpu.memory_space<hbm>>
        %dma_wait3A_443 = tpu.memref_slice %arg3[%mul3A_441] : memref<1600000xi32, #tpu.memory_space<hbm>> -> memref<2560xi32, #tpu.memory_space<hbm>>
        tpu.wait_dma2 semaphore(%arg12 : memref<!tpu.dma_semaphore, #tpu.memory_space<semaphore_mem>>) src(%dma_wait3A_443 : memref<2560xi32, #tpu.memory_space<hbm>>) dst(%arg8 : memref<2560xi32, #tpu.memory_space<vmem>>)
        %add3A_444 = arith.constant 1 : i32
        %add3A_445 = arith.addi %add3A_96, %add3A_444 : i32
        %lt3A_446 = arith.cmpi slt, %add3A_445, %add3A_45 : i32
        %convert_element_type3A_447 = arith.extui %lt3A_446 : i1 to i32
        %cond3A_448 = arith.constant 0 : i32
        %cond3A_449 = arith.cmpi ne, %convert_element_type3A_447, %cond3A_448 : i32
        scf.if %cond3A_449 {
          %add3A_770 = arith.constant 1 : i32
          %add3A_771 = arith.addi %add3A_96, %add3A_770 : i32
          %mul3A_772 = arith.constant 2560 : i32
          %mul3A_773 = arith.muli %add3A_771, %mul3A_772 : i32
          %dma_start3A_774 = arith.constant 0 : i32
          %dma_start3A_775 = tpu.memref_slice %arg2[%mul3A_773, %dma_start3A_774] : memref<1600000x16xf32, #tpu.memory_space<hbm>> -> memref<2560x16xf32, #tpu.memory_space<hbm>>
          %dma_start3A_776 = arith.constant 0 : i32
          %dma_start3A_777 = tpu.memref_slice %arg2[%mul3A_773, %dma_start3A_776] : memref<1600000x16xf32, #tpu.memory_space<hbm>> -> memref<2560x16xf32, #tpu.memory_space<hbm>>
          tpu.enqueue_dma source(%dma_start3A_777 : memref<2560x16xf32, #tpu.memory_space<hbm>>) target(%arg5 : memref<2560x16xf32, #tpu.memory_space<vmem>>) target_semaphore(%arg11 : memref<!tpu.dma_semaphore, #tpu.memory_space<semaphore_mem>>)
          %mul3A_778 = arith.constant 2560 : i32
          %mul3A_779 = arith.muli %add3A_771, %mul3A_778 : i32
          %dma_start3A_780 = tpu.memref_slice %arg3[%mul3A_779] : memref<1600000xi32, #tpu.memory_space<hbm>> -> memref<2560xi32, #tpu.memory_space<hbm>>
          %dma_start3A_781 = tpu.memref_slice %arg3[%mul3A_779] : memref<1600000xi32, #tpu.memory_space<hbm>> -> memref<2560xi32, #tpu.memory_space<hbm>>
          tpu.enqueue_dma source(%dma_start3A_781 : memref<2560xi32, #tpu.memory_space<hbm>>) target(%arg7 : memref<2560xi32, #tpu.memory_space<vmem>>) target_semaphore(%arg11 : memref<!tpu.dma_semaphore, #tpu.memory_space<semaphore_mem>>)
        } else {
        }
        %dma_start3A_450 = arith.constant 0 : i32
        %dma_start3A_451 = arith.constant 0 : i32
        %dma_start3A_452 = tpu.memref_slice %arg6[%dma_start3A_450, %dma_start3A_451] : memref<2560x16xf32, #tpu.memory_space<vmem>> -> memref<128x16xf32, #tpu.memory_space<vmem>>
        %dma_start3A_453 = arith.constant 0 : i32
        %dma_start3A_454 = tpu.memref_slice %arg8[%dma_start3A_453] : memref<2560xi32, #tpu.memory_space<vmem>> -> memref<128xi32, #tpu.memory_space<vmem>>
        %dma_start3A_455 = arith.constant 0 : i32
        %dma_start3A_456 = arith.constant 0 : i32
        %dma_start3A_457 = tpu.memref_slice %arg10[%dma_start3A_455, %dma_start3A_456] : memref<4096x16xf32, #tpu.memory_space<vmem_shared>> -> memref<4096x16xf32, #tpu.memory_space<vmem_shared>>
        tpu.enqueue_indirect_dma source(%dma_start3A_452 : memref<128x16xf32, #tpu.memory_space<vmem>>) target(%dma_start3A_457 : memref<4096x16xf32, #tpu.memory_space<vmem_shared>>) offsets(%dma_start3A_454 : memref<128xi32, #tpu.memory_space<vmem>>) semaphore(%arg13 : memref<!tpu.dma_semaphore, #tpu.memory_space<semaphore_mem>>) {add = true}
        %dma_start3A_458 = arith.constant 128 : i32
        %dma_start3A_459 = arith.constant 0 : i32
        %dma_start3A_460 = tpu.memref_slice %arg6[%dma_start3A_458, %dma_start3A_459] : memref<2560x16xf32, #tpu.memory_space<vmem>> -> memref<128x16xf32, #tpu.memory_space<vmem>>
        %dma_start3A_461 = arith.constant 128 : i32
        %dma_start3A_462 = tpu.memref_slice %arg8[%dma_start3A_461] : memref<2560xi32, #tpu.memory_space<vmem>> -> memref<128xi32, #tpu.memory_space<vmem>>
        %dma_start3A_463 = arith.constant 0 : i32
        %dma_start3A_464 = arith.constant 0 : i32
        %dma_start3A_465 = tpu.memref_slice %arg10[%dma_start3A_463, %dma_start3A_464] : memref<4096x16xf32, #tpu.memory_space<vmem_shared>> -> memref<4096x16xf32, #tpu.memory_space<vmem_shared>>
        tpu.enqueue_indirect_dma source(%dma_start3A_460 : memref<128x16xf32, #tpu.memory_space<vmem>>) target(%dma_start3A_465 : memref<4096x16xf32, #tpu.memory_space<vmem_shared>>) offsets(%dma_start3A_462 : memref<128xi32, #tpu.memory_space<vmem>>) semaphore(%arg13 : memref<!tpu.dma_semaphore, #tpu.memory_space<semaphore_mem>>) {add = true}
        %dma_start3A_466 = arith.constant 256 : i32
        %dma_start3A_467 = arith.constant 0 : i32
        %dma_start3A_468 = tpu.memref_slice %arg6[%dma_start3A_466, %dma_start3A_467] : memref<2560x16xf32, #tpu.memory_space<vmem>> -> memref<128x16xf32, #tpu.memory_space<vmem>>
        %dma_start3A_469 = arith.constant 256 : i32
        %dma_start3A_470 = tpu.memref_slice %arg8[%dma_start3A_469] : memref<2560xi32, #tpu.memory_space<vmem>> -> memref<128xi32, #tpu.memory_space<vmem>>
        %dma_start3A_471 = arith.constant 0 : i32
        %dma_start3A_472 = arith.constant 0 : i32
        %dma_start3A_473 = tpu.memref_slice %arg10[%dma_start3A_471, %dma_start3A_472] : memref<4096x16xf32, #tpu.memory_space<vmem_shared>> -> memref<4096x16xf32, #tpu.memory_space<vmem_shared>>
        tpu.enqueue_indirect_dma source(%dma_start3A_468 : memref<128x16xf32, #tpu.memory_space<vmem>>) target(%dma_start3A_473 : memref<4096x16xf32, #tpu.memory_space<vmem_shared>>) offsets(%dma_start3A_470 : memref<128xi32, #tpu.memory_space<vmem>>) semaphore(%arg13 : memref<!tpu.dma_semaphore, #tpu.memory_space<semaphore_mem>>) {add = true}
        %dma_start3A_474 = arith.constant 384 : i32
        %dma_start3A_475 = arith.constant 0 : i32
        %dma_start3A_476 = tpu.memref_slice %arg6[%dma_start3A_474, %dma_start3A_475] : memref<2560x16xf32, #tpu.memory_space<vmem>> -> memref<128x16xf32, #tpu.memory_space<vmem>>
        %dma_start3A_477 = arith.constant 384 : i32
        %dma_start3A_478 = tpu.memref_slice %arg8[%dma_start3A_477] : memref<2560xi32, #tpu.memory_space<vmem>> -> memref<128xi32, #tpu.memory_space<vmem>>
        %dma_start3A_479 = arith.constant 0 : i32
        %dma_start3A_480 = arith.constant 0 : i32
        %dma_start3A_481 = tpu.memref_slice %arg10[%dma_start3A_479, %dma_start3A_480] : memref<4096x16xf32, #tpu.memory_space<vmem_shared>> -> memref<4096x16xf32, #tpu.memory_space<vmem_shared>>
        tpu.enqueue_indirect_dma source(%dma_start3A_476 : memref<128x16xf32, #tpu.memory_space<vmem>>) target(%dma_start3A_481 : memref<4096x16xf32, #tpu.memory_space<vmem_shared>>) offsets(%dma_start3A_478 : memref<128xi32, #tpu.memory_space<vmem>>) semaphore(%arg13 : memref<!tpu.dma_semaphore, #tpu.memory_space<semaphore_mem>>) {add = true}
        %dma_start3A_482 = arith.constant 512 : i32
        %dma_start3A_483 = arith.constant 0 : i32
        %dma_start3A_484 = tpu.memref_slice %arg6[%dma_start3A_482, %dma_start3A_483] : memref<2560x16xf32, #tpu.memory_space<vmem>> -> memref<128x16xf32, #tpu.memory_space<vmem>>
        %dma_start3A_485 = arith.constant 512 : i32
        %dma_start3A_486 = tpu.memref_slice %arg8[%dma_start3A_485] : memref<2560xi32, #tpu.memory_space<vmem>> -> memref<128xi32, #tpu.memory_space<vmem>>
        %dma_start3A_487 = arith.constant 0 : i32
        %dma_start3A_488 = arith.constant 0 : i32
        %dma_start3A_489 = tpu.memref_slice %arg10[%dma_start3A_487, %dma_start3A_488] : memref<4096x16xf32, #tpu.memory_space<vmem_shared>> -> memref<4096x16xf32, #tpu.memory_space<vmem_shared>>
        tpu.enqueue_indirect_dma source(%dma_start3A_484 : memref<128x16xf32, #tpu.memory_space<vmem>>) target(%dma_start3A_489 : memref<4096x16xf32, #tpu.memory_space<vmem_shared>>) offsets(%dma_start3A_486 : memref<128xi32, #tpu.memory_space<vmem>>) semaphore(%arg13 : memref<!tpu.dma_semaphore, #tpu.memory_space<semaphore_mem>>) {add = true}
        %dma_start3A_490 = arith.constant 640 : i32
        %dma_start3A_491 = arith.constant 0 : i32
        %dma_start3A_492 = tpu.memref_slice %arg6[%dma_start3A_490, %dma_start3A_491] : memref<2560x16xf32, #tpu.memory_space<vmem>> -> memref<128x16xf32, #tpu.memory_space<vmem>>
        %dma_start3A_493 = arith.constant 640 : i32
        %dma_start3A_494 = tpu.memref_slice %arg8[%dma_start3A_493] : memref<2560xi32, #tpu.memory_space<vmem>> -> memref<128xi32, #tpu.memory_space<vmem>>
        %dma_start3A_495 = arith.constant 0 : i32
        %dma_start3A_496 = arith.constant 0 : i32
        %dma_start3A_497 = tpu.memref_slice %arg10[%dma_start3A_495, %dma_start3A_496] : memref<4096x16xf32, #tpu.memory_space<vmem_shared>> -> memref<4096x16xf32, #tpu.memory_space<vmem_shared>>
        tpu.enqueue_indirect_dma source(%dma_start3A_492 : memref<128x16xf32, #tpu.memory_space<vmem>>) target(%dma_start3A_497 : memref<4096x16xf32, #tpu.memory_space<vmem_shared>>) offsets(%dma_start3A_494 : memref<128xi32, #tpu.memory_space<vmem>>) semaphore(%arg13 : memref<!tpu.dma_semaphore, #tpu.memory_space<semaphore_mem>>) {add = true}
        %dma_start3A_498 = arith.constant 768 : i32
        %dma_start3A_499 = arith.constant 0 : i32
        %dma_start3A_500 = tpu.memref_slice %arg6[%dma_start3A_498, %dma_start3A_499] : memref<2560x16xf32, #tpu.memory_space<vmem>> -> memref<128x16xf32, #tpu.memory_space<vmem>>
        %dma_start3A_501 = arith.constant 768 : i32
        %dma_start3A_502 = tpu.memref_slice %arg8[%dma_start3A_501] : memref<2560xi32, #tpu.memory_space<vmem>> -> memref<128xi32, #tpu.memory_space<vmem>>
        %dma_start3A_503 = arith.constant 0 : i32
        %dma_start3A_504 = arith.constant 0 : i32
        %dma_start3A_505 = tpu.memref_slice %arg10[%dma_start3A_503, %dma_start3A_504] : memref<4096x16xf32, #tpu.memory_space<vmem_shared>> -> memref<4096x16xf32, #tpu.memory_space<vmem_shared>>
        tpu.enqueue_indirect_dma source(%dma_start3A_500 : memref<128x16xf32, #tpu.memory_space<vmem>>) target(%dma_start3A_505 : memref<4096x16xf32, #tpu.memory_space<vmem_shared>>) offsets(%dma_start3A_502 : memref<128xi32, #tpu.memory_space<vmem>>) semaphore(%arg13 : memref<!tpu.dma_semaphore, #tpu.memory_space<semaphore_mem>>) {add = true}
        %dma_start3A_506 = arith.constant 896 : i32
        %dma_start3A_507 = arith.constant 0 : i32
        %dma_start3A_508 = tpu.memref_slice %arg6[%dma_start3A_506, %dma_start3A_507] : memref<2560x16xf32, #tpu.memory_space<vmem>> -> memref<128x16xf32, #tpu.memory_space<vmem>>
        %dma_start3A_509 = arith.constant 896 : i32
        %dma_start3A_510 = tpu.memref_slice %arg8[%dma_start3A_509] : memref<2560xi32, #tpu.memory_space<vmem>> -> memref<128xi32, #tpu.memory_space<vmem>>
        %dma_start3A_511 = arith.constant 0 : i32
        %dma_start3A_512 = arith.constant 0 : i32
        %dma_start3A_513 = tpu.memref_slice %arg10[%dma_start3A_511, %dma_start3A_512] : memref<4096x16xf32, #tpu.memory_space<vmem_shared>> -> memref<4096x16xf32, #tpu.memory_space<vmem_shared>>
        tpu.enqueue_indirect_dma source(%dma_start3A_508 : memref<128x16xf32, #tpu.memory_space<vmem>>) target(%dma_start3A_513 : memref<4096x16xf32, #tpu.memory_space<vmem_shared>>) offsets(%dma_start3A_510 : memref<128xi32, #tpu.memory_space<vmem>>) semaphore(%arg13 : memref<!tpu.dma_semaphore, #tpu.memory_space<semaphore_mem>>) {add = true}
        %dma_start3A_514 = arith.constant 1024 : i32
        %dma_start3A_515 = arith.constant 0 : i32
        %dma_start3A_516 = tpu.memref_slice %arg6[%dma_start3A_514, %dma_start3A_515] : memref<2560x16xf32, #tpu.memory_space<vmem>> -> memref<128x16xf32, #tpu.memory_space<vmem>>
        %dma_start3A_517 = arith.constant 1024 : i32
        %dma_start3A_518 = tpu.memref_slice %arg8[%dma_start3A_517] : memref<2560xi32, #tpu.memory_space<vmem>> -> memref<128xi32, #tpu.memory_space<vmem>>
        %dma_start3A_519 = arith.constant 0 : i32
        %dma_start3A_520 = arith.constant 0 : i32
        %dma_start3A_521 = tpu.memref_slice %arg10[%dma_start3A_519, %dma_start3A_520] : memref<4096x16xf32, #tpu.memory_space<vmem_shared>> -> memref<4096x16xf32, #tpu.memory_space<vmem_shared>>
        tpu.enqueue_indirect_dma source(%dma_start3A_516 : memref<128x16xf32, #tpu.memory_space<vmem>>) target(%dma_start3A_521 : memref<4096x16xf32, #tpu.memory_space<vmem_shared>>) offsets(%dma_start3A_518 : memref<128xi32, #tpu.memory_space<vmem>>) semaphore(%arg13 : memref<!tpu.dma_semaphore, #tpu.memory_space<semaphore_mem>>) {add = true}
        %dma_start3A_522 = arith.constant 1152 : i32
        %dma_start3A_523 = arith.constant 0 : i32
        %dma_start3A_524 = tpu.memref_slice %arg6[%dma_start3A_522, %dma_start3A_523] : memref<2560x16xf32, #tpu.memory_space<vmem>> -> memref<128x16xf32, #tpu.memory_space<vmem>>
        %dma_start3A_525 = arith.constant 1152 : i32
        %dma_start3A_526 = tpu.memref_slice %arg8[%dma_start3A_525] : memref<2560xi32, #tpu.memory_space<vmem>> -> memref<128xi32, #tpu.memory_space<vmem>>
        %dma_start3A_527 = arith.constant 0 : i32
        %dma_start3A_528 = arith.constant 0 : i32
        %dma_start3A_529 = tpu.memref_slice %arg10[%dma_start3A_527, %dma_start3A_528] : memref<4096x16xf32, #tpu.memory_space<vmem_shared>> -> memref<4096x16xf32, #tpu.memory_space<vmem_shared>>
        tpu.enqueue_indirect_dma source(%dma_start3A_524 : memref<128x16xf32, #tpu.memory_space<vmem>>) target(%dma_start3A_529 : memref<4096x16xf32, #tpu.memory_space<vmem_shared>>) offsets(%dma_start3A_526 : memref<128xi32, #tpu.memory_space<vmem>>) semaphore(%arg13 : memref<!tpu.dma_semaphore, #tpu.memory_space<semaphore_mem>>) {add = true}
        %dma_start3A_530 = arith.constant 1280 : i32
        %dma_start3A_531 = arith.constant 0 : i32
        %dma_start3A_532 = tpu.memref_slice %arg6[%dma_start3A_530, %dma_start3A_531] : memref<2560x16xf32, #tpu.memory_space<vmem>> -> memref<128x16xf32, #tpu.memory_space<vmem>>
        %dma_start3A_533 = arith.constant 1280 : i32
        %dma_start3A_534 = tpu.memref_slice %arg8[%dma_start3A_533] : memref<2560xi32, #tpu.memory_space<vmem>> -> memref<128xi32, #tpu.memory_space<vmem>>
        %dma_start3A_535 = arith.constant 0 : i32
        %dma_start3A_536 = arith.constant 0 : i32
        %dma_start3A_537 = tpu.memref_slice %arg10[%dma_start3A_535, %dma_start3A_536] : memref<4096x16xf32, #tpu.memory_space<vmem_shared>> -> memref<4096x16xf32, #tpu.memory_space<vmem_shared>>
        tpu.enqueue_indirect_dma source(%dma_start3A_532 : memref<128x16xf32, #tpu.memory_space<vmem>>) target(%dma_start3A_537 : memref<4096x16xf32, #tpu.memory_space<vmem_shared>>) offsets(%dma_start3A_534 : memref<128xi32, #tpu.memory_space<vmem>>) semaphore(%arg13 : memref<!tpu.dma_semaphore, #tpu.memory_space<semaphore_mem>>) {add = true}
        %dma_start3A_538 = arith.constant 1408 : i32
        %dma_start3A_539 = arith.constant 0 : i32
        %dma_start3A_540 = tpu.memref_slice %arg6[%dma_start3A_538, %dma_start3A_539] : memref<2560x16xf32, #tpu.memory_space<vmem>> -> memref<128x16xf32, #tpu.memory_space<vmem>>
        %dma_start3A_541 = arith.constant 1408 : i32
        %dma_start3A_542 = tpu.memref_slice %arg8[%dma_start3A_541] : memref<2560xi32, #tpu.memory_space<vmem>> -> memref<128xi32, #tpu.memory_space<vmem>>
        %dma_start3A_543 = arith.constant 0 : i32
        %dma_start3A_544 = arith.constant 0 : i32
        %dma_start3A_545 = tpu.memref_slice %arg10[%dma_start3A_543, %dma_start3A_544] : memref<4096x16xf32, #tpu.memory_space<vmem_shared>> -> memref<4096x16xf32, #tpu.memory_space<vmem_shared>>
        tpu.enqueue_indirect_dma source(%dma_start3A_540 : memref<128x16xf32, #tpu.memory_space<vmem>>) target(%dma_start3A_545 : memref<4096x16xf32, #tpu.memory_space<vmem_shared>>) offsets(%dma_start3A_542 : memref<128xi32, #tpu.memory_space<vmem>>) semaphore(%arg13 : memref<!tpu.dma_semaphore, #tpu.memory_space<semaphore_mem>>) {add = true}
        %dma_start3A_546 = arith.constant 1536 : i32
        %dma_start3A_547 = arith.constant 0 : i32
        %dma_start3A_548 = tpu.memref_slice %arg6[%dma_start3A_546, %dma_start3A_547] : memref<2560x16xf32, #tpu.memory_space<vmem>> -> memref<128x16xf32, #tpu.memory_space<vmem>>
        %dma_start3A_549 = arith.constant 1536 : i32
        %dma_start3A_550 = tpu.memref_slice %arg8[%dma_start3A_549] : memref<2560xi32, #tpu.memory_space<vmem>> -> memref<128xi32, #tpu.memory_space<vmem>>
        %dma_start3A_551 = arith.constant 0 : i32
        %dma_start3A_552 = arith.constant 0 : i32
        %dma_start3A_553 = tpu.memref_slice %arg10[%dma_start3A_551, %dma_start3A_552] : memref<4096x16xf32, #tpu.memory_space<vmem_shared>> -> memref<4096x16xf32, #tpu.memory_space<vmem_shared>>
        tpu.enqueue_indirect_dma source(%dma_start3A_548 : memref<128x16xf32, #tpu.memory_space<vmem>>) target(%dma_start3A_553 : memref<4096x16xf32, #tpu.memory_space<vmem_shared>>) offsets(%dma_start3A_550 : memref<128xi32, #tpu.memory_space<vmem>>) semaphore(%arg13 : memref<!tpu.dma_semaphore, #tpu.memory_space<semaphore_mem>>) {add = true}
        %dma_start3A_554 = arith.constant 1664 : i32
        %dma_start3A_555 = arith.constant 0 : i32
        %dma_start3A_556 = tpu.memref_slice %arg6[%dma_start3A_554, %dma_start3A_555] : memref<2560x16xf32, #tpu.memory_space<vmem>> -> memref<128x16xf32, #tpu.memory_space<vmem>>
        %dma_start3A_557 = arith.constant 1664 : i32
        %dma_start3A_558 = tpu.memref_slice %arg8[%dma_start3A_557] : memref<2560xi32, #tpu.memory_space<vmem>> -> memref<128xi32, #tpu.memory_space<vmem>>
        %dma_start3A_559 = arith.constant 0 : i32
        %dma_start3A_560 = arith.constant 0 : i32
        %dma_start3A_561 = tpu.memref_slice %arg10[%dma_start3A_559, %dma_start3A_560] : memref<4096x16xf32, #tpu.memory_space<vmem_shared>> -> memref<4096x16xf32, #tpu.memory_space<vmem_shared>>
        tpu.enqueue_indirect_dma source(%dma_start3A_556 : memref<128x16xf32, #tpu.memory_space<vmem>>) target(%dma_start3A_561 : memref<4096x16xf32, #tpu.memory_space<vmem_shared>>) offsets(%dma_start3A_558 : memref<128xi32, #tpu.memory_space<vmem>>) semaphore(%arg13 : memref<!tpu.dma_semaphore, #tpu.memory_space<semaphore_mem>>) {add = true}
        %dma_start3A_562 = arith.constant 1792 : i32
        %dma_start3A_563 = arith.constant 0 : i32
        %dma_start3A_564 = tpu.memref_slice %arg6[%dma_start3A_562, %dma_start3A_563] : memref<2560x16xf32, #tpu.memory_space<vmem>> -> memref<128x16xf32, #tpu.memory_space<vmem>>
        %dma_start3A_565 = arith.constant 1792 : i32
        %dma_start3A_566 = tpu.memref_slice %arg8[%dma_start3A_565] : memref<2560xi32, #tpu.memory_space<vmem>> -> memref<128xi32, #tpu.memory_space<vmem>>
        %dma_start3A_567 = arith.constant 0 : i32
        %dma_start3A_568 = arith.constant 0 : i32
        %dma_start3A_569 = tpu.memref_slice %arg10[%dma_start3A_567, %dma_start3A_568] : memref<4096x16xf32, #tpu.memory_space<vmem_shared>> -> memref<4096x16xf32, #tpu.memory_space<vmem_shared>>
        tpu.enqueue_indirect_dma source(%dma_start3A_564 : memref<128x16xf32, #tpu.memory_space<vmem>>) target(%dma_start3A_569 : memref<4096x16xf32, #tpu.memory_space<vmem_shared>>) offsets(%dma_start3A_566 : memref<128xi32, #tpu.memory_space<vmem>>) semaphore(%arg13 : memref<!tpu.dma_semaphore, #tpu.memory_space<semaphore_mem>>) {add = true}
        %dma_start3A_570 = arith.constant 1920 : i32
        %dma_start3A_571 = arith.constant 0 : i32
        %dma_start3A_572 = tpu.memref_slice %arg6[%dma_start3A_570, %dma_start3A_571] : memref<2560x16xf32, #tpu.memory_space<vmem>> -> memref<128x16xf32, #tpu.memory_space<vmem>>
        %dma_start3A_573 = arith.constant 1920 : i32
        %dma_start3A_574 = tpu.memref_slice %arg8[%dma_start3A_573] : memref<2560xi32, #tpu.memory_space<vmem>> -> memref<128xi32, #tpu.memory_space<vmem>>
        %dma_start3A_575 = arith.constant 0 : i32
        %dma_start3A_576 = arith.constant 0 : i32
        %dma_start3A_577 = tpu.memref_slice %arg10[%dma_start3A_575, %dma_start3A_576] : memref<4096x16xf32, #tpu.memory_space<vmem_shared>> -> memref<4096x16xf32, #tpu.memory_space<vmem_shared>>
        tpu.enqueue_indirect_dma source(%dma_start3A_572 : memref<128x16xf32, #tpu.memory_space<vmem>>) target(%dma_start3A_577 : memref<4096x16xf32, #tpu.memory_space<vmem_shared>>) offsets(%dma_start3A_574 : memref<128xi32, #tpu.memory_space<vmem>>) semaphore(%arg13 : memref<!tpu.dma_semaphore, #tpu.memory_space<semaphore_mem>>) {add = true}
        %dma_start3A_578 = arith.constant 2048 : i32
        %dma_start3A_579 = arith.constant 0 : i32
        %dma_start3A_580 = tpu.memref_slice %arg6[%dma_start3A_578, %dma_start3A_579] : memref<2560x16xf32, #tpu.memory_space<vmem>> -> memref<128x16xf32, #tpu.memory_space<vmem>>
        %dma_start3A_581 = arith.constant 2048 : i32
        %dma_start3A_582 = tpu.memref_slice %arg8[%dma_start3A_581] : memref<2560xi32, #tpu.memory_space<vmem>> -> memref<128xi32, #tpu.memory_space<vmem>>
        %dma_start3A_583 = arith.constant 0 : i32
        %dma_start3A_584 = arith.constant 0 : i32
        %dma_start3A_585 = tpu.memref_slice %arg10[%dma_start3A_583, %dma_start3A_584] : memref<4096x16xf32, #tpu.memory_space<vmem_shared>> -> memref<4096x16xf32, #tpu.memory_space<vmem_shared>>
        tpu.enqueue_indirect_dma source(%dma_start3A_580 : memref<128x16xf32, #tpu.memory_space<vmem>>) target(%dma_start3A_585 : memref<4096x16xf32, #tpu.memory_space<vmem_shared>>) offsets(%dma_start3A_582 : memref<128xi32, #tpu.memory_space<vmem>>) semaphore(%arg13 : memref<!tpu.dma_semaphore, #tpu.memory_space<semaphore_mem>>) {add = true}
        %dma_start3A_586 = arith.constant 2176 : i32
        %dma_start3A_587 = arith.constant 0 : i32
        %dma_start3A_588 = tpu.memref_slice %arg6[%dma_start3A_586, %dma_start3A_587] : memref<2560x16xf32, #tpu.memory_space<vmem>> -> memref<128x16xf32, #tpu.memory_space<vmem>>
        %dma_start3A_589 = arith.constant 2176 : i32
        %dma_start3A_590 = tpu.memref_slice %arg8[%dma_start3A_589] : memref<2560xi32, #tpu.memory_space<vmem>> -> memref<128xi32, #tpu.memory_space<vmem>>
        %dma_start3A_591 = arith.constant 0 : i32
        %dma_start3A_592 = arith.constant 0 : i32
        %dma_start3A_593 = tpu.memref_slice %arg10[%dma_start3A_591, %dma_start3A_592] : memref<4096x16xf32, #tpu.memory_space<vmem_shared>> -> memref<4096x16xf32, #tpu.memory_space<vmem_shared>>
        tpu.enqueue_indirect_dma source(%dma_start3A_588 : memref<128x16xf32, #tpu.memory_space<vmem>>) target(%dma_start3A_593 : memref<4096x16xf32, #tpu.memory_space<vmem_shared>>) offsets(%dma_start3A_590 : memref<128xi32, #tpu.memory_space<vmem>>) semaphore(%arg13 : memref<!tpu.dma_semaphore, #tpu.memory_space<semaphore_mem>>) {add = true}
        %dma_start3A_594 = arith.constant 2304 : i32
        %dma_start3A_595 = arith.constant 0 : i32
        %dma_start3A_596 = tpu.memref_slice %arg6[%dma_start3A_594, %dma_start3A_595] : memref<2560x16xf32, #tpu.memory_space<vmem>> -> memref<128x16xf32, #tpu.memory_space<vmem>>
        %dma_start3A_597 = arith.constant 2304 : i32
        %dma_start3A_598 = tpu.memref_slice %arg8[%dma_start3A_597] : memref<2560xi32, #tpu.memory_space<vmem>> -> memref<128xi32, #tpu.memory_space<vmem>>
        %dma_start3A_599 = arith.constant 0 : i32
        %dma_start3A_600 = arith.constant 0 : i32
        %dma_start3A_601 = tpu.memref_slice %arg10[%dma_start3A_599, %dma_start3A_600] : memref<4096x16xf32, #tpu.memory_space<vmem_shared>> -> memref<4096x16xf32, #tpu.memory_space<vmem_shared>>
        tpu.enqueue_indirect_dma source(%dma_start3A_596 : memref<128x16xf32, #tpu.memory_space<vmem>>) target(%dma_start3A_601 : memref<4096x16xf32, #tpu.memory_space<vmem_shared>>) offsets(%dma_start3A_598 : memref<128xi32, #tpu.memory_space<vmem>>) semaphore(%arg13 : memref<!tpu.dma_semaphore, #tpu.memory_space<semaphore_mem>>) {add = true}
        %dma_start3A_602 = arith.constant 2432 : i32
        %dma_start3A_603 = arith.constant 0 : i32
        %dma_start3A_604 = tpu.memref_slice %arg6[%dma_start3A_602, %dma_start3A_603] : memref<2560x16xf32, #tpu.memory_space<vmem>> -> memref<128x16xf32, #tpu.memory_space<vmem>>
        %dma_start3A_605 = arith.constant 2432 : i32
        %dma_start3A_606 = tpu.memref_slice %arg8[%dma_start3A_605] : memref<2560xi32, #tpu.memory_space<vmem>> -> memref<128xi32, #tpu.memory_space<vmem>>
        %dma_start3A_607 = arith.constant 0 : i32
        %dma_start3A_608 = arith.constant 0 : i32
        %dma_start3A_609 = tpu.memref_slice %arg10[%dma_start3A_607, %dma_start3A_608] : memref<4096x16xf32, #tpu.memory_space<vmem_shared>> -> memref<4096x16xf32, #tpu.memory_space<vmem_shared>>
        tpu.enqueue_indirect_dma source(%dma_start3A_604 : memref<128x16xf32, #tpu.memory_space<vmem>>) target(%dma_start3A_609 : memref<4096x16xf32, #tpu.memory_space<vmem_shared>>) offsets(%dma_start3A_606 : memref<128xi32, #tpu.memory_space<vmem>>) semaphore(%arg13 : memref<!tpu.dma_semaphore, #tpu.memory_space<semaphore_mem>>) {add = true}
        %dma_wait3A_610 = arith.constant 0 : i32
        %dma_wait3A_611 = arith.constant 0 : i32
        %dma_wait3A_612 = tpu.memref_slice %arg6[%dma_wait3A_610, %dma_wait3A_611] : memref<2560x16xf32, #tpu.memory_space<vmem>> -> memref<128x16xf32, #tpu.memory_space<vmem>>
        %dma_wait3A_613 = arith.constant 0 : i32
        %dma_wait3A_614 = tpu.memref_slice %arg8[%dma_wait3A_613] : memref<2560xi32, #tpu.memory_space<vmem>> -> memref<128xi32, #tpu.memory_space<vmem>>
        %dma_wait3A_615 = arith.constant 0 : i32
        %dma_wait3A_616 = arith.constant 0 : i32
        %dma_wait3A_617 = tpu.memref_slice %arg10[%dma_wait3A_615, %dma_wait3A_616] : memref<4096x16xf32, #tpu.memory_space<vmem_shared>> -> memref<4096x16xf32, #tpu.memory_space<vmem_shared>>
        tpu.wait_indirect_dma semaphore(%arg13 : memref<!tpu.dma_semaphore, #tpu.memory_space<semaphore_mem>>) src(%dma_wait3A_612 : memref<128x16xf32, #tpu.memory_space<vmem>>) dst(%dma_wait3A_617 : memref<4096x16xf32, #tpu.memory_space<vmem_shared>>)
        %dma_wait3A_618 = arith.constant 128 : i32
        %dma_wait3A_619 = arith.constant 0 : i32
        %dma_wait3A_620 = tpu.memref_slice %arg6[%dma_wait3A_618, %dma_wait3A_619] : memref<2560x16xf32, #tpu.memory_space<vmem>> -> memref<128x16xf32, #tpu.memory_space<vmem>>
        %dma_wait3A_621 = arith.constant 128 : i32
        %dma_wait3A_622 = tpu.memref_slice %arg8[%dma_wait3A_621] : memref<2560xi32, #tpu.memory_space<vmem>> -> memref<128xi32, #tpu.memory_space<vmem>>
        %dma_wait3A_623 = arith.constant 0 : i32
        %dma_wait3A_624 = arith.constant 0 : i32
        %dma_wait3A_625 = tpu.memref_slice %arg10[%dma_wait3A_623, %dma_wait3A_624] : memref<4096x16xf32, #tpu.memory_space<vmem_shared>> -> memref<4096x16xf32, #tpu.memory_space<vmem_shared>>
        tpu.wait_indirect_dma semaphore(%arg13 : memref<!tpu.dma_semaphore, #tpu.memory_space<semaphore_mem>>) src(%dma_wait3A_620 : memref<128x16xf32, #tpu.memory_space<vmem>>) dst(%dma_wait3A_625 : memref<4096x16xf32, #tpu.memory_space<vmem_shared>>)
        %dma_wait3A_626 = arith.constant 256 : i32
        %dma_wait3A_627 = arith.constant 0 : i32
        %dma_wait3A_628 = tpu.memref_slice %arg6[%dma_wait3A_626, %dma_wait3A_627] : memref<2560x16xf32, #tpu.memory_space<vmem>> -> memref<128x16xf32, #tpu.memory_space<vmem>>
        %dma_wait3A_629 = arith.constant 256 : i32
        %dma_wait3A_630 = tpu.memref_slice %arg8[%dma_wait3A_629] : memref<2560xi32, #tpu.memory_space<vmem>> -> memref<128xi32, #tpu.memory_space<vmem>>
        %dma_wait3A_631 = arith.constant 0 : i32
        %dma_wait3A_632 = arith.constant 0 : i32
        %dma_wait3A_633 = tpu.memref_slice %arg10[%dma_wait3A_631, %dma_wait3A_632] : memref<4096x16xf32, #tpu.memory_space<vmem_shared>> -> memref<4096x16xf32, #tpu.memory_space<vmem_shared>>
        tpu.wait_indirect_dma semaphore(%arg13 : memref<!tpu.dma_semaphore, #tpu.memory_space<semaphore_mem>>) src(%dma_wait3A_628 : memref<128x16xf32, #tpu.memory_space<vmem>>) dst(%dma_wait3A_633 : memref<4096x16xf32, #tpu.memory_space<vmem_shared>>)
        %dma_wait3A_634 = arith.constant 384 : i32
        %dma_wait3A_635 = arith.constant 0 : i32
        %dma_wait3A_636 = tpu.memref_slice %arg6[%dma_wait3A_634, %dma_wait3A_635] : memref<2560x16xf32, #tpu.memory_space<vmem>> -> memref<128x16xf32, #tpu.memory_space<vmem>>
        %dma_wait3A_637 = arith.constant 384 : i32
        %dma_wait3A_638 = tpu.memref_slice %arg8[%dma_wait3A_637] : memref<2560xi32, #tpu.memory_space<vmem>> -> memref<128xi32, #tpu.memory_space<vmem>>
        %dma_wait3A_639 = arith.constant 0 : i32
        %dma_wait3A_640 = arith.constant 0 : i32
        %dma_wait3A_641 = tpu.memref_slice %arg10[%dma_wait3A_639, %dma_wait3A_640] : memref<4096x16xf32, #tpu.memory_space<vmem_shared>> -> memref<4096x16xf32, #tpu.memory_space<vmem_shared>>
        tpu.wait_indirect_dma semaphore(%arg13 : memref<!tpu.dma_semaphore, #tpu.memory_space<semaphore_mem>>) src(%dma_wait3A_636 : memref<128x16xf32, #tpu.memory_space<vmem>>) dst(%dma_wait3A_641 : memref<4096x16xf32, #tpu.memory_space<vmem_shared>>)
        %dma_wait3A_642 = arith.constant 512 : i32
        %dma_wait3A_643 = arith.constant 0 : i32
        %dma_wait3A_644 = tpu.memref_slice %arg6[%dma_wait3A_642, %dma_wait3A_643] : memref<2560x16xf32, #tpu.memory_space<vmem>> -> memref<128x16xf32, #tpu.memory_space<vmem>>
        %dma_wait3A_645 = arith.constant 512 : i32
        %dma_wait3A_646 = tpu.memref_slice %arg8[%dma_wait3A_645] : memref<2560xi32, #tpu.memory_space<vmem>> -> memref<128xi32, #tpu.memory_space<vmem>>
        %dma_wait3A_647 = arith.constant 0 : i32
        %dma_wait3A_648 = arith.constant 0 : i32
        %dma_wait3A_649 = tpu.memref_slice %arg10[%dma_wait3A_647, %dma_wait3A_648] : memref<4096x16xf32, #tpu.memory_space<vmem_shared>> -> memref<4096x16xf32, #tpu.memory_space<vmem_shared>>
        tpu.wait_indirect_dma semaphore(%arg13 : memref<!tpu.dma_semaphore, #tpu.memory_space<semaphore_mem>>) src(%dma_wait3A_644 : memref<128x16xf32, #tpu.memory_space<vmem>>) dst(%dma_wait3A_649 : memref<4096x16xf32, #tpu.memory_space<vmem_shared>>)
        %dma_wait3A_650 = arith.constant 640 : i32
        %dma_wait3A_651 = arith.constant 0 : i32
        %dma_wait3A_652 = tpu.memref_slice %arg6[%dma_wait3A_650, %dma_wait3A_651] : memref<2560x16xf32, #tpu.memory_space<vmem>> -> memref<128x16xf32, #tpu.memory_space<vmem>>
        %dma_wait3A_653 = arith.constant 640 : i32
        %dma_wait3A_654 = tpu.memref_slice %arg8[%dma_wait3A_653] : memref<2560xi32, #tpu.memory_space<vmem>> -> memref<128xi32, #tpu.memory_space<vmem>>
        %dma_wait3A_655 = arith.constant 0 : i32
        %dma_wait3A_656 = arith.constant 0 : i32
        %dma_wait3A_657 = tpu.memref_slice %arg10[%dma_wait3A_655, %dma_wait3A_656] : memref<4096x16xf32, #tpu.memory_space<vmem_shared>> -> memref<4096x16xf32, #tpu.memory_space<vmem_shared>>
        tpu.wait_indirect_dma semaphore(%arg13 : memref<!tpu.dma_semaphore, #tpu.memory_space<semaphore_mem>>) src(%dma_wait3A_652 : memref<128x16xf32, #tpu.memory_space<vmem>>) dst(%dma_wait3A_657 : memref<4096x16xf32, #tpu.memory_space<vmem_shared>>)
        %dma_wait3A_658 = arith.constant 768 : i32
        %dma_wait3A_659 = arith.constant 0 : i32
        %dma_wait3A_660 = tpu.memref_slice %arg6[%dma_wait3A_658, %dma_wait3A_659] : memref<2560x16xf32, #tpu.memory_space<vmem>> -> memref<128x16xf32, #tpu.memory_space<vmem>>
        %dma_wait3A_661 = arith.constant 768 : i32
        %dma_wait3A_662 = tpu.memref_slice %arg8[%dma_wait3A_661] : memref<2560xi32, #tpu.memory_space<vmem>> -> memref<128xi32, #tpu.memory_space<vmem>>
        %dma_wait3A_663 = arith.constant 0 : i32
        %dma_wait3A_664 = arith.constant 0 : i32
        %dma_wait3A_665 = tpu.memref_slice %arg10[%dma_wait3A_663, %dma_wait3A_664] : memref<4096x16xf32, #tpu.memory_space<vmem_shared>> -> memref<4096x16xf32, #tpu.memory_space<vmem_shared>>
        tpu.wait_indirect_dma semaphore(%arg13 : memref<!tpu.dma_semaphore, #tpu.memory_space<semaphore_mem>>) src(%dma_wait3A_660 : memref<128x16xf32, #tpu.memory_space<vmem>>) dst(%dma_wait3A_665 : memref<4096x16xf32, #tpu.memory_space<vmem_shared>>)
        %dma_wait3A_666 = arith.constant 896 : i32
        %dma_wait3A_667 = arith.constant 0 : i32
        %dma_wait3A_668 = tpu.memref_slice %arg6[%dma_wait3A_666, %dma_wait3A_667] : memref<2560x16xf32, #tpu.memory_space<vmem>> -> memref<128x16xf32, #tpu.memory_space<vmem>>
        %dma_wait3A_669 = arith.constant 896 : i32
        %dma_wait3A_670 = tpu.memref_slice %arg8[%dma_wait3A_669] : memref<2560xi32, #tpu.memory_space<vmem>> -> memref<128xi32, #tpu.memory_space<vmem>>
        %dma_wait3A_671 = arith.constant 0 : i32
        %dma_wait3A_672 = arith.constant 0 : i32
        %dma_wait3A_673 = tpu.memref_slice %arg10[%dma_wait3A_671, %dma_wait3A_672] : memref<4096x16xf32, #tpu.memory_space<vmem_shared>> -> memref<4096x16xf32, #tpu.memory_space<vmem_shared>>
        tpu.wait_indirect_dma semaphore(%arg13 : memref<!tpu.dma_semaphore, #tpu.memory_space<semaphore_mem>>) src(%dma_wait3A_668 : memref<128x16xf32, #tpu.memory_space<vmem>>) dst(%dma_wait3A_673 : memref<4096x16xf32, #tpu.memory_space<vmem_shared>>)
        %dma_wait3A_674 = arith.constant 1024 : i32
        %dma_wait3A_675 = arith.constant 0 : i32
        %dma_wait3A_676 = tpu.memref_slice %arg6[%dma_wait3A_674, %dma_wait3A_675] : memref<2560x16xf32, #tpu.memory_space<vmem>> -> memref<128x16xf32, #tpu.memory_space<vmem>>
        %dma_wait3A_677 = arith.constant 1024 : i32
        %dma_wait3A_678 = tpu.memref_slice %arg8[%dma_wait3A_677] : memref<2560xi32, #tpu.memory_space<vmem>> -> memref<128xi32, #tpu.memory_space<vmem>>
        %dma_wait3A_679 = arith.constant 0 : i32
        %dma_wait3A_680 = arith.constant 0 : i32
        %dma_wait3A_681 = tpu.memref_slice %arg10[%dma_wait3A_679, %dma_wait3A_680] : memref<4096x16xf32, #tpu.memory_space<vmem_shared>> -> memref<4096x16xf32, #tpu.memory_space<vmem_shared>>
        tpu.wait_indirect_dma semaphore(%arg13 : memref<!tpu.dma_semaphore, #tpu.memory_space<semaphore_mem>>) src(%dma_wait3A_676 : memref<128x16xf32, #tpu.memory_space<vmem>>) dst(%dma_wait3A_681 : memref<4096x16xf32, #tpu.memory_space<vmem_shared>>)
        %dma_wait3A_682 = arith.constant 1152 : i32
        %dma_wait3A_683 = arith.constant 0 : i32
        %dma_wait3A_684 = tpu.memref_slice %arg6[%dma_wait3A_682, %dma_wait3A_683] : memref<2560x16xf32, #tpu.memory_space<vmem>> -> memref<128x16xf32, #tpu.memory_space<vmem>>
        %dma_wait3A_685 = arith.constant 1152 : i32
        %dma_wait3A_686 = tpu.memref_slice %arg8[%dma_wait3A_685] : memref<2560xi32, #tpu.memory_space<vmem>> -> memref<128xi32, #tpu.memory_space<vmem>>
        %dma_wait3A_687 = arith.constant 0 : i32
        %dma_wait3A_688 = arith.constant 0 : i32
        %dma_wait3A_689 = tpu.memref_slice %arg10[%dma_wait3A_687, %dma_wait3A_688] : memref<4096x16xf32, #tpu.memory_space<vmem_shared>> -> memref<4096x16xf32, #tpu.memory_space<vmem_shared>>
        tpu.wait_indirect_dma semaphore(%arg13 : memref<!tpu.dma_semaphore, #tpu.memory_space<semaphore_mem>>) src(%dma_wait3A_684 : memref<128x16xf32, #tpu.memory_space<vmem>>) dst(%dma_wait3A_689 : memref<4096x16xf32, #tpu.memory_space<vmem_shared>>)
        %dma_wait3A_690 = arith.constant 1280 : i32
        %dma_wait3A_691 = arith.constant 0 : i32
        %dma_wait3A_692 = tpu.memref_slice %arg6[%dma_wait3A_690, %dma_wait3A_691] : memref<2560x16xf32, #tpu.memory_space<vmem>> -> memref<128x16xf32, #tpu.memory_space<vmem>>
        %dma_wait3A_693 = arith.constant 1280 : i32
        %dma_wait3A_694 = tpu.memref_slice %arg8[%dma_wait3A_693] : memref<2560xi32, #tpu.memory_space<vmem>> -> memref<128xi32, #tpu.memory_space<vmem>>
        %dma_wait3A_695 = arith.constant 0 : i32
        %dma_wait3A_696 = arith.constant 0 : i32
        %dma_wait3A_697 = tpu.memref_slice %arg10[%dma_wait3A_695, %dma_wait3A_696] : memref<4096x16xf32, #tpu.memory_space<vmem_shared>> -> memref<4096x16xf32, #tpu.memory_space<vmem_shared>>
        tpu.wait_indirect_dma semaphore(%arg13 : memref<!tpu.dma_semaphore, #tpu.memory_space<semaphore_mem>>) src(%dma_wait3A_692 : memref<128x16xf32, #tpu.memory_space<vmem>>) dst(%dma_wait3A_697 : memref<4096x16xf32, #tpu.memory_space<vmem_shared>>)
        %dma_wait3A_698 = arith.constant 1408 : i32
        %dma_wait3A_699 = arith.constant 0 : i32
        %dma_wait3A_700 = tpu.memref_slice %arg6[%dma_wait3A_698, %dma_wait3A_699] : memref<2560x16xf32, #tpu.memory_space<vmem>> -> memref<128x16xf32, #tpu.memory_space<vmem>>
        %dma_wait3A_701 = arith.constant 1408 : i32
        %dma_wait3A_702 = tpu.memref_slice %arg8[%dma_wait3A_701] : memref<2560xi32, #tpu.memory_space<vmem>> -> memref<128xi32, #tpu.memory_space<vmem>>
        %dma_wait3A_703 = arith.constant 0 : i32
        %dma_wait3A_704 = arith.constant 0 : i32
        %dma_wait3A_705 = tpu.memref_slice %arg10[%dma_wait3A_703, %dma_wait3A_704] : memref<4096x16xf32, #tpu.memory_space<vmem_shared>> -> memref<4096x16xf32, #tpu.memory_space<vmem_shared>>
        tpu.wait_indirect_dma semaphore(%arg13 : memref<!tpu.dma_semaphore, #tpu.memory_space<semaphore_mem>>) src(%dma_wait3A_700 : memref<128x16xf32, #tpu.memory_space<vmem>>) dst(%dma_wait3A_705 : memref<4096x16xf32, #tpu.memory_space<vmem_shared>>)
        %dma_wait3A_706 = arith.constant 1536 : i32
        %dma_wait3A_707 = arith.constant 0 : i32
        %dma_wait3A_708 = tpu.memref_slice %arg6[%dma_wait3A_706, %dma_wait3A_707] : memref<2560x16xf32, #tpu.memory_space<vmem>> -> memref<128x16xf32, #tpu.memory_space<vmem>>
        %dma_wait3A_709 = arith.constant 1536 : i32
        %dma_wait3A_710 = tpu.memref_slice %arg8[%dma_wait3A_709] : memref<2560xi32, #tpu.memory_space<vmem>> -> memref<128xi32, #tpu.memory_space<vmem>>
        %dma_wait3A_711 = arith.constant 0 : i32
        %dma_wait3A_712 = arith.constant 0 : i32
        %dma_wait3A_713 = tpu.memref_slice %arg10[%dma_wait3A_711, %dma_wait3A_712] : memref<4096x16xf32, #tpu.memory_space<vmem_shared>> -> memref<4096x16xf32, #tpu.memory_space<vmem_shared>>
        tpu.wait_indirect_dma semaphore(%arg13 : memref<!tpu.dma_semaphore, #tpu.memory_space<semaphore_mem>>) src(%dma_wait3A_708 : memref<128x16xf32, #tpu.memory_space<vmem>>) dst(%dma_wait3A_713 : memref<4096x16xf32, #tpu.memory_space<vmem_shared>>)
        %dma_wait3A_714 = arith.constant 1664 : i32
        %dma_wait3A_715 = arith.constant 0 : i32
        %dma_wait3A_716 = tpu.memref_slice %arg6[%dma_wait3A_714, %dma_wait3A_715] : memref<2560x16xf32, #tpu.memory_space<vmem>> -> memref<128x16xf32, #tpu.memory_space<vmem>>
        %dma_wait3A_717 = arith.constant 1664 : i32
        %dma_wait3A_718 = tpu.memref_slice %arg8[%dma_wait3A_717] : memref<2560xi32, #tpu.memory_space<vmem>> -> memref<128xi32, #tpu.memory_space<vmem>>
        %dma_wait3A_719 = arith.constant 0 : i32
        %dma_wait3A_720 = arith.constant 0 : i32
        %dma_wait3A_721 = tpu.memref_slice %arg10[%dma_wait3A_719, %dma_wait3A_720] : memref<4096x16xf32, #tpu.memory_space<vmem_shared>> -> memref<4096x16xf32, #tpu.memory_space<vmem_shared>>
        tpu.wait_indirect_dma semaphore(%arg13 : memref<!tpu.dma_semaphore, #tpu.memory_space<semaphore_mem>>) src(%dma_wait3A_716 : memref<128x16xf32, #tpu.memory_space<vmem>>) dst(%dma_wait3A_721 : memref<4096x16xf32, #tpu.memory_space<vmem_shared>>)
        %dma_wait3A_722 = arith.constant 1792 : i32
        %dma_wait3A_723 = arith.constant 0 : i32
        %dma_wait3A_724 = tpu.memref_slice %arg6[%dma_wait3A_722, %dma_wait3A_723] : memref<2560x16xf32, #tpu.memory_space<vmem>> -> memref<128x16xf32, #tpu.memory_space<vmem>>
        %dma_wait3A_725 = arith.constant 1792 : i32
        %dma_wait3A_726 = tpu.memref_slice %arg8[%dma_wait3A_725] : memref<2560xi32, #tpu.memory_space<vmem>> -> memref<128xi32, #tpu.memory_space<vmem>>
        %dma_wait3A_727 = arith.constant 0 : i32
        %dma_wait3A_728 = arith.constant 0 : i32
        %dma_wait3A_729 = tpu.memref_slice %arg10[%dma_wait3A_727, %dma_wait3A_728] : memref<4096x16xf32, #tpu.memory_space<vmem_shared>> -> memref<4096x16xf32, #tpu.memory_space<vmem_shared>>
        tpu.wait_indirect_dma semaphore(%arg13 : memref<!tpu.dma_semaphore, #tpu.memory_space<semaphore_mem>>) src(%dma_wait3A_724 : memref<128x16xf32, #tpu.memory_space<vmem>>) dst(%dma_wait3A_729 : memref<4096x16xf32, #tpu.memory_space<vmem_shared>>)
        %dma_wait3A_730 = arith.constant 1920 : i32
        %dma_wait3A_731 = arith.constant 0 : i32
        %dma_wait3A_732 = tpu.memref_slice %arg6[%dma_wait3A_730, %dma_wait3A_731] : memref<2560x16xf32, #tpu.memory_space<vmem>> -> memref<128x16xf32, #tpu.memory_space<vmem>>
        %dma_wait3A_733 = arith.constant 1920 : i32
        %dma_wait3A_734 = tpu.memref_slice %arg8[%dma_wait3A_733] : memref<2560xi32, #tpu.memory_space<vmem>> -> memref<128xi32, #tpu.memory_space<vmem>>
        %dma_wait3A_735 = arith.constant 0 : i32
        %dma_wait3A_736 = arith.constant 0 : i32
        %dma_wait3A_737 = tpu.memref_slice %arg10[%dma_wait3A_735, %dma_wait3A_736] : memref<4096x16xf32, #tpu.memory_space<vmem_shared>> -> memref<4096x16xf32, #tpu.memory_space<vmem_shared>>
        tpu.wait_indirect_dma semaphore(%arg13 : memref<!tpu.dma_semaphore, #tpu.memory_space<semaphore_mem>>) src(%dma_wait3A_732 : memref<128x16xf32, #tpu.memory_space<vmem>>) dst(%dma_wait3A_737 : memref<4096x16xf32, #tpu.memory_space<vmem_shared>>)
        %dma_wait3A_738 = arith.constant 2048 : i32
        %dma_wait3A_739 = arith.constant 0 : i32
        %dma_wait3A_740 = tpu.memref_slice %arg6[%dma_wait3A_738, %dma_wait3A_739] : memref<2560x16xf32, #tpu.memory_space<vmem>> -> memref<128x16xf32, #tpu.memory_space<vmem>>
        %dma_wait3A_741 = arith.constant 2048 : i32
        %dma_wait3A_742 = tpu.memref_slice %arg8[%dma_wait3A_741] : memref<2560xi32, #tpu.memory_space<vmem>> -> memref<128xi32, #tpu.memory_space<vmem>>
        %dma_wait3A_743 = arith.constant 0 : i32
        %dma_wait3A_744 = arith.constant 0 : i32
        %dma_wait3A_745 = tpu.memref_slice %arg10[%dma_wait3A_743, %dma_wait3A_744] : memref<4096x16xf32, #tpu.memory_space<vmem_shared>> -> memref<4096x16xf32, #tpu.memory_space<vmem_shared>>
        tpu.wait_indirect_dma semaphore(%arg13 : memref<!tpu.dma_semaphore, #tpu.memory_space<semaphore_mem>>) src(%dma_wait3A_740 : memref<128x16xf32, #tpu.memory_space<vmem>>) dst(%dma_wait3A_745 : memref<4096x16xf32, #tpu.memory_space<vmem_shared>>)
        %dma_wait3A_746 = arith.constant 2176 : i32
        %dma_wait3A_747 = arith.constant 0 : i32
        %dma_wait3A_748 = tpu.memref_slice %arg6[%dma_wait3A_746, %dma_wait3A_747] : memref<2560x16xf32, #tpu.memory_space<vmem>> -> memref<128x16xf32, #tpu.memory_space<vmem>>
        %dma_wait3A_749 = arith.constant 2176 : i32
        %dma_wait3A_750 = tpu.memref_slice %arg8[%dma_wait3A_749] : memref<2560xi32, #tpu.memory_space<vmem>> -> memref<128xi32, #tpu.memory_space<vmem>>
        %dma_wait3A_751 = arith.constant 0 : i32
        %dma_wait3A_752 = arith.constant 0 : i32
        %dma_wait3A_753 = tpu.memref_slice %arg10[%dma_wait3A_751, %dma_wait3A_752] : memref<4096x16xf32, #tpu.memory_space<vmem_shared>> -> memref<4096x16xf32, #tpu.memory_space<vmem_shared>>
        tpu.wait_indirect_dma semaphore(%arg13 : memref<!tpu.dma_semaphore, #tpu.memory_space<semaphore_mem>>) src(%dma_wait3A_748 : memref<128x16xf32, #tpu.memory_space<vmem>>) dst(%dma_wait3A_753 : memref<4096x16xf32, #tpu.memory_space<vmem_shared>>)
        %dma_wait3A_754 = arith.constant 2304 : i32
        %dma_wait3A_755 = arith.constant 0 : i32
        %dma_wait3A_756 = tpu.memref_slice %arg6[%dma_wait3A_754, %dma_wait3A_755] : memref<2560x16xf32, #tpu.memory_space<vmem>> -> memref<128x16xf32, #tpu.memory_space<vmem>>
        %dma_wait3A_757 = arith.constant 2304 : i32
        %dma_wait3A_758 = tpu.memref_slice %arg8[%dma_wait3A_757] : memref<2560xi32, #tpu.memory_space<vmem>> -> memref<128xi32, #tpu.memory_space<vmem>>
        %dma_wait3A_759 = arith.constant 0 : i32
        %dma_wait3A_760 = arith.constant 0 : i32
        %dma_wait3A_761 = tpu.memref_slice %arg10[%dma_wait3A_759, %dma_wait3A_760] : memref<4096x16xf32, #tpu.memory_space<vmem_shared>> -> memref<4096x16xf32, #tpu.memory_space<vmem_shared>>
        tpu.wait_indirect_dma semaphore(%arg13 : memref<!tpu.dma_semaphore, #tpu.memory_space<semaphore_mem>>) src(%dma_wait3A_756 : memref<128x16xf32, #tpu.memory_space<vmem>>) dst(%dma_wait3A_761 : memref<4096x16xf32, #tpu.memory_space<vmem_shared>>)
        %dma_wait3A_762 = arith.constant 2432 : i32
        %dma_wait3A_763 = arith.constant 0 : i32
        %dma_wait3A_764 = tpu.memref_slice %arg6[%dma_wait3A_762, %dma_wait3A_763] : memref<2560x16xf32, #tpu.memory_space<vmem>> -> memref<128x16xf32, #tpu.memory_space<vmem>>
        %dma_wait3A_765 = arith.constant 2432 : i32
        %dma_wait3A_766 = tpu.memref_slice %arg8[%dma_wait3A_765] : memref<2560xi32, #tpu.memory_space<vmem>> -> memref<128xi32, #tpu.memory_space<vmem>>
        %dma_wait3A_767 = arith.constant 0 : i32
        %dma_wait3A_768 = arith.constant 0 : i32
        %dma_wait3A_769 = tpu.memref_slice %arg10[%dma_wait3A_767, %dma_wait3A_768] : memref<4096x16xf32, #tpu.memory_space<vmem_shared>> -> memref<4096x16xf32, #tpu.memory_space<vmem_shared>>
        tpu.wait_indirect_dma semaphore(%arg13 : memref<!tpu.dma_semaphore, #tpu.memory_space<semaphore_mem>>) src(%dma_wait3A_764 : memref<128x16xf32, #tpu.memory_space<vmem>>) dst(%dma_wait3A_769 : memref<4096x16xf32, #tpu.memory_space<vmem_shared>>)
      } else {
      }
      %while3A_433 = arith.constant 0 : i32
      scf.yield %while3A_433 : i32
    }
    %while3A_83 = arith.constant 1 : i32
    %while3A_84 = scf.for %while3A_90 = %while3A_80 to %while3A_76 step %while3A_83 iter_args(%while3A_91 = %while3A_82) -> (i32)  : i32 {
      %mul3A_92 = arith.constant 2 : i32
      %mul3A_93 = arith.muli %mul3A_92, %while3A_90 : i32
      %add3A_94 = arith.addi %add3A_40, %mul3A_93 : i32
      %add3A_95 = arith.constant 1 : i32
      %add3A_96 = arith.addi %add3A_94, %add3A_95 : i32
      %mul3A_97 = arith.constant 2560 : i32
      %mul3A_98 = arith.muli %add3A_94, %mul3A_97 : i32
      %dma_wait3A = arith.constant 0 : i32
      %dma_wait3A_99 = tpu.memref_slice %arg2[%mul3A_98, %dma_wait3A] : memref<1600000x16xf32, #tpu.memory_space<hbm>> -> memref<2560x16xf32, #tpu.memory_space<hbm>>
      %dma_wait3A_100 = arith.constant 0 : i32
      %dma_wait3A_101 = tpu.memref_slice %arg2[%mul3A_98, %dma_wait3A_100] : memref<1600000x16xf32, #tpu.memory_space<hbm>> -> memref<2560x16xf32, #tpu.memory_space<hbm>>
      tpu.wait_dma2 semaphore(%arg11 : memref<!tpu.dma_semaphore, #tpu.memory_space<semaphore_mem>>) src(%dma_wait3A_101 : memref<2560x16xf32, #tpu.memory_space<hbm>>) dst(%arg5 : memref<2560x16xf32, #tpu.memory_space<vmem>>)
      %mul3A_102 = arith.constant 2560 : i32
      %mul3A_103 = arith.muli %add3A_94, %mul3A_102 : i32
      %dma_wait3A_104 = tpu.memref_slice %arg3[%mul3A_103] : memref<1600000xi32, #tpu.memory_space<hbm>> -> memref<2560xi32, #tpu.memory_space<hbm>>
      %dma_wait3A_105 = tpu.memref_slice %arg3[%mul3A_103] : memref<1600000xi32, #tpu.memory_space<hbm>> -> memref<2560xi32, #tpu.memory_space<hbm>>
      tpu.wait_dma2 semaphore(%arg11 : memref<!tpu.dma_semaphore, #tpu.memory_space<semaphore_mem>>) src(%dma_wait3A_105 : memref<2560xi32, #tpu.memory_space<hbm>>) dst(%arg7 : memref<2560xi32, #tpu.memory_space<vmem>>)
      %lt3A_106 = arith.cmpi slt, %add3A_96, %add3A_45 : i32
      %convert_element_type3A_107 = arith.extui %lt3A_106 : i1 to i32
      %cond3A_108 = arith.constant 0 : i32
      %cond3A_109 = arith.cmpi ne, %convert_element_type3A_107, %cond3A_108 : i32
      scf.if %cond3A_109 {
        %mul3A_434 = arith.constant 2560 : i32
        %mul3A_435 = arith.muli %add3A_96, %mul3A_434 : i32
        %dma_start3A_436 = arith.constant 0 : i32
        %dma_start3A_437 = tpu.memref_slice %arg2[%mul3A_435, %dma_start3A_436] : memref<1600000x16xf32, #tpu.memory_space<hbm>> -> memref<2560x16xf32, #tpu.memory_space<hbm>>
        %dma_start3A_438 = arith.constant 0 : i32
        %dma_start3A_439 = tpu.memref_slice %arg2[%mul3A_435, %dma_start3A_438] : memref<1600000x16xf32, #tpu.memory_space<hbm>> -> memref<2560x16xf32, #tpu.memory_space<hbm>>
        tpu.enqueue_dma source(%dma_start3A_439 : memref<2560x16xf32, #tpu.memory_space<hbm>>) target(%arg6 : memref<2560x16xf32, #tpu.memory_space<vmem>>) target_semaphore(%arg12 : memref<!tpu.dma_semaphore, #tpu.memory_space<semaphore_mem>>)
        %mul3A_440 = arith.constant 2560 : i32
        %mul3A_441 = arith.muli %add3A_96, %mul3A_440 : i32
        %dma_start3A_442 = tpu.memref_slice %arg3[%mul3A_441] : memref<1600000xi32, #tpu.memory_space<hbm>> -> memref<2560xi32, #tpu.memory_space<hbm>>
        %dma_start3A_443 = tpu.memref_slice %arg3[%mul3A_441] : memref<1600000xi32, #tpu.memory_space<hbm>> -> memref<2560xi32, #tpu.memory_space<hbm>>
        tpu.enqueue_dma source(%dma_start3A_443 : memref<2560xi32, #tpu.memory_space<hbm>>) target(%arg8 : memref<2560xi32, #tpu.memory_space<vmem>>) target_semaphore(%arg12 : memref<!tpu.dma_semaphore, #tpu.memory_space<semaphore_mem>>)
      } else {
      }
      %dma_start3A = arith.constant 0 : i32
      %dma_start3A_110 = arith.constant 0 : i32
      %dma_start3A_111 = tpu.memref_slice %arg5[%dma_start3A, %dma_start3A_110] : memref<2560x16xf32, #tpu.memory_space<vmem>> -> memref<128x16xf32, #tpu.memory_space<vmem>>
      %dma_start3A_112 = arith.constant 0 : i32
      %dma_start3A_113 = tpu.memref_slice %arg7[%dma_start3A_112] : memref<2560xi32, #tpu.memory_space<vmem>> -> memref<128xi32, #tpu.memory_space<vmem>>
      %dma_start3A_114 = arith.constant 0 : i32
      %dma_start3A_115 = arith.constant 0 : i32
      %dma_start3A_116 = tpu.memref_slice %arg10[%dma_start3A_114, %dma_start3A_115] : memref<4096x16xf32, #tpu.memory_space<vmem_shared>> -> memref<4096x16xf32, #tpu.memory_space<vmem_shared>>
      tpu.enqueue_indirect_dma source(%dma_start3A_111 : memref<128x16xf32, #tpu.memory_space<vmem>>) target(%dma_start3A_116 : memref<4096x16xf32, #tpu.memory_space<vmem_shared>>) offsets(%dma_start3A_113 : memref<128xi32, #tpu.memory_space<vmem>>) semaphore(%arg13 : memref<!tpu.dma_semaphore, #tpu.memory_space<semaphore_mem>>) {add = true}
      %dma_start3A_117 = arith.constant 128 : i32
      %dma_start3A_118 = arith.constant 0 : i32
      %dma_start3A_119 = tpu.memref_slice %arg5[%dma_start3A_117, %dma_start3A_118] : memref<2560x16xf32, #tpu.memory_space<vmem>> -> memref<128x16xf32, #tpu.memory_space<vmem>>
      %dma_start3A_120 = arith.constant 128 : i32
      %dma_start3A_121 = tpu.memref_slice %arg7[%dma_start3A_120] : memref<2560xi32, #tpu.memory_space<vmem>> -> memref<128xi32, #tpu.memory_space<vmem>>
      %dma_start3A_122 = arith.constant 0 : i32
      %dma_start3A_123 = arith.constant 0 : i32
      %dma_start3A_124 = tpu.memref_slice %arg10[%dma_start3A_122, %dma_start3A_123] : memref<4096x16xf32, #tpu.memory_space<vmem_shared>> -> memref<4096x16xf32, #tpu.memory_space<vmem_shared>>
      tpu.enqueue_indirect_dma source(%dma_start3A_119 : memref<128x16xf32, #tpu.memory_space<vmem>>) target(%dma_start3A_124 : memref<4096x16xf32, #tpu.memory_space<vmem_shared>>) offsets(%dma_start3A_121 : memref<128xi32, #tpu.memory_space<vmem>>) semaphore(%arg13 : memref<!tpu.dma_semaphore, #tpu.memory_space<semaphore_mem>>) {add = true}
      %dma_start3A_125 = arith.constant 256 : i32
      %dma_start3A_126 = arith.constant 0 : i32
      %dma_start3A_127 = tpu.memref_slice %arg5[%dma_start3A_125, %dma_start3A_126] : memref<2560x16xf32, #tpu.memory_space<vmem>> -> memref<128x16xf32, #tpu.memory_space<vmem>>
      %dma_start3A_128 = arith.constant 256 : i32
      %dma_start3A_129 = tpu.memref_slice %arg7[%dma_start3A_128] : memref<2560xi32, #tpu.memory_space<vmem>> -> memref<128xi32, #tpu.memory_space<vmem>>
      %dma_start3A_130 = arith.constant 0 : i32
      %dma_start3A_131 = arith.constant 0 : i32
      %dma_start3A_132 = tpu.memref_slice %arg10[%dma_start3A_130, %dma_start3A_131] : memref<4096x16xf32, #tpu.memory_space<vmem_shared>> -> memref<4096x16xf32, #tpu.memory_space<vmem_shared>>
      tpu.enqueue_indirect_dma source(%dma_start3A_127 : memref<128x16xf32, #tpu.memory_space<vmem>>) target(%dma_start3A_132 : memref<4096x16xf32, #tpu.memory_space<vmem_shared>>) offsets(%dma_start3A_129 : memref<128xi32, #tpu.memory_space<vmem>>) semaphore(%arg13 : memref<!tpu.dma_semaphore, #tpu.memory_space<semaphore_mem>>) {add = true}
      %dma_start3A_133 = arith.constant 384 : i32
      %dma_start3A_134 = arith.constant 0 : i32
      %dma_start3A_135 = tpu.memref_slice %arg5[%dma_start3A_133, %dma_start3A_134] : memref<2560x16xf32, #tpu.memory_space<vmem>> -> memref<128x16xf32, #tpu.memory_space<vmem>>
      %dma_start3A_136 = arith.constant 384 : i32
      %dma_start3A_137 = tpu.memref_slice %arg7[%dma_start3A_136] : memref<2560xi32, #tpu.memory_space<vmem>> -> memref<128xi32, #tpu.memory_space<vmem>>
      %dma_start3A_138 = arith.constant 0 : i32
      %dma_start3A_139 = arith.constant 0 : i32
      %dma_start3A_140 = tpu.memref_slice %arg10[%dma_start3A_138, %dma_start3A_139] : memref<4096x16xf32, #tpu.memory_space<vmem_shared>> -> memref<4096x16xf32, #tpu.memory_space<vmem_shared>>
      tpu.enqueue_indirect_dma source(%dma_start3A_135 : memref<128x16xf32, #tpu.memory_space<vmem>>) target(%dma_start3A_140 : memref<4096x16xf32, #tpu.memory_space<vmem_shared>>) offsets(%dma_start3A_137 : memref<128xi32, #tpu.memory_space<vmem>>) semaphore(%arg13 : memref<!tpu.dma_semaphore, #tpu.memory_space<semaphore_mem>>) {add = true}
      %dma_start3A_141 = arith.constant 512 : i32
      %dma_start3A_142 = arith.constant 0 : i32
      %dma_start3A_143 = tpu.memref_slice %arg5[%dma_start3A_141, %dma_start3A_142] : memref<2560x16xf32, #tpu.memory_space<vmem>> -> memref<128x16xf32, #tpu.memory_space<vmem>>
      %dma_start3A_144 = arith.constant 512 : i32
      %dma_start3A_145 = tpu.memref_slice %arg7[%dma_start3A_144] : memref<2560xi32, #tpu.memory_space<vmem>> -> memref<128xi32, #tpu.memory_space<vmem>>
      %dma_start3A_146 = arith.constant 0 : i32
      %dma_start3A_147 = arith.constant 0 : i32
      %dma_start3A_148 = tpu.memref_slice %arg10[%dma_start3A_146, %dma_start3A_147] : memref<4096x16xf32, #tpu.memory_space<vmem_shared>> -> memref<4096x16xf32, #tpu.memory_space<vmem_shared>>
      tpu.enqueue_indirect_dma source(%dma_start3A_143 : memref<128x16xf32, #tpu.memory_space<vmem>>) target(%dma_start3A_148 : memref<4096x16xf32, #tpu.memory_space<vmem_shared>>) offsets(%dma_start3A_145 : memref<128xi32, #tpu.memory_space<vmem>>) semaphore(%arg13 : memref<!tpu.dma_semaphore, #tpu.memory_space<semaphore_mem>>) {add = true}
      %dma_start3A_149 = arith.constant 640 : i32
      %dma_start3A_150 = arith.constant 0 : i32
      %dma_start3A_151 = tpu.memref_slice %arg5[%dma_start3A_149, %dma_start3A_150] : memref<2560x16xf32, #tpu.memory_space<vmem>> -> memref<128x16xf32, #tpu.memory_space<vmem>>
      %dma_start3A_152 = arith.constant 640 : i32
      %dma_start3A_153 = tpu.memref_slice %arg7[%dma_start3A_152] : memref<2560xi32, #tpu.memory_space<vmem>> -> memref<128xi32, #tpu.memory_space<vmem>>
      %dma_start3A_154 = arith.constant 0 : i32
      %dma_start3A_155 = arith.constant 0 : i32
      %dma_start3A_156 = tpu.memref_slice %arg10[%dma_start3A_154, %dma_start3A_155] : memref<4096x16xf32, #tpu.memory_space<vmem_shared>> -> memref<4096x16xf32, #tpu.memory_space<vmem_shared>>
      tpu.enqueue_indirect_dma source(%dma_start3A_151 : memref<128x16xf32, #tpu.memory_space<vmem>>) target(%dma_start3A_156 : memref<4096x16xf32, #tpu.memory_space<vmem_shared>>) offsets(%dma_start3A_153 : memref<128xi32, #tpu.memory_space<vmem>>) semaphore(%arg13 : memref<!tpu.dma_semaphore, #tpu.memory_space<semaphore_mem>>) {add = true}
      %dma_start3A_157 = arith.constant 768 : i32
      %dma_start3A_158 = arith.constant 0 : i32
      %dma_start3A_159 = tpu.memref_slice %arg5[%dma_start3A_157, %dma_start3A_158] : memref<2560x16xf32, #tpu.memory_space<vmem>> -> memref<128x16xf32, #tpu.memory_space<vmem>>
      %dma_start3A_160 = arith.constant 768 : i32
      %dma_start3A_161 = tpu.memref_slice %arg7[%dma_start3A_160] : memref<2560xi32, #tpu.memory_space<vmem>> -> memref<128xi32, #tpu.memory_space<vmem>>
      %dma_start3A_162 = arith.constant 0 : i32
      %dma_start3A_163 = arith.constant 0 : i32
      %dma_start3A_164 = tpu.memref_slice %arg10[%dma_start3A_162, %dma_start3A_163] : memref<4096x16xf32, #tpu.memory_space<vmem_shared>> -> memref<4096x16xf32, #tpu.memory_space<vmem_shared>>
      tpu.enqueue_indirect_dma source(%dma_start3A_159 : memref<128x16xf32, #tpu.memory_space<vmem>>) target(%dma_start3A_164 : memref<4096x16xf32, #tpu.memory_space<vmem_shared>>) offsets(%dma_start3A_161 : memref<128xi32, #tpu.memory_space<vmem>>) semaphore(%arg13 : memref<!tpu.dma_semaphore, #tpu.memory_space<semaphore_mem>>) {add = true}
      %dma_start3A_165 = arith.constant 896 : i32
      %dma_start3A_166 = arith.constant 0 : i32
      %dma_start3A_167 = tpu.memref_slice %arg5[%dma_start3A_165, %dma_start3A_166] : memref<2560x16xf32, #tpu.memory_space<vmem>> -> memref<128x16xf32, #tpu.memory_space<vmem>>
      %dma_start3A_168 = arith.constant 896 : i32
      %dma_start3A_169 = tpu.memref_slice %arg7[%dma_start3A_168] : memref<2560xi32, #tpu.memory_space<vmem>> -> memref<128xi32, #tpu.memory_space<vmem>>
      %dma_start3A_170 = arith.constant 0 : i32
      %dma_start3A_171 = arith.constant 0 : i32
      %dma_start3A_172 = tpu.memref_slice %arg10[%dma_start3A_170, %dma_start3A_171] : memref<4096x16xf32, #tpu.memory_space<vmem_shared>> -> memref<4096x16xf32, #tpu.memory_space<vmem_shared>>
      tpu.enqueue_indirect_dma source(%dma_start3A_167 : memref<128x16xf32, #tpu.memory_space<vmem>>) target(%dma_start3A_172 : memref<4096x16xf32, #tpu.memory_space<vmem_shared>>) offsets(%dma_start3A_169 : memref<128xi32, #tpu.memory_space<vmem>>) semaphore(%arg13 : memref<!tpu.dma_semaphore, #tpu.memory_space<semaphore_mem>>) {add = true}
      %dma_start3A_173 = arith.constant 1024 : i32
      %dma_start3A_174 = arith.constant 0 : i32
      %dma_start3A_175 = tpu.memref_slice %arg5[%dma_start3A_173, %dma_start3A_174] : memref<2560x16xf32, #tpu.memory_space<vmem>> -> memref<128x16xf32, #tpu.memory_space<vmem>>
      %dma_start3A_176 = arith.constant 1024 : i32
      %dma_start3A_177 = tpu.memref_slice %arg7[%dma_start3A_176] : memref<2560xi32, #tpu.memory_space<vmem>> -> memref<128xi32, #tpu.memory_space<vmem>>
      %dma_start3A_178 = arith.constant 0 : i32
      %dma_start3A_179 = arith.constant 0 : i32
      %dma_start3A_180 = tpu.memref_slice %arg10[%dma_start3A_178, %dma_start3A_179] : memref<4096x16xf32, #tpu.memory_space<vmem_shared>> -> memref<4096x16xf32, #tpu.memory_space<vmem_shared>>
      tpu.enqueue_indirect_dma source(%dma_start3A_175 : memref<128x16xf32, #tpu.memory_space<vmem>>) target(%dma_start3A_180 : memref<4096x16xf32, #tpu.memory_space<vmem_shared>>) offsets(%dma_start3A_177 : memref<128xi32, #tpu.memory_space<vmem>>) semaphore(%arg13 : memref<!tpu.dma_semaphore, #tpu.memory_space<semaphore_mem>>) {add = true}
      %dma_start3A_181 = arith.constant 1152 : i32
      %dma_start3A_182 = arith.constant 0 : i32
      %dma_start3A_183 = tpu.memref_slice %arg5[%dma_start3A_181, %dma_start3A_182] : memref<2560x16xf32, #tpu.memory_space<vmem>> -> memref<128x16xf32, #tpu.memory_space<vmem>>
      %dma_start3A_184 = arith.constant 1152 : i32
      %dma_start3A_185 = tpu.memref_slice %arg7[%dma_start3A_184] : memref<2560xi32, #tpu.memory_space<vmem>> -> memref<128xi32, #tpu.memory_space<vmem>>
      %dma_start3A_186 = arith.constant 0 : i32
      %dma_start3A_187 = arith.constant 0 : i32
      %dma_start3A_188 = tpu.memref_slice %arg10[%dma_start3A_186, %dma_start3A_187] : memref<4096x16xf32, #tpu.memory_space<vmem_shared>> -> memref<4096x16xf32, #tpu.memory_space<vmem_shared>>
      tpu.enqueue_indirect_dma source(%dma_start3A_183 : memref<128x16xf32, #tpu.memory_space<vmem>>) target(%dma_start3A_188 : memref<4096x16xf32, #tpu.memory_space<vmem_shared>>) offsets(%dma_start3A_185 : memref<128xi32, #tpu.memory_space<vmem>>) semaphore(%arg13 : memref<!tpu.dma_semaphore, #tpu.memory_space<semaphore_mem>>) {add = true}
      %dma_start3A_189 = arith.constant 1280 : i32
      %dma_start3A_190 = arith.constant 0 : i32
      %dma_start3A_191 = tpu.memref_slice %arg5[%dma_start3A_189, %dma_start3A_190] : memref<2560x16xf32, #tpu.memory_space<vmem>> -> memref<128x16xf32, #tpu.memory_space<vmem>>
      %dma_start3A_192 = arith.constant 1280 : i32
      %dma_start3A_193 = tpu.memref_slice %arg7[%dma_start3A_192] : memref<2560xi32, #tpu.memory_space<vmem>> -> memref<128xi32, #tpu.memory_space<vmem>>
      %dma_start3A_194 = arith.constant 0 : i32
      %dma_start3A_195 = arith.constant 0 : i32
      %dma_start3A_196 = tpu.memref_slice %arg10[%dma_start3A_194, %dma_start3A_195] : memref<4096x16xf32, #tpu.memory_space<vmem_shared>> -> memref<4096x16xf32, #tpu.memory_space<vmem_shared>>
      tpu.enqueue_indirect_dma source(%dma_start3A_191 : memref<128x16xf32, #tpu.memory_space<vmem>>) target(%dma_start3A_196 : memref<4096x16xf32, #tpu.memory_space<vmem_shared>>) offsets(%dma_start3A_193 : memref<128xi32, #tpu.memory_space<vmem>>) semaphore(%arg13 : memref<!tpu.dma_semaphore, #tpu.memory_space<semaphore_mem>>) {add = true}
      %dma_start3A_197 = arith.constant 1408 : i32
      %dma_start3A_198 = arith.constant 0 : i32
      %dma_start3A_199 = tpu.memref_slice %arg5[%dma_start3A_197, %dma_start3A_198] : memref<2560x16xf32, #tpu.memory_space<vmem>> -> memref<128x16xf32, #tpu.memory_space<vmem>>
      %dma_start3A_200 = arith.constant 1408 : i32
      %dma_start3A_201 = tpu.memref_slice %arg7[%dma_start3A_200] : memref<2560xi32, #tpu.memory_space<vmem>> -> memref<128xi32, #tpu.memory_space<vmem>>
      %dma_start3A_202 = arith.constant 0 : i32
      %dma_start3A_203 = arith.constant 0 : i32
      %dma_start3A_204 = tpu.memref_slice %arg10[%dma_start3A_202, %dma_start3A_203] : memref<4096x16xf32, #tpu.memory_space<vmem_shared>> -> memref<4096x16xf32, #tpu.memory_space<vmem_shared>>
      tpu.enqueue_indirect_dma source(%dma_start3A_199 : memref<128x16xf32, #tpu.memory_space<vmem>>) target(%dma_start3A_204 : memref<4096x16xf32, #tpu.memory_space<vmem_shared>>) offsets(%dma_start3A_201 : memref<128xi32, #tpu.memory_space<vmem>>) semaphore(%arg13 : memref<!tpu.dma_semaphore, #tpu.memory_space<semaphore_mem>>) {add = true}
      %dma_start3A_205 = arith.constant 1536 : i32
      %dma_start3A_206 = arith.constant 0 : i32
      %dma_start3A_207 = tpu.memref_slice %arg5[%dma_start3A_205, %dma_start3A_206] : memref<2560x16xf32, #tpu.memory_space<vmem>> -> memref<128x16xf32, #tpu.memory_space<vmem>>
      %dma_start3A_208 = arith.constant 1536 : i32
      %dma_start3A_209 = tpu.memref_slice %arg7[%dma_start3A_208] : memref<2560xi32, #tpu.memory_space<vmem>> -> memref<128xi32, #tpu.memory_space<vmem>>
      %dma_start3A_210 = arith.constant 0 : i32
      %dma_start3A_211 = arith.constant 0 : i32
      %dma_start3A_212 = tpu.memref_slice %arg10[%dma_start3A_210, %dma_start3A_211] : memref<4096x16xf32, #tpu.memory_space<vmem_shared>> -> memref<4096x16xf32, #tpu.memory_space<vmem_shared>>
      tpu.enqueue_indirect_dma source(%dma_start3A_207 : memref<128x16xf32, #tpu.memory_space<vmem>>) target(%dma_start3A_212 : memref<4096x16xf32, #tpu.memory_space<vmem_shared>>) offsets(%dma_start3A_209 : memref<128xi32, #tpu.memory_space<vmem>>) semaphore(%arg13 : memref<!tpu.dma_semaphore, #tpu.memory_space<semaphore_mem>>) {add = true}
      %dma_start3A_213 = arith.constant 1664 : i32
      %dma_start3A_214 = arith.constant 0 : i32
      %dma_start3A_215 = tpu.memref_slice %arg5[%dma_start3A_213, %dma_start3A_214] : memref<2560x16xf32, #tpu.memory_space<vmem>> -> memref<128x16xf32, #tpu.memory_space<vmem>>
      %dma_start3A_216 = arith.constant 1664 : i32
      %dma_start3A_217 = tpu.memref_slice %arg7[%dma_start3A_216] : memref<2560xi32, #tpu.memory_space<vmem>> -> memref<128xi32, #tpu.memory_space<vmem>>
      %dma_start3A_218 = arith.constant 0 : i32
      %dma_start3A_219 = arith.constant 0 : i32
      %dma_start3A_220 = tpu.memref_slice %arg10[%dma_start3A_218, %dma_start3A_219] : memref<4096x16xf32, #tpu.memory_space<vmem_shared>> -> memref<4096x16xf32, #tpu.memory_space<vmem_shared>>
      tpu.enqueue_indirect_dma source(%dma_start3A_215 : memref<128x16xf32, #tpu.memory_space<vmem>>) target(%dma_start3A_220 : memref<4096x16xf32, #tpu.memory_space<vmem_shared>>) offsets(%dma_start3A_217 : memref<128xi32, #tpu.memory_space<vmem>>) semaphore(%arg13 : memref<!tpu.dma_semaphore, #tpu.memory_space<semaphore_mem>>) {add = true}
      %dma_start3A_221 = arith.constant 1792 : i32
      %dma_start3A_222 = arith.constant 0 : i32
      %dma_start3A_223 = tpu.memref_slice %arg5[%dma_start3A_221, %dma_start3A_222] : memref<2560x16xf32, #tpu.memory_space<vmem>> -> memref<128x16xf32, #tpu.memory_space<vmem>>
      %dma_start3A_224 = arith.constant 1792 : i32
      %dma_start3A_225 = tpu.memref_slice %arg7[%dma_start3A_224] : memref<2560xi32, #tpu.memory_space<vmem>> -> memref<128xi32, #tpu.memory_space<vmem>>
      %dma_start3A_226 = arith.constant 0 : i32
      %dma_start3A_227 = arith.constant 0 : i32
      %dma_start3A_228 = tpu.memref_slice %arg10[%dma_start3A_226, %dma_start3A_227] : memref<4096x16xf32, #tpu.memory_space<vmem_shared>> -> memref<4096x16xf32, #tpu.memory_space<vmem_shared>>
      tpu.enqueue_indirect_dma source(%dma_start3A_223 : memref<128x16xf32, #tpu.memory_space<vmem>>) target(%dma_start3A_228 : memref<4096x16xf32, #tpu.memory_space<vmem_shared>>) offsets(%dma_start3A_225 : memref<128xi32, #tpu.memory_space<vmem>>) semaphore(%arg13 : memref<!tpu.dma_semaphore, #tpu.memory_space<semaphore_mem>>) {add = true}
      %dma_start3A_229 = arith.constant 1920 : i32
      %dma_start3A_230 = arith.constant 0 : i32
      %dma_start3A_231 = tpu.memref_slice %arg5[%dma_start3A_229, %dma_start3A_230] : memref<2560x16xf32, #tpu.memory_space<vmem>> -> memref<128x16xf32, #tpu.memory_space<vmem>>
      %dma_start3A_232 = arith.constant 1920 : i32
      %dma_start3A_233 = tpu.memref_slice %arg7[%dma_start3A_232] : memref<2560xi32, #tpu.memory_space<vmem>> -> memref<128xi32, #tpu.memory_space<vmem>>
      %dma_start3A_234 = arith.constant 0 : i32
      %dma_start3A_235 = arith.constant 0 : i32
      %dma_start3A_236 = tpu.memref_slice %arg10[%dma_start3A_234, %dma_start3A_235] : memref<4096x16xf32, #tpu.memory_space<vmem_shared>> -> memref<4096x16xf32, #tpu.memory_space<vmem_shared>>
      tpu.enqueue_indirect_dma source(%dma_start3A_231 : memref<128x16xf32, #tpu.memory_space<vmem>>) target(%dma_start3A_236 : memref<4096x16xf32, #tpu.memory_space<vmem_shared>>) offsets(%dma_start3A_233 : memref<128xi32, #tpu.memory_space<vmem>>) semaphore(%arg13 : memref<!tpu.dma_semaphore, #tpu.memory_space<semaphore_mem>>) {add = true}
      %dma_start3A_237 = arith.constant 2048 : i32
      %dma_start3A_238 = arith.constant 0 : i32
      %dma_start3A_239 = tpu.memref_slice %arg5[%dma_start3A_237, %dma_start3A_238] : memref<2560x16xf32, #tpu.memory_space<vmem>> -> memref<128x16xf32, #tpu.memory_space<vmem>>
      %dma_start3A_240 = arith.constant 2048 : i32
      %dma_start3A_241 = tpu.memref_slice %arg7[%dma_start3A_240] : memref<2560xi32, #tpu.memory_space<vmem>> -> memref<128xi32, #tpu.memory_space<vmem>>
      %dma_start3A_242 = arith.constant 0 : i32
      %dma_start3A_243 = arith.constant 0 : i32
      %dma_start3A_244 = tpu.memref_slice %arg10[%dma_start3A_242, %dma_start3A_243] : memref<4096x16xf32, #tpu.memory_space<vmem_shared>> -> memref<4096x16xf32, #tpu.memory_space<vmem_shared>>
      tpu.enqueue_indirect_dma source(%dma_start3A_239 : memref<128x16xf32, #tpu.memory_space<vmem>>) target(%dma_start3A_244 : memref<4096x16xf32, #tpu.memory_space<vmem_shared>>) offsets(%dma_start3A_241 : memref<128xi32, #tpu.memory_space<vmem>>) semaphore(%arg13 : memref<!tpu.dma_semaphore, #tpu.memory_space<semaphore_mem>>) {add = true}
      %dma_start3A_245 = arith.constant 2176 : i32
      %dma_start3A_246 = arith.constant 0 : i32
      %dma_start3A_247 = tpu.memref_slice %arg5[%dma_start3A_245, %dma_start3A_246] : memref<2560x16xf32, #tpu.memory_space<vmem>> -> memref<128x16xf32, #tpu.memory_space<vmem>>
      %dma_start3A_248 = arith.constant 2176 : i32
      %dma_start3A_249 = tpu.memref_slice %arg7[%dma_start3A_248] : memref<2560xi32, #tpu.memory_space<vmem>> -> memref<128xi32, #tpu.memory_space<vmem>>
      %dma_start3A_250 = arith.constant 0 : i32
      %dma_start3A_251 = arith.constant 0 : i32
      %dma_start3A_252 = tpu.memref_slice %arg10[%dma_start3A_250, %dma_start3A_251] : memref<4096x16xf32, #tpu.memory_space<vmem_shared>> -> memref<4096x16xf32, #tpu.memory_space<vmem_shared>>
      tpu.enqueue_indirect_dma source(%dma_start3A_247 : memref<128x16xf32, #tpu.memory_space<vmem>>) target(%dma_start3A_252 : memref<4096x16xf32, #tpu.memory_space<vmem_shared>>) offsets(%dma_start3A_249 : memref<128xi32, #tpu.memory_space<vmem>>) semaphore(%arg13 : memref<!tpu.dma_semaphore, #tpu.memory_space<semaphore_mem>>) {add = true}
      %dma_start3A_253 = arith.constant 2304 : i32
      %dma_start3A_254 = arith.constant 0 : i32
      %dma_start3A_255 = tpu.memref_slice %arg5[%dma_start3A_253, %dma_start3A_254] : memref<2560x16xf32, #tpu.memory_space<vmem>> -> memref<128x16xf32, #tpu.memory_space<vmem>>
      %dma_start3A_256 = arith.constant 2304 : i32
      %dma_start3A_257 = tpu.memref_slice %arg7[%dma_start3A_256] : memref<2560xi32, #tpu.memory_space<vmem>> -> memref<128xi32, #tpu.memory_space<vmem>>
      %dma_start3A_258 = arith.constant 0 : i32
      %dma_start3A_259 = arith.constant 0 : i32
      %dma_start3A_260 = tpu.memref_slice %arg10[%dma_start3A_258, %dma_start3A_259] : memref<4096x16xf32, #tpu.memory_space<vmem_shared>> -> memref<4096x16xf32, #tpu.memory_space<vmem_shared>>
      tpu.enqueue_indirect_dma source(%dma_start3A_255 : memref<128x16xf32, #tpu.memory_space<vmem>>) target(%dma_start3A_260 : memref<4096x16xf32, #tpu.memory_space<vmem_shared>>) offsets(%dma_start3A_257 : memref<128xi32, #tpu.memory_space<vmem>>) semaphore(%arg13 : memref<!tpu.dma_semaphore, #tpu.memory_space<semaphore_mem>>) {add = true}
      %dma_start3A_261 = arith.constant 2432 : i32
      %dma_start3A_262 = arith.constant 0 : i32
      %dma_start3A_263 = tpu.memref_slice %arg5[%dma_start3A_261, %dma_start3A_262] : memref<2560x16xf32, #tpu.memory_space<vmem>> -> memref<128x16xf32, #tpu.memory_space<vmem>>
      %dma_start3A_264 = arith.constant 2432 : i32
      %dma_start3A_265 = tpu.memref_slice %arg7[%dma_start3A_264] : memref<2560xi32, #tpu.memory_space<vmem>> -> memref<128xi32, #tpu.memory_space<vmem>>
      %dma_start3A_266 = arith.constant 0 : i32
      %dma_start3A_267 = arith.constant 0 : i32
      %dma_start3A_268 = tpu.memref_slice %arg10[%dma_start3A_266, %dma_start3A_267] : memref<4096x16xf32, #tpu.memory_space<vmem_shared>> -> memref<4096x16xf32, #tpu.memory_space<vmem_shared>>
      tpu.enqueue_indirect_dma source(%dma_start3A_263 : memref<128x16xf32, #tpu.memory_space<vmem>>) target(%dma_start3A_268 : memref<4096x16xf32, #tpu.memory_space<vmem_shared>>) offsets(%dma_start3A_265 : memref<128xi32, #tpu.memory_space<vmem>>) semaphore(%arg13 : memref<!tpu.dma_semaphore, #tpu.memory_space<semaphore_mem>>) {add = true}
      %dma_wait3A_269 = arith.constant 0 : i32
      %dma_wait3A_270 = arith.constant 0 : i32
      %dma_wait3A_271 = tpu.memref_slice %arg5[%dma_wait3A_269, %dma_wait3A_270] : memref<2560x16xf32, #tpu.memory_space<vmem>> -> memref<128x16xf32, #tpu.memory_space<vmem>>
      %dma_wait3A_272 = arith.constant 0 : i32
      %dma_wait3A_273 = tpu.memref_slice %arg7[%dma_wait3A_272] : memref<2560xi32, #tpu.memory_space<vmem>> -> memref<128xi32, #tpu.memory_space<vmem>>
      %dma_wait3A_274 = arith.constant 0 : i32
      %dma_wait3A_275 = arith.constant 0 : i32
      %dma_wait3A_276 = tpu.memref_slice %arg10[%dma_wait3A_274, %dma_wait3A_275] : memref<4096x16xf32, #tpu.memory_space<vmem_shared>> -> memref<4096x16xf32, #tpu.memory_space<vmem_shared>>
      tpu.wait_indirect_dma semaphore(%arg13 : memref<!tpu.dma_semaphore, #tpu.memory_space<semaphore_mem>>) src(%dma_wait3A_271 : memref<128x16xf32, #tpu.memory_space<vmem>>) dst(%dma_wait3A_276 : memref<4096x16xf32, #tpu.memory_space<vmem_shared>>)
      %dma_wait3A_277 = arith.constant 128 : i32
      %dma_wait3A_278 = arith.constant 0 : i32
      %dma_wait3A_279 = tpu.memref_slice %arg5[%dma_wait3A_277, %dma_wait3A_278] : memref<2560x16xf32, #tpu.memory_space<vmem>> -> memref<128x16xf32, #tpu.memory_space<vmem>>
      %dma_wait3A_280 = arith.constant 128 : i32
      %dma_wait3A_281 = tpu.memref_slice %arg7[%dma_wait3A_280] : memref<2560xi32, #tpu.memory_space<vmem>> -> memref<128xi32, #tpu.memory_space<vmem>>
      %dma_wait3A_282 = arith.constant 0 : i32
      %dma_wait3A_283 = arith.constant 0 : i32
      %dma_wait3A_284 = tpu.memref_slice %arg10[%dma_wait3A_282, %dma_wait3A_283] : memref<4096x16xf32, #tpu.memory_space<vmem_shared>> -> memref<4096x16xf32, #tpu.memory_space<vmem_shared>>
      tpu.wait_indirect_dma semaphore(%arg13 : memref<!tpu.dma_semaphore, #tpu.memory_space<semaphore_mem>>) src(%dma_wait3A_279 : memref<128x16xf32, #tpu.memory_space<vmem>>) dst(%dma_wait3A_284 : memref<4096x16xf32, #tpu.memory_space<vmem_shared>>)
      %dma_wait3A_285 = arith.constant 256 : i32
      %dma_wait3A_286 = arith.constant 0 : i32
      %dma_wait3A_287 = tpu.memref_slice %arg5[%dma_wait3A_285, %dma_wait3A_286] : memref<2560x16xf32, #tpu.memory_space<vmem>> -> memref<128x16xf32, #tpu.memory_space<vmem>>
      %dma_wait3A_288 = arith.constant 256 : i32
      %dma_wait3A_289 = tpu.memref_slice %arg7[%dma_wait3A_288] : memref<2560xi32, #tpu.memory_space<vmem>> -> memref<128xi32, #tpu.memory_space<vmem>>
      %dma_wait3A_290 = arith.constant 0 : i32
      %dma_wait3A_291 = arith.constant 0 : i32
      %dma_wait3A_292 = tpu.memref_slice %arg10[%dma_wait3A_290, %dma_wait3A_291] : memref<4096x16xf32, #tpu.memory_space<vmem_shared>> -> memref<4096x16xf32, #tpu.memory_space<vmem_shared>>
      tpu.wait_indirect_dma semaphore(%arg13 : memref<!tpu.dma_semaphore, #tpu.memory_space<semaphore_mem>>) src(%dma_wait3A_287 : memref<128x16xf32, #tpu.memory_space<vmem>>) dst(%dma_wait3A_292 : memref<4096x16xf32, #tpu.memory_space<vmem_shared>>)
      %dma_wait3A_293 = arith.constant 384 : i32
      %dma_wait3A_294 = arith.constant 0 : i32
      %dma_wait3A_295 = tpu.memref_slice %arg5[%dma_wait3A_293, %dma_wait3A_294] : memref<2560x16xf32, #tpu.memory_space<vmem>> -> memref<128x16xf32, #tpu.memory_space<vmem>>
      %dma_wait3A_296 = arith.constant 384 : i32
      %dma_wait3A_297 = tpu.memref_slice %arg7[%dma_wait3A_296] : memref<2560xi32, #tpu.memory_space<vmem>> -> memref<128xi32, #tpu.memory_space<vmem>>
      %dma_wait3A_298 = arith.constant 0 : i32
      %dma_wait3A_299 = arith.constant 0 : i32
      %dma_wait3A_300 = tpu.memref_slice %arg10[%dma_wait3A_298, %dma_wait3A_299] : memref<4096x16xf32, #tpu.memory_space<vmem_shared>> -> memref<4096x16xf32, #tpu.memory_space<vmem_shared>>
      tpu.wait_indirect_dma semaphore(%arg13 : memref<!tpu.dma_semaphore, #tpu.memory_space<semaphore_mem>>) src(%dma_wait3A_295 : memref<128x16xf32, #tpu.memory_space<vmem>>) dst(%dma_wait3A_300 : memref<4096x16xf32, #tpu.memory_space<vmem_shared>>)
      %dma_wait3A_301 = arith.constant 512 : i32
      %dma_wait3A_302 = arith.constant 0 : i32
      %dma_wait3A_303 = tpu.memref_slice %arg5[%dma_wait3A_301, %dma_wait3A_302] : memref<2560x16xf32, #tpu.memory_space<vmem>> -> memref<128x16xf32, #tpu.memory_space<vmem>>
      %dma_wait3A_304 = arith.constant 512 : i32
      %dma_wait3A_305 = tpu.memref_slice %arg7[%dma_wait3A_304] : memref<2560xi32, #tpu.memory_space<vmem>> -> memref<128xi32, #tpu.memory_space<vmem>>
      %dma_wait3A_306 = arith.constant 0 : i32
      %dma_wait3A_307 = arith.constant 0 : i32
      %dma_wait3A_308 = tpu.memref_slice %arg10[%dma_wait3A_306, %dma_wait3A_307] : memref<4096x16xf32, #tpu.memory_space<vmem_shared>> -> memref<4096x16xf32, #tpu.memory_space<vmem_shared>>
      tpu.wait_indirect_dma semaphore(%arg13 : memref<!tpu.dma_semaphore, #tpu.memory_space<semaphore_mem>>) src(%dma_wait3A_303 : memref<128x16xf32, #tpu.memory_space<vmem>>) dst(%dma_wait3A_308 : memref<4096x16xf32, #tpu.memory_space<vmem_shared>>)
      %dma_wait3A_309 = arith.constant 640 : i32
      %dma_wait3A_310 = arith.constant 0 : i32
      %dma_wait3A_311 = tpu.memref_slice %arg5[%dma_wait3A_309, %dma_wait3A_310] : memref<2560x16xf32, #tpu.memory_space<vmem>> -> memref<128x16xf32, #tpu.memory_space<vmem>>
      %dma_wait3A_312 = arith.constant 640 : i32
      %dma_wait3A_313 = tpu.memref_slice %arg7[%dma_wait3A_312] : memref<2560xi32, #tpu.memory_space<vmem>> -> memref<128xi32, #tpu.memory_space<vmem>>
      %dma_wait3A_314 = arith.constant 0 : i32
      %dma_wait3A_315 = arith.constant 0 : i32
      %dma_wait3A_316 = tpu.memref_slice %arg10[%dma_wait3A_314, %dma_wait3A_315] : memref<4096x16xf32, #tpu.memory_space<vmem_shared>> -> memref<4096x16xf32, #tpu.memory_space<vmem_shared>>
      tpu.wait_indirect_dma semaphore(%arg13 : memref<!tpu.dma_semaphore, #tpu.memory_space<semaphore_mem>>) src(%dma_wait3A_311 : memref<128x16xf32, #tpu.memory_space<vmem>>) dst(%dma_wait3A_316 : memref<4096x16xf32, #tpu.memory_space<vmem_shared>>)
      %dma_wait3A_317 = arith.constant 768 : i32
      %dma_wait3A_318 = arith.constant 0 : i32
      %dma_wait3A_319 = tpu.memref_slice %arg5[%dma_wait3A_317, %dma_wait3A_318] : memref<2560x16xf32, #tpu.memory_space<vmem>> -> memref<128x16xf32, #tpu.memory_space<vmem>>
      %dma_wait3A_320 = arith.constant 768 : i32
      %dma_wait3A_321 = tpu.memref_slice %arg7[%dma_wait3A_320] : memref<2560xi32, #tpu.memory_space<vmem>> -> memref<128xi32, #tpu.memory_space<vmem>>
      %dma_wait3A_322 = arith.constant 0 : i32
      %dma_wait3A_323 = arith.constant 0 : i32
      %dma_wait3A_324 = tpu.memref_slice %arg10[%dma_wait3A_322, %dma_wait3A_323] : memref<4096x16xf32, #tpu.memory_space<vmem_shared>> -> memref<4096x16xf32, #tpu.memory_space<vmem_shared>>
      tpu.wait_indirect_dma semaphore(%arg13 : memref<!tpu.dma_semaphore, #tpu.memory_space<semaphore_mem>>) src(%dma_wait3A_319 : memref<128x16xf32, #tpu.memory_space<vmem>>) dst(%dma_wait3A_324 : memref<4096x16xf32, #tpu.memory_space<vmem_shared>>)
      %dma_wait3A_325 = arith.constant 896 : i32
      %dma_wait3A_326 = arith.constant 0 : i32
      %dma_wait3A_327 = tpu.memref_slice %arg5[%dma_wait3A_325, %dma_wait3A_326] : memref<2560x16xf32, #tpu.memory_space<vmem>> -> memref<128x16xf32, #tpu.memory_space<vmem>>
      %dma_wait3A_328 = arith.constant 896 : i32
      %dma_wait3A_329 = tpu.memref_slice %arg7[%dma_wait3A_328] : memref<2560xi32, #tpu.memory_space<vmem>> -> memref<128xi32, #tpu.memory_space<vmem>>
      %dma_wait3A_330 = arith.constant 0 : i32
      %dma_wait3A_331 = arith.constant 0 : i32
      %dma_wait3A_332 = tpu.memref_slice %arg10[%dma_wait3A_330, %dma_wait3A_331] : memref<4096x16xf32, #tpu.memory_space<vmem_shared>> -> memref<4096x16xf32, #tpu.memory_space<vmem_shared>>
      tpu.wait_indirect_dma semaphore(%arg13 : memref<!tpu.dma_semaphore, #tpu.memory_space<semaphore_mem>>) src(%dma_wait3A_327 : memref<128x16xf32, #tpu.memory_space<vmem>>) dst(%dma_wait3A_332 : memref<4096x16xf32, #tpu.memory_space<vmem_shared>>)
      %dma_wait3A_333 = arith.constant 1024 : i32
      %dma_wait3A_334 = arith.constant 0 : i32
      %dma_wait3A_335 = tpu.memref_slice %arg5[%dma_wait3A_333, %dma_wait3A_334] : memref<2560x16xf32, #tpu.memory_space<vmem>> -> memref<128x16xf32, #tpu.memory_space<vmem>>
      %dma_wait3A_336 = arith.constant 1024 : i32
      %dma_wait3A_337 = tpu.memref_slice %arg7[%dma_wait3A_336] : memref<2560xi32, #tpu.memory_space<vmem>> -> memref<128xi32, #tpu.memory_space<vmem>>
      %dma_wait3A_338 = arith.constant 0 : i32
      %dma_wait3A_339 = arith.constant 0 : i32
      %dma_wait3A_340 = tpu.memref_slice %arg10[%dma_wait3A_338, %dma_wait3A_339] : memref<4096x16xf32, #tpu.memory_space<vmem_shared>> -> memref<4096x16xf32, #tpu.memory_space<vmem_shared>>
      tpu.wait_indirect_dma semaphore(%arg13 : memref<!tpu.dma_semaphore, #tpu.memory_space<semaphore_mem>>) src(%dma_wait3A_335 : memref<128x16xf32, #tpu.memory_space<vmem>>) dst(%dma_wait3A_340 : memref<4096x16xf32, #tpu.memory_space<vmem_shared>>)
      %dma_wait3A_341 = arith.constant 1152 : i32
      %dma_wait3A_342 = arith.constant 0 : i32
      %dma_wait3A_343 = tpu.memref_slice %arg5[%dma_wait3A_341, %dma_wait3A_342] : memref<2560x16xf32, #tpu.memory_space<vmem>> -> memref<128x16xf32, #tpu.memory_space<vmem>>
      %dma_wait3A_344 = arith.constant 1152 : i32
      %dma_wait3A_345 = tpu.memref_slice %arg7[%dma_wait3A_344] : memref<2560xi32, #tpu.memory_space<vmem>> -> memref<128xi32, #tpu.memory_space<vmem>>
      %dma_wait3A_346 = arith.constant 0 : i32
      %dma_wait3A_347 = arith.constant 0 : i32
      %dma_wait3A_348 = tpu.memref_slice %arg10[%dma_wait3A_346, %dma_wait3A_347] : memref<4096x16xf32, #tpu.memory_space<vmem_shared>> -> memref<4096x16xf32, #tpu.memory_space<vmem_shared>>
      tpu.wait_indirect_dma semaphore(%arg13 : memref<!tpu.dma_semaphore, #tpu.memory_space<semaphore_mem>>) src(%dma_wait3A_343 : memref<128x16xf32, #tpu.memory_space<vmem>>) dst(%dma_wait3A_348 : memref<4096x16xf32, #tpu.memory_space<vmem_shared>>)
      %dma_wait3A_349 = arith.constant 1280 : i32
      %dma_wait3A_350 = arith.constant 0 : i32
      %dma_wait3A_351 = tpu.memref_slice %arg5[%dma_wait3A_349, %dma_wait3A_350] : memref<2560x16xf32, #tpu.memory_space<vmem>> -> memref<128x16xf32, #tpu.memory_space<vmem>>
      %dma_wait3A_352 = arith.constant 1280 : i32
      %dma_wait3A_353 = tpu.memref_slice %arg7[%dma_wait3A_352] : memref<2560xi32, #tpu.memory_space<vmem>> -> memref<128xi32, #tpu.memory_space<vmem>>
      %dma_wait3A_354 = arith.constant 0 : i32
      %dma_wait3A_355 = arith.constant 0 : i32
      %dma_wait3A_356 = tpu.memref_slice %arg10[%dma_wait3A_354, %dma_wait3A_355] : memref<4096x16xf32, #tpu.memory_space<vmem_shared>> -> memref<4096x16xf32, #tpu.memory_space<vmem_shared>>
      tpu.wait_indirect_dma semaphore(%arg13 : memref<!tpu.dma_semaphore, #tpu.memory_space<semaphore_mem>>) src(%dma_wait3A_351 : memref<128x16xf32, #tpu.memory_space<vmem>>) dst(%dma_wait3A_356 : memref<4096x16xf32, #tpu.memory_space<vmem_shared>>)
      %dma_wait3A_357 = arith.constant 1408 : i32
      %dma_wait3A_358 = arith.constant 0 : i32
      %dma_wait3A_359 = tpu.memref_slice %arg5[%dma_wait3A_357, %dma_wait3A_358] : memref<2560x16xf32, #tpu.memory_space<vmem>> -> memref<128x16xf32, #tpu.memory_space<vmem>>
      %dma_wait3A_360 = arith.constant 1408 : i32
      %dma_wait3A_361 = tpu.memref_slice %arg7[%dma_wait3A_360] : memref<2560xi32, #tpu.memory_space<vmem>> -> memref<128xi32, #tpu.memory_space<vmem>>
      %dma_wait3A_362 = arith.constant 0 : i32
      %dma_wait3A_363 = arith.constant 0 : i32
      %dma_wait3A_364 = tpu.memref_slice %arg10[%dma_wait3A_362, %dma_wait3A_363] : memref<4096x16xf32, #tpu.memory_space<vmem_shared>> -> memref<4096x16xf32, #tpu.memory_space<vmem_shared>>
      tpu.wait_indirect_dma semaphore(%arg13 : memref<!tpu.dma_semaphore, #tpu.memory_space<semaphore_mem>>) src(%dma_wait3A_359 : memref<128x16xf32, #tpu.memory_space<vmem>>) dst(%dma_wait3A_364 : memref<4096x16xf32, #tpu.memory_space<vmem_shared>>)
      %dma_wait3A_365 = arith.constant 1536 : i32
      %dma_wait3A_366 = arith.constant 0 : i32
      %dma_wait3A_367 = tpu.memref_slice %arg5[%dma_wait3A_365, %dma_wait3A_366] : memref<2560x16xf32, #tpu.memory_space<vmem>> -> memref<128x16xf32, #tpu.memory_space<vmem>>
      %dma_wait3A_368 = arith.constant 1536 : i32
      %dma_wait3A_369 = tpu.memref_slice %arg7[%dma_wait3A_368] : memref<2560xi32, #tpu.memory_space<vmem>> -> memref<128xi32, #tpu.memory_space<vmem>>
      %dma_wait3A_370 = arith.constant 0 : i32
      %dma_wait3A_371 = arith.constant 0 : i32
      %dma_wait3A_372 = tpu.memref_slice %arg10[%dma_wait3A_370, %dma_wait3A_371] : memref<4096x16xf32, #tpu.memory_space<vmem_shared>> -> memref<4096x16xf32, #tpu.memory_space<vmem_shared>>
      tpu.wait_indirect_dma semaphore(%arg13 : memref<!tpu.dma_semaphore, #tpu.memory_space<semaphore_mem>>) src(%dma_wait3A_367 : memref<128x16xf32, #tpu.memory_space<vmem>>) dst(%dma_wait3A_372 : memref<4096x16xf32, #tpu.memory_space<vmem_shared>>)
      %dma_wait3A_373 = arith.constant 1664 : i32
      %dma_wait3A_374 = arith.constant 0 : i32
      %dma_wait3A_375 = tpu.memref_slice %arg5[%dma_wait3A_373, %dma_wait3A_374] : memref<2560x16xf32, #tpu.memory_space<vmem>> -> memref<128x16xf32, #tpu.memory_space<vmem>>
      %dma_wait3A_376 = arith.constant 1664 : i32
      %dma_wait3A_377 = tpu.memref_slice %arg7[%dma_wait3A_376] : memref<2560xi32, #tpu.memory_space<vmem>> -> memref<128xi32, #tpu.memory_space<vmem>>
      %dma_wait3A_378 = arith.constant 0 : i32
      %dma_wait3A_379 = arith.constant 0 : i32
      %dma_wait3A_380 = tpu.memref_slice %arg10[%dma_wait3A_378, %dma_wait3A_379] : memref<4096x16xf32, #tpu.memory_space<vmem_shared>> -> memref<4096x16xf32, #tpu.memory_space<vmem_shared>>
      tpu.wait_indirect_dma semaphore(%arg13 : memref<!tpu.dma_semaphore, #tpu.memory_space<semaphore_mem>>) src(%dma_wait3A_375 : memref<128x16xf32, #tpu.memory_space<vmem>>) dst(%dma_wait3A_380 : memref<4096x16xf32, #tpu.memory_space<vmem_shared>>)
      %dma_wait3A_381 = arith.constant 1792 : i32
      %dma_wait3A_382 = arith.constant 0 : i32
      %dma_wait3A_383 = tpu.memref_slice %arg5[%dma_wait3A_381, %dma_wait3A_382] : memref<2560x16xf32, #tpu.memory_space<vmem>> -> memref<128x16xf32, #tpu.memory_space<vmem>>
      %dma_wait3A_384 = arith.constant 1792 : i32
      %dma_wait3A_385 = tpu.memref_slice %arg7[%dma_wait3A_384] : memref<2560xi32, #tpu.memory_space<vmem>> -> memref<128xi32, #tpu.memory_space<vmem>>
      %dma_wait3A_386 = arith.constant 0 : i32
      %dma_wait3A_387 = arith.constant 0 : i32
      %dma_wait3A_388 = tpu.memref_slice %arg10[%dma_wait3A_386, %dma_wait3A_387] : memref<4096x16xf32, #tpu.memory_space<vmem_shared>> -> memref<4096x16xf32, #tpu.memory_space<vmem_shared>>
      tpu.wait_indirect_dma semaphore(%arg13 : memref<!tpu.dma_semaphore, #tpu.memory_space<semaphore_mem>>) src(%dma_wait3A_383 : memref<128x16xf32, #tpu.memory_space<vmem>>) dst(%dma_wait3A_388 : memref<4096x16xf32, #tpu.memory_space<vmem_shared>>)
      %dma_wait3A_389 = arith.constant 1920 : i32
      %dma_wait3A_390 = arith.constant 0 : i32
      %dma_wait3A_391 = tpu.memref_slice %arg5[%dma_wait3A_389, %dma_wait3A_390] : memref<2560x16xf32, #tpu.memory_space<vmem>> -> memref<128x16xf32, #tpu.memory_space<vmem>>
      %dma_wait3A_392 = arith.constant 1920 : i32
      %dma_wait3A_393 = tpu.memref_slice %arg7[%dma_wait3A_392] : memref<2560xi32, #tpu.memory_space<vmem>> -> memref<128xi32, #tpu.memory_space<vmem>>
      %dma_wait3A_394 = arith.constant 0 : i32
      %dma_wait3A_395 = arith.constant 0 : i32
      %dma_wait3A_396 = tpu.memref_slice %arg10[%dma_wait3A_394, %dma_wait3A_395] : memref<4096x16xf32, #tpu.memory_space<vmem_shared>> -> memref<4096x16xf32, #tpu.memory_space<vmem_shared>>
      tpu.wait_indirect_dma semaphore(%arg13 : memref<!tpu.dma_semaphore, #tpu.memory_space<semaphore_mem>>) src(%dma_wait3A_391 : memref<128x16xf32, #tpu.memory_space<vmem>>) dst(%dma_wait3A_396 : memref<4096x16xf32, #tpu.memory_space<vmem_shared>>)
      %dma_wait3A_397 = arith.constant 2048 : i32
      %dma_wait3A_398 = arith.constant 0 : i32
      %dma_wait3A_399 = tpu.memref_slice %arg5[%dma_wait3A_397, %dma_wait3A_398] : memref<2560x16xf32, #tpu.memory_space<vmem>> -> memref<128x16xf32, #tpu.memory_space<vmem>>
      %dma_wait3A_400 = arith.constant 2048 : i32
      %dma_wait3A_401 = tpu.memref_slice %arg7[%dma_wait3A_400] : memref<2560xi32, #tpu.memory_space<vmem>> -> memref<128xi32, #tpu.memory_space<vmem>>
      %dma_wait3A_402 = arith.constant 0 : i32
      %dma_wait3A_403 = arith.constant 0 : i32
      %dma_wait3A_404 = tpu.memref_slice %arg10[%dma_wait3A_402, %dma_wait3A_403] : memref<4096x16xf32, #tpu.memory_space<vmem_shared>> -> memref<4096x16xf32, #tpu.memory_space<vmem_shared>>
      tpu.wait_indirect_dma semaphore(%arg13 : memref<!tpu.dma_semaphore, #tpu.memory_space<semaphore_mem>>) src(%dma_wait3A_399 : memref<128x16xf32, #tpu.memory_space<vmem>>) dst(%dma_wait3A_404 : memref<4096x16xf32, #tpu.memory_space<vmem_shared>>)
      %dma_wait3A_405 = arith.constant 2176 : i32
      %dma_wait3A_406 = arith.constant 0 : i32
      %dma_wait3A_407 = tpu.memref_slice %arg5[%dma_wait3A_405, %dma_wait3A_406] : memref<2560x16xf32, #tpu.memory_space<vmem>> -> memref<128x16xf32, #tpu.memory_space<vmem>>
      %dma_wait3A_408 = arith.constant 2176 : i32
      %dma_wait3A_409 = tpu.memref_slice %arg7[%dma_wait3A_408] : memref<2560xi32, #tpu.memory_space<vmem>> -> memref<128xi32, #tpu.memory_space<vmem>>
      %dma_wait3A_410 = arith.constant 0 : i32
      %dma_wait3A_411 = arith.constant 0 : i32
      %dma_wait3A_412 = tpu.memref_slice %arg10[%dma_wait3A_410, %dma_wait3A_411] : memref<4096x16xf32, #tpu.memory_space<vmem_shared>> -> memref<4096x16xf32, #tpu.memory_space<vmem_shared>>
      tpu.wait_indirect_dma semaphore(%arg13 : memref<!tpu.dma_semaphore, #tpu.memory_space<semaphore_mem>>) src(%dma_wait3A_407 : memref<128x16xf32, #tpu.memory_space<vmem>>) dst(%dma_wait3A_412 : memref<4096x16xf32, #tpu.memory_space<vmem_shared>>)
      %dma_wait3A_413 = arith.constant 2304 : i32
      %dma_wait3A_414 = arith.constant 0 : i32
      %dma_wait3A_415 = tpu.memref_slice %arg5[%dma_wait3A_413, %dma_wait3A_414] : memref<2560x16xf32, #tpu.memory_space<vmem>> -> memref<128x16xf32, #tpu.memory_space<vmem>>
      %dma_wait3A_416 = arith.constant 2304 : i32
      %dma_wait3A_417 = tpu.memref_slice %arg7[%dma_wait3A_416] : memref<2560xi32, #tpu.memory_space<vmem>> -> memref<128xi32, #tpu.memory_space<vmem>>
      %dma_wait3A_418 = arith.constant 0 : i32
      %dma_wait3A_419 = arith.constant 0 : i32
      %dma_wait3A_420 = tpu.memref_slice %arg10[%dma_wait3A_418, %dma_wait3A_419] : memref<4096x16xf32, #tpu.memory_space<vmem_shared>> -> memref<4096x16xf32, #tpu.memory_space<vmem_shared>>
      tpu.wait_indirect_dma semaphore(%arg13 : memref<!tpu.dma_semaphore, #tpu.memory_space<semaphore_mem>>) src(%dma_wait3A_415 : memref<128x16xf32, #tpu.memory_space<vmem>>) dst(%dma_wait3A_420 : memref<4096x16xf32, #tpu.memory_space<vmem_shared>>)
      %dma_wait3A_421 = arith.constant 2432 : i32
      %dma_wait3A_422 = arith.constant 0 : i32
      %dma_wait3A_423 = tpu.memref_slice %arg5[%dma_wait3A_421, %dma_wait3A_422] : memref<2560x16xf32, #tpu.memory_space<vmem>> -> memref<128x16xf32, #tpu.memory_space<vmem>>
      %dma_wait3A_424 = arith.constant 2432 : i32
      %dma_wait3A_425 = tpu.memref_slice %arg7[%dma_wait3A_424] : memref<2560xi32, #tpu.memory_space<vmem>> -> memref<128xi32, #tpu.memory_space<vmem>>
      %dma_wait3A_426 = arith.constant 0 : i32
      %dma_wait3A_427 = arith.constant 0 : i32
      %dma_wait3A_428 = tpu.memref_slice %arg10[%dma_wait3A_426, %dma_wait3A_427] : memref<4096x16xf32, #tpu.memory_space<vmem_shared>> -> memref<4096x16xf32, #tpu.memory_space<vmem_shared>>
      tpu.wait_indirect_dma semaphore(%arg13 : memref<!tpu.dma_semaphore, #tpu.memory_space<semaphore_mem>>) src(%dma_wait3A_423 : memref<128x16xf32, #tpu.memory_space<vmem>>) dst(%dma_wait3A_428 : memref<4096x16xf32, #tpu.memory_space<vmem_shared>>)
      %lt3A_429 = arith.cmpi slt, %add3A_96, %add3A_45 : i32
      %convert_element_type3A_430 = arith.extui %lt3A_429 : i1 to i32
      %cond3A_431 = arith.constant 0 : i32
      %cond3A_432 = arith.cmpi ne, %convert_element_type3A_430, %cond3A_431 : i32
      scf.if %cond3A_432 {
        %mul3A_434 = arith.constant 2560 : i32
        %mul3A_435 = arith.muli %add3A_96, %mul3A_434 : i32
        %dma_wait3A_436 = arith.constant 0 : i32
        %dma_wait3A_437 = tpu.memref_slice %arg2[%mul3A_435, %dma_wait3A_436] : memref<1600000x16xf32, #tpu.memory_space<hbm>> -> memref<2560x16xf32, #tpu.memory_space<hbm>>
        %dma_wait3A_438 = arith.constant 0 : i32
        %dma_wait3A_439 = tpu.memref_slice %arg2[%mul3A_435, %dma_wait3A_438] : memref<1600000x16xf32, #tpu.memory_space<hbm>> -> memref<2560x16xf32, #tpu.memory_space<hbm>>
        tpu.wait_dma2 semaphore(%arg12 : memref<!tpu.dma_semaphore, #tpu.memory_space<semaphore_mem>>) src(%dma_wait3A_439 : memref<2560x16xf32, #tpu.memory_space<hbm>>) dst(%arg6 : memref<2560x16xf32, #tpu.memory_space<vmem>>)
        %mul3A_440 = arith.constant 2560 : i32
        %mul3A_441 = arith.muli %add3A_96, %mul3A_440 : i32
        %dma_wait3A_442 = tpu.memref_slice %arg3[%mul3A_441] : memref<1600000xi32, #tpu.memory_space<hbm>> -> memref<2560xi32, #tpu.memory_space<hbm>>
        %dma_wait3A_443 = tpu.memref_slice %arg3[%mul3A_441] : memref<1600000xi32, #tpu.memory_space<hbm>> -> memref<2560xi32, #tpu.memory_space<hbm>>
        tpu.wait_dma2 semaphore(%arg12 : memref<!tpu.dma_semaphore, #tpu.memory_space<semaphore_mem>>) src(%dma_wait3A_443 : memref<2560xi32, #tpu.memory_space<hbm>>) dst(%arg8 : memref<2560xi32, #tpu.memory_space<vmem>>)
        %add3A_444 = arith.constant 1 : i32
        %add3A_445 = arith.addi %add3A_96, %add3A_444 : i32
        %lt3A_446 = arith.cmpi slt, %add3A_445, %add3A_45 : i32
        %convert_element_type3A_447 = arith.extui %lt3A_446 : i1 to i32
        %cond3A_448 = arith.constant 0 : i32
        %cond3A_449 = arith.cmpi ne, %convert_element_type3A_447, %cond3A_448 : i32
        scf.if %cond3A_449 {
          %add3A_770 = arith.constant 1 : i32
          %add3A_771 = arith.addi %add3A_96, %add3A_770 : i32
          %mul3A_772 = arith.constant 2560 : i32
          %mul3A_773 = arith.muli %add3A_771, %mul3A_772 : i32
          %dma_start3A_774 = arith.constant 0 : i32
          %dma_start3A_775 = tpu.memref_slice %arg2[%mul3A_773, %dma_start3A_774] : memref<1600000x16xf32, #tpu.memory_space<hbm>> -> memref<2560x16xf32, #tpu.memory_space<hbm>>
          %dma_start3A_776 = arith.constant 0 : i32
          %dma_start3A_777 = tpu.memref_slice %arg2[%mul3A_773, %dma_start3A_776] : memref<1600000x16xf32, #tpu.memory_space<hbm>> -> memref<2560x16xf32, #tpu.memory_space<hbm>>
          tpu.enqueue_dma source(%dma_start3A_777 : memref<2560x16xf32, #tpu.memory_space<hbm>>) target(%arg5 : memref<2560x16xf32, #tpu.memory_space<vmem>>) target_semaphore(%arg11 : memref<!tpu.dma_semaphore, #tpu.memory_space<semaphore_mem>>)
          %mul3A_778 = arith.constant 2560 : i32
          %mul3A_779 = arith.muli %add3A_771, %mul3A_778 : i32
          %dma_start3A_780 = tpu.memref_slice %arg3[%mul3A_779] : memref<1600000xi32, #tpu.memory_space<hbm>> -> memref<2560xi32, #tpu.memory_space<hbm>>
          %dma_start3A_781 = tpu.memref_slice %arg3[%mul3A_779] : memref<1600000xi32, #tpu.memory_space<hbm>> -> memref<2560xi32, #tpu.memory_space<hbm>>
          tpu.enqueue_dma source(%dma_start3A_781 : memref<2560xi32, #tpu.memory_space<hbm>>) target(%arg7 : memref<2560xi32, #tpu.memory_space<vmem>>) target_semaphore(%arg11 : memref<!tpu.dma_semaphore, #tpu.memory_space<semaphore_mem>>)
        } else {
        }
        %dma_start3A_450 = arith.constant 0 : i32
        %dma_start3A_451 = arith.constant 0 : i32
        %dma_start3A_452 = tpu.memref_slice %arg6[%dma_start3A_450, %dma_start3A_451] : memref<2560x16xf32, #tpu.memory_space<vmem>> -> memref<128x16xf32, #tpu.memory_space<vmem>>
        %dma_start3A_453 = arith.constant 0 : i32
        %dma_start3A_454 = tpu.memref_slice %arg8[%dma_start3A_453] : memref<2560xi32, #tpu.memory_space<vmem>> -> memref<128xi32, #tpu.memory_space<vmem>>
        %dma_start3A_455 = arith.constant 0 : i32
        %dma_start3A_456 = arith.constant 0 : i32
        %dma_start3A_457 = tpu.memref_slice %arg10[%dma_start3A_455, %dma_start3A_456] : memref<4096x16xf32, #tpu.memory_space<vmem_shared>> -> memref<4096x16xf32, #tpu.memory_space<vmem_shared>>
        tpu.enqueue_indirect_dma source(%dma_start3A_452 : memref<128x16xf32, #tpu.memory_space<vmem>>) target(%dma_start3A_457 : memref<4096x16xf32, #tpu.memory_space<vmem_shared>>) offsets(%dma_start3A_454 : memref<128xi32, #tpu.memory_space<vmem>>) semaphore(%arg13 : memref<!tpu.dma_semaphore, #tpu.memory_space<semaphore_mem>>) {add = true}
        %dma_start3A_458 = arith.constant 128 : i32
        %dma_start3A_459 = arith.constant 0 : i32
        %dma_start3A_460 = tpu.memref_slice %arg6[%dma_start3A_458, %dma_start3A_459] : memref<2560x16xf32, #tpu.memory_space<vmem>> -> memref<128x16xf32, #tpu.memory_space<vmem>>
        %dma_start3A_461 = arith.constant 128 : i32
        %dma_start3A_462 = tpu.memref_slice %arg8[%dma_start3A_461] : memref<2560xi32, #tpu.memory_space<vmem>> -> memref<128xi32, #tpu.memory_space<vmem>>
        %dma_start3A_463 = arith.constant 0 : i32
        %dma_start3A_464 = arith.constant 0 : i32
        %dma_start3A_465 = tpu.memref_slice %arg10[%dma_start3A_463, %dma_start3A_464] : memref<4096x16xf32, #tpu.memory_space<vmem_shared>> -> memref<4096x16xf32, #tpu.memory_space<vmem_shared>>
        tpu.enqueue_indirect_dma source(%dma_start3A_460 : memref<128x16xf32, #tpu.memory_space<vmem>>) target(%dma_start3A_465 : memref<4096x16xf32, #tpu.memory_space<vmem_shared>>) offsets(%dma_start3A_462 : memref<128xi32, #tpu.memory_space<vmem>>) semaphore(%arg13 : memref<!tpu.dma_semaphore, #tpu.memory_space<semaphore_mem>>) {add = true}
        %dma_start3A_466 = arith.constant 256 : i32
        %dma_start3A_467 = arith.constant 0 : i32
        %dma_start3A_468 = tpu.memref_slice %arg6[%dma_start3A_466, %dma_start3A_467] : memref<2560x16xf32, #tpu.memory_space<vmem>> -> memref<128x16xf32, #tpu.memory_space<vmem>>
        %dma_start3A_469 = arith.constant 256 : i32
        %dma_start3A_470 = tpu.memref_slice %arg8[%dma_start3A_469] : memref<2560xi32, #tpu.memory_space<vmem>> -> memref<128xi32, #tpu.memory_space<vmem>>
        %dma_start3A_471 = arith.constant 0 : i32
        %dma_start3A_472 = arith.constant 0 : i32
        %dma_start3A_473 = tpu.memref_slice %arg10[%dma_start3A_471, %dma_start3A_472] : memref<4096x16xf32, #tpu.memory_space<vmem_shared>> -> memref<4096x16xf32, #tpu.memory_space<vmem_shared>>
        tpu.enqueue_indirect_dma source(%dma_start3A_468 : memref<128x16xf32, #tpu.memory_space<vmem>>) target(%dma_start3A_473 : memref<4096x16xf32, #tpu.memory_space<vmem_shared>>) offsets(%dma_start3A_470 : memref<128xi32, #tpu.memory_space<vmem>>) semaphore(%arg13 : memref<!tpu.dma_semaphore, #tpu.memory_space<semaphore_mem>>) {add = true}
        %dma_start3A_474 = arith.constant 384 : i32
        %dma_start3A_475 = arith.constant 0 : i32
        %dma_start3A_476 = tpu.memref_slice %arg6[%dma_start3A_474, %dma_start3A_475] : memref<2560x16xf32, #tpu.memory_space<vmem>> -> memref<128x16xf32, #tpu.memory_space<vmem>>
        %dma_start3A_477 = arith.constant 384 : i32
        %dma_start3A_478 = tpu.memref_slice %arg8[%dma_start3A_477] : memref<2560xi32, #tpu.memory_space<vmem>> -> memref<128xi32, #tpu.memory_space<vmem>>
        %dma_start3A_479 = arith.constant 0 : i32
        %dma_start3A_480 = arith.constant 0 : i32
        %dma_start3A_481 = tpu.memref_slice %arg10[%dma_start3A_479, %dma_start3A_480] : memref<4096x16xf32, #tpu.memory_space<vmem_shared>> -> memref<4096x16xf32, #tpu.memory_space<vmem_shared>>
        tpu.enqueue_indirect_dma source(%dma_start3A_476 : memref<128x16xf32, #tpu.memory_space<vmem>>) target(%dma_start3A_481 : memref<4096x16xf32, #tpu.memory_space<vmem_shared>>) offsets(%dma_start3A_478 : memref<128xi32, #tpu.memory_space<vmem>>) semaphore(%arg13 : memref<!tpu.dma_semaphore, #tpu.memory_space<semaphore_mem>>) {add = true}
        %dma_start3A_482 = arith.constant 512 : i32
        %dma_start3A_483 = arith.constant 0 : i32
        %dma_start3A_484 = tpu.memref_slice %arg6[%dma_start3A_482, %dma_start3A_483] : memref<2560x16xf32, #tpu.memory_space<vmem>> -> memref<128x16xf32, #tpu.memory_space<vmem>>
        %dma_start3A_485 = arith.constant 512 : i32
        %dma_start3A_486 = tpu.memref_slice %arg8[%dma_start3A_485] : memref<2560xi32, #tpu.memory_space<vmem>> -> memref<128xi32, #tpu.memory_space<vmem>>
        %dma_start3A_487 = arith.constant 0 : i32
        %dma_start3A_488 = arith.constant 0 : i32
        %dma_start3A_489 = tpu.memref_slice %arg10[%dma_start3A_487, %dma_start3A_488] : memref<4096x16xf32, #tpu.memory_space<vmem_shared>> -> memref<4096x16xf32, #tpu.memory_space<vmem_shared>>
        tpu.enqueue_indirect_dma source(%dma_start3A_484 : memref<128x16xf32, #tpu.memory_space<vmem>>) target(%dma_start3A_489 : memref<4096x16xf32, #tpu.memory_space<vmem_shared>>) offsets(%dma_start3A_486 : memref<128xi32, #tpu.memory_space<vmem>>) semaphore(%arg13 : memref<!tpu.dma_semaphore, #tpu.memory_space<semaphore_mem>>) {add = true}
        %dma_start3A_490 = arith.constant 640 : i32
        %dma_start3A_491 = arith.constant 0 : i32
        %dma_start3A_492 = tpu.memref_slice %arg6[%dma_start3A_490, %dma_start3A_491] : memref<2560x16xf32, #tpu.memory_space<vmem>> -> memref<128x16xf32, #tpu.memory_space<vmem>>
        %dma_start3A_493 = arith.constant 640 : i32
        %dma_start3A_494 = tpu.memref_slice %arg8[%dma_start3A_493] : memref<2560xi32, #tpu.memory_space<vmem>> -> memref<128xi32, #tpu.memory_space<vmem>>
        %dma_start3A_495 = arith.constant 0 : i32
        %dma_start3A_496 = arith.constant 0 : i32
        %dma_start3A_497 = tpu.memref_slice %arg10[%dma_start3A_495, %dma_start3A_496] : memref<4096x16xf32, #tpu.memory_space<vmem_shared>> -> memref<4096x16xf32, #tpu.memory_space<vmem_shared>>
        tpu.enqueue_indirect_dma source(%dma_start3A_492 : memref<128x16xf32, #tpu.memory_space<vmem>>) target(%dma_start3A_497 : memref<4096x16xf32, #tpu.memory_space<vmem_shared>>) offsets(%dma_start3A_494 : memref<128xi32, #tpu.memory_space<vmem>>) semaphore(%arg13 : memref<!tpu.dma_semaphore, #tpu.memory_space<semaphore_mem>>) {add = true}
        %dma_start3A_498 = arith.constant 768 : i32
        %dma_start3A_499 = arith.constant 0 : i32
        %dma_start3A_500 = tpu.memref_slice %arg6[%dma_start3A_498, %dma_start3A_499] : memref<2560x16xf32, #tpu.memory_space<vmem>> -> memref<128x16xf32, #tpu.memory_space<vmem>>
        %dma_start3A_501 = arith.constant 768 : i32
        %dma_start3A_502 = tpu.memref_slice %arg8[%dma_start3A_501] : memref<2560xi32, #tpu.memory_space<vmem>> -> memref<128xi32, #tpu.memory_space<vmem>>
        %dma_start3A_503 = arith.constant 0 : i32
        %dma_start3A_504 = arith.constant 0 : i32
        %dma_start3A_505 = tpu.memref_slice %arg10[%dma_start3A_503, %dma_start3A_504] : memref<4096x16xf32, #tpu.memory_space<vmem_shared>> -> memref<4096x16xf32, #tpu.memory_space<vmem_shared>>
        tpu.enqueue_indirect_dma source(%dma_start3A_500 : memref<128x16xf32, #tpu.memory_space<vmem>>) target(%dma_start3A_505 : memref<4096x16xf32, #tpu.memory_space<vmem_shared>>) offsets(%dma_start3A_502 : memref<128xi32, #tpu.memory_space<vmem>>) semaphore(%arg13 : memref<!tpu.dma_semaphore, #tpu.memory_space<semaphore_mem>>) {add = true}
        %dma_start3A_506 = arith.constant 896 : i32
        %dma_start3A_507 = arith.constant 0 : i32
        %dma_start3A_508 = tpu.memref_slice %arg6[%dma_start3A_506, %dma_start3A_507] : memref<2560x16xf32, #tpu.memory_space<vmem>> -> memref<128x16xf32, #tpu.memory_space<vmem>>
        %dma_start3A_509 = arith.constant 896 : i32
        %dma_start3A_510 = tpu.memref_slice %arg8[%dma_start3A_509] : memref<2560xi32, #tpu.memory_space<vmem>> -> memref<128xi32, #tpu.memory_space<vmem>>
        %dma_start3A_511 = arith.constant 0 : i32
        %dma_start3A_512 = arith.constant 0 : i32
        %dma_start3A_513 = tpu.memref_slice %arg10[%dma_start3A_511, %dma_start3A_512] : memref<4096x16xf32, #tpu.memory_space<vmem_shared>> -> memref<4096x16xf32, #tpu.memory_space<vmem_shared>>
        tpu.enqueue_indirect_dma source(%dma_start3A_508 : memref<128x16xf32, #tpu.memory_space<vmem>>) target(%dma_start3A_513 : memref<4096x16xf32, #tpu.memory_space<vmem_shared>>) offsets(%dma_start3A_510 : memref<128xi32, #tpu.memory_space<vmem>>) semaphore(%arg13 : memref<!tpu.dma_semaphore, #tpu.memory_space<semaphore_mem>>) {add = true}
        %dma_start3A_514 = arith.constant 1024 : i32
        %dma_start3A_515 = arith.constant 0 : i32
        %dma_start3A_516 = tpu.memref_slice %arg6[%dma_start3A_514, %dma_start3A_515] : memref<2560x16xf32, #tpu.memory_space<vmem>> -> memref<128x16xf32, #tpu.memory_space<vmem>>
        %dma_start3A_517 = arith.constant 1024 : i32
        %dma_start3A_518 = tpu.memref_slice %arg8[%dma_start3A_517] : memref<2560xi32, #tpu.memory_space<vmem>> -> memref<128xi32, #tpu.memory_space<vmem>>
        %dma_start3A_519 = arith.constant 0 : i32
        %dma_start3A_520 = arith.constant 0 : i32
        %dma_start3A_521 = tpu.memref_slice %arg10[%dma_start3A_519, %dma_start3A_520] : memref<4096x16xf32, #tpu.memory_space<vmem_shared>> -> memref<4096x16xf32, #tpu.memory_space<vmem_shared>>
        tpu.enqueue_indirect_dma source(%dma_start3A_516 : memref<128x16xf32, #tpu.memory_space<vmem>>) target(%dma_start3A_521 : memref<4096x16xf32, #tpu.memory_space<vmem_shared>>) offsets(%dma_start3A_518 : memref<128xi32, #tpu.memory_space<vmem>>) semaphore(%arg13 : memref<!tpu.dma_semaphore, #tpu.memory_space<semaphore_mem>>) {add = true}
        %dma_start3A_522 = arith.constant 1152 : i32
        %dma_start3A_523 = arith.constant 0 : i32
        %dma_start3A_524 = tpu.memref_slice %arg6[%dma_start3A_522, %dma_start3A_523] : memref<2560x16xf32, #tpu.memory_space<vmem>> -> memref<128x16xf32, #tpu.memory_space<vmem>>
        %dma_start3A_525 = arith.constant 1152 : i32
        %dma_start3A_526 = tpu.memref_slice %arg8[%dma_start3A_525] : memref<2560xi32, #tpu.memory_space<vmem>> -> memref<128xi32, #tpu.memory_space<vmem>>
        %dma_start3A_527 = arith.constant 0 : i32
        %dma_start3A_528 = arith.constant 0 : i32
        %dma_start3A_529 = tpu.memref_slice %arg10[%dma_start3A_527, %dma_start3A_528] : memref<4096x16xf32, #tpu.memory_space<vmem_shared>> -> memref<4096x16xf32, #tpu.memory_space<vmem_shared>>
        tpu.enqueue_indirect_dma source(%dma_start3A_524 : memref<128x16xf32, #tpu.memory_space<vmem>>) target(%dma_start3A_529 : memref<4096x16xf32, #tpu.memory_space<vmem_shared>>) offsets(%dma_start3A_526 : memref<128xi32, #tpu.memory_space<vmem>>) semaphore(%arg13 : memref<!tpu.dma_semaphore, #tpu.memory_space<semaphore_mem>>) {add = true}
        %dma_start3A_530 = arith.constant 1280 : i32
        %dma_start3A_531 = arith.constant 0 : i32
        %dma_start3A_532 = tpu.memref_slice %arg6[%dma_start3A_530, %dma_start3A_531] : memref<2560x16xf32, #tpu.memory_space<vmem>> -> memref<128x16xf32, #tpu.memory_space<vmem>>
        %dma_start3A_533 = arith.constant 1280 : i32
        %dma_start3A_534 = tpu.memref_slice %arg8[%dma_start3A_533] : memref<2560xi32, #tpu.memory_space<vmem>> -> memref<128xi32, #tpu.memory_space<vmem>>
        %dma_start3A_535 = arith.constant 0 : i32
        %dma_start3A_536 = arith.constant 0 : i32
        %dma_start3A_537 = tpu.memref_slice %arg10[%dma_start3A_535, %dma_start3A_536] : memref<4096x16xf32, #tpu.memory_space<vmem_shared>> -> memref<4096x16xf32, #tpu.memory_space<vmem_shared>>
        tpu.enqueue_indirect_dma source(%dma_start3A_532 : memref<128x16xf32, #tpu.memory_space<vmem>>) target(%dma_start3A_537 : memref<4096x16xf32, #tpu.memory_space<vmem_shared>>) offsets(%dma_start3A_534 : memref<128xi32, #tpu.memory_space<vmem>>) semaphore(%arg13 : memref<!tpu.dma_semaphore, #tpu.memory_space<semaphore_mem>>) {add = true}
        %dma_start3A_538 = arith.constant 1408 : i32
        %dma_start3A_539 = arith.constant 0 : i32
        %dma_start3A_540 = tpu.memref_slice %arg6[%dma_start3A_538, %dma_start3A_539] : memref<2560x16xf32, #tpu.memory_space<vmem>> -> memref<128x16xf32, #tpu.memory_space<vmem>>
        %dma_start3A_541 = arith.constant 1408 : i32
        %dma_start3A_542 = tpu.memref_slice %arg8[%dma_start3A_541] : memref<2560xi32, #tpu.memory_space<vmem>> -> memref<128xi32, #tpu.memory_space<vmem>>
        %dma_start3A_543 = arith.constant 0 : i32
        %dma_start3A_544 = arith.constant 0 : i32
        %dma_start3A_545 = tpu.memref_slice %arg10[%dma_start3A_543, %dma_start3A_544] : memref<4096x16xf32, #tpu.memory_space<vmem_shared>> -> memref<4096x16xf32, #tpu.memory_space<vmem_shared>>
        tpu.enqueue_indirect_dma source(%dma_start3A_540 : memref<128x16xf32, #tpu.memory_space<vmem>>) target(%dma_start3A_545 : memref<4096x16xf32, #tpu.memory_space<vmem_shared>>) offsets(%dma_start3A_542 : memref<128xi32, #tpu.memory_space<vmem>>) semaphore(%arg13 : memref<!tpu.dma_semaphore, #tpu.memory_space<semaphore_mem>>) {add = true}
        %dma_start3A_546 = arith.constant 1536 : i32
        %dma_start3A_547 = arith.constant 0 : i32
        %dma_start3A_548 = tpu.memref_slice %arg6[%dma_start3A_546, %dma_start3A_547] : memref<2560x16xf32, #tpu.memory_space<vmem>> -> memref<128x16xf32, #tpu.memory_space<vmem>>
        %dma_start3A_549 = arith.constant 1536 : i32
        %dma_start3A_550 = tpu.memref_slice %arg8[%dma_start3A_549] : memref<2560xi32, #tpu.memory_space<vmem>> -> memref<128xi32, #tpu.memory_space<vmem>>
        %dma_start3A_551 = arith.constant 0 : i32
        %dma_start3A_552 = arith.constant 0 : i32
        %dma_start3A_553 = tpu.memref_slice %arg10[%dma_start3A_551, %dma_start3A_552] : memref<4096x16xf32, #tpu.memory_space<vmem_shared>> -> memref<4096x16xf32, #tpu.memory_space<vmem_shared>>
        tpu.enqueue_indirect_dma source(%dma_start3A_548 : memref<128x16xf32, #tpu.memory_space<vmem>>) target(%dma_start3A_553 : memref<4096x16xf32, #tpu.memory_space<vmem_shared>>) offsets(%dma_start3A_550 : memref<128xi32, #tpu.memory_space<vmem>>) semaphore(%arg13 : memref<!tpu.dma_semaphore, #tpu.memory_space<semaphore_mem>>) {add = true}
        %dma_start3A_554 = arith.constant 1664 : i32
        %dma_start3A_555 = arith.constant 0 : i32
        %dma_start3A_556 = tpu.memref_slice %arg6[%dma_start3A_554, %dma_start3A_555] : memref<2560x16xf32, #tpu.memory_space<vmem>> -> memref<128x16xf32, #tpu.memory_space<vmem>>
        %dma_start3A_557 = arith.constant 1664 : i32
        %dma_start3A_558 = tpu.memref_slice %arg8[%dma_start3A_557] : memref<2560xi32, #tpu.memory_space<vmem>> -> memref<128xi32, #tpu.memory_space<vmem>>
        %dma_start3A_559 = arith.constant 0 : i32
        %dma_start3A_560 = arith.constant 0 : i32
        %dma_start3A_561 = tpu.memref_slice %arg10[%dma_start3A_559, %dma_start3A_560] : memref<4096x16xf32, #tpu.memory_space<vmem_shared>> -> memref<4096x16xf32, #tpu.memory_space<vmem_shared>>
        tpu.enqueue_indirect_dma source(%dma_start3A_556 : memref<128x16xf32, #tpu.memory_space<vmem>>) target(%dma_start3A_561 : memref<4096x16xf32, #tpu.memory_space<vmem_shared>>) offsets(%dma_start3A_558 : memref<128xi32, #tpu.memory_space<vmem>>) semaphore(%arg13 : memref<!tpu.dma_semaphore, #tpu.memory_space<semaphore_mem>>) {add = true}
        %dma_start3A_562 = arith.constant 1792 : i32
        %dma_start3A_563 = arith.constant 0 : i32
        %dma_start3A_564 = tpu.memref_slice %arg6[%dma_start3A_562, %dma_start3A_563] : memref<2560x16xf32, #tpu.memory_space<vmem>> -> memref<128x16xf32, #tpu.memory_space<vmem>>
        %dma_start3A_565 = arith.constant 1792 : i32
        %dma_start3A_566 = tpu.memref_slice %arg8[%dma_start3A_565] : memref<2560xi32, #tpu.memory_space<vmem>> -> memref<128xi32, #tpu.memory_space<vmem>>
        %dma_start3A_567 = arith.constant 0 : i32
        %dma_start3A_568 = arith.constant 0 : i32
        %dma_start3A_569 = tpu.memref_slice %arg10[%dma_start3A_567, %dma_start3A_568] : memref<4096x16xf32, #tpu.memory_space<vmem_shared>> -> memref<4096x16xf32, #tpu.memory_space<vmem_shared>>
        tpu.enqueue_indirect_dma source(%dma_start3A_564 : memref<128x16xf32, #tpu.memory_space<vmem>>) target(%dma_start3A_569 : memref<4096x16xf32, #tpu.memory_space<vmem_shared>>) offsets(%dma_start3A_566 : memref<128xi32, #tpu.memory_space<vmem>>) semaphore(%arg13 : memref<!tpu.dma_semaphore, #tpu.memory_space<semaphore_mem>>) {add = true}
        %dma_start3A_570 = arith.constant 1920 : i32
        %dma_start3A_571 = arith.constant 0 : i32
        %dma_start3A_572 = tpu.memref_slice %arg6[%dma_start3A_570, %dma_start3A_571] : memref<2560x16xf32, #tpu.memory_space<vmem>> -> memref<128x16xf32, #tpu.memory_space<vmem>>
        %dma_start3A_573 = arith.constant 1920 : i32
        %dma_start3A_574 = tpu.memref_slice %arg8[%dma_start3A_573] : memref<2560xi32, #tpu.memory_space<vmem>> -> memref<128xi32, #tpu.memory_space<vmem>>
        %dma_start3A_575 = arith.constant 0 : i32
        %dma_start3A_576 = arith.constant 0 : i32
        %dma_start3A_577 = tpu.memref_slice %arg10[%dma_start3A_575, %dma_start3A_576] : memref<4096x16xf32, #tpu.memory_space<vmem_shared>> -> memref<4096x16xf32, #tpu.memory_space<vmem_shared>>
        tpu.enqueue_indirect_dma source(%dma_start3A_572 : memref<128x16xf32, #tpu.memory_space<vmem>>) target(%dma_start3A_577 : memref<4096x16xf32, #tpu.memory_space<vmem_shared>>) offsets(%dma_start3A_574 : memref<128xi32, #tpu.memory_space<vmem>>) semaphore(%arg13 : memref<!tpu.dma_semaphore, #tpu.memory_space<semaphore_mem>>) {add = true}
        %dma_start3A_578 = arith.constant 2048 : i32
        %dma_start3A_579 = arith.constant 0 : i32
        %dma_start3A_580 = tpu.memref_slice %arg6[%dma_start3A_578, %dma_start3A_579] : memref<2560x16xf32, #tpu.memory_space<vmem>> -> memref<128x16xf32, #tpu.memory_space<vmem>>
        %dma_start3A_581 = arith.constant 2048 : i32
        %dma_start3A_582 = tpu.memref_slice %arg8[%dma_start3A_581] : memref<2560xi32, #tpu.memory_space<vmem>> -> memref<128xi32, #tpu.memory_space<vmem>>
        %dma_start3A_583 = arith.constant 0 : i32
        %dma_start3A_584 = arith.constant 0 : i32
        %dma_start3A_585 = tpu.memref_slice %arg10[%dma_start3A_583, %dma_start3A_584] : memref<4096x16xf32, #tpu.memory_space<vmem_shared>> -> memref<4096x16xf32, #tpu.memory_space<vmem_shared>>
        tpu.enqueue_indirect_dma source(%dma_start3A_580 : memref<128x16xf32, #tpu.memory_space<vmem>>) target(%dma_start3A_585 : memref<4096x16xf32, #tpu.memory_space<vmem_shared>>) offsets(%dma_start3A_582 : memref<128xi32, #tpu.memory_space<vmem>>) semaphore(%arg13 : memref<!tpu.dma_semaphore, #tpu.memory_space<semaphore_mem>>) {add = true}
        %dma_start3A_586 = arith.constant 2176 : i32
        %dma_start3A_587 = arith.constant 0 : i32
        %dma_start3A_588 = tpu.memref_slice %arg6[%dma_start3A_586, %dma_start3A_587] : memref<2560x16xf32, #tpu.memory_space<vmem>> -> memref<128x16xf32, #tpu.memory_space<vmem>>
        %dma_start3A_589 = arith.constant 2176 : i32
        %dma_start3A_590 = tpu.memref_slice %arg8[%dma_start3A_589] : memref<2560xi32, #tpu.memory_space<vmem>> -> memref<128xi32, #tpu.memory_space<vmem>>
        %dma_start3A_591 = arith.constant 0 : i32
        %dma_start3A_592 = arith.constant 0 : i32
        %dma_start3A_593 = tpu.memref_slice %arg10[%dma_start3A_591, %dma_start3A_592] : memref<4096x16xf32, #tpu.memory_space<vmem_shared>> -> memref<4096x16xf32, #tpu.memory_space<vmem_shared>>
        tpu.enqueue_indirect_dma source(%dma_start3A_588 : memref<128x16xf32, #tpu.memory_space<vmem>>) target(%dma_start3A_593 : memref<4096x16xf32, #tpu.memory_space<vmem_shared>>) offsets(%dma_start3A_590 : memref<128xi32, #tpu.memory_space<vmem>>) semaphore(%arg13 : memref<!tpu.dma_semaphore, #tpu.memory_space<semaphore_mem>>) {add = true}
        %dma_start3A_594 = arith.constant 2304 : i32
        %dma_start3A_595 = arith.constant 0 : i32
        %dma_start3A_596 = tpu.memref_slice %arg6[%dma_start3A_594, %dma_start3A_595] : memref<2560x16xf32, #tpu.memory_space<vmem>> -> memref<128x16xf32, #tpu.memory_space<vmem>>
        %dma_start3A_597 = arith.constant 2304 : i32
        %dma_start3A_598 = tpu.memref_slice %arg8[%dma_start3A_597] : memref<2560xi32, #tpu.memory_space<vmem>> -> memref<128xi32, #tpu.memory_space<vmem>>
        %dma_start3A_599 = arith.constant 0 : i32
        %dma_start3A_600 = arith.constant 0 : i32
        %dma_start3A_601 = tpu.memref_slice %arg10[%dma_start3A_599, %dma_start3A_600] : memref<4096x16xf32, #tpu.memory_space<vmem_shared>> -> memref<4096x16xf32, #tpu.memory_space<vmem_shared>>
        tpu.enqueue_indirect_dma source(%dma_start3A_596 : memref<128x16xf32, #tpu.memory_space<vmem>>) target(%dma_start3A_601 : memref<4096x16xf32, #tpu.memory_space<vmem_shared>>) offsets(%dma_start3A_598 : memref<128xi32, #tpu.memory_space<vmem>>) semaphore(%arg13 : memref<!tpu.dma_semaphore, #tpu.memory_space<semaphore_mem>>) {add = true}
        %dma_start3A_602 = arith.constant 2432 : i32
        %dma_start3A_603 = arith.constant 0 : i32
        %dma_start3A_604 = tpu.memref_slice %arg6[%dma_start3A_602, %dma_start3A_603] : memref<2560x16xf32, #tpu.memory_space<vmem>> -> memref<128x16xf32, #tpu.memory_space<vmem>>
        %dma_start3A_605 = arith.constant 2432 : i32
        %dma_start3A_606 = tpu.memref_slice %arg8[%dma_start3A_605] : memref<2560xi32, #tpu.memory_space<vmem>> -> memref<128xi32, #tpu.memory_space<vmem>>
        %dma_start3A_607 = arith.constant 0 : i32
        %dma_start3A_608 = arith.constant 0 : i32
        %dma_start3A_609 = tpu.memref_slice %arg10[%dma_start3A_607, %dma_start3A_608] : memref<4096x16xf32, #tpu.memory_space<vmem_shared>> -> memref<4096x16xf32, #tpu.memory_space<vmem_shared>>
        tpu.enqueue_indirect_dma source(%dma_start3A_604 : memref<128x16xf32, #tpu.memory_space<vmem>>) target(%dma_start3A_609 : memref<4096x16xf32, #tpu.memory_space<vmem_shared>>) offsets(%dma_start3A_606 : memref<128xi32, #tpu.memory_space<vmem>>) semaphore(%arg13 : memref<!tpu.dma_semaphore, #tpu.memory_space<semaphore_mem>>) {add = true}
        %dma_wait3A_610 = arith.constant 0 : i32
        %dma_wait3A_611 = arith.constant 0 : i32
        %dma_wait3A_612 = tpu.memref_slice %arg6[%dma_wait3A_610, %dma_wait3A_611] : memref<2560x16xf32, #tpu.memory_space<vmem>> -> memref<128x16xf32, #tpu.memory_space<vmem>>
        %dma_wait3A_613 = arith.constant 0 : i32
        %dma_wait3A_614 = tpu.memref_slice %arg8[%dma_wait3A_613] : memref<2560xi32, #tpu.memory_space<vmem>> -> memref<128xi32, #tpu.memory_space<vmem>>
        %dma_wait3A_615 = arith.constant 0 : i32
        %dma_wait3A_616 = arith.constant 0 : i32
        %dma_wait3A_617 = tpu.memref_slice %arg10[%dma_wait3A_615, %dma_wait3A_616] : memref<4096x16xf32, #tpu.memory_space<vmem_shared>> -> memref<4096x16xf32, #tpu.memory_space<vmem_shared>>
        tpu.wait_indirect_dma semaphore(%arg13 : memref<!tpu.dma_semaphore, #tpu.memory_space<semaphore_mem>>) src(%dma_wait3A_612 : memref<128x16xf32, #tpu.memory_space<vmem>>) dst(%dma_wait3A_617 : memref<4096x16xf32, #tpu.memory_space<vmem_shared>>)
        %dma_wait3A_618 = arith.constant 128 : i32
        %dma_wait3A_619 = arith.constant 0 : i32
        %dma_wait3A_620 = tpu.memref_slice %arg6[%dma_wait3A_618, %dma_wait3A_619] : memref<2560x16xf32, #tpu.memory_space<vmem>> -> memref<128x16xf32, #tpu.memory_space<vmem>>
        %dma_wait3A_621 = arith.constant 128 : i32
        %dma_wait3A_622 = tpu.memref_slice %arg8[%dma_wait3A_621] : memref<2560xi32, #tpu.memory_space<vmem>> -> memref<128xi32, #tpu.memory_space<vmem>>
        %dma_wait3A_623 = arith.constant 0 : i32
        %dma_wait3A_624 = arith.constant 0 : i32
        %dma_wait3A_625 = tpu.memref_slice %arg10[%dma_wait3A_623, %dma_wait3A_624] : memref<4096x16xf32, #tpu.memory_space<vmem_shared>> -> memref<4096x16xf32, #tpu.memory_space<vmem_shared>>
        tpu.wait_indirect_dma semaphore(%arg13 : memref<!tpu.dma_semaphore, #tpu.memory_space<semaphore_mem>>) src(%dma_wait3A_620 : memref<128x16xf32, #tpu.memory_space<vmem>>) dst(%dma_wait3A_625 : memref<4096x16xf32, #tpu.memory_space<vmem_shared>>)
        %dma_wait3A_626 = arith.constant 256 : i32
        %dma_wait3A_627 = arith.constant 0 : i32
        %dma_wait3A_628 = tpu.memref_slice %arg6[%dma_wait3A_626, %dma_wait3A_627] : memref<2560x16xf32, #tpu.memory_space<vmem>> -> memref<128x16xf32, #tpu.memory_space<vmem>>
        %dma_wait3A_629 = arith.constant 256 : i32
        %dma_wait3A_630 = tpu.memref_slice %arg8[%dma_wait3A_629] : memref<2560xi32, #tpu.memory_space<vmem>> -> memref<128xi32, #tpu.memory_space<vmem>>
        %dma_wait3A_631 = arith.constant 0 : i32
        %dma_wait3A_632 = arith.constant 0 : i32
        %dma_wait3A_633 = tpu.memref_slice %arg10[%dma_wait3A_631, %dma_wait3A_632] : memref<4096x16xf32, #tpu.memory_space<vmem_shared>> -> memref<4096x16xf32, #tpu.memory_space<vmem_shared>>
        tpu.wait_indirect_dma semaphore(%arg13 : memref<!tpu.dma_semaphore, #tpu.memory_space<semaphore_mem>>) src(%dma_wait3A_628 : memref<128x16xf32, #tpu.memory_space<vmem>>) dst(%dma_wait3A_633 : memref<4096x16xf32, #tpu.memory_space<vmem_shared>>)
        %dma_wait3A_634 = arith.constant 384 : i32
        %dma_wait3A_635 = arith.constant 0 : i32
        %dma_wait3A_636 = tpu.memref_slice %arg6[%dma_wait3A_634, %dma_wait3A_635] : memref<2560x16xf32, #tpu.memory_space<vmem>> -> memref<128x16xf32, #tpu.memory_space<vmem>>
        %dma_wait3A_637 = arith.constant 384 : i32
        %dma_wait3A_638 = tpu.memref_slice %arg8[%dma_wait3A_637] : memref<2560xi32, #tpu.memory_space<vmem>> -> memref<128xi32, #tpu.memory_space<vmem>>
        %dma_wait3A_639 = arith.constant 0 : i32
        %dma_wait3A_640 = arith.constant 0 : i32
        %dma_wait3A_641 = tpu.memref_slice %arg10[%dma_wait3A_639, %dma_wait3A_640] : memref<4096x16xf32, #tpu.memory_space<vmem_shared>> -> memref<4096x16xf32, #tpu.memory_space<vmem_shared>>
        tpu.wait_indirect_dma semaphore(%arg13 : memref<!tpu.dma_semaphore, #tpu.memory_space<semaphore_mem>>) src(%dma_wait3A_636 : memref<128x16xf32, #tpu.memory_space<vmem>>) dst(%dma_wait3A_641 : memref<4096x16xf32, #tpu.memory_space<vmem_shared>>)
        %dma_wait3A_642 = arith.constant 512 : i32
        %dma_wait3A_643 = arith.constant 0 : i32
        %dma_wait3A_644 = tpu.memref_slice %arg6[%dma_wait3A_642, %dma_wait3A_643] : memref<2560x16xf32, #tpu.memory_space<vmem>> -> memref<128x16xf32, #tpu.memory_space<vmem>>
        %dma_wait3A_645 = arith.constant 512 : i32
        %dma_wait3A_646 = tpu.memref_slice %arg8[%dma_wait3A_645] : memref<2560xi32, #tpu.memory_space<vmem>> -> memref<128xi32, #tpu.memory_space<vmem>>
        %dma_wait3A_647 = arith.constant 0 : i32
        %dma_wait3A_648 = arith.constant 0 : i32
        %dma_wait3A_649 = tpu.memref_slice %arg10[%dma_wait3A_647, %dma_wait3A_648] : memref<4096x16xf32, #tpu.memory_space<vmem_shared>> -> memref<4096x16xf32, #tpu.memory_space<vmem_shared>>
        tpu.wait_indirect_dma semaphore(%arg13 : memref<!tpu.dma_semaphore, #tpu.memory_space<semaphore_mem>>) src(%dma_wait3A_644 : memref<128x16xf32, #tpu.memory_space<vmem>>) dst(%dma_wait3A_649 : memref<4096x16xf32, #tpu.memory_space<vmem_shared>>)
        %dma_wait3A_650 = arith.constant 640 : i32
        %dma_wait3A_651 = arith.constant 0 : i32
        %dma_wait3A_652 = tpu.memref_slice %arg6[%dma_wait3A_650, %dma_wait3A_651] : memref<2560x16xf32, #tpu.memory_space<vmem>> -> memref<128x16xf32, #tpu.memory_space<vmem>>
        %dma_wait3A_653 = arith.constant 640 : i32
        %dma_wait3A_654 = tpu.memref_slice %arg8[%dma_wait3A_653] : memref<2560xi32, #tpu.memory_space<vmem>> -> memref<128xi32, #tpu.memory_space<vmem>>
        %dma_wait3A_655 = arith.constant 0 : i32
        %dma_wait3A_656 = arith.constant 0 : i32
        %dma_wait3A_657 = tpu.memref_slice %arg10[%dma_wait3A_655, %dma_wait3A_656] : memref<4096x16xf32, #tpu.memory_space<vmem_shared>> -> memref<4096x16xf32, #tpu.memory_space<vmem_shared>>
        tpu.wait_indirect_dma semaphore(%arg13 : memref<!tpu.dma_semaphore, #tpu.memory_space<semaphore_mem>>) src(%dma_wait3A_652 : memref<128x16xf32, #tpu.memory_space<vmem>>) dst(%dma_wait3A_657 : memref<4096x16xf32, #tpu.memory_space<vmem_shared>>)
        %dma_wait3A_658 = arith.constant 768 : i32
        %dma_wait3A_659 = arith.constant 0 : i32
        %dma_wait3A_660 = tpu.memref_slice %arg6[%dma_wait3A_658, %dma_wait3A_659] : memref<2560x16xf32, #tpu.memory_space<vmem>> -> memref<128x16xf32, #tpu.memory_space<vmem>>
        %dma_wait3A_661 = arith.constant 768 : i32
        %dma_wait3A_662 = tpu.memref_slice %arg8[%dma_wait3A_661] : memref<2560xi32, #tpu.memory_space<vmem>> -> memref<128xi32, #tpu.memory_space<vmem>>
        %dma_wait3A_663 = arith.constant 0 : i32
        %dma_wait3A_664 = arith.constant 0 : i32
        %dma_wait3A_665 = tpu.memref_slice %arg10[%dma_wait3A_663, %dma_wait3A_664] : memref<4096x16xf32, #tpu.memory_space<vmem_shared>> -> memref<4096x16xf32, #tpu.memory_space<vmem_shared>>
        tpu.wait_indirect_dma semaphore(%arg13 : memref<!tpu.dma_semaphore, #tpu.memory_space<semaphore_mem>>) src(%dma_wait3A_660 : memref<128x16xf32, #tpu.memory_space<vmem>>) dst(%dma_wait3A_665 : memref<4096x16xf32, #tpu.memory_space<vmem_shared>>)
        %dma_wait3A_666 = arith.constant 896 : i32
        %dma_wait3A_667 = arith.constant 0 : i32
        %dma_wait3A_668 = tpu.memref_slice %arg6[%dma_wait3A_666, %dma_wait3A_667] : memref<2560x16xf32, #tpu.memory_space<vmem>> -> memref<128x16xf32, #tpu.memory_space<vmem>>
        %dma_wait3A_669 = arith.constant 896 : i32
        %dma_wait3A_670 = tpu.memref_slice %arg8[%dma_wait3A_669] : memref<2560xi32, #tpu.memory_space<vmem>> -> memref<128xi32, #tpu.memory_space<vmem>>
        %dma_wait3A_671 = arith.constant 0 : i32
        %dma_wait3A_672 = arith.constant 0 : i32
        %dma_wait3A_673 = tpu.memref_slice %arg10[%dma_wait3A_671, %dma_wait3A_672] : memref<4096x16xf32, #tpu.memory_space<vmem_shared>> -> memref<4096x16xf32, #tpu.memory_space<vmem_shared>>
        tpu.wait_indirect_dma semaphore(%arg13 : memref<!tpu.dma_semaphore, #tpu.memory_space<semaphore_mem>>) src(%dma_wait3A_668 : memref<128x16xf32, #tpu.memory_space<vmem>>) dst(%dma_wait3A_673 : memref<4096x16xf32, #tpu.memory_space<vmem_shared>>)
        %dma_wait3A_674 = arith.constant 1024 : i32
        %dma_wait3A_675 = arith.constant 0 : i32
        %dma_wait3A_676 = tpu.memref_slice %arg6[%dma_wait3A_674, %dma_wait3A_675] : memref<2560x16xf32, #tpu.memory_space<vmem>> -> memref<128x16xf32, #tpu.memory_space<vmem>>
        %dma_wait3A_677 = arith.constant 1024 : i32
        %dma_wait3A_678 = tpu.memref_slice %arg8[%dma_wait3A_677] : memref<2560xi32, #tpu.memory_space<vmem>> -> memref<128xi32, #tpu.memory_space<vmem>>
        %dma_wait3A_679 = arith.constant 0 : i32
        %dma_wait3A_680 = arith.constant 0 : i32
        %dma_wait3A_681 = tpu.memref_slice %arg10[%dma_wait3A_679, %dma_wait3A_680] : memref<4096x16xf32, #tpu.memory_space<vmem_shared>> -> memref<4096x16xf32, #tpu.memory_space<vmem_shared>>
        tpu.wait_indirect_dma semaphore(%arg13 : memref<!tpu.dma_semaphore, #tpu.memory_space<semaphore_mem>>) src(%dma_wait3A_676 : memref<128x16xf32, #tpu.memory_space<vmem>>) dst(%dma_wait3A_681 : memref<4096x16xf32, #tpu.memory_space<vmem_shared>>)
        %dma_wait3A_682 = arith.constant 1152 : i32
        %dma_wait3A_683 = arith.constant 0 : i32
        %dma_wait3A_684 = tpu.memref_slice %arg6[%dma_wait3A_682, %dma_wait3A_683] : memref<2560x16xf32, #tpu.memory_space<vmem>> -> memref<128x16xf32, #tpu.memory_space<vmem>>
        %dma_wait3A_685 = arith.constant 1152 : i32
        %dma_wait3A_686 = tpu.memref_slice %arg8[%dma_wait3A_685] : memref<2560xi32, #tpu.memory_space<vmem>> -> memref<128xi32, #tpu.memory_space<vmem>>
        %dma_wait3A_687 = arith.constant 0 : i32
        %dma_wait3A_688 = arith.constant 0 : i32
        %dma_wait3A_689 = tpu.memref_slice %arg10[%dma_wait3A_687, %dma_wait3A_688] : memref<4096x16xf32, #tpu.memory_space<vmem_shared>> -> memref<4096x16xf32, #tpu.memory_space<vmem_shared>>
        tpu.wait_indirect_dma semaphore(%arg13 : memref<!tpu.dma_semaphore, #tpu.memory_space<semaphore_mem>>) src(%dma_wait3A_684 : memref<128x16xf32, #tpu.memory_space<vmem>>) dst(%dma_wait3A_689 : memref<4096x16xf32, #tpu.memory_space<vmem_shared>>)
        %dma_wait3A_690 = arith.constant 1280 : i32
        %dma_wait3A_691 = arith.constant 0 : i32
        %dma_wait3A_692 = tpu.memref_slice %arg6[%dma_wait3A_690, %dma_wait3A_691] : memref<2560x16xf32, #tpu.memory_space<vmem>> -> memref<128x16xf32, #tpu.memory_space<vmem>>
        %dma_wait3A_693 = arith.constant 1280 : i32
        %dma_wait3A_694 = tpu.memref_slice %arg8[%dma_wait3A_693] : memref<2560xi32, #tpu.memory_space<vmem>> -> memref<128xi32, #tpu.memory_space<vmem>>
        %dma_wait3A_695 = arith.constant 0 : i32
        %dma_wait3A_696 = arith.constant 0 : i32
        %dma_wait3A_697 = tpu.memref_slice %arg10[%dma_wait3A_695, %dma_wait3A_696] : memref<4096x16xf32, #tpu.memory_space<vmem_shared>> -> memref<4096x16xf32, #tpu.memory_space<vmem_shared>>
        tpu.wait_indirect_dma semaphore(%arg13 : memref<!tpu.dma_semaphore, #tpu.memory_space<semaphore_mem>>) src(%dma_wait3A_692 : memref<128x16xf32, #tpu.memory_space<vmem>>) dst(%dma_wait3A_697 : memref<4096x16xf32, #tpu.memory_space<vmem_shared>>)
        %dma_wait3A_698 = arith.constant 1408 : i32
        %dma_wait3A_699 = arith.constant 0 : i32
        %dma_wait3A_700 = tpu.memref_slice %arg6[%dma_wait3A_698, %dma_wait3A_699] : memref<2560x16xf32, #tpu.memory_space<vmem>> -> memref<128x16xf32, #tpu.memory_space<vmem>>
        %dma_wait3A_701 = arith.constant 1408 : i32
        %dma_wait3A_702 = tpu.memref_slice %arg8[%dma_wait3A_701] : memref<2560xi32, #tpu.memory_space<vmem>> -> memref<128xi32, #tpu.memory_space<vmem>>
        %dma_wait3A_703 = arith.constant 0 : i32
        %dma_wait3A_704 = arith.constant 0 : i32
        %dma_wait3A_705 = tpu.memref_slice %arg10[%dma_wait3A_703, %dma_wait3A_704] : memref<4096x16xf32, #tpu.memory_space<vmem_shared>> -> memref<4096x16xf32, #tpu.memory_space<vmem_shared>>
        tpu.wait_indirect_dma semaphore(%arg13 : memref<!tpu.dma_semaphore, #tpu.memory_space<semaphore_mem>>) src(%dma_wait3A_700 : memref<128x16xf32, #tpu.memory_space<vmem>>) dst(%dma_wait3A_705 : memref<4096x16xf32, #tpu.memory_space<vmem_shared>>)
        %dma_wait3A_706 = arith.constant 1536 : i32
        %dma_wait3A_707 = arith.constant 0 : i32
        %dma_wait3A_708 = tpu.memref_slice %arg6[%dma_wait3A_706, %dma_wait3A_707] : memref<2560x16xf32, #tpu.memory_space<vmem>> -> memref<128x16xf32, #tpu.memory_space<vmem>>
        %dma_wait3A_709 = arith.constant 1536 : i32
        %dma_wait3A_710 = tpu.memref_slice %arg8[%dma_wait3A_709] : memref<2560xi32, #tpu.memory_space<vmem>> -> memref<128xi32, #tpu.memory_space<vmem>>
        %dma_wait3A_711 = arith.constant 0 : i32
        %dma_wait3A_712 = arith.constant 0 : i32
        %dma_wait3A_713 = tpu.memref_slice %arg10[%dma_wait3A_711, %dma_wait3A_712] : memref<4096x16xf32, #tpu.memory_space<vmem_shared>> -> memref<4096x16xf32, #tpu.memory_space<vmem_shared>>
        tpu.wait_indirect_dma semaphore(%arg13 : memref<!tpu.dma_semaphore, #tpu.memory_space<semaphore_mem>>) src(%dma_wait3A_708 : memref<128x16xf32, #tpu.memory_space<vmem>>) dst(%dma_wait3A_713 : memref<4096x16xf32, #tpu.memory_space<vmem_shared>>)
        %dma_wait3A_714 = arith.constant 1664 : i32
        %dma_wait3A_715 = arith.constant 0 : i32
        %dma_wait3A_716 = tpu.memref_slice %arg6[%dma_wait3A_714, %dma_wait3A_715] : memref<2560x16xf32, #tpu.memory_space<vmem>> -> memref<128x16xf32, #tpu.memory_space<vmem>>
        %dma_wait3A_717 = arith.constant 1664 : i32
        %dma_wait3A_718 = tpu.memref_slice %arg8[%dma_wait3A_717] : memref<2560xi32, #tpu.memory_space<vmem>> -> memref<128xi32, #tpu.memory_space<vmem>>
        %dma_wait3A_719 = arith.constant 0 : i32
        %dma_wait3A_720 = arith.constant 0 : i32
        %dma_wait3A_721 = tpu.memref_slice %arg10[%dma_wait3A_719, %dma_wait3A_720] : memref<4096x16xf32, #tpu.memory_space<vmem_shared>> -> memref<4096x16xf32, #tpu.memory_space<vmem_shared>>
        tpu.wait_indirect_dma semaphore(%arg13 : memref<!tpu.dma_semaphore, #tpu.memory_space<semaphore_mem>>) src(%dma_wait3A_716 : memref<128x16xf32, #tpu.memory_space<vmem>>) dst(%dma_wait3A_721 : memref<4096x16xf32, #tpu.memory_space<vmem_shared>>)
        %dma_wait3A_722 = arith.constant 1792 : i32
        %dma_wait3A_723 = arith.constant 0 : i32
        %dma_wait3A_724 = tpu.memref_slice %arg6[%dma_wait3A_722, %dma_wait3A_723] : memref<2560x16xf32, #tpu.memory_space<vmem>> -> memref<128x16xf32, #tpu.memory_space<vmem>>
        %dma_wait3A_725 = arith.constant 1792 : i32
        %dma_wait3A_726 = tpu.memref_slice %arg8[%dma_wait3A_725] : memref<2560xi32, #tpu.memory_space<vmem>> -> memref<128xi32, #tpu.memory_space<vmem>>
        %dma_wait3A_727 = arith.constant 0 : i32
        %dma_wait3A_728 = arith.constant 0 : i32
        %dma_wait3A_729 = tpu.memref_slice %arg10[%dma_wait3A_727, %dma_wait3A_728] : memref<4096x16xf32, #tpu.memory_space<vmem_shared>> -> memref<4096x16xf32, #tpu.memory_space<vmem_shared>>
        tpu.wait_indirect_dma semaphore(%arg13 : memref<!tpu.dma_semaphore, #tpu.memory_space<semaphore_mem>>) src(%dma_wait3A_724 : memref<128x16xf32, #tpu.memory_space<vmem>>) dst(%dma_wait3A_729 : memref<4096x16xf32, #tpu.memory_space<vmem_shared>>)
        %dma_wait3A_730 = arith.constant 1920 : i32
        %dma_wait3A_731 = arith.constant 0 : i32
        %dma_wait3A_732 = tpu.memref_slice %arg6[%dma_wait3A_730, %dma_wait3A_731] : memref<2560x16xf32, #tpu.memory_space<vmem>> -> memref<128x16xf32, #tpu.memory_space<vmem>>
        %dma_wait3A_733 = arith.constant 1920 : i32
        %dma_wait3A_734 = tpu.memref_slice %arg8[%dma_wait3A_733] : memref<2560xi32, #tpu.memory_space<vmem>> -> memref<128xi32, #tpu.memory_space<vmem>>
        %dma_wait3A_735 = arith.constant 0 : i32
        %dma_wait3A_736 = arith.constant 0 : i32
        %dma_wait3A_737 = tpu.memref_slice %arg10[%dma_wait3A_735, %dma_wait3A_736] : memref<4096x16xf32, #tpu.memory_space<vmem_shared>> -> memref<4096x16xf32, #tpu.memory_space<vmem_shared>>
        tpu.wait_indirect_dma semaphore(%arg13 : memref<!tpu.dma_semaphore, #tpu.memory_space<semaphore_mem>>) src(%dma_wait3A_732 : memref<128x16xf32, #tpu.memory_space<vmem>>) dst(%dma_wait3A_737 : memref<4096x16xf32, #tpu.memory_space<vmem_shared>>)
        %dma_wait3A_738 = arith.constant 2048 : i32
        %dma_wait3A_739 = arith.constant 0 : i32
        %dma_wait3A_740 = tpu.memref_slice %arg6[%dma_wait3A_738, %dma_wait3A_739] : memref<2560x16xf32, #tpu.memory_space<vmem>> -> memref<128x16xf32, #tpu.memory_space<vmem>>
        %dma_wait3A_741 = arith.constant 2048 : i32
        %dma_wait3A_742 = tpu.memref_slice %arg8[%dma_wait3A_741] : memref<2560xi32, #tpu.memory_space<vmem>> -> memref<128xi32, #tpu.memory_space<vmem>>
        %dma_wait3A_743 = arith.constant 0 : i32
        %dma_wait3A_744 = arith.constant 0 : i32
        %dma_wait3A_745 = tpu.memref_slice %arg10[%dma_wait3A_743, %dma_wait3A_744] : memref<4096x16xf32, #tpu.memory_space<vmem_shared>> -> memref<4096x16xf32, #tpu.memory_space<vmem_shared>>
        tpu.wait_indirect_dma semaphore(%arg13 : memref<!tpu.dma_semaphore, #tpu.memory_space<semaphore_mem>>) src(%dma_wait3A_740 : memref<128x16xf32, #tpu.memory_space<vmem>>) dst(%dma_wait3A_745 : memref<4096x16xf32, #tpu.memory_space<vmem_shared>>)
        %dma_wait3A_746 = arith.constant 2176 : i32
        %dma_wait3A_747 = arith.constant 0 : i32
        %dma_wait3A_748 = tpu.memref_slice %arg6[%dma_wait3A_746, %dma_wait3A_747] : memref<2560x16xf32, #tpu.memory_space<vmem>> -> memref<128x16xf32, #tpu.memory_space<vmem>>
        %dma_wait3A_749 = arith.constant 2176 : i32
        %dma_wait3A_750 = tpu.memref_slice %arg8[%dma_wait3A_749] : memref<2560xi32, #tpu.memory_space<vmem>> -> memref<128xi32, #tpu.memory_space<vmem>>
        %dma_wait3A_751 = arith.constant 0 : i32
        %dma_wait3A_752 = arith.constant 0 : i32
        %dma_wait3A_753 = tpu.memref_slice %arg10[%dma_wait3A_751, %dma_wait3A_752] : memref<4096x16xf32, #tpu.memory_space<vmem_shared>> -> memref<4096x16xf32, #tpu.memory_space<vmem_shared>>
        tpu.wait_indirect_dma semaphore(%arg13 : memref<!tpu.dma_semaphore, #tpu.memory_space<semaphore_mem>>) src(%dma_wait3A_748 : memref<128x16xf32, #tpu.memory_space<vmem>>) dst(%dma_wait3A_753 : memref<4096x16xf32, #tpu.memory_space<vmem_shared>>)
        %dma_wait3A_754 = arith.constant 2304 : i32
        %dma_wait3A_755 = arith.constant 0 : i32
        %dma_wait3A_756 = tpu.memref_slice %arg6[%dma_wait3A_754, %dma_wait3A_755] : memref<2560x16xf32, #tpu.memory_space<vmem>> -> memref<128x16xf32, #tpu.memory_space<vmem>>
        %dma_wait3A_757 = arith.constant 2304 : i32
        %dma_wait3A_758 = tpu.memref_slice %arg8[%dma_wait3A_757] : memref<2560xi32, #tpu.memory_space<vmem>> -> memref<128xi32, #tpu.memory_space<vmem>>
        %dma_wait3A_759 = arith.constant 0 : i32
        %dma_wait3A_760 = arith.constant 0 : i32
        %dma_wait3A_761 = tpu.memref_slice %arg10[%dma_wait3A_759, %dma_wait3A_760] : memref<4096x16xf32, #tpu.memory_space<vmem_shared>> -> memref<4096x16xf32, #tpu.memory_space<vmem_shared>>
        tpu.wait_indirect_dma semaphore(%arg13 : memref<!tpu.dma_semaphore, #tpu.memory_space<semaphore_mem>>) src(%dma_wait3A_756 : memref<128x16xf32, #tpu.memory_space<vmem>>) dst(%dma_wait3A_761 : memref<4096x16xf32, #tpu.memory_space<vmem_shared>>)
        %dma_wait3A_762 = arith.constant 2432 : i32
        %dma_wait3A_763 = arith.constant 0 : i32
        %dma_wait3A_764 = tpu.memref_slice %arg6[%dma_wait3A_762, %dma_wait3A_763] : memref<2560x16xf32, #tpu.memory_space<vmem>> -> memref<128x16xf32, #tpu.memory_space<vmem>>
        %dma_wait3A_765 = arith.constant 2432 : i32
        %dma_wait3A_766 = tpu.memref_slice %arg8[%dma_wait3A_765] : memref<2560xi32, #tpu.memory_space<vmem>> -> memref<128xi32, #tpu.memory_space<vmem>>
        %dma_wait3A_767 = arith.constant 0 : i32
        %dma_wait3A_768 = arith.constant 0 : i32
        %dma_wait3A_769 = tpu.memref_slice %arg10[%dma_wait3A_767, %dma_wait3A_768] : memref<4096x16xf32, #tpu.memory_space<vmem_shared>> -> memref<4096x16xf32, #tpu.memory_space<vmem_shared>>
        tpu.wait_indirect_dma semaphore(%arg13 : memref<!tpu.dma_semaphore, #tpu.memory_space<semaphore_mem>>) src(%dma_wait3A_764 : memref<128x16xf32, #tpu.memory_space<vmem>>) dst(%dma_wait3A_769 : memref<4096x16xf32, #tpu.memory_space<vmem_shared>>)
      } else {
      }
      %while3A_433 = arith.constant 0 : i32
      scf.yield %while3A_433 : i32
    }
    %barrier3A_85 = arith.constant 0 : index
    tpu.barrier barrier_id(%barrier3A_85)
    %mul3A_86 = arith.constant 256 : i32
    %mul3A_87 = arith.muli %arg1, %mul3A_86 : i32
    %mul3A_88 = arith.constant 256 : i32
    %mul3A_89 = arith.muli %arg1, %mul3A_88 : i32
    "tpu.region"() ({
      %run_scoped3A = tpu.sem_alloc : memref<!tpu.dma_semaphore, #tpu.memory_space<semaphore_mem>>
      %dma_start3A = arith.constant 0 : i32
      %dma_start3A_90 = arith.constant 0 : i32
      %dma_start3A_91 = tpu.memref_slice %arg4[%arg0, %dma_start3A, %dma_start3A_90] : memref<2x4096x16xf32, #tpu.memory_space<hbm>> -> memref<1x4096x16xf32, #tpu.memory_space<hbm>>
      %dma_start3A_92 = tpu.memref_squeeze %dma_start3A_91 : memref<1x4096x16xf32, #tpu.memory_space<hbm>> -> memref<4096x16xf32, #tpu.memory_space<hbm>>
      %dma_start3A_93 = arith.constant 0 : i32
      %dma_start3A_94 = tpu.memref_slice %dma_start3A_92[%mul3A_89, %dma_start3A_93] : memref<4096x16xf32, #tpu.memory_space<hbm>> -> memref<256x16xf32, #tpu.memory_space<hbm>>
      %dma_start3A_95 = arith.constant 0 : i32
      %dma_start3A_96 = tpu.memref_slice %arg10[%mul3A_87, %dma_start3A_95] : memref<4096x16xf32, #tpu.memory_space<vmem_shared>> -> memref<256x16xf32, #tpu.memory_space<vmem_shared>>
      tpu.enqueue_dma source(%dma_start3A_96 : memref<256x16xf32, #tpu.memory_space<vmem_shared>>) target(%dma_start3A_94 : memref<256x16xf32, #tpu.memory_space<hbm>>) target_semaphore(%run_scoped3A : memref<!tpu.dma_semaphore, #tpu.memory_space<semaphore_mem>>)
      %dma_wait3A = arith.constant 0 : i32
      %dma_wait3A_97 = arith.constant 0 : i32
      %dma_wait3A_98 = tpu.memref_slice %arg4[%arg0, %dma_wait3A, %dma_wait3A_97] : memref<2x4096x16xf32, #tpu.memory_space<hbm>> -> memref<1x4096x16xf32, #tpu.memory_space<hbm>>
      %dma_wait3A_99 = tpu.memref_squeeze %dma_wait3A_98 : memref<1x4096x16xf32, #tpu.memory_space<hbm>> -> memref<4096x16xf32, #tpu.memory_space<hbm>>
      %dma_wait3A_100 = arith.constant 0 : i32
      %dma_wait3A_101 = tpu.memref_slice %dma_wait3A_99[%mul3A_89, %dma_wait3A_100] : memref<4096x16xf32, #tpu.memory_space<hbm>> -> memref<256x16xf32, #tpu.memory_space<hbm>>
      %dma_wait3A_102 = arith.constant 0 : i32
      %dma_wait3A_103 = tpu.memref_slice %arg10[%mul3A_87, %dma_wait3A_102] : memref<4096x16xf32, #tpu.memory_space<vmem_shared>> -> memref<256x16xf32, #tpu.memory_space<vmem_shared>>
      tpu.wait_dma2 semaphore(%run_scoped3A : memref<!tpu.dma_semaphore, #tpu.memory_space<semaphore_mem>>) src(%dma_wait3A_103 : memref<256x16xf32, #tpu.memory_space<vmem_shared>>) dst(%dma_wait3A_101 : memref<256x16xf32, #tpu.memory_space<hbm>>)
      tpu.yield
    }) : () -> ()
    return
  }
}

module attributes {stable_mosaic.version = 14 : i64} {
  func.func @_tr_body(%arg0: i32, %arg1: memref<4096x8xf32, #tpu.memory_space<vmem>>, %arg2: memref<8x4096xf32, #tpu.memory_space<vmem>>) attributes {dimension_semantics = [#tpu.dimension_semantics<arbitrary>], iteration_bounds = array<i64: 49>, scalar_prefetch = 0 : i64, scratch_operands = 0 : i64, tpu.core_type = #tpu.core_type<tc>, window_params = [{transform_indices = @transform_0, window_bounds = array<i64: 4096, 8>}, {transform_indices = @transform_1, window_bounds = array<i64: 8, 4096>}]} {
    %get3A = arith.constant 0 : index
    %get3A_0 = arith.constant 0 : index
    %get3A_1 = vector.load %arg1[%get3A, %get3A_0] : memref<4096x8xf32, #tpu.memory_space<vmem>>, vector<4096x8xf32>
    %transpose3A = tpu.transpose %get3A_1, [1, 0] : vector<4096x8xf32> -> vector<8x4096xf32>
    %swap3A = arith.constant 0 : index
    %swap3A_2 = arith.constant 0 : index
    %swap3A_3 = vector.load %arg2[%swap3A, %swap3A_2] : memref<8x4096xf32, #tpu.memory_space<vmem>>, vector<8x4096xf32>
    tpu.vector_store %arg2[%swap3A, %swap3A_2], %transpose3A {strides = array<i32>} : memref<8x4096xf32, #tpu.memory_space<vmem>>, vector<8x4096xf32>,
    return
  }
  func.func @transform_0(%arg0: i32) -> (i32, i32) {
    %c0_i32 = arith.constant 0 : i32
    %c0_i32_0 = arith.constant 0 : i32
    return %arg0, %c0_i32 : i32, i32
  }
  func.func @transform_1(%arg0: i32) -> (i32, i32) {
    %c0_i32 = arith.constant 0 : i32
    %c0_i32_0 = arith.constant 0 : i32
    return %c0_i32, %arg0 : i32, i32
  }
}

module attributes {stable_mosaic.version = 14 : i64} {
  func.func @_rep_body(%arg0: i32, %arg1: memref<8x3200xf32, #tpu.memory_space<vmem>>, %arg2: memref<8x3200xf32, #tpu.memory_space<vmem>>, %arg3: memref<128x1xf32, #tpu.memory_space<vmem>>, %arg4: memref<128x1xf32, #tpu.memory_space<vmem>>, %arg5: memref<256x17xf32, #tpu.memory_space<vmem>>, %arg6: memref<256x256xf32, #tpu.memory_space<vmem>>, %arg7: memref<256x1xf32, #tpu.memory_space<vmem>>, %arg8: memref<8x256xf32, #tpu.memory_space<vmem>>, %arg9: memref<1x1xf32, #tpu.memory_space<vmem>>, %arg10: memref<128x8xf32, #tpu.memory_space<vmem>>, %arg11: memref<3200x128xf32, #tpu.memory_space<vmem>>) attributes {dimension_semantics = [#tpu.dimension_semantics<arbitrary>], iteration_bounds = array<i64: 63>, scalar_prefetch = 0 : i64, scratch_operands = 0 : i64, tpu.core_type = #tpu.core_type<tc>, window_params = [{transform_indices = @transform_0, window_bounds = array<i64: 8, 3200>}, {transform_indices = @transform_1, window_bounds = array<i64: 8, 3200>}, {pipeline_mode = #tpu.pipeline_mode<synchronous>, transform_indices = @transform_2, window_bounds = array<i64: 128, 1>}, {pipeline_mode = #tpu.pipeline_mode<synchronous>, transform_indices = @transform_3, window_bounds = array<i64: 128, 1>}, {pipeline_mode = #tpu.pipeline_mode<synchronous>, transform_indices = @transform_4, window_bounds = array<i64: 256, 17>}, {pipeline_mode = #tpu.pipeline_mode<synchronous>, transform_indices = @transform_5, window_bounds = array<i64: 256, 256>}, {pipeline_mode = #tpu.pipeline_mode<synchronous>, transform_indices = @transform_6, window_bounds = array<i64: 256, 1>}, {pipeline_mode = #tpu.pipeline_mode<synchronous>, transform_indices = @transform_7, window_bounds = array<i64: 8, 256>}, {pipeline_mode = #tpu.pipeline_mode<synchronous>, transform_indices = @transform_8, window_bounds = array<i64: 1, 1>}, {pipeline_mode = #tpu.pipeline_mode<synchronous>, transform_indices = @transform_9, window_bounds = array<i64: 128, 8>}, {transform_indices = @transform_10, window_bounds = array<i64: 3200, 128>}]} {
    %get3A = arith.constant 0 : index
    %get3A_0 = arith.constant 0 : index
    %get3A_1 = vector.load %arg1[%get3A, %get3A_0] : memref<8x3200xf32, #tpu.memory_space<vmem>>, vector<8x3200xf32>
    %get3A_2 = arith.constant 0 : index
    %get3A_3 = arith.constant 0 : index
    %get3A_4 = vector.load %arg2[%get3A_2, %get3A_3] : memref<8x3200xf32, #tpu.memory_space<vmem>>, vector<8x3200xf32>
    %concatenate3A = tpu.concatenate %get3A_1, %get3A_4 in 0 : vector<8x3200xf32>, vector<8x3200xf32> -> vector<16x3200xf32>
    %broadcast_in_dim3A = arith.constant 1.000000e+00 : f32
    %broadcast_in_dim3A_5 = vector.broadcast %broadcast_in_dim3A : f32 to vector<1x3200xf32>
    %concatenate3A_6 = tpu.concatenate %concatenate3A, %broadcast_in_dim3A_5 in 0 : vector<16x3200xf32>, vector<1x3200xf32> -> vector<17x3200xf32>
    %get3A_7 = arith.constant 0 : index
    %get3A_8 = arith.constant 0 : index
    %get3A_9 = vector.load %arg5[%get3A_7, %get3A_8] : memref<256x17xf32, #tpu.memory_space<vmem>>, vector<256x17xf32>
    %dot_general3A = arith.constant dense<0.000000e+00> : vector<256x3200xf32>
    %dot_general3A_10 = tpu.matmul %get3A_9, %concatenate3A_6, %dot_general3A {dimension_numbers = #tpu.dot_dimension_numbers<[1], [0], [0], [1], [0, 0, 1, 1], [], []>, transpose_lhs_hint = false} : vector<256x17xf32>, vector<17x3200xf32>, vector<256x3200xf32> -> vector<256x3200xf32>
    %broadcast_in_dim3A_11 = vector.shape_cast %get3A_1 : vector<8x3200xf32> to vector<8x1x3200xf32>
    %broadcast_in_dim3A_12 = vector.shape_cast %broadcast_in_dim3A_11 : vector<8x1x3200xf32> to vector<8x1x3200xf32>
    %broadcast_in_dim3A_13 = vector.broadcast %broadcast_in_dim3A_12 : vector<8x1x3200xf32> to vector<8x16x3200xf32>
    %reshape3A = vector.shape_cast %broadcast_in_dim3A_13 : vector<8x16x3200xf32> to vector<128x3200xf32>
    %broadcast_in_dim3A_14 = vector.shape_cast %get3A_4 : vector<8x3200xf32> to vector<8x1x3200xf32>
    %broadcast_in_dim3A_15 = vector.shape_cast %broadcast_in_dim3A_14 : vector<8x1x3200xf32> to vector<8x1x3200xf32>
    %broadcast_in_dim3A_16 = vector.broadcast %broadcast_in_dim3A_15 : vector<8x1x3200xf32> to vector<8x16x3200xf32>
    %reshape3A_17 = vector.shape_cast %broadcast_in_dim3A_16 : vector<8x16x3200xf32> to vector<128x3200xf32>
    %get3A_18 = arith.constant 0 : index
    %get3A_19 = arith.constant 0 : index
    %get3A_20 = vector.load %arg3[%get3A_18, %get3A_19] : memref<128x1xf32, #tpu.memory_space<vmem>>, vector<128x1xf32>
    %sub3A = vector.broadcast %get3A_20 : vector<128x1xf32> to vector<128x3200xf32>
    %sub3A_21 = arith.subf %reshape3A, %sub3A : vector<128x3200xf32>
    %get3A_22 = arith.constant 0 : index
    %get3A_23 = arith.constant 0 : index
    %get3A_24 = vector.load %arg4[%get3A_22, %get3A_23] : memref<128x1xf32, #tpu.memory_space<vmem>>, vector<128x1xf32>
    %sub3A_25 = vector.broadcast %get3A_24 : vector<128x1xf32> to vector<128x3200xf32>
    %sub3A_26 = arith.subf %reshape3A_17, %sub3A_25 : vector<128x3200xf32>
    %mul3A = arith.mulf %sub3A_21, %sub3A_21 : vector<128x3200xf32>
    %mul3A_27 = arith.mulf %sub3A_26, %sub3A_26 : vector<128x3200xf32>
    %add3A = arith.addf %mul3A, %mul3A_27 : vector<128x3200xf32>
    %mul3A_28 = arith.constant -5.000000e+01 : f32
    %mul3A_29 = vector.broadcast %mul3A_28 : f32 to vector<128x3200xf32>
    %mul3A_30 = arith.mulf %add3A, %mul3A_29 : vector<128x3200xf32>
    %exp3A = math.exp %mul3A_30 : vector<128x3200xf32>
    %max3A = arith.constant 0.000000e+00 : f32
    %max3A_31 = vector.broadcast %max3A : f32 to vector<256x3200xf32>
    %max3A_32 = arith.maximumf %dot_general3A_10, %max3A_31 : vector<256x3200xf32>
    %get3A_33 = arith.constant 0 : index
    %get3A_34 = arith.constant 0 : index
    %get3A_35 = vector.load %arg6[%get3A_33, %get3A_34] : memref<256x256xf32, #tpu.memory_space<vmem>>, vector<256x256xf32>
    %dot_general3A_36 = arith.constant dense<0.000000e+00> : vector<256x3200xf32>
    %dot_general3A_37 = tpu.matmul %get3A_35, %max3A_32, %dot_general3A_36 {dimension_numbers = #tpu.dot_dimension_numbers<[1], [0], [0], [1], [0, 0, 1, 1], [], []>, transpose_lhs_hint = false} : vector<256x256xf32>, vector<256x3200xf32>, vector<256x3200xf32> -> vector<256x3200xf32>
    %get3A_38 = arith.constant 0 : index
    %get3A_39 = arith.constant 0 : index
    %get3A_40 = vector.load %arg7[%get3A_38, %get3A_39] : memref<256x1xf32, #tpu.memory_space<vmem>>, vector<256x1xf32>
    %add3A_41 = vector.broadcast %get3A_40 : vector<256x1xf32> to vector<256x3200xf32>
    %add3A_42 = arith.addf %dot_general3A_37, %add3A_41 : vector<256x3200xf32>
    %max3A_43 = arith.constant 0.000000e+00 : f32
    %max3A_44 = vector.broadcast %max3A_43 : f32 to vector<256x3200xf32>
    %max3A_45 = arith.maximumf %add3A_42, %max3A_44 : vector<256x3200xf32>
    %get3A_46 = arith.constant 0 : index
    %get3A_47 = arith.constant 0 : index
    %get3A_48 = vector.load %arg8[%get3A_46, %get3A_47] : memref<8x256xf32, #tpu.memory_space<vmem>>, vector<8x256xf32>
    %dot_general3A_49 = arith.constant dense<0.000000e+00> : vector<8x3200xf32>
    %dot_general3A_50 = tpu.matmul %get3A_48, %max3A_45, %dot_general3A_49 {dimension_numbers = #tpu.dot_dimension_numbers<[1], [0], [0], [1], [0, 0, 1, 1], [], []>, transpose_lhs_hint = false} : vector<8x256xf32>, vector<256x3200xf32>, vector<8x3200xf32> -> vector<8x3200xf32>
    %get3A_51 = arith.constant 0 : index
    %get3A_52 = arith.constant 0 : index
    %get3A_53 = vector.load %arg9[%get3A_51, %get3A_52] : memref<1x1xf32, #tpu.memory_space<vmem>>, vector<1x1xf32>
    %add3A_54 = vector.broadcast %get3A_53 : vector<1x1xf32> to vector<8x3200xf32>
    %add3A_55 = arith.addf %dot_general3A_50, %add3A_54 : vector<8x3200xf32>
    %get3A_56 = arith.constant 0 : index
    %get3A_57 = arith.constant 0 : index
    %get3A_58 = vector.load %arg10[%get3A_56, %get3A_57] : memref<128x8xf32, #tpu.memory_space<vmem>>, vector<128x8xf32>
    %logistic3A = arith.negf %add3A_55 : vector<8x3200xf32>
    %logistic3A_59 = math.exp %logistic3A : vector<8x3200xf32>
    %logistic3A_60 = arith.constant 1.000000e+00 : f32
    %logistic3A_61 = vector.broadcast %logistic3A_60 : f32 to vector<8x3200xf32>
    %logistic3A_62 = arith.addf %logistic3A_61, %logistic3A_59 : vector<8x3200xf32>
    %logistic3A_63 = arith.divf %logistic3A_61, %logistic3A_62 : vector<8x3200xf32>
    %dot_general3A_64 = arith.constant dense<0.000000e+00> : vector<128x3200xf32>
    %dot_general3A_65 = tpu.matmul %get3A_58, %logistic3A_63, %dot_general3A_64 {dimension_numbers = #tpu.dot_dimension_numbers<[1], [0], [0], [1], [0, 0, 1, 1], [], []>, transpose_lhs_hint = false} : vector<128x8xf32>, vector<8x3200xf32>, vector<128x3200xf32> -> vector<128x3200xf32>
    %mul3A_66 = arith.mulf %exp3A, %dot_general3A_65 : vector<128x3200xf32>
    %transpose3A = tpu.transpose %mul3A_66, [1, 0] : vector<128x3200xf32> -> vector<3200x128xf32>
    %swap3A = arith.constant 0 : index
    %swap3A_67 = arith.constant 0 : index
    %swap3A_68 = vector.load %arg11[%swap3A, %swap3A_67] : memref<3200x128xf32, #tpu.memory_space<vmem>>, vector<3200x128xf32>
    tpu.vector_store %arg11[%swap3A, %swap3A_67], %transpose3A {strides = array<i32>} : memref<3200x128xf32, #tpu.memory_space<vmem>>, vector<3200x128xf32>,
    return
  }
  func.func @transform_0(%arg0: i32) -> (i32, i32) {
    %c0_i32 = arith.constant 0 : i32
    %c0_i32_0 = arith.constant 0 : i32
    return %c0_i32, %arg0 : i32, i32
  }
  func.func @transform_1(%arg0: i32) -> (i32, i32) {
    %c0_i32 = arith.constant 0 : i32
    %c0_i32_0 = arith.constant 0 : i32
    return %c0_i32, %arg0 : i32, i32
  }
  func.func @transform_2(%arg0: i32) -> (i32, i32) {
    %c0_i32 = arith.constant 0 : i32
    %c0_i32_0 = arith.constant 0 : i32
    %c0_i32_1 = arith.constant 0 : i32
    return %c0_i32, %c0_i32_0 : i32, i32
  }
  func.func @transform_3(%arg0: i32) -> (i32, i32) {
    %c0_i32 = arith.constant 0 : i32
    %c0_i32_0 = arith.constant 0 : i32
    %c0_i32_1 = arith.constant 0 : i32
    return %c0_i32, %c0_i32_0 : i32, i32
  }
  func.func @transform_4(%arg0: i32) -> (i32, i32) {
    %c0_i32 = arith.constant 0 : i32
    %c0_i32_0 = arith.constant 0 : i32
    %c0_i32_1 = arith.constant 0 : i32
    return %c0_i32, %c0_i32_0 : i32, i32
  }
  func.func @transform_5(%arg0: i32) -> (i32, i32) {
    %c0_i32 = arith.constant 0 : i32
    %c0_i32_0 = arith.constant 0 : i32
    %c0_i32_1 = arith.constant 0 : i32
    return %c0_i32, %c0_i32_0 : i32, i32
  }
  func.func @transform_6(%arg0: i32) -> (i32, i32) {
    %c0_i32 = arith.constant 0 : i32
    %c0_i32_0 = arith.constant 0 : i32
    %c0_i32_1 = arith.constant 0 : i32
    return %c0_i32, %c0_i32_0 : i32, i32
  }
  func.func @transform_7(%arg0: i32) -> (i32, i32) {
    %c0_i32 = arith.constant 0 : i32
    %c0_i32_0 = arith.constant 0 : i32
    %c0_i32_1 = arith.constant 0 : i32
    return %c0_i32, %c0_i32_0 : i32, i32
  }
  func.func @transform_8(%arg0: i32) -> (i32, i32) {
    %c0_i32 = arith.constant 0 : i32
    %c0_i32_0 = arith.constant 0 : i32
    %c0_i32_1 = arith.constant 0 : i32
    return %c0_i32, %c0_i32_0 : i32, i32
  }
  func.func @transform_9(%arg0: i32) -> (i32, i32) {
    %c0_i32 = arith.constant 0 : i32
    %c0_i32_0 = arith.constant 0 : i32
    %c0_i32_1 = arith.constant 0 : i32
    return %c0_i32, %c0_i32_0 : i32, i32
  }
  func.func @transform_10(%arg0: i32) -> (i32, i32) {
    %c0_i32 = arith.constant 0 : i32
    %c0_i32_0 = arith.constant 0 : i32
    return %arg0, %c0_i32 : i32, i32
  }
}

module attributes {stable_mosaic.version = 14 : i64} {
  func.func @_mlp_body(%arg0: memref<2x4096x16xf32, #tpu.memory_space<vmem>>, %arg1: memref<2x4096x16xf32, #tpu.memory_space<vmem>>, %arg2: memref<4096x16xf32, #tpu.memory_space<vmem>>, %arg3: memref<16x128xf32, #tpu.memory_space<vmem>>, %arg4: memref<16x128xf32, #tpu.memory_space<vmem>>, %arg5: memref<16x128xf32, #tpu.memory_space<vmem>>, %arg6: memref<1x128xf32, #tpu.memory_space<vmem>>, %arg7: memref<128x128xf32, #tpu.memory_space<vmem>>, %arg8: memref<1x128xf32, #tpu.memory_space<vmem>>, %arg9: memref<128x10xf32, #tpu.memory_space<vmem>>, %arg10: memref<1x10xf32, #tpu.memory_space<vmem>>, %arg11: memref<4096x10xf32, #tpu.memory_space<vmem>>) attributes {dimension_semantics = [], scalar_prefetch = 0 : i64, scratch_operands = 0 : i64, tpu.core_type = #tpu.core_type<tc>} {
    %get3A = arith.constant 0 : index
    %get3A_0 = arith.constant 0 : index
    %get3A_1 = arith.constant 0 : index
    %get3A_2 = vector.load %arg0[%get3A, %get3A_0, %get3A_1] : memref<2x4096x16xf32, #tpu.memory_space<vmem>>, vector<1x4096x16xf32>
    %get3A_3 = vector.shape_cast %get3A_2 : vector<1x4096x16xf32> to vector<4096x16xf32>
    %get3A_4 = arith.constant 1 : index
    %get3A_5 = arith.constant 0 : index
    %get3A_6 = arith.constant 0 : index
    %get3A_7 = vector.load %arg0[%get3A_4, %get3A_5, %get3A_6] : memref<2x4096x16xf32, #tpu.memory_space<vmem>>, vector<1x4096x16xf32>
    %get3A_8 = vector.shape_cast %get3A_7 : vector<1x4096x16xf32> to vector<4096x16xf32>
    %add3A = arith.addf %get3A_3, %get3A_8 : vector<4096x16xf32>
    %get3A_9 = arith.constant 0 : index
    %get3A_10 = arith.constant 0 : index
    %get3A_11 = arith.constant 0 : index
    %get3A_12 = vector.load %arg1[%get3A_9, %get3A_10, %get3A_11] : memref<2x4096x16xf32, #tpu.memory_space<vmem>>, vector<1x4096x16xf32>
    %get3A_13 = vector.shape_cast %get3A_12 : vector<1x4096x16xf32> to vector<4096x16xf32>
    %get3A_14 = arith.constant 1 : index
    %get3A_15 = arith.constant 0 : index
    %get3A_16 = arith.constant 0 : index
    %get3A_17 = vector.load %arg1[%get3A_14, %get3A_15, %get3A_16] : memref<2x4096x16xf32, #tpu.memory_space<vmem>>, vector<1x4096x16xf32>
    %get3A_18 = vector.shape_cast %get3A_17 : vector<1x4096x16xf32> to vector<4096x16xf32>
    %add3A_19 = arith.addf %get3A_13, %get3A_18 : vector<4096x16xf32>
    %get3A_20 = arith.constant 0 : index
    %get3A_21 = arith.constant 0 : index
    %get3A_22 = vector.load %arg2[%get3A_20, %get3A_21] : memref<4096x16xf32, #tpu.memory_space<vmem>>, vector<4096x16xf32>
    %get3A_23 = arith.constant 0 : index
    %get3A_24 = arith.constant 0 : index
    %get3A_25 = vector.load %arg3[%get3A_23, %get3A_24] : memref<16x128xf32, #tpu.memory_space<vmem>>, vector<16x128xf32>
    %dot_general3A = arith.constant dense<0.000000e+00> : vector<4096x128xf32>
    %dot_general3A_26 = tpu.matmul %add3A, %get3A_25, %dot_general3A {dimension_numbers = #tpu.dot_dimension_numbers<[1], [0], [0], [1], [0, 0, 1, 1], [], []>, transpose_lhs_hint = false} : vector<4096x16xf32>, vector<16x128xf32>, vector<4096x128xf32> -> vector<4096x128xf32>
    %get3A_27 = arith.constant 0 : index
    %get3A_28 = arith.constant 0 : index
    %get3A_29 = vector.load %arg4[%get3A_27, %get3A_28] : memref<16x128xf32, #tpu.memory_space<vmem>>, vector<16x128xf32>
    %dot_general3A_30 = arith.constant dense<0.000000e+00> : vector<4096x128xf32>
    %dot_general3A_31 = tpu.matmul %add3A_19, %get3A_29, %dot_general3A_30 {dimension_numbers = #tpu.dot_dimension_numbers<[1], [0], [0], [1], [0, 0, 1, 1], [], []>, transpose_lhs_hint = false} : vector<4096x16xf32>, vector<16x128xf32>, vector<4096x128xf32> -> vector<4096x128xf32>
    %add3A_32 = arith.addf %dot_general3A_26, %dot_general3A_31 : vector<4096x128xf32>
    %get3A_33 = arith.constant 0 : index
    %get3A_34 = arith.constant 0 : index
    %get3A_35 = vector.load %arg5[%get3A_33, %get3A_34] : memref<16x128xf32, #tpu.memory_space<vmem>>, vector<16x128xf32>
    %dot_general3A_36 = arith.constant dense<0.000000e+00> : vector<4096x128xf32>
    %dot_general3A_37 = tpu.matmul %get3A_22, %get3A_35, %dot_general3A_36 {dimension_numbers = #tpu.dot_dimension_numbers<[1], [0], [0], [1], [0, 0, 1, 1], [], []>, transpose_lhs_hint = false} : vector<4096x16xf32>, vector<16x128xf32>, vector<4096x128xf32> -> vector<4096x128xf32>
    %add3A_38 = arith.addf %add3A_32, %dot_general3A_37 : vector<4096x128xf32>
    %get3A_39 = arith.constant 0 : index
    %get3A_40 = arith.constant 0 : index
    %get3A_41 = vector.load %arg6[%get3A_39, %get3A_40] : memref<1x128xf32, #tpu.memory_space<vmem>>, vector<1x128xf32>
    %add3A_42 = vector.broadcast %get3A_41 : vector<1x128xf32> to vector<4096x128xf32>
    %add3A_43 = arith.addf %add3A_38, %add3A_42 : vector<4096x128xf32>
    %max3A = arith.constant 0.000000e+00 : f32
    %max3A_44 = vector.broadcast %max3A : f32 to vector<4096x128xf32>
    %max3A_45 = arith.maximumf %add3A_43, %max3A_44 : vector<4096x128xf32>
    %get3A_46 = arith.constant 0 : index
    %get3A_47 = arith.constant 0 : index
    %get3A_48 = vector.load %arg7[%get3A_46, %get3A_47] : memref<128x128xf32, #tpu.memory_space<vmem>>, vector<128x128xf32>
    %dot_general3A_49 = arith.constant dense<0.000000e+00> : vector<4096x128xf32>
    %dot_general3A_50 = tpu.matmul %max3A_45, %get3A_48, %dot_general3A_49 {dimension_numbers = #tpu.dot_dimension_numbers<[1], [0], [0], [1], [0, 0, 1, 1], [], []>, transpose_lhs_hint = false} : vector<4096x128xf32>, vector<128x128xf32>, vector<4096x128xf32> -> vector<4096x128xf32>
    %get3A_51 = arith.constant 0 : index
    %get3A_52 = arith.constant 0 : index
    %get3A_53 = vector.load %arg8[%get3A_51, %get3A_52] : memref<1x128xf32, #tpu.memory_space<vmem>>, vector<1x128xf32>
    %add3A_54 = vector.broadcast %get3A_53 : vector<1x128xf32> to vector<4096x128xf32>
    %add3A_55 = arith.addf %dot_general3A_50, %add3A_54 : vector<4096x128xf32>
    %max3A_56 = arith.constant 0.000000e+00 : f32
    %max3A_57 = vector.broadcast %max3A_56 : f32 to vector<4096x128xf32>
    %max3A_58 = arith.maximumf %add3A_55, %max3A_57 : vector<4096x128xf32>
    %get3A_59 = arith.constant 0 : index
    %get3A_60 = arith.constant 0 : index
    %get3A_61 = vector.load %arg9[%get3A_59, %get3A_60] : memref<128x10xf32, #tpu.memory_space<vmem>>, vector<128x10xf32>
    %dot_general3A_62 = arith.constant dense<0.000000e+00> : vector<4096x10xf32>
    %dot_general3A_63 = tpu.matmul %max3A_58, %get3A_61, %dot_general3A_62 {dimension_numbers = #tpu.dot_dimension_numbers<[1], [0], [0], [1], [0, 0, 1, 1], [], []>, transpose_lhs_hint = false} : vector<4096x128xf32>, vector<128x10xf32>, vector<4096x10xf32> -> vector<4096x10xf32>
    %get3A_64 = arith.constant 0 : index
    %get3A_65 = arith.constant 0 : index
    %get3A_66 = vector.load %arg10[%get3A_64, %get3A_65] : memref<1x10xf32, #tpu.memory_space<vmem>>, vector<1x10xf32>
    %add3A_67 = vector.broadcast %get3A_66 : vector<1x10xf32> to vector<4096x10xf32>
    %add3A_68 = arith.addf %dot_general3A_63, %add3A_67 : vector<4096x10xf32>
    %swap3A = arith.constant 0 : index
    %swap3A_69 = arith.constant 0 : index
    %swap3A_70 = vector.load %arg11[%swap3A, %swap3A_69] : memref<4096x10xf32, #tpu.memory_space<vmem>>, vector<4096x10xf32>
    tpu.vector_store %arg11[%swap3A, %swap3A_69], %add3A_68 {strides = array<i32>} : memref<4096x10xf32, #tpu.memory_space<vmem>>, vector<4096x10xf32>,
    return
  }
}

</mosaic_0001>

<sc_bundles>
// kernel: kernel.11.cloned.1.call-start
scs
__scs_entry_jumppad:
0x0: {  	(pc) =	sbr.rel $0x88, $3  }
0x1: {  	(tag) =	ssettag $0x0;
	lr =	simm.s32 $0x1  }
0x2: {  	[smem:$0x3F8F] =	sst lr;
	_ =	strace $0xD0000000  }
0x3: {  	_ = 	snop  }
0x4: {  	_ = 	snop  }
0x5: {  	_ = 	snop  }
0x6: {  	_ = 	snop  }
0x7: {  	_ = 	snop  }
__scs_overlays_trampoline_lowered:
0x8: {  	[smem:$0x3F9E] =	sst s0  }
0x9: {  	[smem:$0x3F9F] =	sst s1  }
0xa: {  	[smem:$0x3FA0] =	sst s2  }
0xb: {  	[smem:$0x3FA1] =	sst s3  }
0xc: {  	[smem:$0x3FA2] =	sst s4  }
0xd: {  	[smem:$0x3FA3] =	sst s5  }
0xe: {  	[smem:$0x3FA4] =	sst s6  }
0xf: {  	[smem:$0x3FA5] =	sst s7  }
0x10: {  	[smem:$0x3FA6] =	sst s8  }
0x11: {  	[smem:$0x3FA7] =	sst s9;
	s0 =	simm.s32 @!p0 $0x0  }
0x12: {  	s1 =	sld [smem:$0x3F8D];
	s0 =	simm.s32 @p0 $0x1  }
0x13: {  	[smem:$0x3FA8] =	sst s0;
	s0 =	simm.s32 @!p1 $0x0  }
0x14: {  	s2 =	sld [smem:$0x3F8C];
	s0 =	simm.s32 @p1 $0x1  }
0x15: {  	[smem:$0x3FA9] =	sst s0;
	s0 =	simm.s32 @!p2 $0x0  }
0x16: {  	s3 =	sld [smem:$0x3FDB];
	s0 =	simm.s32 @p2 $0x1  }
0x17: {  	s4 =	simm.s32 $0x1BF5;
	[smem:$0x3FAB] =	sst s0  }
0x18: {  	s0 =	sld [smem:$0x3F8E];
	_ =	swait.ge [sflag:s4], $0x0  }
0x19: {  	s7 =	sld [smem:$0x3F8F]  }
0x1a: {  	s8 =	sadd.s32 $0xFFFFE003, lr  }
0x1b: {  	s9 =	sadd.s32 $0xFFFFFEF7, lr;
	s5 =	simm.s32 $0xFFFFFFFF;
	p2 =	slt.u32 s8, $0xFFFFF086  }
0x1c: {  	p1 =	slt.u32 s9, $0xF7A;
	s5 =	simm.s32 @!p2 $0x0  }
0x1d: {  	s5 =	simm.s32 @p1 $0x1;
	p0 =	seq.s32 s7, s2  }
0x1e: {  	s7 =	smul.u32 @!p0 $0xF7A, s2;
	p2 =	seq.s32 @!p0 s5, $0x0  }
0x1f: {  	s9 =	smul.u32 $0xF7A, s1;
	s8 =	simm.s32 @!p0 $0x1BF5;
	p2 =	por !p2, p0  }
0x20: {  	[sflag:s8] =	ssyncset.s32 @!p0 $0xFFFFF086;
	s6 =	sadd.s32 @!p0 s3, s7;
	s7 =	simm.s32 @!p0 $0x108  }
0x21: {  	s3 =	sadd.s32 s3, s9;
	s6 =	sadd.s32 @!p0 $0x88, s6;
	s7 =	simm.s32 @p2 $0x1082  }
0x22: {  	[simem:s7], [sflag:s8] =	dma.local @!p0 [hbm:s6], $0xF7A  }
0x23: {  	s9 =	sor.u32 $0xD0000000, s2;
	s6 =	simm.s32 $0x108;
	_ =	swait.ge @!p0 [sflag:s8], $0x0  }
0x24: {  	s3 =	sadd.s32 $0x88, s3;
	s6 =	simm.s32 @!p1 $0x1082;
	[sflag:s4] =	ssyncset.s32 $0xFFFFF086  }
0x25: {  	[simem:s6], [sflag:s4] =	dma.local [hbm:s3], $0xF7A  }
0x26: {  	[smem:$0x3F8F] =	sst s1;
	(tag) =	ssettag s2;
	_ =	strace s9  }
0x27: {  	s1 =	sld [smem:$0x3F9F]  }
0x28: {  	s2 =	sld [smem:$0x3FA0]  }
0x29: {  	s4 =	sld [smem:$0x3FA2]  }
0x2a: {  	p0 =	seq.s32 s5, $0x0;
	s5 =	sld [smem:$0x3FA3]  }
0x2b: {  	s6 =	sld [smem:$0x3FA4]  }
0x2c: {  	s7 =	sld [smem:$0x3FA5]  }
0x2d: {  	s3 =	simm.s32 $0x108;
	s8 =	sld [smem:$0x3FA6]  }
0x2e: {  	s3 =	simm.s32 @!p0 $0x1082;
	s9 =	sld [smem:$0x3FA7]  }
0x2f: {  	lr =	sadd.s32 s0, s3;
	s0 =	sld [smem:$0x3F9E]  }
0x30: {  	s3 =	sld [smem:$0x3FA1]  }
0x31: {  	[smem:$0x3FAA] =	sst s10  }
0x32: {  	s10 =	sld [smem:$0x3FA8];
	_ =	sdelay $0x3  }
0x33: {  	p0 =	seq.s32 s10, $0x1;
	s10 =	sld [smem:$0x3FAA];
	_ =	sdelay $0x3  }
0x34: {  	[smem:$0x3FAA] =	sst s10  }
0x35: {  	s10 =	sld [smem:$0x3FA9];
	_ =	sdelay $0x3  }
0x36: {  	p1 =	seq.s32 s10, $0x1;
	s10 =	sld [smem:$0x3FAA];
	_ =	sdelay $0x3  }
0x37: {  	[smem:$0x3FAA] =	sst s10  }
0x38: {  	s10 =	sld [smem:$0x3FAB]  }
0x39: {  	_ = 	snop;
	(pc) =	sbr.ind lr, $3  }
0x3a: {  	_ = 	snop  }
0x3b: {  	_ = 	snop  }
0x3c: {  	p2 =	seq.s32 s10, $0x1;
	s10 =	sld [smem:$0x3FAA]  }
0x3d: {  	_ =	shalt  }
0x3e: {  	_ =	shalt  }
0x3f: {  	_ =	shalt  }
0x40: {  	_ =	shalt  }
0x41: {  	_ =	shalt  }
0x42: {  	_ =	shalt  }
0x43: {  	_ =	shalt  }
0x44: {  	_ =	shalt  }
0x45: {  	_ =	shalt  }
0x46: {  	_ =	shalt  }
0x47: {  	_ =	shalt  }
0x48: {  	_ =	shalt  }
0x49: {  	_ =	shalt  }
0x4a: {  	_ =	shalt  }
0x4b: {  	_ =	shalt  }
0x4c: {  	_ =	shalt  }
0x4d: {  	_ =	shalt  }
0x4e: {  	_ =	shalt  }
0x4f: {  	_ =	shalt  }
0x50: {  	_ =	shalt  }
0x51: {  	_ =	shalt  }
0x52: {  	_ =	shalt  }
0x53: {  	_ =	shalt  }
0x54: {  	_ =	shalt  }
0x55: {  	_ =	shalt  }
0x56: {  	_ =	shalt  }
0x57: {  	_ =	shalt  }
0x58: {  	_ =	shalt  }
0x59: {  	_ =	shalt  }
0x5a: {  	_ =	shalt  }
0x5b: {  	_ =	shalt  }
0x5c: {  	_ =	shalt  }
0x5d: {  	_ =	shalt  }
0x5e: {  	_ =	shalt  }
0x5f: {  	_ =	shalt  }
0x60: {  	_ =	shalt  }
0x61: {  	_ =	shalt  }
0x62: {  	_ =	shalt  }
0x63: {  	_ =	shalt  }
0x64: {  	_ =	shalt  }
0x65: {  	_ =	shalt  }
0x66: {  	_ =	shalt  }
0x67: {  	_ =	shalt  }
0x68: {  	_ =	shalt  }
0x69: {  	_ =	shalt  }
0x6a: {  	_ =	shalt  }
0x6b: {  	_ =	shalt  }
0x6c: {  	_ =	shalt  }
0x6d: {  	_ =	shalt  }
0x6e: {  	_ =	shalt  }
0x6f: {  	_ =	shalt  }
0x70: {  	_ =	shalt  }
0x71: {  	_ =	shalt  }
0x72: {  	_ =	shalt  }
0x73: {  	_ =	shalt  }
0x74: {  	_ =	shalt  }
0x75: {  	_ =	shalt  }
0x76: {  	_ =	shalt  }
0x77: {  	_ =	shalt  }
0x78: {  	_ =	shalt  }
0x79: {  	_ =	shalt  }
0x7a: {  	_ =	shalt  }
0x7b: {  	_ =	shalt  }
0x7c: {  	_ =	shalt  }
0x7d: {  	_ =	shalt  }
0x7e: {  	_ =	shalt  }
0x7f: {  	_ =	shalt  }
0x80: {  	_ =	shalt  }
0x81: {  	_ =	shalt  }
0x82: {  	_ =	shalt  }
0x83: {  	_ =	shalt  }
0x84: {  	_ =	shalt  }
0x85: {  	_ =	shalt  }
0x86: {  	_ =	shalt  }
0x87: {  	_ =	shalt  }
.Lfunc_end0:
.L_simem_size_0:
called_computation_lowered:
.L_overlay_start_0:
0x88: {  	s2 =	sld [smem:$0x3FD9]  }
0x89: {  	s3 =	sld [smem:$0x3FFE];
	_ =	sdelay $0x1  }
0x8a: {  	s1 =	srdreg.scid  }
0x8b: {  	s0 =	sand.u32 $0x1, s1  }
0x8c: {  	s17 =	sshll.u32 s0, $0xA;
	s2 =	sadd.s32 s3, s2  }
0x8d: {  	s2 =	sadd.s32 s2, s17  }
0x8e: {  	[smem:$0x3FB6] =	sst s2  }
0x8f: {  	_ = 	snop  }
0x90: {  	s18 =	sld [smem:$0x3FB9];
	(tm) =	ssettm $0x1  }
0x91: {  	s19 =	sld [smem:$0x3FFB];
	_ =	sdelay $0x3  }
0x92: {  	_ =	strace s19  }
0x93: {  	s2 =	sld [smem:$0x3FFC];
	_ =	sdelay $0x3  }
0x94: {  	_ =	strace s2  }
0x95: {  	s2 =	sld [smem:$0x3FFD];
	_ =	sdelay $0x3  }
0x96: {  	_ =	strace s2  }
0x97: {  	_ =	strace $0x8FFFFFFF  }
0x98: {  	s20 =	sld [smem:$0x3FDB];
	_ =	sdelay $0x1  }
0x99: {  	s4 =	simm.s32 $_scs_section_size  }
0x9a: {  	s5 =	simm.s32 $_size__tile_overlayer_lowered;
	s6 =	simm.s32 $_tile_overlayer_lowered  }
0x9b: {  	s7 =	simm.s32 $0x1BFF;
	s21 =	sshll.u32 s6, $0x1;
	s4 =	sadd.s32 s4, s20  }
0x9c: {  	s22 =	simm.s32 $0x0;
	s5 =	sshll.u32 s5, $0x1;
	s6 =	sadd.s32 s21, s4  }
0x9d: {  	[timem:s22], [sflag:s7] =	dma.local [hbm:s6], s5  }
0x9e: {  	_ =	swait.ge [sflag:s7], s5  }
0x9f: {  	s5 =	ssub.s32 $0x0, s5;
	[sflag:s7] =	ssyncset.done $0x0  }
0xa0: {  	[sflag:s7] =	ssyncadd.s32 s5;
	_ =	sdelay $0x1  }
0xa1: {  	s23 =	simm.s32 $0x1B8B  }
0xa2: {  	_ =	swait.ge [sflag:s23], $0x1  }
0xa3: {  	[sflag:s23] =	ssyncset.done $0x0  }
0xa4: {  	[sflag:s23] =	ssyncadd.s32 $0xFFFFFFFF  }
0xa5: {  	s5 =	sld [smem:$0x0]  }
0xa6: {  	s6 =	sand.u32 $0xFFFFFFFE, s1  }
0xa7: {  	p0 =	sne.s32 s1, s6  }
0xa8: {  	s6 =	sshll.u32 @p0 s6, $0xE  }
0xa9: {  	s6 =	sadd.s32 @p0 $0x11B8D, s6;
	s7 =	sshll.u32 @p0 s5, $0x11  }
0xaa: {  	s6 =	sor.u32 @p0 s7, s6  }
0xab: {  	[sflag:s6] =	ssyncadd.remote.s32 @p0 $0x1;
	_ =	sdelay $0x1  }
0xac: {  	s6 =	simm.s32 @p0 $0x1B8D  }
0xad: {  	_ =	swait.eq @p0 [sflag:s6], $0x1  }
0xae: {  	[sflag:s6] =	ssyncadd.s32 @p0 $0xFFFFFFFF  }
0xaf: {  	s7 =	sshll.u32 @!p0 s1, $0xE  }
0xb0: {  	s7 =	sor.u32 @!p0 $0x4000, s7;
	s6 =	simm.s32 @!p0 $0x1B8D  }
0xb1: {  	s5 =	sshll.u32 @!p0 s5, $0x11;
	s7 =	sadd.s32 @!p0 $0x11B8D, s7;
	_ =	swait.eq @!p0 [sflag:s6], $0x1  }
0xb2: {  	s5 =	sor.u32 @!p0 s5, s7;
	[sflag:s6] =	ssyncadd.s32 @!p0 $0xFFFFFFFF  }
0xb3: {  	s25 =	simm.s32 $0x1B8E;
	s24 =	sld [smem:$0x3FFE];
	[sflag:s5] =	ssyncadd.remote.s32 @!p0 $0x1  }
0xb4: {  	s26 =	simm.s32 $execute0_lowered;
	[smem:$0x3FD2] =	sst s25  }
0xb5: {  	s6 =	sshll.u32 s26, $0x1;
	_ =	strace $0x80000049;
	[dreg:$0x1] =	wrdreg $0xFFFFFFFF  }
0xb6: {  	s28 =	simm.s32 $_size_execute0_lowered;
	s4 =	sadd.s32 s4, s6;
	[dreg:$0x0] =	wrdreg $0x0  }
0xb7: {  	s6 =	sshll.u32 s28, $0x1;
	[dreg:$0x2] =	wrdreg s4  }
0xb8: {  	[dreg:$0x3] =	wrdreg s6  }
0xb9: {  	[dreg:$0x4] =	wrdreg $0xC0  }
0xba: {  	_ =	task [dreg:s22], $0x5FFFF  }
0xbb: {  	[dreg:$0x1] =	wrdreg $0xFFFFFFFF  }
0xbc: {  	[dreg:$0x0] =	wrdreg $0x60  }
0xbd: {  	[dreg:$0x2] =	wrdreg s24  }
0xbe: {  	[dreg:$0x3] =	wrdreg s18  }
0xbf: {  	[dreg:$0x4] =	wrdreg $0x164000  }
0xc0: {  	[dreg:$0x5] =	wrdreg $0x9  }
0xc1: {  	_ =	task.clear_ibuf [dreg:s22], $0x6FFFF;
	_ =	strace $0x90000049  }
0xc2: {  	s29 =	simm.s32 $0x9;
	_ =	strace $0x8000004B  }
0xc3: {  	_ =	swait.ge [sflag:s29], $0x1  }
0xc4: {  	[sflag:s29] =	ssyncadd.s32 $0xFFFFFFFF  }
0xc5: {  	_ =	strace $0x9000004B  }
0xc6: {  	_ =	sfence  }
0xc7: {  	s30 =	sld [smem:$0x0];
	_ =	sdelay $0x2  }
0xc8: {  	s31 =	sshll.u32 s1, $0xD;
	s1 =	sshrl.u32 s1, $0x2  }
0xc9: {  	s4 =	sand.u32 $0x4000, s31;
	s1 =	sadd.s32 s1, s30  }
0xca: {  	s0 =	sor.u32 s4, s0;
	s1 =	sshll.u32 s1, $0x11  }
0xcb: {  	s0 =	sor.u32 s1, s0  }
0xcc: {  	s0 =	sadd.s32 $0x8F2B, s0  }
0xcd: {  	[sflag:s0] =	ssyncadd.remote.s32 $0x1  }
0xce: {  	_ =	sfence.sel $0xFFFF  }
0xcf: {  	[dreg:$0x0] =	wrdreg $0xFFFFFFFF;
	(pc) =	sbr.abs _section_cstart, $3  }
0xd0: {  	[dreg:$0x1] =	wrdreg $0xFFFFFFFF  }
0xd1: {  	_ =	task.clear_ibuf [dreg:s22], $0x2FFFF;
	_ =	strace $0x9FFFFFFF  }
0xd2: {  	(tm) =	ssettm $0x7FFFFFFF  }
0xd3: {  	_ =	shalt  }
tec
execute0_lowered:
.L_overlay_start_1:
0x0: {  	(tag) =	ssettag $0x1  }
0x1: {  	s0 =	srdreg.scid;
	s4 =	rddreg [dreg:$0x0]  }
0x2: {  	s1 =	simm.s32 $0x140;
	s12 =	stileid.u32;
	s5 =	rddreg [dreg:$0x1]  }
0x3: {  	s8 =	simm.s32 $0x0;
	s28 =	simm.s32 $0x14900;
	s29 =	simm.s32 $0x9000  }
0x4: {  	s30 =	simm.s32 $0x14980;
	s31 =	simm.s32 $0x9800;
	s0 =	sand.u32 $0x1, s0  }
0x5: {  	[smem:$0x7FF] =	sst s8;
	s9 =	sadd.s32 $0x1, s12;
	s13 =	sshll.u32 s12, $0xC  }
0x6: {  	s22 =	sshll.u32 s12, $0x9;
	p0 =	seq.s32 s0, $0x0;
	s6 =	ssub.s32 $0x0, s0  }
0x7: {  	s26 =	sshll.u32 s0, $0xD;
	s0 =	ssub.s32 $0x2, s0;
	s1 =	simm.s32 @!p0 $0x131  }
0x8: {  	p0 =	seq.s32 s12, $0x0;
	s6 =	sand.u32 $0x140, s6;
	s3 =	sshrl.u32 s1, $0x4  }
0x9: {  	s11 =	sadd.s32 s26, s4;
	s1 =	sand.u32 $0x1, s1;
	s2 =	smul.u32 s12, s3  }
0xa: {  	s21 =	sadd.s32 $0x625E00, s11;
	s3 =	smul.u32 s9, s3;
	s9 =	sshrl.u32 s0, $0x1  }
0xb: {  	s26 =	sadd.s32 s22, s21;
	s21 =	simm.s32 $0x7800;
	s22 =	simm.s32 $0x14800  }
0xc: {  	s0 =	ssub.s32 s0, s9;
	s7 =	sadd.s32 s1, s2;
	s2 =	rddreg [dreg:$0x2]  }
0xd: {  	_ =	strace $0x8000004A;
	s1 =	sor.u32 s6, s1;
	s7 =	simm.s32 @p0 $0x0  }
0xe: {  	s0 =	smax.u32 s0, $0x1;
	[dreg:$0xb] =	wrdreg s26;
	s7 =	sadd.s32 s6, s7  }
0xf: {  	s26 =	simm.s32 $0x8800;
	s13 =	sadd.s32 s13, s2;
	s25 =	smul.u32 $0x1400, s7  }
0x10: {  	[dreg:$0x7] =	wrdreg s0;
	s6 =	simm.s32 $0x1;
	s19 =	smul.u32 $0x140, s7  }
0x11: {  	[dreg:$0x4] =	wrdreg s13;
	s10 =	sadd.s32 s25, s4;
	s4 =	sadd.s32 s3, s1  }
0x12: {  	s5 =	sadd.s32 s5, s19;
	s25 =	sadd.s32 $0x2, s7;
	s19 =	simm.s32 $0x7000  }
0x13: {  	s1 =	ssub.s32 s4, s7;
	s15 =	sadd.s32 $0x318A00, s10;
	[dreg:$0x6] =	wrdreg s5  }
0x14: {  	s23 =	sadd.s32 $0x280, s5;
	s24 =	sadd.s32 $0x31B200, s10;
	[dreg:$0xa] =	wrdreg s25  }
0x15: {  	s5 =	simm.s32 $0x14600;
	s25 =	simm.s32 $0x14880;
	[dreg:$0x5] =	wrdreg s15  }
0x16: {  	s14 =	sadd.s32 $0x1, s1;
	p0 =	slt.u32 s1, $0x7FFFFFFF;
	[dreg:$0x8] =	wrdreg s23  }
0x17: {  	s1 =	simm.s32 $0x1;
	[dreg:$0x9] =	wrdreg s24;
	s24 =	simm.s32 $0x5800  }
0x18: {  	s15 =	simm.s32 $0x6000;
	s23 =	simm.s32 $0x8000;
	s1 =	simm.s32 @!p0 $0x0  }
0x19: {  	s16 =	sshra.s32 s14, $0x1F;
	s17 =	sand.u32 $0x8000, s14;
	s18 =	sand.u32 $0x1, s14  }
0x1a: {  	s1 =	sadd.s32 s1, s16;
	s8 =	sshrl.u32 s17, $0xF;
	p1 =	seq.s32 s18, $0x1  }
0x1b: {  	s16 =	simm.s32 $0x80;
	s17 =	simm.s32 $0x6800;
	s18 =	simm.s32 $0x14700  }
0x1c: {  	p6 =	sne.s32 s1, $0x1;
	s3 =	sadd.s32 s8, s14;
	s8 =	simm.s32 $0x1  }
.Ltmp0:
0x1d: {  	s1 =	simm.s32 $0x3;
	p0 =	por !p6, !p1;
	(pc) =	sbr.rel .LBB2_1-.Ltmp0, $4  }
0x1e: {  	s14 =	simm.s32 $0x2;
	s3 =	sshll.u32 s3, $0x10;
	p0 =	por !p0, !p0  }
0x1f: {  	s20 =	sshra.s32 s3, $0x11;
	s3 =	simm.s32 $0x14680;
	s6 =	simm.s32 @!p0 $0x0  }
0x20: {  	p0 =	sle.u32 s4, s7;
	s7 =	simm.s32 $0x4;
	s9 =	ssub.s32 s20, s6  }
0x21: {  	v0 =	vimm.f32 $0.0e+00;
	s20 =	simm.s32 $0x14780;
	s6 =	simm.s32 $0x0;
	p1 =	slt.s32 s9, $0x1  }
.LBB2_7:
0x22: {  	s0 =	stileid.u32;
	[bflag:$0x0] =	sbarrier.arrive $0xFFFF  }
0x23: {  	s0 =	sshll.u32 s0, $0x6;
	s13 =	rddreg [dreg:$0x4]  }
0x24: {  	s7 =	rddreg [dreg:$0xb];
	s0 =	sor.u32 $0x1C04, s0;
	s6 =	sshrl.u32 s13, $0x3  }
0x25: {  	[hbm:s7], [sflag:s0] =	dma.local [spmem:s6], $0x200  }
0x26: {  	s7 =	simm.s32 $0x4  }
0x27: {  	_ =	swait.ge [sflag:s7], $0x200  }
0x28: {  	s11 =	rddreg [dreg:$0xc]  }
0x29: {  	s12 =	rddreg [dreg:$0x7];
	s6 =	sadd.s32 $0x1, s11  }
0x2a: {  	p2 =	sne.s32 s6, s12  }
.Ltmp1:
0x2b: {  	_ = 	snop;
	(pc) =	sbr.rel @!p2 .LBB2_8-.Ltmp1, $3  }
0x2c: {  	_ =	sdelay $0x1  }
0x2d: {  	[sflag:s7] =	ssyncset.done $0x0  }
0x2e: {  	[sflag:s7] =	ssyncadd.s32 $0xFFFFFE00  }
.LBB2_1:
0x2f: {  	[dreg:$0xc] =	wrdreg s6;
	s0 =	simm.s32 $0x40;
	s6 =	simm.s32 $0x0  }
.LBB2_2:
0x30: {  	p2 =	sne.s32 s0, $0x3FC0;
	[tilespmem:s6+$0x15400] =	vst v0;
	s6 =	smov.u32 s0;
	s0 =	sadd.s32 $0x40, s0  }
.Ltmp2:
0x31: {  	(pc) =	sbr.rel @p2 .LBB2_2-.Ltmp2, $2  }
0x32: {  	_ =	sdelay $0x2  }
0x33: {  	s6 =	sshra.s32 s6, $0x2  }
0x34: {  	[tilespmem:s6+$0x15400] =	vst v0;
	s0 =	simm.s32 $0x15400  }
0x35: {  	[spmem:s13] =	stream.linear.scatter [tilespmem:s0], [sflag:$0x4], $0x1000, $0x38;
	[tilespmem:$0x17400] =	vst v63  }
0x36: {  	_ =	swait.ge [sflag:s7], $0x1000  }
0x37: {  	[sflag:s7] =	ssyncset.done $0x0  }
0x38: {  	[sflag:s7] =	ssyncadd.s32 $0xFFFFF000  }
0x39: {  	[bflag:$0x0] =	sbarrier.arrive $0xFFFF  }
0x3a: {  	s0 =	simm.s32 @!p0 $0x0;
	s6 =	rddreg [dreg:$0x5]  }
0x3b: {  	[tilespmem:s0], [sflag:$0x1] =	stream.linear.gather @!p0 [hbm4b:s6+s0], $0xA000, $0x38;
	[tilespmem:$0x17400] =	vst v63  }
.Ltmp3:
0x3c: {  	s7 =	rddreg [dreg:$0x6];
	(pc) =	sbr.rel @!p1 .LBB2_4-.Ltmp3, $4  }
.Ltmp4:
0x3d: {  	s10 =	rddreg [dreg:$0x9];
	s6 =	simm.s32 @!p0 $0x14000;
	(pc) =	sbr.rel @p1 .LBB2_7-.Ltmp4, $4  }
0x3e: {  	[tilespmem:s6], [sflag:$0x1] =	stream.linear.gather @!p0 [hbm4b:s7+s0], $0xA00, $0x38;
	[tilespmem:$0x17400] =	vst v63  }
0x3f: {  	s6 =	rddreg [dreg:$0xa]  }
0x40: {  	s0 =	simm.s32 $0x0;
	s7 =	rddreg [dreg:$0x8]  }
0x41: {  	_ = 	snop  }
.LBB2_6:
0x42: {  	s0 =	sadd.s32 $0x1, s0  }
0x43: {  	p2 =	slt.s32 s0, s9  }
.Ltmp5:
0x44: {  	_ = 	snop;
	(pc) =	sbr.rel @!p2 .LBB2_7-.Ltmp5, $2  }
0x45: {  	_ =	sdelay $0x2  }
0x46: {  	s7 =	sadd.s32 $0x280, s7;
	s10 =	sadd.s32 $0x2800, s10;
	s6 =	sadd.s32 $0x2, s6  }
.LBB2_4:
0x47: {  	_ =	swait.ge [sflag:s8], $0xA000  }
0x48: {  	[sflag:s8] =	ssyncset.done $0x0  }
0x49: {  	s11 =	sadd.s32 $0xFFFFFFFF, s6;
	[sflag:s8] =	ssyncadd.s32 $0xFFFF6000  }
0x4a: {  	p2 =	sge.s32 s11, s4;
	_ =	swait.ge [sflag:s8], $0xA00  }
0x4b: {  	s11 =	sadd.s32 @!p2 $0xFFFFEC00, s10;
	[sflag:s8] =	ssyncset.done $0x0  }
0x4c: {  	s12 =	simm.s32 @!p2 $0x0;
	s13 =	simm.s32 @!p2 $0xA000;
	[sflag:s8] =	ssyncadd.s32 $0xFFFFF600  }
0x4d: {  	[tilespmem:s13], [sflag:$0x2] =	stream.linear.gather @!p2 [hbm4b:s11+s12], $0xA000, $0x38;
	[tilespmem:$0x17400] =	vst v63  }
0x4e: {  	s11 =	sadd.s32 @!p2 $0xFFFFFEC0, s7;
	s13 =	simm.s32 @!p2 $0x14A00  }
0x4f: {  	[tilespmem:s13], [sflag:$0x2] =	stream.linear.gather @!p2 [hbm4b:s11+s12], $0xA00, $0x38;
	[tilespmem:$0x17400] =	vst v63  }
0x50: {  	s12 =	simm.s32 $0x0;
	s13 =	simm.s32 $0x14000  }
0x51: {  	[spmem:s2] =	stream.indirect.scatter.add.f32 [tilespmem:s12], [sflag:$0x3], $0x10, s13, s16, $0xb8;
	[tilespmem:$0x17400] =	vst v63  }
0x52: {  	s12 =	simm.s32 $0x14080;
	s13 =	simm.s32 $0x800  }
0x53: {  	[spmem:s2] =	stream.indirect.scatter.add.f32 [tilespmem:s13], [sflag:$0x3], $0x10, s12, s16, $0xb8;
	[tilespmem:$0x17400] =	vst v63  }
0x54: {  	s12 =	simm.s32 $0x14100;
	s13 =	simm.s32 $0x1000  }
0x55: {  	[spmem:s2] =	stream.indirect.scatter.add.f32 [tilespmem:s13], [sflag:$0x3], $0x10, s12, s16, $0xb8;
	[tilespmem:$0x17400] =	vst v63  }
0x56: {  	s12 =	simm.s32 $0x14180;
	s13 =	simm.s32 $0x1800  }
0x57: {  	[spmem:s2] =	stream.indirect.scatter.add.f32 [tilespmem:s13], [sflag:$0x3], $0x10, s12, s16, $0xb8;
	[tilespmem:$0x17400] =	vst v63  }
0x58: {  	s12 =	simm.s32 $0x14200;
	s13 =	simm.s32 $0x2000  }
0x59: {  	[spmem:s2] =	stream.indirect.scatter.add.f32 [tilespmem:s13], [sflag:$0x3], $0x10, s12, s16, $0xb8;
	[tilespmem:$0x17400] =	vst v63  }
0x5a: {  	s12 =	simm.s32 $0x14280;
	s13 =	simm.s32 $0x2800  }
0x5b: {  	[spmem:s2] =	stream.indirect.scatter.add.f32 [tilespmem:s13], [sflag:$0x3], $0x10, s12, s16, $0xb8;
	[tilespmem:$0x17400] =	vst v63  }
0x5c: {  	s12 =	simm.s32 $0x14300;
	s13 =	simm.s32 $0x3000  }
0x5d: {  	[spmem:s2] =	stream.indirect.scatter.add.f32 [tilespmem:s13], [sflag:$0x3], $0x10, s12, s16, $0xb8;
	[tilespmem:$0x17400] =	vst v63  }
0x5e: {  	s12 =	simm.s32 $0x14380;
	s13 =	simm.s32 $0x3800  }
0x5f: {  	[spmem:s2] =	stream.indirect.scatter.add.f32 [tilespmem:s13], [sflag:$0x3], $0x10, s12, s16, $0xb8;
	[tilespmem:$0x17400] =	vst v63  }
0x60: {  	s12 =	simm.s32 $0x14400;
	s13 =	simm.s32 $0x4000  }
0x61: {  	[spmem:s2] =	stream.indirect.scatter.add.f32 [tilespmem:s13], [sflag:$0x3], $0x10, s12, s16, $0xb8;
	[tilespmem:$0x17400] =	vst v63  }
0x62: {  	s12 =	simm.s32 $0x14480;
	s13 =	simm.s32 $0x4800  }
0x63: {  	[spmem:s2] =	stream.indirect.scatter.add.f32 [tilespmem:s13], [sflag:$0x3], $0x10, s12, s16, $0xb8;
	[tilespmem:$0x17400] =	vst v63  }
0x64: {  	s12 =	simm.s32 $0x14500;
	s13 =	simm.s32 $0x5000  }
0x65: {  	[spmem:s2] =	stream.indirect.scatter.add.f32 [tilespmem:s13], [sflag:$0x3], $0x10, s12, s16, $0xb8;
	[tilespmem:$0x17400] =	vst v63  }
0x66: {  	s13 =	simm.s32 $0x14580  }
0x67: {  	[spmem:s2] =	stream.indirect.scatter.add.f32 [tilespmem:s24], [sflag:$0x3], $0x10, s13, s16, $0xb8;
	[tilespmem:$0x17400] =	vst v63  }
0x68: {  	_ = 	snop  }
0x69: {  	[spmem:s2] =	stream.indirect.scatter.add.f32 [tilespmem:s15], [sflag:$0x3], $0x10, s5, s16, $0xb8;
	[tilespmem:$0x17400] =	vst v63  }
0x6a: {  	_ = 	snop  }
0x6b: {  	[spmem:s2] =	stream.indirect.scatter.add.f32 [tilespmem:s17], [sflag:$0x3], $0x10, s3, s16, $0xb8;
	[tilespmem:$0x17400] =	vst v63  }
0x6c: {  	_ = 	snop  }
0x6d: {  	[spmem:s2] =	stream.indirect.scatter.add.f32 [tilespmem:s19], [sflag:$0x3], $0x10, s18, s16, $0xb8;
	[tilespmem:$0x17400] =	vst v63  }
0x6e: {  	_ = 	snop  }
0x6f: {  	[spmem:s2] =	stream.indirect.scatter.add.f32 [tilespmem:s21], [sflag:$0x3], $0x10, s20, s16, $0xb8;
	[tilespmem:$0x17400] =	vst v63  }
0x70: {  	_ = 	snop  }
0x71: {  	[spmem:s2] =	stream.indirect.scatter.add.f32 [tilespmem:s23], [sflag:$0x3], $0x10, s22, s16, $0xb8;
	[tilespmem:$0x17400] =	vst v63  }
0x72: {  	_ = 	snop  }
0x73: {  	[spmem:s2] =	stream.indirect.scatter.add.f32 [tilespmem:s26], [sflag:$0x3], $0x10, s25, s16, $0xb8;
	[tilespmem:$0x17400] =	vst v63  }
0x74: {  	_ = 	snop  }
0x75: {  	[spmem:s2] =	stream.indirect.scatter.add.f32 [tilespmem:s29], [sflag:$0x3], $0x10, s28, s16, $0xb8;
	[tilespmem:$0x17400] =	vst v63  }
0x76: {  	_ = 	snop  }
0x77: {  	[spmem:s2] =	stream.indirect.scatter.add.f32 [tilespmem:s31], [sflag:$0x3], $0x10, s30, s16, $0xb8;
	[tilespmem:$0x17400] =	vst v63  }
0x78: {  	_ =	swait.ge [sflag:s1], $0x800  }
0x79: {  	[sflag:s1] =	ssyncset.done $0x0  }
0x7a: {  	[sflag:s1] =	ssyncadd.s32 $0xFFFFF800  }
0x7b: {  	_ =	swait.ge [sflag:s1], $0x800  }
0x7c: {  	[sflag:s1] =	ssyncset.done $0x0  }
0x7d: {  	[sflag:s1] =	ssyncadd.s32 $0xFFFFF800  }
0x7e: {  	_ =	swait.ge [sflag:s1], $0x800  }
0x7f: {  	[sflag:s1] =	ssyncset.done $0x0  }
0x80: {  	[sflag:s1] =	ssyncadd.s32 $0xFFFFF800  }
0x81: {  	_ =	swait.ge [sflag:s1], $0x800  }
0x82: {  	[sflag:s1] =	ssyncset.done $0x0  }
0x83: {  	[sflag:s1] =	ssyncadd.s32 $0xFFFFF800  }
0x84: {  	_ =	swait.ge [sflag:s1], $0x800  }
0x85: {  	[sflag:s1] =	ssyncset.done $0x0  }
0x86: {  	[sflag:s1] =	ssyncadd.s32 $0xFFFFF800  }
0x87: {  	_ =	swait.ge [sflag:s1], $0x800  }
0x88: {  	[sflag:s1] =	ssyncset.done $0x0  }
0x89: {  	[sflag:s1] =	ssyncadd.s32 $0xFFFFF800  }
0x8a: {  	_ =	swait.ge [sflag:s1], $0x800  }
0x8b: {  	[sflag:s1] =	ssyncset.done $0x0  }
0x8c: {  	[sflag:s1] =	ssyncadd.s32 $0xFFFFF800  }
0x8d: {  	_ =	swait.ge [sflag:s1], $0x800  }
0x8e: {  	[sflag:s1] =	ssyncset.done $0x0  }
0x8f: {  	[sflag:s1] =	ssyncadd.s32 $0xFFFFF800  }
0x90: {  	_ =	swait.ge [sflag:s1], $0x800  }
0x91: {  	[sflag:s1] =	ssyncset.done $0x0  }
0x92: {  	[sflag:s1] =	ssyncadd.s32 $0xFFFFF800  }
0x93: {  	_ =	swait.ge [sflag:s1], $0x800  }
0x94: {  	[sflag:s1] =	ssyncset.done $0x0  }
0x95: {  	[sflag:s1] =	ssyncadd.s32 $0xFFFFF800  }
0x96: {  	_ =	swait.ge [sflag:s1], $0x800  }
0x97: {  	[sflag:s1] =	ssyncset.done $0x0  }
0x98: {  	[sflag:s1] =	ssyncadd.s32 $0xFFFFF800  }
0x99: {  	_ =	swait.ge [sflag:s1], $0x800  }
0x9a: {  	[sflag:s1] =	ssyncset.done $0x0  }
0x9b: {  	[sflag:s1] =	ssyncadd.s32 $0xFFFFF800  }
0x9c: {  	_ =	swait.ge [sflag:s1], $0x800  }
0x9d: {  	[sflag:s1] =	ssyncset.done $0x0  }
0x9e: {  	[sflag:s1] =	ssyncadd.s32 $0xFFFFF800  }
0x9f: {  	_ =	swait.ge [sflag:s1], $0x800  }
0xa0: {  	[sflag:s1] =	ssyncset.done $0x0  }
0xa1: {  	[sflag:s1] =	ssyncadd.s32 $0xFFFFF800  }
0xa2: {  	_ =	swait.ge [sflag:s1], $0x800  }
0xa3: {  	[sflag:s1] =	ssyncset.done $0x0  }
0xa4: {  	[sflag:s1] =	ssyncadd.s32 $0xFFFFF800  }
0xa5: {  	_ =	swait.ge [sflag:s1], $0x800  }
0xa6: {  	[sflag:s1] =	ssyncset.done $0x0  }
0xa7: {  	[sflag:s1] =	ssyncadd.s32 $0xFFFFF800  }
0xa8: {  	_ =	swait.ge [sflag:s1], $0x800  }
0xa9: {  	[sflag:s1] =	ssyncset.done $0x0  }
0xaa: {  	[sflag:s1] =	ssyncadd.s32 $0xFFFFF800  }
0xab: {  	_ =	swait.ge [sflag:s1], $0x800  }
0xac: {  	[sflag:s1] =	ssyncset.done $0x0  }
0xad: {  	[sflag:s1] =	ssyncadd.s32 $0xFFFFF800  }
0xae: {  	_ =	swait.ge [sflag:s1], $0x800  }
.Ltmp6:
0xaf: {  	[sflag:s1] =	ssyncset.done $0x0;
	(pc) =	sbr.rel @p2 .LBB2_6-.Ltmp6, $4  }
0xb0: {  	[sflag:s1] =	ssyncadd.s32 $0xFFFFF800  }
0xb1: {  	_ =	swait.ge [sflag:s1], $0x800  }
0xb2: {  	[sflag:s1] =	ssyncset.done $0x0  }
0xb3: {  	[sflag:s1] =	ssyncadd.s32 $0xFFFFF800  }
0xb4: {  	_ =	swait.ge [sflag:s14], $0xA000  }
0xb5: {  	[sflag:s14] =	ssyncset.done $0x0  }
0xb6: {  	[sflag:s14] =	ssyncadd.s32 $0xFFFF6000  }
0xb7: {  	_ =	swait.ge [sflag:s14], $0xA00  }
0xb8: {  	p2 =	sge.s32 s6, s4;
	[sflag:s14] =	ssyncset.done $0x0  }
0xb9: {  	s11 =	simm.s32 @!p2 $0x0;
	[sflag:s14] =	ssyncadd.s32 $0xFFFFF600  }
0xba: {  	[tilespmem:s11], [sflag:$0x1] =	stream.linear.gather @!p2 [hbm4b:s10+s11], $0xA000, $0x38;
	[tilespmem:$0x17400] =	vst v63  }
0xbb: {  	s12 =	simm.s32 @!p2 $0x14000  }
0xbc: {  	[tilespmem:s12], [sflag:$0x1] =	stream.linear.gather @!p2 [hbm4b:s7+s11], $0xA00, $0x38;
	[tilespmem:$0x17400] =	vst v63  }
0xbd: {  	s13 =	simm.s32 $0xA000;
	s12 =	simm.s32 $0x14A00  }
0xbe: {  	[spmem:s2] =	stream.indirect.scatter.add.f32 [tilespmem:s13], [sflag:$0x3], $0x10, s12, s16, $0xb8;
	[tilespmem:$0x17400] =	vst v63  }
0xbf: {  	s12 =	simm.s32 $0x14A80;
	s13 =	simm.s32 $0xA800  }
0xc0: {  	[spmem:s2] =	stream.indirect.scatter.add.f32 [tilespmem:s13], [sflag:$0x3], $0x10, s12, s16, $0xb8;
	[tilespmem:$0x17400] =	vst v63  }
0xc1: {  	s12 =	simm.s32 $0x14B00;
	s13 =	simm.s32 $0xB000  }
0xc2: {  	[spmem:s2] =	stream.indirect.scatter.add.f32 [tilespmem:s13], [sflag:$0x3], $0x10, s12, s16, $0xb8;
	[tilespmem:$0x17400] =	vst v63  }
0xc3: {  	s12 =	simm.s32 $0x14B80;
	s13 =	simm.s32 $0xB800  }
0xc4: {  	[spmem:s2] =	stream.indirect.scatter.add.f32 [tilespmem:s13], [sflag:$0x3], $0x10, s12, s16, $0xb8;
	[tilespmem:$0x17400] =	vst v63  }
0xc5: {  	s12 =	simm.s32 $0x14C00;
	s13 =	simm.s32 $0xC000  }
0xc6: {  	[spmem:s2] =	stream.indirect.scatter.add.f32 [tilespmem:s13], [sflag:$0x3], $0x10, s12, s16, $0xb8;
	[tilespmem:$0x17400] =	vst v63  }
0xc7: {  	s12 =	simm.s32 $0x14C80;
	s13 =	simm.s32 $0xC800  }
0xc8: {  	[spmem:s2] =	stream.indirect.scatter.add.f32 [tilespmem:s13], [sflag:$0x3], $0x10, s12, s16, $0xb8;
	[tilespmem:$0x17400] =	vst v63  }
0xc9: {  	s12 =	simm.s32 $0x14D00;
	s13 =	simm.s32 $0xD000  }
0xca: {  	[spmem:s2] =	stream.indirect.scatter.add.f32 [tilespmem:s13], [sflag:$0x3], $0x10, s12, s16, $0xb8;
	[tilespmem:$0x17400] =	vst v63  }
0xcb: {  	s12 =	simm.s32 $0x14D80;
	s13 =	simm.s32 $0xD800  }
0xcc: {  	[spmem:s2] =	stream.indirect.scatter.add.f32 [tilespmem:s13], [sflag:$0x3], $0x10, s12, s16, $0xb8;
	[tilespmem:$0x17400] =	vst v63  }
0xcd: {  	s12 =	simm.s32 $0x14E00;
	s13 =	simm.s32 $0xE000  }
0xce: {  	[spmem:s2] =	stream.indirect.scatter.add.f32 [tilespmem:s13], [sflag:$0x3], $0x10, s12, s16, $0xb8;
	[tilespmem:$0x17400] =	vst v63  }
0xcf: {  	s12 =	simm.s32 $0x14E80;
	s13 =	simm.s32 $0xE800  }
0xd0: {  	[spmem:s2] =	stream.indirect.scatter.add.f32 [tilespmem:s13], [sflag:$0x3], $0x10, s12, s16, $0xb8;
	[tilespmem:$0x17400] =	vst v63  }
0xd1: {  	s12 =	simm.s32 $0x14F00;
	s13 =	simm.s32 $0xF000  }
0xd2: {  	[spmem:s2] =	stream.indirect.scatter.add.f32 [tilespmem:s13], [sflag:$0x3], $0x10, s12, s16, $0xb8;
	[tilespmem:$0x17400] =	vst v63  }
0xd3: {  	s12 =	simm.s32 $0x14F80;
	s13 =	simm.s32 $0xF800  }
0xd4: {  	[spmem:s2] =	stream.indirect.scatter.add.f32 [tilespmem:s13], [sflag:$0x3], $0x10, s12, s16, $0xb8;
	[tilespmem:$0x17400] =	vst v63  }
0xd5: {  	s12 =	simm.s32 $0x15000;
	s13 =	simm.s32 $0x10000  }
0xd6: {  	[spmem:s2] =	stream.indirect.scatter.add.f32 [tilespmem:s13], [sflag:$0x3], $0x10, s12, s16, $0xb8;
	[tilespmem:$0x17400] =	vst v63  }
0xd7: {  	s12 =	simm.s32 $0x15080;
	s13 =	simm.s32 $0x10800  }
0xd8: {  	[spmem:s2] =	stream.indirect.scatter.add.f32 [tilespmem:s13], [sflag:$0x3], $0x10, s12, s16, $0xb8;
	[tilespmem:$0x17400] =	vst v63  }
0xd9: {  	s12 =	simm.s32 $0x15100;
	s13 =	simm.s32 $0x11000  }
0xda: {  	[spmem:s2] =	stream.indirect.scatter.add.f32 [tilespmem:s13], [sflag:$0x3], $0x10, s12, s16, $0xb8;
	[tilespmem:$0x17400] =	vst v63  }
0xdb: {  	s12 =	simm.s32 $0x15180;
	s13 =	simm.s32 $0x11800  }
0xdc: {  	[spmem:s2] =	stream.indirect.scatter.add.f32 [tilespmem:s13], [sflag:$0x3], $0x10, s12, s16, $0xb8;
	[tilespmem:$0x17400] =	vst v63  }
0xdd: {  	s12 =	simm.s32 $0x15200;
	s13 =	simm.s32 $0x12000  }
0xde: {  	[spmem:s2] =	stream.indirect.scatter.add.f32 [tilespmem:s13], [sflag:$0x3], $0x10, s12, s16, $0xb8;
	[tilespmem:$0x17400] =	vst v63  }
0xdf: {  	s12 =	simm.s32 $0x15280;
	s13 =	simm.s32 $0x12800  }
0xe0: {  	[spmem:s2] =	stream.indirect.scatter.add.f32 [tilespmem:s13], [sflag:$0x3], $0x10, s12, s16, $0xb8;
	[tilespmem:$0x17400] =	vst v63  }
0xe1: {  	s12 =	simm.s32 $0x15300;
	s13 =	simm.s32 $0x13000  }
0xe2: {  	[spmem:s2] =	stream.indirect.scatter.add.f32 [tilespmem:s13], [sflag:$0x3], $0x10, s12, s16, $0xb8;
	[tilespmem:$0x17400] =	vst v63  }
0xe3: {  	s12 =	simm.s32 $0x15380;
	s13 =	simm.s32 $0x13800  }
0xe4: {  	[spmem:s2] =	stream.indirect.scatter.add.f32 [tilespmem:s13], [sflag:$0x3], $0x10, s12, s16, $0xb8;
	[tilespmem:$0x17400] =	vst v63  }
0xe5: {  	_ =	swait.ge [sflag:s1], $0x800  }
0xe6: {  	[sflag:s1] =	ssyncset.done $0x0  }
0xe7: {  	[sflag:s1] =	ssyncadd.s32 $0xFFFFF800  }
0xe8: {  	_ =	swait.ge [sflag:s1], $0x800  }
0xe9: {  	[sflag:s1] =	ssyncset.done $0x0  }
0xea: {  	[sflag:s1] =	ssyncadd.s32 $0xFFFFF800  }
0xeb: {  	_ =	swait.ge [sflag:s1], $0x800  }
0xec: {  	[sflag:s1] =	ssyncset.done $0x0  }
0xed: {  	[sflag:s1] =	ssyncadd.s32 $0xFFFFF800  }
0xee: {  	_ =	swait.ge [sflag:s1], $0x800  }
0xef: {  	[sflag:s1] =	ssyncset.done $0x0  }
0xf0: {  	[sflag:s1] =	ssyncadd.s32 $0xFFFFF800  }
0xf1: {  	_ =	swait.ge [sflag:s1], $0x800  }
0xf2: {  	[sflag:s1] =	ssyncset.done $0x0  }
0xf3: {  	[sflag:s1] =	ssyncadd.s32 $0xFFFFF800  }
0xf4: {  	_ =	swait.ge [sflag:s1], $0x800  }
0xf5: {  	[sflag:s1] =	ssyncset.done $0x0  }
0xf6: {  	[sflag:s1] =	ssyncadd.s32 $0xFFFFF800  }
0xf7: {  	_ =	swait.ge [sflag:s1], $0x800  }
0xf8: {  	[sflag:s1] =	ssyncset.done $0x0  }
0xf9: {  	[sflag:s1] =	ssyncadd.s32 $0xFFFFF800  }
0xfa: {  	_ =	swait.ge [sflag:s1], $0x800  }
0xfb: {  	[sflag:s1] =	ssyncset.done $0x0  }
0xfc: {  	[sflag:s1] =	ssyncadd.s32 $0xFFFFF800  }
0xfd: {  	_ =	swait.ge [sflag:s1], $0x800  }
0xfe: {  	[sflag:s1] =	ssyncset.done $0x0  }
0xff: {  	[sflag:s1] =	ssyncadd.s32 $0xFFFFF800  }
0x100: {  	_ =	swait.ge [sflag:s1], $0x800  }
0x101: {  	[sflag:s1] =	ssyncset.done $0x0  }
0x102: {  	[sflag:s1] =	ssyncadd.s32 $0xFFFFF800  }
0x103: {  	_ =	swait.ge [sflag:s1], $0x800  }
0x104: {  	[sflag:s1] =	ssyncset.done $0x0  }
0x105: {  	[sflag:s1] =	ssyncadd.s32 $0xFFFFF800  }
0x106: {  	_ =	swait.ge [sflag:s1], $0x800  }
0x107: {  	[sflag:s1] =	ssyncset.done $0x0  }
0x108: {  	[sflag:s1] =	ssyncadd.s32 $0xFFFFF800  }
0x109: {  	_ =	swait.ge [sflag:s1], $0x800  }
0x10a: {  	[sflag:s1] =	ssyncset.done $0x0  }
0x10b: {  	[sflag:s1] =	ssyncadd.s32 $0xFFFFF800  }
0x10c: {  	_ =	swait.ge [sflag:s1], $0x800  }
0x10d: {  	[sflag:s1] =	ssyncset.done $0x0  }
0x10e: {  	[sflag:s1] =	ssyncadd.s32 $0xFFFFF800  }
0x10f: {  	_ =	swait.ge [sflag:s1], $0x800  }
0x110: {  	[sflag:s1] =	ssyncset.done $0x0  }
0x111: {  	[sflag:s1] =	ssyncadd.s32 $0xFFFFF800  }
0x112: {  	_ =	swait.ge [sflag:s1], $0x800  }
0x113: {  	[sflag:s1] =	ssyncset.done $0x0  }
0x114: {  	[sflag:s1] =	ssyncadd.s32 $0xFFFFF800  }
0x115: {  	_ =	swait.ge [sflag:s1], $0x800  }
0x116: {  	[sflag:s1] =	ssyncset.done $0x0  }
0x117: {  	[sflag:s1] =	ssyncadd.s32 $0xFFFFF800  }
0x118: {  	_ =	swait.ge [sflag:s1], $0x800  }
0x119: {  	[sflag:s1] =	ssyncset.done $0x0  }
0x11a: {  	[sflag:s1] =	ssyncadd.s32 $0xFFFFF800  }
0x11b: {  	_ =	swait.ge [sflag:s1], $0x800  }
.Ltmp7:
0x11c: {  	[sflag:s1] =	ssyncset.done $0x0;
	(pc) =	sbr.rel .LBB2_6-.Ltmp7, $4  }
0x11d: {  	[sflag:s1] =	ssyncadd.s32 $0xFFFFF800  }
0x11e: {  	_ =	swait.ge [sflag:s1], $0x800  }
0x11f: {  	[sflag:s1] =	ssyncset.done $0x0  }
0x120: {  	[sflag:s1] =	ssyncadd.s32 $0xFFFFF800  }
.LBB2_8:
0x121: {  	_ =	sfence.sel $0x180000  }
0x122: {  	[bflag:$0x0] =	sbarrier.arrive $0xFFFF  }
0x123: {  	_ =	strace $0x9000004A  }
0x124: {  	s0 =	stileid.u32;
	[bflag:$0x2] =	sbarrier.arrive $0xFFFF  }
0x125: {  	p0 =	sne.s32 s0, $0x0;
	s0 =	rddreg [dreg:$0x3]  }
0x126: {  	s0 =	sadd.s32 @!p0 $0x100000, s0  }
0x127: {  	[sflag:s0] =	ssyncadd.tile.s32 @!p0 $0x1;
	_ =	shalt  }
.Lfunc_end2:
_tile_overlayer_lowered:
.L_overlay_start_2:
0x128: {  	(tag) =	ssettag $0x2  }
0x129: {  	s0 =	rddreg [dreg:$0x0];
	s2 =	stileid.u32  }
0x12a: {  	s1 =	rddreg [dreg:$0x1];
	p0 =	sne.s32 s2, $0x0  }
0x12b: {  	s3 =	rddreg [dreg:$0x2];
	[bflag:$0x3] =	sbarrier.arrive $0xFFFF;
	s2 =	simm.s32 @!p0 $0x1C04  }
0x12c: {  	[timem:s3], [sflag:s2] =	dma.local @!p0 [hbm:s0], s1  }
0x12d: {  	s0 =	simm.s32 @!p0 $0x4  }
0x12e: {  	_ =	swait.ge @!p0 [sflag:s0], s1  }
0x12f: {  	s1 =	ssub.s32 @!p0 $0x0, s1;
	[sflag:s0] =	ssyncset.done @!p0 $0x0  }
0x130: {  	[sflag:s0] =	ssyncadd.s32 @!p0 s1  }
0x131: {  	[bflag:$0x3] =	sbarrier.arrive $0xFFFF  }
0x132: {  	_ =	shalt  }

// kernel: kernel.14.cloned.1.call-start
scs
__scs_entry_jumppad:
0x0: {  	(pc) =	sbr.rel $0x88, $3  }
0x1: {  	(tag) =	ssettag $0x0;
	lr =	simm.s32 $0x1  }
0x2: {  	[smem:$0x3F8F] =	sst lr;
	_ =	strace $0xD0000000  }
0x3: {  	_ = 	snop  }
0x4: {  	_ = 	snop  }
0x5: {  	_ = 	snop  }
0x6: {  	_ = 	snop  }
0x7: {  	_ = 	snop  }
__scs_overlays_trampoline_lowered:
0x8: {  	[smem:$0x3F9E] =	sst s0  }
0x9: {  	[smem:$0x3F9F] =	sst s1  }
0xa: {  	[smem:$0x3FA0] =	sst s2  }
0xb: {  	[smem:$0x3FA1] =	sst s3  }
0xc: {  	[smem:$0x3FA2] =	sst s4  }
0xd: {  	[smem:$0x3FA3] =	sst s5  }
0xe: {  	[smem:$0x3FA4] =	sst s6  }
0xf: {  	[smem:$0x3FA5] =	sst s7  }
0x10: {  	[smem:$0x3FA6] =	sst s8  }
0x11: {  	[smem:$0x3FA7] =	sst s9;
	s0 =	simm.s32 @!p0 $0x0  }
0x12: {  	s1 =	sld [smem:$0x3F8D];
	s0 =	simm.s32 @p0 $0x1  }
0x13: {  	[smem:$0x3FA8] =	sst s0;
	s0 =	simm.s32 @!p1 $0x0  }
0x14: {  	s2 =	sld [smem:$0x3F8C];
	s0 =	simm.s32 @p1 $0x1  }
0x15: {  	[smem:$0x3FA9] =	sst s0;
	s0 =	simm.s32 @!p2 $0x0  }
0x16: {  	s3 =	sld [smem:$0x3FDB];
	s0 =	simm.s32 @p2 $0x1  }
0x17: {  	s4 =	simm.s32 $0x1BF5;
	[smem:$0x3FAB] =	sst s0  }
0x18: {  	s0 =	sld [smem:$0x3F8E];
	_ =	swait.ge [sflag:s4], $0x0  }
0x19: {  	s7 =	sld [smem:$0x3F8F]  }
0x1a: {  	s8 =	sadd.s32 $0xFFFFE003, lr  }
0x1b: {  	s9 =	sadd.s32 $0xFFFFFEF7, lr;
	s5 =	simm.s32 $0xFFFFFFFF;
	p2 =	slt.u32 s8, $0xFFFFF086  }
0x1c: {  	p1 =	slt.u32 s9, $0xF7A;
	s5 =	simm.s32 @!p2 $0x0  }
0x1d: {  	s5 =	simm.s32 @p1 $0x1;
	p0 =	seq.s32 s7, s2  }
0x1e: {  	s7 =	smul.u32 @!p0 $0xF7A, s2;
	p2 =	seq.s32 @!p0 s5, $0x0  }
0x1f: {  	s9 =	smul.u32 $0xF7A, s1;
	s8 =	simm.s32 @!p0 $0x1BF5;
	p2 =	por !p2, p0  }
0x20: {  	[sflag:s8] =	ssyncset.s32 @!p0 $0xFFFFF086;
	s6 =	sadd.s32 @!p0 s3, s7;
	s7 =	simm.s32 @!p0 $0x108  }
0x21: {  	s3 =	sadd.s32 s3, s9;
	s6 =	sadd.s32 @!p0 $0x88, s6;
	s7 =	simm.s32 @p2 $0x1082  }
0x22: {  	[simem:s7], [sflag:s8] =	dma.local @!p0 [hbm:s6], $0xF7A  }
0x23: {  	s9 =	sor.u32 $0xD0000000, s2;
	s6 =	simm.s32 $0x108;
	_ =	swait.ge @!p0 [sflag:s8], $0x0  }
0x24: {  	s3 =	sadd.s32 $0x88, s3;
	s6 =	simm.s32 @!p1 $0x1082;
	[sflag:s4] =	ssyncset.s32 $0xFFFFF086  }
0x25: {  	[simem:s6], [sflag:s4] =	dma.local [hbm:s3], $0xF7A  }
0x26: {  	[smem:$0x3F8F] =	sst s1;
	(tag) =	ssettag s2;
	_ =	strace s9  }
0x27: {  	s1 =	sld [smem:$0x3F9F]  }
0x28: {  	s2 =	sld [smem:$0x3FA0]  }
0x29: {  	s4 =	sld [smem:$0x3FA2]  }
0x2a: {  	p0 =	seq.s32 s5, $0x0;
	s5 =	sld [smem:$0x3FA3]  }
0x2b: {  	s6 =	sld [smem:$0x3FA4]  }
0x2c: {  	s7 =	sld [smem:$0x3FA5]  }
0x2d: {  	s3 =	simm.s32 $0x108;
	s8 =	sld [smem:$0x3FA6]  }
0x2e: {  	s3 =	simm.s32 @!p0 $0x1082;
	s9 =	sld [smem:$0x3FA7]  }
0x2f: {  	lr =	sadd.s32 s0, s3;
	s0 =	sld [smem:$0x3F9E]  }
0x30: {  	s3 =	sld [smem:$0x3FA1]  }
0x31: {  	[smem:$0x3FAA] =	sst s10  }
0x32: {  	s10 =	sld [smem:$0x3FA8];
	_ =	sdelay $0x3  }
0x33: {  	p0 =	seq.s32 s10, $0x1;
	s10 =	sld [smem:$0x3FAA];
	_ =	sdelay $0x3  }
0x34: {  	[smem:$0x3FAA] =	sst s10  }
0x35: {  	s10 =	sld [smem:$0x3FA9];
	_ =	sdelay $0x3  }
0x36: {  	p1 =	seq.s32 s10, $0x1;
	s10 =	sld [smem:$0x3FAA];
	_ =	sdelay $0x3  }
0x37: {  	[smem:$0x3FAA] =	sst s10  }
0x38: {  	s10 =	sld [smem:$0x3FAB]  }
0x39: {  	_ = 	snop;
	(pc) =	sbr.ind lr, $3  }
0x3a: {  	_ = 	snop  }
0x3b: {  	_ = 	snop  }
0x3c: {  	p2 =	seq.s32 s10, $0x1;
	s10 =	sld [smem:$0x3FAA]  }
0x3d: {  	_ =	shalt  }
0x3e: {  	_ =	shalt  }
0x3f: {  	_ =	shalt  }
0x40: {  	_ =	shalt  }
0x41: {  	_ =	shalt  }
0x42: {  	_ =	shalt  }
0x43: {  	_ =	shalt  }
0x44: {  	_ =	shalt  }
0x45: {  	_ =	shalt  }
0x46: {  	_ =	shalt  }
0x47: {  	_ =	shalt  }
0x48: {  	_ =	shalt  }
0x49: {  	_ =	shalt  }
0x4a: {  	_ =	shalt  }
0x4b: {  	_ =	shalt  }
0x4c: {  	_ =	shalt  }
0x4d: {  	_ =	shalt  }
0x4e: {  	_ =	shalt  }
0x4f: {  	_ =	shalt  }
0x50: {  	_ =	shalt  }
0x51: {  	_ =	shalt  }
0x52: {  	_ =	shalt  }
0x53: {  	_ =	shalt  }
0x54: {  	_ =	shalt  }
0x55: {  	_ =	shalt  }
0x56: {  	_ =	shalt  }
0x57: {  	_ =	shalt  }
0x58: {  	_ =	shalt  }
0x59: {  	_ =	shalt  }
0x5a: {  	_ =	shalt  }
0x5b: {  	_ =	shalt  }
0x5c: {  	_ =	shalt  }
0x5d: {  	_ =	shalt  }
0x5e: {  	_ =	shalt  }
0x5f: {  	_ =	shalt  }
0x60: {  	_ =	shalt  }
0x61: {  	_ =	shalt  }
0x62: {  	_ =	shalt  }
0x63: {  	_ =	shalt  }
0x64: {  	_ =	shalt  }
0x65: {  	_ =	shalt  }
0x66: {  	_ =	shalt  }
0x67: {  	_ =	shalt  }
0x68: {  	_ =	shalt  }
0x69: {  	_ =	shalt  }
0x6a: {  	_ =	shalt  }
0x6b: {  	_ =	shalt  }
0x6c: {  	_ =	shalt  }
0x6d: {  	_ =	shalt  }
0x6e: {  	_ =	shalt  }
0x6f: {  	_ =	shalt  }
0x70: {  	_ =	shalt  }
0x71: {  	_ =	shalt  }
0x72: {  	_ =	shalt  }
0x73: {  	_ =	shalt  }
0x74: {  	_ =	shalt  }
0x75: {  	_ =	shalt  }
0x76: {  	_ =	shalt  }
0x77: {  	_ =	shalt  }
0x78: {  	_ =	shalt  }
0x79: {  	_ =	shalt  }
0x7a: {  	_ =	shalt  }
0x7b: {  	_ =	shalt  }
0x7c: {  	_ =	shalt  }
0x7d: {  	_ =	shalt  }
0x7e: {  	_ =	shalt  }
0x7f: {  	_ =	shalt  }
0x80: {  	_ =	shalt  }
0x81: {  	_ =	shalt  }
0x82: {  	_ =	shalt  }
0x83: {  	_ =	shalt  }
0x84: {  	_ =	shalt  }
0x85: {  	_ =	shalt  }
0x86: {  	_ =	shalt  }
0x87: {  	_ =	shalt  }
.Lfunc_end0:
.L_simem_size_0:
called_computation.1_lowered:
.L_overlay_start_0:
0x88: {  	s2 =	sld [smem:$0x3FD9]  }
0x89: {  	s3 =	sld [smem:$0x3FFE];
	_ =	sdelay $0x1  }
0x8a: {  	s1 =	srdreg.scid  }
0x8b: {  	s0 =	sand.u32 $0x1, s1  }
0x8c: {  	s17 =	sshll.u32 s0, $0xA;
	s2 =	sadd.s32 s3, s2  }
0x8d: {  	s2 =	sadd.s32 s2, s17  }
0x8e: {  	[smem:$0x3FB6] =	sst s2  }
0x8f: {  	_ = 	snop  }
0x90: {  	s2 =	sld [smem:$0x3FB8];
	(tm) =	ssettm $0x1  }
0x91: {  	s18 =	sld [smem:$0x3FFB];
	_ =	sdelay $0x3  }
0x92: {  	_ =	strace s18  }
0x93: {  	s3 =	sld [smem:$0x3FFC];
	_ =	sdelay $0x3  }
0x94: {  	_ =	strace s3  }
0x95: {  	s3 =	sld [smem:$0x3FFD];
	_ =	sdelay $0x3  }
0x96: {  	_ =	strace s3  }
0x97: {  	_ =	strace $0x8FFFFFFF  }
0x98: {  	s19 =	sld [smem:$0x3FDB];
	_ =	sdelay $0x1  }
0x99: {  	s4 =	simm.s32 $_scs_section_size  }
0x9a: {  	s5 =	simm.s32 $_size__tile_overlayer_lowered;
	s6 =	simm.s32 $_tile_overlayer_lowered  }
0x9b: {  	s22 =	simm.s32 $0x1BFF;
	s21 =	sshll.u32 s6, $0x1;
	s3 =	sadd.s32 s4, s19  }
0x9c: {  	s7 =	simm.s32 $0x0;
	s20 =	sshll.u32 s5, $0x1;
	s5 =	sadd.s32 s21, s3  }
0x9d: {  	[timem:s7], [sflag:s22] =	dma.local [hbm:s5], s20  }
0x9e: {  	_ =	swait.ge [sflag:s22], s20  }
0x9f: {  	s4 =	ssub.s32 $0x0, s20;
	[sflag:s22] =	ssyncset.done $0x0  }
0xa0: {  	[sflag:s22] =	ssyncadd.s32 s4;
	_ =	sdelay $0x1  }
0xa1: {  	s23 =	simm.s32 $0x1B8B  }
0xa2: {  	_ =	swait.ge [sflag:s23], $0x1  }
0xa3: {  	[sflag:s23] =	ssyncset.done $0x0  }
0xa4: {  	s25 =	simm.s32 $0x1B8E;
	s24 =	sld [smem:$0x3FFE];
	[sflag:s23] =	ssyncadd.s32 $0xFFFFFFFF  }
0xa5: {  	s26 =	simm.s32 $execute0_lowered;
	[smem:$0x3FD2] =	sst s25  }
0xa6: {  	s5 =	sshll.u32 s26, $0x1;
	_ =	strace $0x80000046;
	[dreg:$0x1] =	wrdreg $0xFFFFFFFF  }
0xa7: {  	s28 =	simm.s32 $_size_execute0_lowered;
	s3 =	sadd.s32 s3, s5;
	[dreg:$0x0] =	wrdreg $0x0  }
0xa8: {  	s5 =	sshll.u32 s28, $0x1;
	[dreg:$0x2] =	wrdreg s3  }
0xa9: {  	[dreg:$0x3] =	wrdreg s5  }
0xaa: {  	[dreg:$0x4] =	wrdreg $0xC0  }
0xab: {  	_ =	task [dreg:s7], $0x5FFFF  }
0xac: {  	[dreg:$0x1] =	wrdreg $0xFFFFFFFF  }
0xad: {  	[dreg:$0x0] =	wrdreg $0x60  }
0xae: {  	[dreg:$0x2] =	wrdreg s24  }
0xaf: {  	[dreg:$0x3] =	wrdreg s2  }
0xb0: {  	[dreg:$0x4] =	wrdreg $0x164000  }
0xb1: {  	[dreg:$0x5] =	wrdreg $0xA  }
0xb2: {  	_ =	task.clear_ibuf [dreg:s7], $0x6FFFF;
	_ =	strace $0x90000046  }
0xb3: {  	s29 =	simm.s32 $0xA;
	_ =	strace $0x80000048  }
0xb4: {  	_ =	swait.ge [sflag:s29], $0x1  }
0xb5: {  	[sflag:s29] =	ssyncadd.s32 $0xFFFFFFFF  }
0xb6: {  	_ =	strace $0x90000048  }
0xb7: {  	_ =	sfence  }
0xb8: {  	s30 =	sld [smem:$0x0];
	_ =	sdelay $0x2  }
0xb9: {  	s31 =	sshll.u32 s1, $0xD;
	s1 =	sshrl.u32 s1, $0x2  }
0xba: {  	s3 =	sand.u32 $0x4000, s31;
	s1 =	sadd.s32 s1, s30  }
0xbb: {  	s0 =	sor.u32 s3, s0;
	s1 =	sshll.u32 s1, $0x11  }
0xbc: {  	s0 =	sor.u32 s1, s0  }
0xbd: {  	s0 =	sadd.s32 $0x8F2B, s0  }
0xbe: {  	[sflag:s0] =	ssyncadd.remote.s32 $0x1  }
0xbf: {  	_ =	sfence.sel $0xFFFF  }
0xc0: {  	[dreg:$0x0] =	wrdreg $0xFFFFFFFF;
	(pc) =	sbr.abs _section_cstart, $3  }
0xc1: {  	[dreg:$0x1] =	wrdreg $0xFFFFFFFF  }
0xc2: {  	_ =	task.clear_ibuf [dreg:s7], $0x2FFFF;
	_ =	strace $0x9FFFFFFF  }
0xc3: {  	(tm) =	ssettm $0x7FFFFFFF  }
tec
execute0_lowered:
.L_overlay_start_1:
0x0: {  	(tag) =	ssettag $0x1  }
0x1: {  	s0 =	srdreg.scid;
	s4 =	rddreg [dreg:$0x0]  }
0x2: {  	s1 =	simm.s32 $0x140;
	s12 =	stileid.u32;
	s5 =	rddreg [dreg:$0x1]  }
0x3: {  	s8 =	simm.s32 $0x0;
	s28 =	simm.s32 $0x14900;
	s29 =	simm.s32 $0x9000  }
0x4: {  	s30 =	simm.s32 $0x14980;
	s31 =	simm.s32 $0x9800;
	s0 =	sand.u32 $0x1, s0  }
0x5: {  	[smem:$0x7FF] =	sst s8;
	s9 =	sadd.s32 $0x1, s12;
	s13 =	sshll.u32 s12, $0xC  }
0x6: {  	s22 =	sshll.u32 s12, $0x9;
	p0 =	seq.s32 s0, $0x0;
	s6 =	ssub.s32 $0x0, s0  }
0x7: {  	s26 =	sshll.u32 s0, $0xD;
	s0 =	ssub.s32 $0x2, s0;
	s1 =	simm.s32 @!p0 $0x131  }
0x8: {  	p0 =	seq.s32 s12, $0x0;
	s6 =	sand.u32 $0x140, s6;
	s3 =	sshrl.u32 s1, $0x4  }
0x9: {  	s11 =	sadd.s32 s26, s4;
	s1 =	sand.u32 $0x1, s1;
	s2 =	smul.u32 s12, s3  }
0xa: {  	s21 =	sadd.s32 $0x314A00, s11;
	s3 =	smul.u32 s9, s3;
	s9 =	sshrl.u32 s0, $0x1  }
0xb: {  	s26 =	sadd.s32 s22, s21;
	s21 =	simm.s32 $0x7800;
	s22 =	simm.s32 $0x14800  }
0xc: {  	s0 =	ssub.s32 s0, s9;
	s7 =	sadd.s32 s1, s2;
	s2 =	rddreg [dreg:$0x2]  }
0xd: {  	_ =	strace $0x80000047;
	s1 =	sor.u32 s6, s1;
	s7 =	simm.s32 @p0 $0x0  }
0xe: {  	s0 =	smax.u32 s0, $0x1;
	[dreg:$0xb] =	wrdreg s26;
	s7 =	sadd.s32 s6, s7  }
0xf: {  	s26 =	simm.s32 $0x8800;
	s13 =	sadd.s32 s13, s2;
	s25 =	smul.u32 $0x1400, s7  }
0x10: {  	[dreg:$0x7] =	wrdreg s0;
	s6 =	simm.s32 $0x1;
	s19 =	smul.u32 $0x140, s7  }
0x11: {  	[dreg:$0x4] =	wrdreg s13;
	s10 =	sadd.s32 s25, s4;
	s4 =	sadd.s32 s3, s1  }
0x12: {  	s5 =	sadd.s32 s5, s19;
	s25 =	sadd.s32 $0x2, s7;
	s19 =	simm.s32 $0x7000  }
0x13: {  	s1 =	ssub.s32 s4, s7;
	s15 =	sadd.s32 $0x7600, s10;
	[dreg:$0x6] =	wrdreg s5  }
0x14: {  	s23 =	sadd.s32 $0x280, s5;
	s24 =	sadd.s32 $0x9E00, s10;
	[dreg:$0xa] =	wrdreg s25  }
0x15: {  	s5 =	simm.s32 $0x14600;
	s25 =	simm.s32 $0x14880;
	[dreg:$0x5] =	wrdreg s15  }
0x16: {  	s14 =	sadd.s32 $0x1, s1;
	p0 =	slt.u32 s1, $0x7FFFFFFF;
	[dreg:$0x8] =	wrdreg s23  }
0x17: {  	s1 =	simm.s32 $0x1;
	[dreg:$0x9] =	wrdreg s24;
	s24 =	simm.s32 $0x5800  }
0x18: {  	s15 =	simm.s32 $0x6000;
	s23 =	simm.s32 $0x8000;
	s1 =	simm.s32 @!p0 $0x0  }
0x19: {  	s16 =	sshra.s32 s14, $0x1F;
	s17 =	sand.u32 $0x8000, s14;
	s18 =	sand.u32 $0x1, s14  }
0x1a: {  	s1 =	sadd.s32 s1, s16;
	s8 =	sshrl.u32 s17, $0xF;
	p1 =	seq.s32 s18, $0x1  }
0x1b: {  	s16 =	simm.s32 $0x80;
	s17 =	simm.s32 $0x6800;
	s18 =	simm.s32 $0x14700  }
0x1c: {  	p6 =	sne.s32 s1, $0x1;
	s3 =	sadd.s32 s8, s14;
	s8 =	simm.s32 $0x1  }
.Ltmp0:
0x1d: {  	s1 =	simm.s32 $0x3;
	p0 =	por !p6, !p1;
	(pc) =	sbr.rel .LBB2_1-.Ltmp0, $4  }
0x1e: {  	s14 =	simm.s32 $0x2;
	s3 =	sshll.u32 s3, $0x10;
	p0 =	por !p0, !p0  }
0x1f: {  	s20 =	sshra.s32 s3, $0x11;
	s3 =	simm.s32 $0x14680;
	s6 =	simm.s32 @!p0 $0x0  }
0x20: {  	p0 =	sle.u32 s4, s7;
	s7 =	simm.s32 $0x4;
	s9 =	ssub.s32 s20, s6  }
0x21: {  	v0 =	vimm.f32 $0.0e+00;
	s20 =	simm.s32 $0x14780;
	s6 =	simm.s32 $0x0;
	p1 =	slt.s32 s9, $0x1  }
.LBB2_7:
0x22: {  	s0 =	stileid.u32;
	[bflag:$0x0] =	sbarrier.arrive $0xFFFF  }
0x23: {  	s0 =	sshll.u32 s0, $0x6;
	s13 =	rddreg [dreg:$0x4]  }
0x24: {  	s7 =	rddreg [dreg:$0xb];
	s0 =	sor.u32 $0x1C04, s0;
	s6 =	sshrl.u32 s13, $0x3  }
0x25: {  	[hbm:s7], [sflag:s0] =	dma.local [spmem:s6], $0x200  }
0x26: {  	s7 =	simm.s32 $0x4  }
0x27: {  	_ =	swait.ge [sflag:s7], $0x200  }
0x28: {  	s11 =	rddreg [dreg:$0xc]  }
0x29: {  	s12 =	rddreg [dreg:$0x7];
	s6 =	sadd.s32 $0x1, s11  }
0x2a: {  	p2 =	sne.s32 s6, s12  }
.Ltmp1:
0x2b: {  	_ = 	snop;
	(pc) =	sbr.rel @!p2 .LBB2_8-.Ltmp1, $3  }
0x2c: {  	_ =	sdelay $0x1  }
0x2d: {  	[sflag:s7] =	ssyncset.done $0x0  }
0x2e: {  	[sflag:s7] =	ssyncadd.s32 $0xFFFFFE00  }
.LBB2_1:
0x2f: {  	[dreg:$0xc] =	wrdreg s6;
	s0 =	simm.s32 $0x40;
	s6 =	simm.s32 $0x0  }
.LBB2_2:
0x30: {  	p2 =	sne.s32 s0, $0x3FC0;
	[tilespmem:s6+$0x15400] =	vst v0;
	s6 =	smov.u32 s0;
	s0 =	sadd.s32 $0x40, s0  }
.Ltmp2:
0x31: {  	(pc) =	sbr.rel @p2 .LBB2_2-.Ltmp2, $2  }
0x32: {  	_ =	sdelay $0x2  }
0x33: {  	s6 =	sshra.s32 s6, $0x2  }
0x34: {  	[tilespmem:s6+$0x15400] =	vst v0;
	s0 =	simm.s32 $0x15400  }
0x35: {  	[spmem:s13] =	stream.linear.scatter [tilespmem:s0], [sflag:$0x4], $0x1000, $0x38;
	[tilespmem:$0x17400] =	vst v63  }
0x36: {  	_ =	swait.ge [sflag:s7], $0x1000  }
0x37: {  	[sflag:s7] =	ssyncset.done $0x0  }
0x38: {  	[sflag:s7] =	ssyncadd.s32 $0xFFFFF000  }
0x39: {  	[bflag:$0x0] =	sbarrier.arrive $0xFFFF  }
0x3a: {  	s0 =	simm.s32 @!p0 $0x0;
	s6 =	rddreg [dreg:$0x5]  }
0x3b: {  	[tilespmem:s0], [sflag:$0x1] =	stream.linear.gather @!p0 [hbm4b:s6+s0], $0xA000, $0x38;
	[tilespmem:$0x17400] =	vst v63  }
.Ltmp3:
0x3c: {  	s7 =	rddreg [dreg:$0x6];
	(pc) =	sbr.rel @!p1 .LBB2_4-.Ltmp3, $4  }
.Ltmp4:
0x3d: {  	s10 =	rddreg [dreg:$0x9];
	s6 =	simm.s32 @!p0 $0x14000;
	(pc) =	sbr.rel @p1 .LBB2_7-.Ltmp4, $4  }
0x3e: {  	[tilespmem:s6], [sflag:$0x1] =	stream.linear.gather @!p0 [hbm4b:s7+s0], $0xA00, $0x38;
	[tilespmem:$0x17400] =	vst v63  }
0x3f: {  	s6 =	rddreg [dreg:$0xa]  }
0x40: {  	s0 =	simm.s32 $0x0;
	s7 =	rddreg [dreg:$0x8]  }
0x41: {  	_ = 	snop  }
.LBB2_6:
0x42: {  	s0 =	sadd.s32 $0x1, s0  }
0x43: {  	p2 =	slt.s32 s0, s9  }
.Ltmp5:
0x44: {  	_ = 	snop;
	(pc) =	sbr.rel @!p2 .LBB2_7-.Ltmp5, $2  }
0x45: {  	_ =	sdelay $0x2  }
0x46: {  	s7 =	sadd.s32 $0x280, s7;
	s10 =	sadd.s32 $0x2800, s10;
	s6 =	sadd.s32 $0x2, s6  }
.LBB2_4:
0x47: {  	_ =	swait.ge [sflag:s8], $0xA000  }
0x48: {  	[sflag:s8] =	ssyncset.done $0x0  }
0x49: {  	s11 =	sadd.s32 $0xFFFFFFFF, s6;
	[sflag:s8] =	ssyncadd.s32 $0xFFFF6000  }
0x4a: {  	p2 =	sge.s32 s11, s4;
	_ =	swait.ge [sflag:s8], $0xA00  }
0x4b: {  	s11 =	sadd.s32 @!p2 $0xFFFFEC00, s10;
	[sflag:s8] =	ssyncset.done $0x0  }
0x4c: {  	s12 =	simm.s32 @!p2 $0x0;
	s13 =	simm.s32 @!p2 $0xA000;
	[sflag:s8] =	ssyncadd.s32 $0xFFFFF600  }
0x4d: {  	[tilespmem:s13], [sflag:$0x2] =	stream.linear.gather @!p2 [hbm4b:s11+s12], $0xA000, $0x38;
	[tilespmem:$0x17400] =	vst v63  }
0x4e: {  	s11 =	sadd.s32 @!p2 $0xFFFFFEC0, s7;
	s13 =	simm.s32 @!p2 $0x14A00  }
0x4f: {  	[tilespmem:s13], [sflag:$0x2] =	stream.linear.gather @!p2 [hbm4b:s11+s12], $0xA00, $0x38;
	[tilespmem:$0x17400] =	vst v63  }
0x50: {  	s12 =	simm.s32 $0x0;
	s13 =	simm.s32 $0x14000  }
0x51: {  	[spmem:s2] =	stream.indirect.scatter.add.f32 [tilespmem:s12], [sflag:$0x3], $0x10, s13, s16, $0xb8;
	[tilespmem:$0x17400] =	vst v63  }
0x52: {  	s12 =	simm.s32 $0x14080;
	s13 =	simm.s32 $0x800  }
0x53: {  	[spmem:s2] =	stream.indirect.scatter.add.f32 [tilespmem:s13], [sflag:$0x3], $0x10, s12, s16, $0xb8;
	[tilespmem:$0x17400] =	vst v63  }
0x54: {  	s12 =	simm.s32 $0x14100;
	s13 =	simm.s32 $0x1000  }
0x55: {  	[spmem:s2] =	stream.indirect.scatter.add.f32 [tilespmem:s13], [sflag:$0x3], $0x10, s12, s16, $0xb8;
	[tilespmem:$0x17400] =	vst v63  }
0x56: {  	s12 =	simm.s32 $0x14180;
	s13 =	simm.s32 $0x1800  }
0x57: {  	[spmem:s2] =	stream.indirect.scatter.add.f32 [tilespmem:s13], [sflag:$0x3], $0x10, s12, s16, $0xb8;
	[tilespmem:$0x17400] =	vst v63  }
0x58: {  	s12 =	simm.s32 $0x14200;
	s13 =	simm.s32 $0x2000  }
0x59: {  	[spmem:s2] =	stream.indirect.scatter.add.f32 [tilespmem:s13], [sflag:$0x3], $0x10, s12, s16, $0xb8;
	[tilespmem:$0x17400] =	vst v63  }
0x5a: {  	s12 =	simm.s32 $0x14280;
	s13 =	simm.s32 $0x2800  }
0x5b: {  	[spmem:s2] =	stream.indirect.scatter.add.f32 [tilespmem:s13], [sflag:$0x3], $0x10, s12, s16, $0xb8;
	[tilespmem:$0x17400] =	vst v63  }
0x5c: {  	s12 =	simm.s32 $0x14300;
	s13 =	simm.s32 $0x3000  }
0x5d: {  	[spmem:s2] =	stream.indirect.scatter.add.f32 [tilespmem:s13], [sflag:$0x3], $0x10, s12, s16, $0xb8;
	[tilespmem:$0x17400] =	vst v63  }
0x5e: {  	s12 =	simm.s32 $0x14380;
	s13 =	simm.s32 $0x3800  }
0x5f: {  	[spmem:s2] =	stream.indirect.scatter.add.f32 [tilespmem:s13], [sflag:$0x3], $0x10, s12, s16, $0xb8;
	[tilespmem:$0x17400] =	vst v63  }
0x60: {  	s12 =	simm.s32 $0x14400;
	s13 =	simm.s32 $0x4000  }
0x61: {  	[spmem:s2] =	stream.indirect.scatter.add.f32 [tilespmem:s13], [sflag:$0x3], $0x10, s12, s16, $0xb8;
	[tilespmem:$0x17400] =	vst v63  }
0x62: {  	s12 =	simm.s32 $0x14480;
	s13 =	simm.s32 $0x4800  }
0x63: {  	[spmem:s2] =	stream.indirect.scatter.add.f32 [tilespmem:s13], [sflag:$0x3], $0x10, s12, s16, $0xb8;
	[tilespmem:$0x17400] =	vst v63  }
0x64: {  	s12 =	simm.s32 $0x14500;
	s13 =	simm.s32 $0x5000  }
0x65: {  	[spmem:s2] =	stream.indirect.scatter.add.f32 [tilespmem:s13], [sflag:$0x3], $0x10, s12, s16, $0xb8;
	[tilespmem:$0x17400] =	vst v63  }
0x66: {  	s13 =	simm.s32 $0x14580  }
0x67: {  	[spmem:s2] =	stream.indirect.scatter.add.f32 [tilespmem:s24], [sflag:$0x3], $0x10, s13, s16, $0xb8;
	[tilespmem:$0x17400] =	vst v63  }
0x68: {  	_ = 	snop  }
0x69: {  	[spmem:s2] =	stream.indirect.scatter.add.f32 [tilespmem:s15], [sflag:$0x3], $0x10, s5, s16, $0xb8;
	[tilespmem:$0x17400] =	vst v63  }
0x6a: {  	_ = 	snop  }
0x6b: {  	[spmem:s2] =	stream.indirect.scatter.add.f32 [tilespmem:s17], [sflag:$0x3], $0x10, s3, s16, $0xb8;
	[tilespmem:$0x17400] =	vst v63  }
0x6c: {  	_ = 	snop  }
0x6d: {  	[spmem:s2] =	stream.indirect.scatter.add.f32 [tilespmem:s19], [sflag:$0x3], $0x10, s18, s16, $0xb8;
	[tilespmem:$0x17400] =	vst v63  }
0x6e: {  	_ = 	snop  }
0x6f: {  	[spmem:s2] =	stream.indirect.scatter.add.f32 [tilespmem:s21], [sflag:$0x3], $0x10, s20, s16, $0xb8;
	[tilespmem:$0x17400] =	vst v63  }
0x70: {  	_ = 	snop  }
0x71: {  	[spmem:s2] =	stream.indirect.scatter.add.f32 [tilespmem:s23], [sflag:$0x3], $0x10, s22, s16, $0xb8;
	[tilespmem:$0x17400] =	vst v63  }
0x72: {  	_ = 	snop  }
0x73: {  	[spmem:s2] =	stream.indirect.scatter.add.f32 [tilespmem:s26], [sflag:$0x3], $0x10, s25, s16, $0xb8;
	[tilespmem:$0x17400] =	vst v63  }
0x74: {  	_ = 	snop  }
0x75: {  	[spmem:s2] =	stream.indirect.scatter.add.f32 [tilespmem:s29], [sflag:$0x3], $0x10, s28, s16, $0xb8;
	[tilespmem:$0x17400] =	vst v63  }
0x76: {  	_ = 	snop  }
0x77: {  	[spmem:s2] =	stream.indirect.scatter.add.f32 [tilespmem:s31], [sflag:$0x3], $0x10, s30, s16, $0xb8;
	[tilespmem:$0x17400] =	vst v63  }
0x78: {  	_ =	swait.ge [sflag:s1], $0x800  }
0x79: {  	[sflag:s1] =	ssyncset.done $0x0  }
0x7a: {  	[sflag:s1] =	ssyncadd.s32 $0xFFFFF800  }
0x7b: {  	_ =	swait.ge [sflag:s1], $0x800  }
0x7c: {  	[sflag:s1] =	ssyncset.done $0x0  }
0x7d: {  	[sflag:s1] =	ssyncadd.s32 $0xFFFFF800  }
0x7e: {  	_ =	swait.ge [sflag:s1], $0x800  }
0x7f: {  	[sflag:s1] =	ssyncset.done $0x0  }
0x80: {  	[sflag:s1] =	ssyncadd.s32 $0xFFFFF800  }
0x81: {  	_ =	swait.ge [sflag:s1], $0x800  }
0x82: {  	[sflag:s1] =	ssyncset.done $0x0  }
0x83: {  	[sflag:s1] =	ssyncadd.s32 $0xFFFFF800  }
0x84: {  	_ =	swait.ge [sflag:s1], $0x800  }
0x85: {  	[sflag:s1] =	ssyncset.done $0x0  }
0x86: {  	[sflag:s1] =	ssyncadd.s32 $0xFFFFF800  }
0x87: {  	_ =	swait.ge [sflag:s1], $0x800  }
0x88: {  	[sflag:s1] =	ssyncset.done $0x0  }
0x89: {  	[sflag:s1] =	ssyncadd.s32 $0xFFFFF800  }
0x8a: {  	_ =	swait.ge [sflag:s1], $0x800  }
0x8b: {  	[sflag:s1] =	ssyncset.done $0x0  }
0x8c: {  	[sflag:s1] =	ssyncadd.s32 $0xFFFFF800  }
0x8d: {  	_ =	swait.ge [sflag:s1], $0x800  }
0x8e: {  	[sflag:s1] =	ssyncset.done $0x0  }
0x8f: {  	[sflag:s1] =	ssyncadd.s32 $0xFFFFF800  }
0x90: {  	_ =	swait.ge [sflag:s1], $0x800  }
0x91: {  	[sflag:s1] =	ssyncset.done $0x0  }
0x92: {  	[sflag:s1] =	ssyncadd.s32 $0xFFFFF800  }
0x93: {  	_ =	swait.ge [sflag:s1], $0x800  }
0x94: {  	[sflag:s1] =	ssyncset.done $0x0  }
0x95: {  	[sflag:s1] =	ssyncadd.s32 $0xFFFFF800  }
0x96: {  	_ =	swait.ge [sflag:s1], $0x800  }
0x97: {  	[sflag:s1] =	ssyncset.done $0x0  }
0x98: {  	[sflag:s1] =	ssyncadd.s32 $0xFFFFF800  }
0x99: {  	_ =	swait.ge [sflag:s1], $0x800  }
0x9a: {  	[sflag:s1] =	ssyncset.done $0x0  }
0x9b: {  	[sflag:s1] =	ssyncadd.s32 $0xFFFFF800  }
0x9c: {  	_ =	swait.ge [sflag:s1], $0x800  }
0x9d: {  	[sflag:s1] =	ssyncset.done $0x0  }
0x9e: {  	[sflag:s1] =	ssyncadd.s32 $0xFFFFF800  }
0x9f: {  	_ =	swait.ge [sflag:s1], $0x800  }
0xa0: {  	[sflag:s1] =	ssyncset.done $0x0  }
0xa1: {  	[sflag:s1] =	ssyncadd.s32 $0xFFFFF800  }
0xa2: {  	_ =	swait.ge [sflag:s1], $0x800  }
0xa3: {  	[sflag:s1] =	ssyncset.done $0x0  }
0xa4: {  	[sflag:s1] =	ssyncadd.s32 $0xFFFFF800  }
0xa5: {  	_ =	swait.ge [sflag:s1], $0x800  }
0xa6: {  	[sflag:s1] =	ssyncset.done $0x0  }
0xa7: {  	[sflag:s1] =	ssyncadd.s32 $0xFFFFF800  }
0xa8: {  	_ =	swait.ge [sflag:s1], $0x800  }
0xa9: {  	[sflag:s1] =	ssyncset.done $0x0  }
0xaa: {  	[sflag:s1] =	ssyncadd.s32 $0xFFFFF800  }
0xab: {  	_ =	swait.ge [sflag:s1], $0x800  }
0xac: {  	[sflag:s1] =	ssyncset.done $0x0  }
0xad: {  	[sflag:s1] =	ssyncadd.s32 $0xFFFFF800  }
0xae: {  	_ =	swait.ge [sflag:s1], $0x800  }
.Ltmp6:
0xaf: {  	[sflag:s1] =	ssyncset.done $0x0;
	(pc) =	sbr.rel @p2 .LBB2_6-.Ltmp6, $4  }
0xb0: {  	[sflag:s1] =	ssyncadd.s32 $0xFFFFF800  }
0xb1: {  	_ =	swait.ge [sflag:s1], $0x800  }
0xb2: {  	[sflag:s1] =	ssyncset.done $0x0  }
0xb3: {  	[sflag:s1] =	ssyncadd.s32 $0xFFFFF800  }
0xb4: {  	_ =	swait.ge [sflag:s14], $0xA000  }
0xb5: {  	[sflag:s14] =	ssyncset.done $0x0  }
0xb6: {  	[sflag:s14] =	ssyncadd.s32 $0xFFFF6000  }
0xb7: {  	_ =	swait.ge [sflag:s14], $0xA00  }
0xb8: {  	p2 =	sge.s32 s6, s4;
	[sflag:s14] =	ssyncset.done $0x0  }
0xb9: {  	s11 =	simm.s32 @!p2 $0x0;
	[sflag:s14] =	ssyncadd.s32 $0xFFFFF600  }
0xba: {  	[tilespmem:s11], [sflag:$0x1] =	stream.linear.gather @!p2 [hbm4b:s10+s11], $0xA000, $0x38;
	[tilespmem:$0x17400] =	vst v63  }
0xbb: {  	s12 =	simm.s32 @!p2 $0x14000  }
0xbc: {  	[tilespmem:s12], [sflag:$0x1] =	stream.linear.gather @!p2 [hbm4b:s7+s11], $0xA00, $0x38;
	[tilespmem:$0x17400] =	vst v63  }
0xbd: {  	s13 =	simm.s32 $0xA000;
	s12 =	simm.s32 $0x14A00  }
0xbe: {  	[spmem:s2] =	stream.indirect.scatter.add.f32 [tilespmem:s13], [sflag:$0x3], $0x10, s12, s16, $0xb8;
	[tilespmem:$0x17400] =	vst v63  }
0xbf: {  	s12 =	simm.s32 $0x14A80;
	s13 =	simm.s32 $0xA800  }
0xc0: {  	[spmem:s2] =	stream.indirect.scatter.add.f32 [tilespmem:s13], [sflag:$0x3], $0x10, s12, s16, $0xb8;
	[tilespmem:$0x17400] =	vst v63  }
0xc1: {  	s12 =	simm.s32 $0x14B00;
	s13 =	simm.s32 $0xB000  }
0xc2: {  	[spmem:s2] =	stream.indirect.scatter.add.f32 [tilespmem:s13], [sflag:$0x3], $0x10, s12, s16, $0xb8;
	[tilespmem:$0x17400] =	vst v63  }
0xc3: {  	s12 =	simm.s32 $0x14B80;
	s13 =	simm.s32 $0xB800  }
0xc4: {  	[spmem:s2] =	stream.indirect.scatter.add.f32 [tilespmem:s13], [sflag:$0x3], $0x10, s12, s16, $0xb8;
	[tilespmem:$0x17400] =	vst v63  }
0xc5: {  	s12 =	simm.s32 $0x14C00;
	s13 =	simm.s32 $0xC000  }
0xc6: {  	[spmem:s2] =	stream.indirect.scatter.add.f32 [tilespmem:s13], [sflag:$0x3], $0x10, s12, s16, $0xb8;
	[tilespmem:$0x17400] =	vst v63  }
0xc7: {  	s12 =	simm.s32 $0x14C80;
	s13 =	simm.s32 $0xC800  }
0xc8: {  	[spmem:s2] =	stream.indirect.scatter.add.f32 [tilespmem:s13], [sflag:$0x3], $0x10, s12, s16, $0xb8;
	[tilespmem:$0x17400] =	vst v63  }
0xc9: {  	s12 =	simm.s32 $0x14D00;
	s13 =	simm.s32 $0xD000  }
0xca: {  	[spmem:s2] =	stream.indirect.scatter.add.f32 [tilespmem:s13], [sflag:$0x3], $0x10, s12, s16, $0xb8;
	[tilespmem:$0x17400] =	vst v63  }
0xcb: {  	s12 =	simm.s32 $0x14D80;
	s13 =	simm.s32 $0xD800  }
0xcc: {  	[spmem:s2] =	stream.indirect.scatter.add.f32 [tilespmem:s13], [sflag:$0x3], $0x10, s12, s16, $0xb8;
	[tilespmem:$0x17400] =	vst v63  }
0xcd: {  	s12 =	simm.s32 $0x14E00;
	s13 =	simm.s32 $0xE000  }
0xce: {  	[spmem:s2] =	stream.indirect.scatter.add.f32 [tilespmem:s13], [sflag:$0x3], $0x10, s12, s16, $0xb8;
	[tilespmem:$0x17400] =	vst v63  }
0xcf: {  	s12 =	simm.s32 $0x14E80;
	s13 =	simm.s32 $0xE800  }
0xd0: {  	[spmem:s2] =	stream.indirect.scatter.add.f32 [tilespmem:s13], [sflag:$0x3], $0x10, s12, s16, $0xb8;
	[tilespmem:$0x17400] =	vst v63  }
0xd1: {  	s12 =	simm.s32 $0x14F00;
	s13 =	simm.s32 $0xF000  }
0xd2: {  	[spmem:s2] =	stream.indirect.scatter.add.f32 [tilespmem:s13], [sflag:$0x3], $0x10, s12, s16, $0xb8;
	[tilespmem:$0x17400] =	vst v63  }
0xd3: {  	s12 =	simm.s32 $0x14F80;
	s13 =	simm.s32 $0xF800  }
0xd4: {  	[spmem:s2] =	stream.indirect.scatter.add.f32 [tilespmem:s13], [sflag:$0x3], $0x10, s12, s16, $0xb8;
	[tilespmem:$0x17400] =	vst v63  }
0xd5: {  	s12 =	simm.s32 $0x15000;
	s13 =	simm.s32 $0x10000  }
0xd6: {  	[spmem:s2] =	stream.indirect.scatter.add.f32 [tilespmem:s13], [sflag:$0x3], $0x10, s12, s16, $0xb8;
	[tilespmem:$0x17400] =	vst v63  }
0xd7: {  	s12 =	simm.s32 $0x15080;
	s13 =	simm.s32 $0x10800  }
0xd8: {  	[spmem:s2] =	stream.indirect.scatter.add.f32 [tilespmem:s13], [sflag:$0x3], $0x10, s12, s16, $0xb8;
	[tilespmem:$0x17400] =	vst v63  }
0xd9: {  	s12 =	simm.s32 $0x15100;
	s13 =	simm.s32 $0x11000  }
0xda: {  	[spmem:s2] =	stream.indirect.scatter.add.f32 [tilespmem:s13], [sflag:$0x3], $0x10, s12, s16, $0xb8;
	[tilespmem:$0x17400] =	vst v63  }
0xdb: {  	s12 =	simm.s32 $0x15180;
	s13 =	simm.s32 $0x11800  }
0xdc: {  	[spmem:s2] =	stream.indirect.scatter.add.f32 [tilespmem:s13], [sflag:$0x3], $0x10, s12, s16, $0xb8;
	[tilespmem:$0x17400] =	vst v63  }
0xdd: {  	s12 =	simm.s32 $0x15200;
	s13 =	simm.s32 $0x12000  }
0xde: {  	[spmem:s2] =	stream.indirect.scatter.add.f32 [tilespmem:s13], [sflag:$0x3], $0x10, s12, s16, $0xb8;
	[tilespmem:$0x17400] =	vst v63  }
0xdf: {  	s12 =	simm.s32 $0x15280;
	s13 =	simm.s32 $0x12800  }
0xe0: {  	[spmem:s2] =	stream.indirect.scatter.add.f32 [tilespmem:s13], [sflag:$0x3], $0x10, s12, s16, $0xb8;
	[tilespmem:$0x17400] =	vst v63  }
0xe1: {  	s12 =	simm.s32 $0x15300;
	s13 =	simm.s32 $0x13000  }
0xe2: {  	[spmem:s2] =	stream.indirect.scatter.add.f32 [tilespmem:s13], [sflag:$0x3], $0x10, s12, s16, $0xb8;
	[tilespmem:$0x17400] =	vst v63  }
0xe3: {  	s12 =	simm.s32 $0x15380;
	s13 =	simm.s32 $0x13800  }
0xe4: {  	[spmem:s2] =	stream.indirect.scatter.add.f32 [tilespmem:s13], [sflag:$0x3], $0x10, s12, s16, $0xb8;
	[tilespmem:$0x17400] =	vst v63  }
0xe5: {  	_ =	swait.ge [sflag:s1], $0x800  }
0xe6: {  	[sflag:s1] =	ssyncset.done $0x0  }
0xe7: {  	[sflag:s1] =	ssyncadd.s32 $0xFFFFF800  }
0xe8: {  	_ =	swait.ge [sflag:s1], $0x800  }
0xe9: {  	[sflag:s1] =	ssyncset.done $0x0  }
0xea: {  	[sflag:s1] =	ssyncadd.s32 $0xFFFFF800  }
0xeb: {  	_ =	swait.ge [sflag:s1], $0x800  }
0xec: {  	[sflag:s1] =	ssyncset.done $0x0  }
0xed: {  	[sflag:s1] =	ssyncadd.s32 $0xFFFFF800  }
0xee: {  	_ =	swait.ge [sflag:s1], $0x800  }
0xef: {  	[sflag:s1] =	ssyncset.done $0x0  }
0xf0: {  	[sflag:s1] =	ssyncadd.s32 $0xFFFFF800  }
0xf1: {  	_ =	swait.ge [sflag:s1], $0x800  }
0xf2: {  	[sflag:s1] =	ssyncset.done $0x0  }
0xf3: {  	[sflag:s1] =	ssyncadd.s32 $0xFFFFF800  }
0xf4: {  	_ =	swait.ge [sflag:s1], $0x800  }
0xf5: {  	[sflag:s1] =	ssyncset.done $0x0  }
0xf6: {  	[sflag:s1] =	ssyncadd.s32 $0xFFFFF800  }
0xf7: {  	_ =	swait.ge [sflag:s1], $0x800  }
0xf8: {  	[sflag:s1] =	ssyncset.done $0x0  }
0xf9: {  	[sflag:s1] =	ssyncadd.s32 $0xFFFFF800  }
0xfa: {  	_ =	swait.ge [sflag:s1], $0x800  }
0xfb: {  	[sflag:s1] =	ssyncset.done $0x0  }
0xfc: {  	[sflag:s1] =	ssyncadd.s32 $0xFFFFF800  }
0xfd: {  	_ =	swait.ge [sflag:s1], $0x800  }
0xfe: {  	[sflag:s1] =	ssyncset.done $0x0  }
0xff: {  	[sflag:s1] =	ssyncadd.s32 $0xFFFFF800  }
0x100: {  	_ =	swait.ge [sflag:s1], $0x800  }
0x101: {  	[sflag:s1] =	ssyncset.done $0x0  }
0x102: {  	[sflag:s1] =	ssyncadd.s32 $0xFFFFF800  }
0x103: {  	_ =	swait.ge [sflag:s1], $0x800  }
0x104: {  	[sflag:s1] =	ssyncset.done $0x0  }
0x105: {  	[sflag:s1] =	ssyncadd.s32 $0xFFFFF800  }
0x106: {  	_ =	swait.ge [sflag:s1], $0x800  }
0x107: {  	[sflag:s1] =	ssyncset.done $0x0  }
0x108: {  	[sflag:s1] =	ssyncadd.s32 $0xFFFFF800  }
0x109: {  	_ =	swait.ge [sflag:s1], $0x800  }
0x10a: {  	[sflag:s1] =	ssyncset.done $0x0  }
0x10b: {  	[sflag:s1] =	ssyncadd.s32 $0xFFFFF800  }
0x10c: {  	_ =	swait.ge [sflag:s1], $0x800  }
0x10d: {  	[sflag:s1] =	ssyncset.done $0x0  }
0x10e: {  	[sflag:s1] =	ssyncadd.s32 $0xFFFFF800  }
0x10f: {  	_ =	swait.ge [sflag:s1], $0x800  }
0x110: {  	[sflag:s1] =	ssyncset.done $0x0  }
0x111: {  	[sflag:s1] =	ssyncadd.s32 $0xFFFFF800  }
0x112: {  	_ =	swait.ge [sflag:s1], $0x800  }
0x113: {  	[sflag:s1] =	ssyncset.done $0x0  }
0x114: {  	[sflag:s1] =	ssyncadd.s32 $0xFFFFF800  }
0x115: {  	_ =	swait.ge [sflag:s1], $0x800  }
0x116: {  	[sflag:s1] =	ssyncset.done $0x0  }
0x117: {  	[sflag:s1] =	ssyncadd.s32 $0xFFFFF800  }
0x118: {  	_ =	swait.ge [sflag:s1], $0x800  }
0x119: {  	[sflag:s1] =	ssyncset.done $0x0  }
0x11a: {  	[sflag:s1] =	ssyncadd.s32 $0xFFFFF800  }
0x11b: {  	_ =	swait.ge [sflag:s1], $0x800  }
.Ltmp7:
0x11c: {  	[sflag:s1] =	ssyncset.done $0x0;
	(pc) =	sbr.rel .LBB2_6-.Ltmp7, $4  }
0x11d: {  	[sflag:s1] =	ssyncadd.s32 $0xFFFFF800  }
0x11e: {  	_ =	swait.ge [sflag:s1], $0x800  }
0x11f: {  	[sflag:s1] =	ssyncset.done $0x0  }
0x120: {  	[sflag:s1] =	ssyncadd.s32 $0xFFFFF800  }
.LBB2_8:
0x121: {  	_ =	sfence.sel $0x180000  }
0x122: {  	[bflag:$0x0] =	sbarrier.arrive $0xFFFF  }
0x123: {  	_ =	strace $0x90000047  }
0x124: {  	s0 =	stileid.u32;
	[bflag:$0x2] =	sbarrier.arrive $0xFFFF  }
0x125: {  	p0 =	sne.s32 s0, $0x0;
	s0 =	rddreg [dreg:$0x3]  }
0x126: {  	s0 =	sadd.s32 @!p0 $0x100000, s0  }
0x127: {  	[sflag:s0] =	ssyncadd.tile.s32 @!p0 $0x1;
	_ =	shalt  }
.Lfunc_end2:
_tile_overlayer_lowered:
.L_overlay_start_2:
0x128: {  	(tag) =	ssettag $0x2  }
0x129: {  	s0 =	rddreg [dreg:$0x0];
	s2 =	stileid.u32  }
0x12a: {  	s1 =	rddreg [dreg:$0x1];
	p0 =	sne.s32 s2, $0x0  }
0x12b: {  	s3 =	rddreg [dreg:$0x2];
	[bflag:$0x3] =	sbarrier.arrive $0xFFFF;
	s2 =	simm.s32 @!p0 $0x1C04  }
0x12c: {  	[timem:s3], [sflag:s2] =	dma.local @!p0 [hbm:s0], s1  }
0x12d: {  	s0 =	simm.s32 @!p0 $0x4  }
0x12e: {  	_ =	swait.ge @!p0 [sflag:s0], s1  }
0x12f: {  	s1 =	ssub.s32 @!p0 $0x0, s1;
	[sflag:s0] =	ssyncset.done @!p0 $0x0  }
0x130: {  	[sflag:s0] =	ssyncadd.s32 @!p0 s1  }
0x131: {  	[bflag:$0x3] =	sbarrier.arrive $0xFFFF  }
0x132: {  	_ =	shalt  }

</sc_bundles>
